<compile_context>
chip_gen: v7x
topology: tpu7x:2x2x1
jax: 0.10.2.dev20260603
libtpu: 0.0.44.dev20260713+nightly
codegen_flags: <defaults>
</compile_context>

<pallas_src>
import functools

import jax
import jax.numpy as jnp
from jax import lax
from jax.experimental import pallas as pl
from jax.experimental.pallas import tpu as pltpu
from jax.experimental.pallas import tpu_sc as plsc

N = 10000
E = 320000
D = 128
EPS = 1e-5

NC = 2
NS = 16
NW = NC * NS
L = 16

N_PAD = 10240
RPT = N_PAD // NS
EPT = 10240
E_PAD = NW * EPT
C = 128
NCHUNK = EPT // C

_mesh = plsc.VectorSubcoreMesh(core_axis_name="c", subcore_axis_name="s")


@functools.partial(
    pl.kernel,
    out_type=jax.ShapeDtypeStruct((NW, N_PAD), jnp.float32),
    mesh=_mesh,
    scratch_types=[
        pltpu.VMEM((N_PAD,), jnp.float32),
        pltpu.VMEM((EPT,), jnp.int32),
    ],
    compiler_params=pltpu.CompilerParams(needs_layout_passes=False),
)
def _sc_degree(dst_hbm, out_hbm, hist, idxbuf):
    cid = lax.axis_index("c")
    sid = lax.axis_index("s")
    wid = sid * NC + cid

    zeros = jnp.zeros((L,), jnp.float32)

    @pl.loop(0, N_PAD // L)
    def _zero(k):
        hist[pl.ds(k * L, L)] = zeros

    pltpu.sync_copy(dst_hbm.at[pl.ds(wid * EPT, EPT)], idxbuf)

    ones = jnp.ones((L,), jnp.float32)

    @pl.loop(0, EPT // L)
    def _count(k):
        idx = idxbuf[pl.ds(k * L, L)]
        plsc.addupdate_scatter(hist, [idx], ones)

    pltpu.sync_copy(hist, out_hbm.at[wid])


NSLOT = 2
SPT = 160
K0 = 126
K1 = SPT - K0


@functools.partial(
    pl.kernel,
    out_type=jax.ShapeDtypeStruct((NC, N_PAD, D), jnp.float32),
    mesh=_mesh,
    scratch_types=[
        pltpu.VMEM_SHARED((N_PAD, D), jnp.float32),
        pltpu.VMEM((NSLOT, 1, C), jnp.int32),
        pltpu.VMEM((NSLOT, 1, C), jnp.int32),
        pltpu.VMEM((NSLOT, C, D), jnp.float32),
        pltpu.VMEM((L, D), jnp.float32),
        pltpu.SemaphoreType.DMA((NSLOT,)),
        pltpu.SemaphoreType.DMA((NSLOT,)),
    ],
)
def _sc_msgpass(y_hbm, src_hbm, dst_hbm, out_hbm, acc, sidx, didx, rows, zbuf,
                gsem, isem):
    cid = lax.axis_index("c")
    sid = lax.axis_index("s")

    def _idx_start(eb, g, slot):
        pltpu.async_copy(src_hbm.at[pl.ds(eb + g, 1)], sidx.at[slot],
                         isem.at[slot])
        pltpu.async_copy(dst_hbm.at[pl.ds(eb + g, 1)], didx.at[slot],
                         isem.at[slot])

    def _idx_wait(eb, slot):
        pltpu.make_async_copy(src_hbm.at[pl.ds(eb, 1)], sidx.at[slot],
                              isem.at[slot]).wait()
        pltpu.make_async_copy(dst_hbm.at[pl.ds(eb, 1)], didx.at[slot],
                              isem.at[slot]).wait()

    def _gather_start(slot):
        pltpu.async_copy(y_hbm.at[sidx.at[slot, 0]], rows.at[slot],
                         gsem.at[slot])

    def _gather_wait(slot):
        pltpu.make_async_copy(y_hbm.at[sidx.at[slot, 0]], rows.at[slot],
                              gsem.at[slot]).wait()

    def _pipeline(eb, nchunk):
        _idx_start(eb, 0, 0)
        _idx_start(eb, 1, 1)
        _idx_wait(eb, 0)
        _gather_start(0)

        @pl.loop(0, nchunk // NSLOT)
        def _super(i):
            g0 = i * NSLOT
            for slot in range(NSLOT):
                g = g0 + slot
                other = 1 - slot

                @pl.when(g + 1 < nchunk)
                def _():
                    _idx_wait(eb, other)
                    _gather_start(other)

                _gather_wait(slot)
                pltpu.sync_copy(rows.at[slot], acc.at[didx.at[slot, 0]],
                                add=True)

                @pl.when(g + NSLOT < nchunk)
                def _():
                    _idx_start(eb, g + NSLOT, slot)

    zeros = jnp.zeros((L,), jnp.float32)
    for r in range(L):
        for j in range(D // L):
            zbuf[r, pl.ds(j * L, L)] = zeros

    @pl.loop(0, RPT // L)
    def _zero(k):
        pltpu.sync_copy(zbuf, acc.at[pl.ds(sid * RPT + k * L, L)])

    plsc.subcore_barrier()

    @pl.when(cid == 0)
    def _():
        _pipeline(sid * SPT, K0)

    @pl.when(cid == 1)
    def _():
        _pipeline(sid * SPT + K0, K1)

    plsc.subcore_barrier()

    pltpu.sync_copy(acc.at[pl.ds(sid * RPT, RPT)],
                    out_hbm.at[cid, pl.ds(sid * RPT, RPT)])


def _tc1_body(x_ref, g_ref, b_ref, w_ref, degp_ref, y_ref, dinv_ref):
    x = x_ref[...]
    m = jnp.mean(x, axis=0)
    v = jnp.mean(jnp.square(x - m), axis=0)
    h = (x - m) * lax.rsqrt(v + EPS) * g_ref[...] + b_ref[...]
    deg = 1.0 + jnp.sum(degp_ref[...][:, :N], axis=0)
    dinv = lax.rsqrt(deg)[:, None]
    y_ref[...] = jnp.dot(h, w_ref[...],
                         preferred_element_type=jnp.float32) * dinv
    dinv_ref[...] = dinv


def _tc2_body(a0_ref, a1_ref, y1_ref, dinv_ref, b1_ref, g_ref, b_ref, w_ref,
              y2_ref):
    dinv = dinv_ref[...]
    out1 = (a0_ref[...] + a1_ref[...] + y1_ref[...]) * dinv + b1_ref[...]
    m = jnp.mean(out1, axis=0)
    v = jnp.mean(jnp.square(out1 - m), axis=0)
    h = (out1 - m) * lax.rsqrt(v + EPS) * g_ref[...] + b_ref[...]
    y2_ref[...] = jnp.dot(h, w_ref[...],
                          preferred_element_type=jnp.float32) * dinv


def _tc3_body(a0_ref, a1_ref, y2_ref, dinv_ref, b2_ref, out_ref):
    out = (a0_ref[...] + a1_ref[...] + y2_ref[...]) * dinv_ref[...] \
        + b2_ref[...]
    out_ref[...] = jnp.maximum(out, 0.0)


_tc1 = pl.pallas_call(
    _tc1_body,
    out_shape=(jax.ShapeDtypeStruct((N, D), jnp.float32),
               jax.ShapeDtypeStruct((N, 1), jnp.float32)),
)
_tc2 = pl.pallas_call(
    _tc2_body,
    out_shape=jax.ShapeDtypeStruct((N, D), jnp.float32),
)
_tc3 = pl.pallas_call(
    _tc3_body,
    out_shape=jax.ShapeDtypeStruct((N, D), jnp.float32),
)


@jax.jit
def kernel(x, edge_index, bn_in_g, bn_in_b, W1, b1, bn_h_g, bn_h_b, W2, b2):
    pad = E_PAD - E
    src = jnp.concatenate([edge_index[0], jnp.zeros((pad,), jnp.int32)])
    dst = jnp.concatenate([edge_index[1], jnp.full((pad,), N, jnp.int32)])
    src2d = src.reshape(NW * NCHUNK, C)
    dst2d = dst.reshape(NW * NCHUNK, C)

    degp = _sc_degree(dst)
    y1, dinv = _tc1(x, bn_in_g, bn_in_b, W1, degp)

    acc1 = _sc_msgpass(y1, src2d, dst2d)
    y2 = _tc2(acc1[0, :N], acc1[1, :N], y1, dinv, b1, bn_h_g, bn_h_b, W2)

    acc2 = _sc_msgpass(y2, src2d, dst2d)
    return _tc3(acc2[0, :N], acc2[1, :N], y2, dinv, b2)

# --- scband reference (transcript-rebuilt; emitter-appended) ---
"""Pipeline reference for scband-gcn4-60902636257286 (READ-ONLY COPY).

The authoritative reference and input builder live on the scoring server;
editing this copy changes nothing except your own understanding.
"""

import jax, jax.numpy as jnp
import numpy as np

N = 10000
E = 320000
D_IN = 128
D_H = 128
D_OUT = 128
EPS = 1e-5


def setup_inputs(seed: int = 0) -> dict:
    key = jax.random.key(seed)
    ks = jax.random.split(key, 4)
    x = jax.random.normal(ks[0], (N, D_IN), dtype=jnp.float32)
    edge_index = jax.random.randint(ks[1], (2, E), 0, N, dtype=jnp.int32)
    # Learned parameters
    bn_in_g = jnp.ones((D_IN,), jnp.float32)
    bn_in_b = jnp.zeros((D_IN,), jnp.float32)
    W1 = jax.random.normal(ks[2], (D_IN, D_H), dtype=jnp.float32) * (1.0 / np.sqrt(D_IN))
    b1 = jnp.zeros((D_H,), jnp.float32)
    bn_h_g = jnp.ones((D_H,), jnp.float32)
    bn_h_b = jnp.zeros((D_H,), jnp.float32)
    W2 = jax.random.normal(ks[3], (D_H, D_OUT), dtype=jnp.float32) * (1.0 / np.sqrt(D_H))
    b2 = jnp.zeros((D_OUT,), jnp.float32)
    return {"x": x, "edge_index": edge_index, "bn_in_g": bn_in_g, "bn_in_b": bn_in_b,
            "W1": W1, "b1": b1, "bn_h_g": bn_h_g, "bn_h_b": bn_h_b, "W2": W2, "b2": b2}


def _batchnorm(x, g, b):
    m = jnp.mean(x, axis=0)
    v = jnp.var(x, axis=0)  # biased variance, as torch BN uses for normalization
    return (x - m) / jnp.sqrt(v + EPS) * g + b


def _gcn_conv(x, edge_index, W, b):
    # PyG GCNConv: add self loops, symmetric deg^-1/2 A deg^-1/2 normalization
    loop = jnp.arange(N, dtype=edge_index.dtype)
    src = jnp.concatenate([edge_index[0], loop])
    dst = jnp.concatenate([edge_index[1], loop])
    deg = jnp.zeros((N,), jnp.float32).at[dst].add(1.0)
    dinv = jnp.where(deg > 0, 1.0 / jnp.sqrt(deg), 0.0)
    norm = dinv[src] * dinv[dst]
    xw = x @ W
    msg = xw[src] * norm[:, None]
    out = jnp.zeros((N, W.shape[1]), jnp.float32).at[dst].add(msg)
    return out + b


def reference(x, edge_index, bn_in_g, bn_in_b, W1, b1, bn_h_g, bn_h_b, W2, b2):
    h = _batchnorm(x, bn_in_g, bn_in_b)
    h = _gcn_conv(h, edge_index, W1, b1)
    h = _batchnorm(h, bn_h_g, bn_h_b)
    h = _gcn_conv(h, edge_index, W2, b2)
    return jax.nn.relu(h)

if __name__ == "__main__":
    import jax
    _d = setup_inputs()
    print(jax.jit(kernel)(*tuple(_d.values())))

</pallas_src>

<mosaic_0001>
#map = affine_map<(d0, d1) -> (0)>
#map1 = affine_map<(d0, d1) -> (0, 0)>
module attributes {stable_mosaic.version = 14 : i64} {
  func.func @_sc_degree(%arg0: i32, %arg1: i32, %arg2: memref<327680xi32, #tpu.memory_space<hbm>>, %arg3: memref<32x10240xf32, #tpu.memory_space<hbm>>, %arg4: memref<10240xf32, #tpu.memory_space<vmem>>, %arg5: memref<10240xi32, #tpu.memory_space<vmem>>) attributes {dimension_semantics = [#tpu.dimension_semantics<core_parallel>, #tpu.dimension_semantics<subcore_parallel>], iteration_bounds = array<i64: 2, 16>, scalar_prefetch = 0 : i64, scratch_operands = 2 : i64, tpu.core_type = #tpu.core_type<sc_vector_subcore>, window_params = [{transform_indices = #map}, {transform_indices = #map1}]} {
    %mul3A = arith.constant 2 : i32
    %mul3A_0 = arith.muli %arg1, %mul3A : i32
    %add3A = arith.addi %mul3A_0, %arg0 : i32
    %broadcast_in_dim3A = arith.constant 0.000000e+00 : f32
    %broadcast_in_dim3A_1 = vector.broadcast %broadcast_in_dim3A : f32 to vector<16xf32>
    %scan3A = arith.constant 0 : i32
    %scan3A_2 = arith.constant 640 : i32
    %scan3A_3 = arith.addi %scan3A, %scan3A_2 : i32
    %scan3A_4 = arith.constant 1 : i32
    scf.for %scan3A_15 = %scan3A to %scan3A_3 step %scan3A_4  : i32 {
      %mul3A_16 = arith.constant 1 : i32
      %mul3A_17 = arith.muli %scan3A_15, %mul3A_16 : i32
      %add3A_18 = arith.constant 0 : i32
      %add3A_19 = arith.addi %add3A_18, %mul3A_17 : i32
      %mul3A_20 = arith.constant 16 : i32
      %mul3A_21 = arith.muli %add3A_19, %mul3A_20 : i32
      %swap3A = arith.index_cast %mul3A_21 : i32 to index
      %swap3A_22 = tpu.vector_load %arg4[%swap3A] {strides = array<i32>} : memref<10240xf32, #tpu.memory_space<vmem>>, vector<16xf32>,
      tpu.vector_store %arg4[%swap3A], %broadcast_in_dim3A_1 {strides = array<i32>} : memref<10240xf32, #tpu.memory_space<vmem>>, vector<16xf32>,
    }
    %scan3A_5 = arith.constant 640 : i32
    %mul3A_6 = arith.constant 10240 : i32
    %mul3A_7 = arith.muli %add3A, %mul3A_6 : i32
    "tpu.region"() ({
      %run_scoped3A = tpu.sem_alloc : memref<!tpu.dma_semaphore, #tpu.memory_space<semaphore_mem>>
      %dma_start3A = tpu.memref_slice %arg2[%mul3A_7] : memref<327680xi32, #tpu.memory_space<hbm>> -> memref<10240xi32, #tpu.memory_space<hbm>>
      %dma_start3A_15 = tpu.memref_slice %arg2[%mul3A_7] : memref<327680xi32, #tpu.memory_space<hbm>> -> memref<10240xi32, #tpu.memory_space<hbm>>
      tpu.enqueue_dma source(%dma_start3A_15 : memref<10240xi32, #tpu.memory_space<hbm>>) target(%arg5 : memref<10240xi32, #tpu.memory_space<vmem>>) target_semaphore(%run_scoped3A : memref<!tpu.dma_semaphore, #tpu.memory_space<semaphore_mem>>)
      %dma_wait3A = tpu.memref_slice %arg2[%mul3A_7] : memref<327680xi32, #tpu.memory_space<hbm>> -> memref<10240xi32, #tpu.memory_space<hbm>>
      %dma_wait3A_16 = tpu.memref_slice %arg2[%mul3A_7] : memref<327680xi32, #tpu.memory_space<hbm>> -> memref<10240xi32, #tpu.memory_space<hbm>>
      tpu.wait_dma2 semaphore(%run_scoped3A : memref<!tpu.dma_semaphore, #tpu.memory_space<semaphore_mem>>) src(%dma_wait3A_16 : memref<10240xi32, #tpu.memory_space<hbm>>) dst(%arg5 : memref<10240xi32, #tpu.memory_space<vmem>>)
      tpu.yield
    }) : () -> ()
    %broadcast_in_dim3A_8 = arith.constant 1.000000e+00 : f32
    %broadcast_in_dim3A_9 = vector.broadcast %broadcast_in_dim3A_8 : f32 to vector<16xf32>
    %scan3A_10 = arith.constant 0 : i32
    %scan3A_11 = arith.constant 640 : i32
    %scan3A_12 = arith.addi %scan3A_10, %scan3A_11 : i32
    %scan3A_13 = arith.constant 1 : i32
    scf.for %scan3A_15 = %scan3A_10 to %scan3A_12 step %scan3A_13  : i32 {
      %mul3A_16 = arith.constant 1 : i32
      %mul3A_17 = arith.muli %scan3A_15, %mul3A_16 : i32
      %add3A_18 = arith.constant 0 : i32
      %add3A_19 = arith.addi %add3A_18, %mul3A_17 : i32
      %mul3A_20 = arith.constant 16 : i32
      %mul3A_21 = arith.muli %add3A_19, %mul3A_20 : i32
      %get3A = arith.index_cast %mul3A_21 : i32 to index
      %get3A_22 = tpu.vector_load %arg5[%get3A] {strides = array<i32>} : memref<10240xi32, #tpu.memory_space<vmem>>, vector<16xi32>,
      tpu.vector_store_idx %arg4[%get3A_22], %broadcast_in_dim3A_9 {add = true} : memref<10240xf32, #tpu.memory_space<vmem>>[vector<16xi32>], vector<16xf32>,
    }
    %scan3A_14 = arith.constant 640 : i32
    "tpu.region"() ({
      %run_scoped3A = tpu.sem_alloc : memref<!tpu.dma_semaphore, #tpu.memory_space<semaphore_mem>>
      %dma_start3A = arith.constant 0 : i32
      %dma_start3A_15 = tpu.memref_slice %arg3[%add3A, %dma_start3A] : memref<32x10240xf32, #tpu.memory_space<hbm>> -> memref<1x10240xf32, #tpu.memory_space<hbm>>
      %dma_start3A_16 = tpu.memref_squeeze %dma_start3A_15 : memref<1x10240xf32, #tpu.memory_space<hbm>> -> memref<10240xf32, #tpu.memory_space<hbm>>
      %dma_start3A_17 = arith.constant 0 : i32
      %dma_start3A_18 = tpu.memref_slice %arg3[%add3A, %dma_start3A_17] : memref<32x10240xf32, #tpu.memory_space<hbm>> -> memref<1x10240xf32, #tpu.memory_space<hbm>>
      %dma_start3A_19 = tpu.memref_squeeze %dma_start3A_18 : memref<1x10240xf32, #tpu.memory_space<hbm>> -> memref<10240xf32, #tpu.memory_space<hbm>>
      tpu.enqueue_dma source(%arg4 : memref<10240xf32, #tpu.memory_space<vmem>>) target(%dma_start3A_19 : memref<10240xf32, #tpu.memory_space<hbm>>) target_semaphore(%run_scoped3A : memref<!tpu.dma_semaphore, #tpu.memory_space<semaphore_mem>>)
      %dma_wait3A = arith.constant 0 : i32
      %dma_wait3A_20 = tpu.memref_slice %arg3[%add3A, %dma_wait3A] : memref<32x10240xf32, #tpu.memory_space<hbm>> -> memref<1x10240xf32, #tpu.memory_space<hbm>>
      %dma_wait3A_21 = tpu.memref_squeeze %dma_wait3A_20 : memref<1x10240xf32, #tpu.memory_space<hbm>> -> memref<10240xf32, #tpu.memory_space<hbm>>
      %dma_wait3A_22 = arith.constant 0 : i32
      %dma_wait3A_23 = tpu.memref_slice %arg3[%add3A, %dma_wait3A_22] : memref<32x10240xf32, #tpu.memory_space<hbm>> -> memref<1x10240xf32, #tpu.memory_space<hbm>>
      %dma_wait3A_24 = tpu.memref_squeeze %dma_wait3A_23 : memref<1x10240xf32, #tpu.memory_space<hbm>> -> memref<10240xf32, #tpu.memory_space<hbm>>
      tpu.wait_dma2 semaphore(%run_scoped3A : memref<!tpu.dma_semaphore, #tpu.memory_space<semaphore_mem>>) src(%arg4 : memref<10240xf32, #tpu.memory_space<vmem>>) dst(%dma_wait3A_24 : memref<10240xf32, #tpu.memory_space<hbm>>)
      tpu.yield
    }) : () -> ()
    return
  }
}

#map = affine_map<(d0, d1) -> (0, 0)>
#map1 = affine_map<(d0, d1) -> (0, 0, 0)>
module attributes {stable_mosaic.version = 14 : i64} {
  func.func @_sc_msgpass(%arg0: i32, %arg1: i32, %arg2: memref<10000x128xf32, #tpu.memory_space<hbm>>, %arg3: memref<2560x128xi32, #tpu.memory_space<hbm>>, %arg4: memref<2560x128xi32, #tpu.memory_space<hbm>>, %arg5: memref<2x10240x128xf32, #tpu.memory_space<hbm>>, %arg6: memref<10240x128xf32, #tpu.memory_space<vmem_shared>>, %arg7: memref<2x1x128xi32, #tpu.memory_space<vmem>>, %arg8: memref<2x1x128xi32, #tpu.memory_space<vmem>>, %arg9: memref<2x128x128xf32, #tpu.memory_space<vmem>>, %arg10: memref<16x128xf32, #tpu.memory_space<vmem>>, %arg11: memref<2x!tpu.dma_semaphore, #tpu.memory_space<semaphore_mem>>, %arg12: memref<2x!tpu.dma_semaphore, #tpu.memory_space<semaphore_mem>>) attributes {dimension_semantics = [#tpu.dimension_semantics<core_parallel>, #tpu.dimension_semantics<subcore_parallel>], iteration_bounds = array<i64: 2, 16>, scalar_prefetch = 0 : i64, scratch_operands = 7 : i64, tpu.core_type = #tpu.core_type<sc_vector_subcore>, window_params = [{transform_indices = #map}, {transform_indices = #map}, {transform_indices = #map}, {transform_indices = #map1}]} {
    %broadcast_in_dim3A = arith.constant 0.000000e+00 : f32
    %broadcast_in_dim3A_0 = vector.broadcast %broadcast_in_dim3A : f32 to vector<16xf32>
    %swap3A = arith.constant 0 : i32
    %swap3A_1 = arith.index_cast %swap3A : i32 to index
    %swap3A_2 = arith.constant 0 : index
    %swap3A_3 = tpu.vector_load %arg10[%swap3A_1, %swap3A_2] {strides = array<i32>} : memref<16x128xf32, #tpu.memory_space<vmem>>, vector<1x16xf32>,
    %swap3A_4 = vector.shape_cast %swap3A_3 : vector<1x16xf32> to vector<16xf32>
    %swap3A_5 = vector.shape_cast %broadcast_in_dim3A_0 : vector<16xf32> to vector<1x16xf32>
    tpu.vector_store %arg10[%swap3A_1, %swap3A_2], %swap3A_5 {strides = array<i32>} : memref<16x128xf32, #tpu.memory_space<vmem>>, vector<1x16xf32>,
    %swap3A_6 = arith.constant 0 : i32
    %swap3A_7 = arith.index_cast %swap3A_6 : i32 to index
    %swap3A_8 = arith.constant 16 : index
    %swap3A_9 = tpu.vector_load %arg10[%swap3A_7, %swap3A_8] {strides = array<i32>} : memref<16x128xf32, #tpu.memory_space<vmem>>, vector<1x16xf32>,
    %swap3A_10 = vector.shape_cast %swap3A_9 : vector<1x16xf32> to vector<16xf32>
    %swap3A_11 = vector.shape_cast %broadcast_in_dim3A_0 : vector<16xf32> to vector<1x16xf32>
    tpu.vector_store %arg10[%swap3A_7, %swap3A_8], %swap3A_11 {strides = array<i32>} : memref<16x128xf32, #tpu.memory_space<vmem>>, vector<1x16xf32>,
    %swap3A_12 = arith.constant 0 : i32
    %swap3A_13 = arith.index_cast %swap3A_12 : i32 to index
    %swap3A_14 = arith.constant 32 : index
    %swap3A_15 = tpu.vector_load %arg10[%swap3A_13, %swap3A_14] {strides = array<i32>} : memref<16x128xf32, #tpu.memory_space<vmem>>, vector<1x16xf32>,
    %swap3A_16 = vector.shape_cast %swap3A_15 : vector<1x16xf32> to vector<16xf32>
    %swap3A_17 = vector.shape_cast %broadcast_in_dim3A_0 : vector<16xf32> to vector<1x16xf32>
    tpu.vector_store %arg10[%swap3A_13, %swap3A_14], %swap3A_17 {strides = array<i32>} : memref<16x128xf32, #tpu.memory_space<vmem>>, vector<1x16xf32>,
    %swap3A_18 = arith.constant 0 : i32
    %swap3A_19 = arith.index_cast %swap3A_18 : i32 to index
    %swap3A_20 = arith.constant 48 : index
    %swap3A_21 = tpu.vector_load %arg10[%swap3A_19, %swap3A_20] {strides = array<i32>} : memref<16x128xf32, #tpu.memory_space<vmem>>, vector<1x16xf32>,
    %swap3A_22 = vector.shape_cast %swap3A_21 : vector<1x16xf32> to vector<16xf32>
    %swap3A_23 = vector.shape_cast %broadcast_in_dim3A_0 : vector<16xf32> to vector<1x16xf32>
    tpu.vector_store %arg10[%swap3A_19, %swap3A_20], %swap3A_23 {strides = array<i32>} : memref<16x128xf32, #tpu.memory_space<vmem>>, vector<1x16xf32>,
    %swap3A_24 = arith.constant 0 : i32
    %swap3A_25 = arith.index_cast %swap3A_24 : i32 to index
    %swap3A_26 = arith.constant 64 : index
    %swap3A_27 = tpu.vector_load %arg10[%swap3A_25, %swap3A_26] {strides = array<i32>} : memref<16x128xf32, #tpu.memory_space<vmem>>, vector<1x16xf32>,
    %swap3A_28 = vector.shape_cast %swap3A_27 : vector<1x16xf32> to vector<16xf32>
    %swap3A_29 = vector.shape_cast %broadcast_in_dim3A_0 : vector<16xf32> to vector<1x16xf32>
    tpu.vector_store %arg10[%swap3A_25, %swap3A_26], %swap3A_29 {strides = array<i32>} : memref<16x128xf32, #tpu.memory_space<vmem>>, vector<1x16xf32>,
    %swap3A_30 = arith.constant 0 : i32
    %swap3A_31 = arith.index_cast %swap3A_30 : i32 to index
    %swap3A_32 = arith.constant 80 : index
    %swap3A_33 = tpu.vector_load %arg10[%swap3A_31, %swap3A_32] {strides = array<i32>} : memref<16x128xf32, #tpu.memory_space<vmem>>, vector<1x16xf32>,
    %swap3A_34 = vector.shape_cast %swap3A_33 : vector<1x16xf32> to vector<16xf32>
    %swap3A_35 = vector.shape_cast %broadcast_in_dim3A_0 : vector<16xf32> to vector<1x16xf32>
    tpu.vector_store %arg10[%swap3A_31, %swap3A_32], %swap3A_35 {strides = array<i32>} : memref<16x128xf32, #tpu.memory_space<vmem>>, vector<1x16xf32>,
    %swap3A_36 = arith.constant 0 : i32
    %swap3A_37 = arith.index_cast %swap3A_36 : i32 to index
    %swap3A_38 = arith.constant 96 : index
    %swap3A_39 = tpu.vector_load %arg10[%swap3A_37, %swap3A_38] {strides = array<i32>} : memref<16x128xf32, #tpu.memory_space<vmem>>, vector<1x16xf32>,
    %swap3A_40 = vector.shape_cast %swap3A_39 : vector<1x16xf32> to vector<16xf32>
    %swap3A_41 = vector.shape_cast %broadcast_in_dim3A_0 : vector<16xf32> to vector<1x16xf32>
    tpu.vector_store %arg10[%swap3A_37, %swap3A_38], %swap3A_41 {strides = array<i32>} : memref<16x128xf32, #tpu.memory_space<vmem>>, vector<1x16xf32>,
    %swap3A_42 = arith.constant 0 : i32
    %swap3A_43 = arith.index_cast %swap3A_42 : i32 to index
    %swap3A_44 = arith.constant 112 : index
    %swap3A_45 = tpu.vector_load %arg10[%swap3A_43, %swap3A_44] {strides = array<i32>} : memref<16x128xf32, #tpu.memory_space<vmem>>, vector<1x16xf32>,
    %swap3A_46 = vector.shape_cast %swap3A_45 : vector<1x16xf32> to vector<16xf32>
    %swap3A_47 = vector.shape_cast %broadcast_in_dim3A_0 : vector<16xf32> to vector<1x16xf32>
    tpu.vector_store %arg10[%swap3A_43, %swap3A_44], %swap3A_47 {strides = array<i32>} : memref<16x128xf32, #tpu.memory_space<vmem>>, vector<1x16xf32>,
    %swap3A_48 = arith.constant 1 : i32
    %swap3A_49 = arith.index_cast %swap3A_48 : i32 to index
    %swap3A_50 = arith.constant 0 : index
    %swap3A_51 = tpu.vector_load %arg10[%swap3A_49, %swap3A_50] {strides = array<i32>} : memref<16x128xf32, #tpu.memory_space<vmem>>, vector<1x16xf32>,
    %swap3A_52 = vector.shape_cast %swap3A_51 : vector<1x16xf32> to vector<16xf32>
    %swap3A_53 = vector.shape_cast %broadcast_in_dim3A_0 : vector<16xf32> to vector<1x16xf32>
    tpu.vector_store %arg10[%swap3A_49, %swap3A_50], %swap3A_53 {strides = array<i32>} : memref<16x128xf32, #tpu.memory_space<vmem>>, vector<1x16xf32>,
    %swap3A_54 = arith.constant 1 : i32
    %swap3A_55 = arith.index_cast %swap3A_54 : i32 to index
    %swap3A_56 = arith.constant 16 : index
    %swap3A_57 = tpu.vector_load %arg10[%swap3A_55, %swap3A_56] {strides = array<i32>} : memref<16x128xf32, #tpu.memory_space<vmem>>, vector<1x16xf32>,
    %swap3A_58 = vector.shape_cast %swap3A_57 : vector<1x16xf32> to vector<16xf32>
    %swap3A_59 = vector.shape_cast %broadcast_in_dim3A_0 : vector<16xf32> to vector<1x16xf32>
    tpu.vector_store %arg10[%swap3A_55, %swap3A_56], %swap3A_59 {strides = array<i32>} : memref<16x128xf32, #tpu.memory_space<vmem>>, vector<1x16xf32>,
    %swap3A_60 = arith.constant 1 : i32
    %swap3A_61 = arith.index_cast %swap3A_60 : i32 to index
    %swap3A_62 = arith.constant 32 : index
    %swap3A_63 = tpu.vector_load %arg10[%swap3A_61, %swap3A_62] {strides = array<i32>} : memref<16x128xf32, #tpu.memory_space<vmem>>, vector<1x16xf32>,
    %swap3A_64 = vector.shape_cast %swap3A_63 : vector<1x16xf32> to vector<16xf32>
    %swap3A_65 = vector.shape_cast %broadcast_in_dim3A_0 : vector<16xf32> to vector<1x16xf32>
    tpu.vector_store %arg10[%swap3A_61, %swap3A_62], %swap3A_65 {strides = array<i32>} : memref<16x128xf32, #tpu.memory_space<vmem>>, vector<1x16xf32>,
    %swap3A_66 = arith.constant 1 : i32
    %swap3A_67 = arith.index_cast %swap3A_66 : i32 to index
    %swap3A_68 = arith.constant 48 : index
    %swap3A_69 = tpu.vector_load %arg10[%swap3A_67, %swap3A_68] {strides = array<i32>} : memref<16x128xf32, #tpu.memory_space<vmem>>, vector<1x16xf32>,
    %swap3A_70 = vector.shape_cast %swap3A_69 : vector<1x16xf32> to vector<16xf32>
    %swap3A_71 = vector.shape_cast %broadcast_in_dim3A_0 : vector<16xf32> to vector<1x16xf32>
    tpu.vector_store %arg10[%swap3A_67, %swap3A_68], %swap3A_71 {strides = array<i32>} : memref<16x128xf32, #tpu.memory_space<vmem>>, vector<1x16xf32>,
    %swap3A_72 = arith.constant 1 : i32
    %swap3A_73 = arith.index_cast %swap3A_72 : i32 to index
    %swap3A_74 = arith.constant 64 : index
    %swap3A_75 = tpu.vector_load %arg10[%swap3A_73, %swap3A_74] {strides = array<i32>} : memref<16x128xf32, #tpu.memory_space<vmem>>, vector<1x16xf32>,
    %swap3A_76 = vector.shape_cast %swap3A_75 : vector<1x16xf32> to vector<16xf32>
    %swap3A_77 = vector.shape_cast %broadcast_in_dim3A_0 : vector<16xf32> to vector<1x16xf32>
    tpu.vector_store %arg10[%swap3A_73, %swap3A_74], %swap3A_77 {strides = array<i32>} : memref<16x128xf32, #tpu.memory_space<vmem>>, vector<1x16xf32>,
    %swap3A_78 = arith.constant 1 : i32
    %swap3A_79 = arith.index_cast %swap3A_78 : i32 to index
    %swap3A_80 = arith.constant 80 : index
    %swap3A_81 = tpu.vector_load %arg10[%swap3A_79, %swap3A_80] {strides = array<i32>} : memref<16x128xf32, #tpu.memory_space<vmem>>, vector<1x16xf32>,
    %swap3A_82 = vector.shape_cast %swap3A_81 : vector<1x16xf32> to vector<16xf32>
    %swap3A_83 = vector.shape_cast %broadcast_in_dim3A_0 : vector<16xf32> to vector<1x16xf32>
    tpu.vector_store %arg10[%swap3A_79, %swap3A_80], %swap3A_83 {strides = array<i32>} : memref<16x128xf32, #tpu.memory_space<vmem>>, vector<1x16xf32>,
    %swap3A_84 = arith.constant 1 : i32
    %swap3A_85 = arith.index_cast %swap3A_84 : i32 to index
    %swap3A_86 = arith.constant 96 : index
    %swap3A_87 = tpu.vector_load %arg10[%swap3A_85, %swap3A_86] {strides = array<i32>} : memref<16x128xf32, #tpu.memory_space<vmem>>, vector<1x16xf32>,
    %swap3A_88 = vector.shape_cast %swap3A_87 : vector<1x16xf32> to vector<16xf32>
    %swap3A_89 = vector.shape_cast %broadcast_in_dim3A_0 : vector<16xf32> to vector<1x16xf32>
    tpu.vector_store %arg10[%swap3A_85, %swap3A_86], %swap3A_89 {strides = array<i32>} : memref<16x128xf32, #tpu.memory_space<vmem>>, vector<1x16xf32>,
    %swap3A_90 = arith.constant 1 : i32
    %swap3A_91 = arith.index_cast %swap3A_90 : i32 to index
    %swap3A_92 = arith.constant 112 : index
    %swap3A_93 = tpu.vector_load %arg10[%swap3A_91, %swap3A_92] {strides = array<i32>} : memref<16x128xf32, #tpu.memory_space<vmem>>, vector<1x16xf32>,
    %swap3A_94 = vector.shape_cast %swap3A_93 : vector<1x16xf32> to vector<16xf32>
    %swap3A_95 = vector.shape_cast %broadcast_in_dim3A_0 : vector<16xf32> to vector<1x16xf32>
    tpu.vector_store %arg10[%swap3A_91, %swap3A_92], %swap3A_95 {strides = array<i32>} : memref<16x128xf32, #tpu.memory_space<vmem>>, vector<1x16xf32>,
    %swap3A_96 = arith.constant 2 : i32
    %swap3A_97 = arith.index_cast %swap3A_96 : i32 to index
    %swap3A_98 = arith.constant 0 : index
    %swap3A_99 = tpu.vector_load %arg10[%swap3A_97, %swap3A_98] {strides = array<i32>} : memref<16x128xf32, #tpu.memory_space<vmem>>, vector<1x16xf32>,
    %swap3A_100 = vector.shape_cast %swap3A_99 : vector<1x16xf32> to vector<16xf32>
    %swap3A_101 = vector.shape_cast %broadcast_in_dim3A_0 : vector<16xf32> to vector<1x16xf32>
    tpu.vector_store %arg10[%swap3A_97, %swap3A_98], %swap3A_101 {strides = array<i32>} : memref<16x128xf32, #tpu.memory_space<vmem>>, vector<1x16xf32>,
    %swap3A_102 = arith.constant 2 : i32
    %swap3A_103 = arith.index_cast %swap3A_102 : i32 to index
    %swap3A_104 = arith.constant 16 : index
    %swap3A_105 = tpu.vector_load %arg10[%swap3A_103, %swap3A_104] {strides = array<i32>} : memref<16x128xf32, #tpu.memory_space<vmem>>, vector<1x16xf32>,
    %swap3A_106 = vector.shape_cast %swap3A_105 : vector<1x16xf32> to vector<16xf32>
    %swap3A_107 = vector.shape_cast %broadcast_in_dim3A_0 : vector<16xf32> to vector<1x16xf32>
    tpu.vector_store %arg10[%swap3A_103, %swap3A_104], %swap3A_107 {strides = array<i32>} : memref<16x128xf32, #tpu.memory_space<vmem>>, vector<1x16xf32>,
    %swap3A_108 = arith.constant 2 : i32
    %swap3A_109 = arith.index_cast %swap3A_108 : i32 to index
    %swap3A_110 = arith.constant 32 : index
    %swap3A_111 = tpu.vector_load %arg10[%swap3A_109, %swap3A_110] {strides = array<i32>} : memref<16x128xf32, #tpu.memory_space<vmem>>, vector<1x16xf32>,
    %swap3A_112 = vector.shape_cast %swap3A_111 : vector<1x16xf32> to vector<16xf32>
    %swap3A_113 = vector.shape_cast %broadcast_in_dim3A_0 : vector<16xf32> to vector<1x16xf32>
    tpu.vector_store %arg10[%swap3A_109, %swap3A_110], %swap3A_113 {strides = array<i32>} : memref<16x128xf32, #tpu.memory_space<vmem>>, vector<1x16xf32>,
    %swap3A_114 = arith.constant 2 : i32
    %swap3A_115 = arith.index_cast %swap3A_114 : i32 to index
    %swap3A_116 = arith.constant 48 : index
    %swap3A_117 = tpu.vector_load %arg10[%swap3A_115, %swap3A_116] {strides = array<i32>} : memref<16x128xf32, #tpu.memory_space<vmem>>, vector<1x16xf32>,
    %swap3A_118 = vector.shape_cast %swap3A_117 : vector<1x16xf32> to vector<16xf32>
    %swap3A_119 = vector.shape_cast %broadcast_in_dim3A_0 : vector<16xf32> to vector<1x16xf32>
    tpu.vector_store %arg10[%swap3A_115, %swap3A_116], %swap3A_119 {strides = array<i32>} : memref<16x128xf32, #tpu.memory_space<vmem>>, vector<1x16xf32>,
    %swap3A_120 = arith.constant 2 : i32
    %swap3A_121 = arith.index_cast %swap3A_120 : i32 to index
    %swap3A_122 = arith.constant 64 : index
    %swap3A_123 = tpu.vector_load %arg10[%swap3A_121, %swap3A_122] {strides = array<i32>} : memref<16x128xf32, #tpu.memory_space<vmem>>, vector<1x16xf32>,
    %swap3A_124 = vector.shape_cast %swap3A_123 : vector<1x16xf32> to vector<16xf32>
    %swap3A_125 = vector.shape_cast %broadcast_in_dim3A_0 : vector<16xf32> to vector<1x16xf32>
    tpu.vector_store %arg10[%swap3A_121, %swap3A_122], %swap3A_125 {strides = array<i32>} : memref<16x128xf32, #tpu.memory_space<vmem>>, vector<1x16xf32>,
    %swap3A_126 = arith.constant 2 : i32
    %swap3A_127 = arith.index_cast %swap3A_126 : i32 to index
    %swap3A_128 = arith.constant 80 : index
    %swap3A_129 = tpu.vector_load %arg10[%swap3A_127, %swap3A_128] {strides = array<i32>} : memref<16x128xf32, #tpu.memory_space<vmem>>, vector<1x16xf32>,
    %swap3A_130 = vector.shape_cast %swap3A_129 : vector<1x16xf32> to vector<16xf32>
    %swap3A_131 = vector.shape_cast %broadcast_in_dim3A_0 : vector<16xf32> to vector<1x16xf32>
    tpu.vector_store %arg10[%swap3A_127, %swap3A_128], %swap3A_131 {strides = array<i32>} : memref<16x128xf32, #tpu.memory_space<vmem>>, vector<1x16xf32>,
    %swap3A_132 = arith.constant 2 : i32
    %swap3A_133 = arith.index_cast %swap3A_132 : i32 to index
    %swap3A_134 = arith.constant 96 : index
    %swap3A_135 = tpu.vector_load %arg10[%swap3A_133, %swap3A_134] {strides = array<i32>} : memref<16x128xf32, #tpu.memory_space<vmem>>, vector<1x16xf32>,
    %swap3A_136 = vector.shape_cast %swap3A_135 : vector<1x16xf32> to vector<16xf32>
    %swap3A_137 = vector.shape_cast %broadcast_in_dim3A_0 : vector<16xf32> to vector<1x16xf32>
    tpu.vector_store %arg10[%swap3A_133, %swap3A_134], %swap3A_137 {strides = array<i32>} : memref<16x128xf32, #tpu.memory_space<vmem>>, vector<1x16xf32>,
    %swap3A_138 = arith.constant 2 : i32
    %swap3A_139 = arith.index_cast %swap3A_138 : i32 to index
    %swap3A_140 = arith.constant 112 : index
    %swap3A_141 = tpu.vector_load %arg10[%swap3A_139, %swap3A_140] {strides = array<i32>} : memref<16x128xf32, #tpu.memory_space<vmem>>, vector<1x16xf32>,
    %swap3A_142 = vector.shape_cast %swap3A_141 : vector<1x16xf32> to vector<16xf32>
    %swap3A_143 = vector.shape_cast %broadcast_in_dim3A_0 : vector<16xf32> to vector<1x16xf32>
    tpu.vector_store %arg10[%swap3A_139, %swap3A_140], %swap3A_143 {strides = array<i32>} : memref<16x128xf32, #tpu.memory_space<vmem>>, vector<1x16xf32>,
    %swap3A_144 = arith.constant 3 : i32
    %swap3A_145 = arith.index_cast %swap3A_144 : i32 to index
    %swap3A_146 = arith.constant 0 : index
    %swap3A_147 = tpu.vector_load %arg10[%swap3A_145, %swap3A_146] {strides = array<i32>} : memref<16x128xf32, #tpu.memory_space<vmem>>, vector<1x16xf32>,
    %swap3A_148 = vector.shape_cast %swap3A_147 : vector<1x16xf32> to vector<16xf32>
    %swap3A_149 = vector.shape_cast %broadcast_in_dim3A_0 : vector<16xf32> to vector<1x16xf32>
    tpu.vector_store %arg10[%swap3A_145, %swap3A_146], %swap3A_149 {strides = array<i32>} : memref<16x128xf32, #tpu.memory_space<vmem>>, vector<1x16xf32>,
    %swap3A_150 = arith.constant 3 : i32
    %swap3A_151 = arith.index_cast %swap3A_150 : i32 to index
    %swap3A_152 = arith.constant 16 : index
    %swap3A_153 = tpu.vector_load %arg10[%swap3A_151, %swap3A_152] {strides = array<i32>} : memref<16x128xf32, #tpu.memory_space<vmem>>, vector<1x16xf32>,
    %swap3A_154 = vector.shape_cast %swap3A_153 : vector<1x16xf32> to vector<16xf32>
    %swap3A_155 = vector.shape_cast %broadcast_in_dim3A_0 : vector<16xf32> to vector<1x16xf32>
    tpu.vector_store %arg10[%swap3A_151, %swap3A_152], %swap3A_155 {strides = array<i32>} : memref<16x128xf32, #tpu.memory_space<vmem>>, vector<1x16xf32>,
    %swap3A_156 = arith.constant 3 : i32
    %swap3A_157 = arith.index_cast %swap3A_156 : i32 to index
    %swap3A_158 = arith.constant 32 : index
    %swap3A_159 = tpu.vector_load %arg10[%swap3A_157, %swap3A_158] {strides = array<i32>} : memref<16x128xf32, #tpu.memory_space<vmem>>, vector<1x16xf32>,
    %swap3A_160 = vector.shape_cast %swap3A_159 : vector<1x16xf32> to vector<16xf32>
    %swap3A_161 = vector.shape_cast %broadcast_in_dim3A_0 : vector<16xf32> to vector<1x16xf32>
    tpu.vector_store %arg10[%swap3A_157, %swap3A_158], %swap3A_161 {strides = array<i32>} : memref<16x128xf32, #tpu.memory_space<vmem>>, vector<1x16xf32>,
    %swap3A_162 = arith.constant 3 : i32
    %swap3A_163 = arith.index_cast %swap3A_162 : i32 to index
    %swap3A_164 = arith.constant 48 : index
    %swap3A_165 = tpu.vector_load %arg10[%swap3A_163, %swap3A_164] {strides = array<i32>} : memref<16x128xf32, #tpu.memory_space<vmem>>, vector<1x16xf32>,
    %swap3A_166 = vector.shape_cast %swap3A_165 : vector<1x16xf32> to vector<16xf32>
    %swap3A_167 = vector.shape_cast %broadcast_in_dim3A_0 : vector<16xf32> to vector<1x16xf32>
    tpu.vector_store %arg10[%swap3A_163, %swap3A_164], %swap3A_167 {strides = array<i32>} : memref<16x128xf32, #tpu.memory_space<vmem>>, vector<1x16xf32>,
    %swap3A_168 = arith.constant 3 : i32
    %swap3A_169 = arith.index_cast %swap3A_168 : i32 to index
    %swap3A_170 = arith.constant 64 : index
    %swap3A_171 = tpu.vector_load %arg10[%swap3A_169, %swap3A_170] {strides = array<i32>} : memref<16x128xf32, #tpu.memory_space<vmem>>, vector<1x16xf32>,
    %swap3A_172 = vector.shape_cast %swap3A_171 : vector<1x16xf32> to vector<16xf32>
    %swap3A_173 = vector.shape_cast %broadcast_in_dim3A_0 : vector<16xf32> to vector<1x16xf32>
    tpu.vector_store %arg10[%swap3A_169, %swap3A_170], %swap3A_173 {strides = array<i32>} : memref<16x128xf32, #tpu.memory_space<vmem>>, vector<1x16xf32>,
    %swap3A_174 = arith.constant 3 : i32
    %swap3A_175 = arith.index_cast %swap3A_174 : i32 to index
    %swap3A_176 = arith.constant 80 : index
    %swap3A_177 = tpu.vector_load %arg10[%swap3A_175, %swap3A_176] {strides = array<i32>} : memref<16x128xf32, #tpu.memory_space<vmem>>, vector<1x16xf32>,
    %swap3A_178 = vector.shape_cast %swap3A_177 : vector<1x16xf32> to vector<16xf32>
    %swap3A_179 = vector.shape_cast %broadcast_in_dim3A_0 : vector<16xf32> to vector<1x16xf32>
    tpu.vector_store %arg10[%swap3A_175, %swap3A_176], %swap3A_179 {strides = array<i32>} : memref<16x128xf32, #tpu.memory_space<vmem>>, vector<1x16xf32>,
    %swap3A_180 = arith.constant 3 : i32
    %swap3A_181 = arith.index_cast %swap3A_180 : i32 to index
    %swap3A_182 = arith.constant 96 : index
    %swap3A_183 = tpu.vector_load %arg10[%swap3A_181, %swap3A_182] {strides = array<i32>} : memref<16x128xf32, #tpu.memory_space<vmem>>, vector<1x16xf32>,
    %swap3A_184 = vector.shape_cast %swap3A_183 : vector<1x16xf32> to vector<16xf32>
    %swap3A_185 = vector.shape_cast %broadcast_in_dim3A_0 : vector<16xf32> to vector<1x16xf32>
    tpu.vector_store %arg10[%swap3A_181, %swap3A_182], %swap3A_185 {strides = array<i32>} : memref<16x128xf32, #tpu.memory_space<vmem>>, vector<1x16xf32>,
    %swap3A_186 = arith.constant 3 : i32
    %swap3A_187 = arith.index_cast %swap3A_186 : i32 to index
    %swap3A_188 = arith.constant 112 : index
    %swap3A_189 = tpu.vector_load %arg10[%swap3A_187, %swap3A_188] {strides = array<i32>} : memref<16x128xf32, #tpu.memory_space<vmem>>, vector<1x16xf32>,
    %swap3A_190 = vector.shape_cast %swap3A_189 : vector<1x16xf32> to vector<16xf32>
    %swap3A_191 = vector.shape_cast %broadcast_in_dim3A_0 : vector<16xf32> to vector<1x16xf32>
    tpu.vector_store %arg10[%swap3A_187, %swap3A_188], %swap3A_191 {strides = array<i32>} : memref<16x128xf32, #tpu.memory_space<vmem>>, vector<1x16xf32>,
    %swap3A_192 = arith.constant 4 : i32
    %swap3A_193 = arith.index_cast %swap3A_192 : i32 to index
    %swap3A_194 = arith.constant 0 : index
    %swap3A_195 = tpu.vector_load %arg10[%swap3A_193, %swap3A_194] {strides = array<i32>} : memref<16x128xf32, #tpu.memory_space<vmem>>, vector<1x16xf32>,
    %swap3A_196 = vector.shape_cast %swap3A_195 : vector<1x16xf32> to vector<16xf32>
    %swap3A_197 = vector.shape_cast %broadcast_in_dim3A_0 : vector<16xf32> to vector<1x16xf32>
    tpu.vector_store %arg10[%swap3A_193, %swap3A_194], %swap3A_197 {strides = array<i32>} : memref<16x128xf32, #tpu.memory_space<vmem>>, vector<1x16xf32>,
    %swap3A_198 = arith.constant 4 : i32
    %swap3A_199 = arith.index_cast %swap3A_198 : i32 to index
    %swap3A_200 = arith.constant 16 : index
    %swap3A_201 = tpu.vector_load %arg10[%swap3A_199, %swap3A_200] {strides = array<i32>} : memref<16x128xf32, #tpu.memory_space<vmem>>, vector<1x16xf32>,
    %swap3A_202 = vector.shape_cast %swap3A_201 : vector<1x16xf32> to vector<16xf32>
    %swap3A_203 = vector.shape_cast %broadcast_in_dim3A_0 : vector<16xf32> to vector<1x16xf32>
    tpu.vector_store %arg10[%swap3A_199, %swap3A_200], %swap3A_203 {strides = array<i32>} : memref<16x128xf32, #tpu.memory_space<vmem>>, vector<1x16xf32>,
    %swap3A_204 = arith.constant 4 : i32
    %swap3A_205 = arith.index_cast %swap3A_204 : i32 to index
    %swap3A_206 = arith.constant 32 : index
    %swap3A_207 = tpu.vector_load %arg10[%swap3A_205, %swap3A_206] {strides = array<i32>} : memref<16x128xf32, #tpu.memory_space<vmem>>, vector<1x16xf32>,
    %swap3A_208 = vector.shape_cast %swap3A_207 : vector<1x16xf32> to vector<16xf32>
    %swap3A_209 = vector.shape_cast %broadcast_in_dim3A_0 : vector<16xf32> to vector<1x16xf32>
    tpu.vector_store %arg10[%swap3A_205, %swap3A_206], %swap3A_209 {strides = array<i32>} : memref<16x128xf32, #tpu.memory_space<vmem>>, vector<1x16xf32>,
    %swap3A_210 = arith.constant 4 : i32
    %swap3A_211 = arith.index_cast %swap3A_210 : i32 to index
    %swap3A_212 = arith.constant 48 : index
    %swap3A_213 = tpu.vector_load %arg10[%swap3A_211, %swap3A_212] {strides = array<i32>} : memref<16x128xf32, #tpu.memory_space<vmem>>, vector<1x16xf32>,
    %swap3A_214 = vector.shape_cast %swap3A_213 : vector<1x16xf32> to vector<16xf32>
    %swap3A_215 = vector.shape_cast %broadcast_in_dim3A_0 : vector<16xf32> to vector<1x16xf32>
    tpu.vector_store %arg10[%swap3A_211, %swap3A_212], %swap3A_215 {strides = array<i32>} : memref<16x128xf32, #tpu.memory_space<vmem>>, vector<1x16xf32>,
    %swap3A_216 = arith.constant 4 : i32
    %swap3A_217 = arith.index_cast %swap3A_216 : i32 to index
    %swap3A_218 = arith.constant 64 : index
    %swap3A_219 = tpu.vector_load %arg10[%swap3A_217, %swap3A_218] {strides = array<i32>} : memref<16x128xf32, #tpu.memory_space<vmem>>, vector<1x16xf32>,
    %swap3A_220 = vector.shape_cast %swap3A_219 : vector<1x16xf32> to vector<16xf32>
    %swap3A_221 = vector.shape_cast %broadcast_in_dim3A_0 : vector<16xf32> to vector<1x16xf32>
    tpu.vector_store %arg10[%swap3A_217, %swap3A_218], %swap3A_221 {strides = array<i32>} : memref<16x128xf32, #tpu.memory_space<vmem>>, vector<1x16xf32>,
    %swap3A_222 = arith.constant 4 : i32
    %swap3A_223 = arith.index_cast %swap3A_222 : i32 to index
    %swap3A_224 = arith.constant 80 : index
    %swap3A_225 = tpu.vector_load %arg10[%swap3A_223, %swap3A_224] {strides = array<i32>} : memref<16x128xf32, #tpu.memory_space<vmem>>, vector<1x16xf32>,
    %swap3A_226 = vector.shape_cast %swap3A_225 : vector<1x16xf32> to vector<16xf32>
    %swap3A_227 = vector.shape_cast %broadcast_in_dim3A_0 : vector<16xf32> to vector<1x16xf32>
    tpu.vector_store %arg10[%swap3A_223, %swap3A_224], %swap3A_227 {strides = array<i32>} : memref<16x128xf32, #tpu.memory_space<vmem>>, vector<1x16xf32>,
    %swap3A_228 = arith.constant 4 : i32
    %swap3A_229 = arith.index_cast %swap3A_228 : i32 to index
    %swap3A_230 = arith.constant 96 : index
    %swap3A_231 = tpu.vector_load %arg10[%swap3A_229, %swap3A_230] {strides = array<i32>} : memref<16x128xf32, #tpu.memory_space<vmem>>, vector<1x16xf32>,
    %swap3A_232 = vector.shape_cast %swap3A_231 : vector<1x16xf32> to vector<16xf32>
    %swap3A_233 = vector.shape_cast %broadcast_in_dim3A_0 : vector<16xf32> to vector<1x16xf32>
    tpu.vector_store %arg10[%swap3A_229, %swap3A_230], %swap3A_233 {strides = array<i32>} : memref<16x128xf32, #tpu.memory_space<vmem>>, vector<1x16xf32>,
    %swap3A_234 = arith.constant 4 : i32
    %swap3A_235 = arith.index_cast %swap3A_234 : i32 to index
    %swap3A_236 = arith.constant 112 : index
    %swap3A_237 = tpu.vector_load %arg10[%swap3A_235, %swap3A_236] {strides = array<i32>} : memref<16x128xf32, #tpu.memory_space<vmem>>, vector<1x16xf32>,
    %swap3A_238 = vector.shape_cast %swap3A_237 : vector<1x16xf32> to vector<16xf32>
    %swap3A_239 = vector.shape_cast %broadcast_in_dim3A_0 : vector<16xf32> to vector<1x16xf32>
    tpu.vector_store %arg10[%swap3A_235, %swap3A_236], %swap3A_239 {strides = array<i32>} : memref<16x128xf32, #tpu.memory_space<vmem>>, vector<1x16xf32>,
    %swap3A_240 = arith.constant 5 : i32
    %swap3A_241 = arith.index_cast %swap3A_240 : i32 to index
    %swap3A_242 = arith.constant 0 : index
    %swap3A_243 = tpu.vector_load %arg10[%swap3A_241, %swap3A_242] {strides = array<i32>} : memref<16x128xf32, #tpu.memory_space<vmem>>, vector<1x16xf32>,
    %swap3A_244 = vector.shape_cast %swap3A_243 : vector<1x16xf32> to vector<16xf32>
    %swap3A_245 = vector.shape_cast %broadcast_in_dim3A_0 : vector<16xf32> to vector<1x16xf32>
    tpu.vector_store %arg10[%swap3A_241, %swap3A_242], %swap3A_245 {strides = array<i32>} : memref<16x128xf32, #tpu.memory_space<vmem>>, vector<1x16xf32>,
    %swap3A_246 = arith.constant 5 : i32
    %swap3A_247 = arith.index_cast %swap3A_246 : i32 to index
    %swap3A_248 = arith.constant 16 : index
    %swap3A_249 = tpu.vector_load %arg10[%swap3A_247, %swap3A_248] {strides = array<i32>} : memref<16x128xf32, #tpu.memory_space<vmem>>, vector<1x16xf32>,
    %swap3A_250 = vector.shape_cast %swap3A_249 : vector<1x16xf32> to vector<16xf32>
    %swap3A_251 = vector.shape_cast %broadcast_in_dim3A_0 : vector<16xf32> to vector<1x16xf32>
    tpu.vector_store %arg10[%swap3A_247, %swap3A_248], %swap3A_251 {strides = array<i32>} : memref<16x128xf32, #tpu.memory_space<vmem>>, vector<1x16xf32>,
    %swap3A_252 = arith.constant 5 : i32
    %swap3A_253 = arith.index_cast %swap3A_252 : i32 to index
    %swap3A_254 = arith.constant 32 : index
    %swap3A_255 = tpu.vector_load %arg10[%swap3A_253, %swap3A_254] {strides = array<i32>} : memref<16x128xf32, #tpu.memory_space<vmem>>, vector<1x16xf32>,
    %swap3A_256 = vector.shape_cast %swap3A_255 : vector<1x16xf32> to vector<16xf32>
    %swap3A_257 = vector.shape_cast %broadcast_in_dim3A_0 : vector<16xf32> to vector<1x16xf32>
    tpu.vector_store %arg10[%swap3A_253, %swap3A_254], %swap3A_257 {strides = array<i32>} : memref<16x128xf32, #tpu.memory_space<vmem>>, vector<1x16xf32>,
    %swap3A_258 = arith.constant 5 : i32
    %swap3A_259 = arith.index_cast %swap3A_258 : i32 to index
    %swap3A_260 = arith.constant 48 : index
    %swap3A_261 = tpu.vector_load %arg10[%swap3A_259, %swap3A_260] {strides = array<i32>} : memref<16x128xf32, #tpu.memory_space<vmem>>, vector<1x16xf32>,
    %swap3A_262 = vector.shape_cast %swap3A_261 : vector<1x16xf32> to vector<16xf32>
    %swap3A_263 = vector.shape_cast %broadcast_in_dim3A_0 : vector<16xf32> to vector<1x16xf32>
    tpu.vector_store %arg10[%swap3A_259, %swap3A_260], %swap3A_263 {strides = array<i32>} : memref<16x128xf32, #tpu.memory_space<vmem>>, vector<1x16xf32>,
    %swap3A_264 = arith.constant 5 : i32
    %swap3A_265 = arith.index_cast %swap3A_264 : i32 to index
    %swap3A_266 = arith.constant 64 : index
    %swap3A_267 = tpu.vector_load %arg10[%swap3A_265, %swap3A_266] {strides = array<i32>} : memref<16x128xf32, #tpu.memory_space<vmem>>, vector<1x16xf32>,
    %swap3A_268 = vector.shape_cast %swap3A_267 : vector<1x16xf32> to vector<16xf32>
    %swap3A_269 = vector.shape_cast %broadcast_in_dim3A_0 : vector<16xf32> to vector<1x16xf32>
    tpu.vector_store %arg10[%swap3A_265, %swap3A_266], %swap3A_269 {strides = array<i32>} : memref<16x128xf32, #tpu.memory_space<vmem>>, vector<1x16xf32>,
    %swap3A_270 = arith.constant 5 : i32
    %swap3A_271 = arith.index_cast %swap3A_270 : i32 to index
    %swap3A_272 = arith.constant 80 : index
    %swap3A_273 = tpu.vector_load %arg10[%swap3A_271, %swap3A_272] {strides = array<i32>} : memref<16x128xf32, #tpu.memory_space<vmem>>, vector<1x16xf32>,
    %swap3A_274 = vector.shape_cast %swap3A_273 : vector<1x16xf32> to vector<16xf32>
    %swap3A_275 = vector.shape_cast %broadcast_in_dim3A_0 : vector<16xf32> to vector<1x16xf32>
    tpu.vector_store %arg10[%swap3A_271, %swap3A_272], %swap3A_275 {strides = array<i32>} : memref<16x128xf32, #tpu.memory_space<vmem>>, vector<1x16xf32>,
    %swap3A_276 = arith.constant 5 : i32
    %swap3A_277 = arith.index_cast %swap3A_276 : i32 to index
    %swap3A_278 = arith.constant 96 : index
    %swap3A_279 = tpu.vector_load %arg10[%swap3A_277, %swap3A_278] {strides = array<i32>} : memref<16x128xf32, #tpu.memory_space<vmem>>, vector<1x16xf32>,
    %swap3A_280 = vector.shape_cast %swap3A_279 : vector<1x16xf32> to vector<16xf32>
    %swap3A_281 = vector.shape_cast %broadcast_in_dim3A_0 : vector<16xf32> to vector<1x16xf32>
    tpu.vector_store %arg10[%swap3A_277, %swap3A_278], %swap3A_281 {strides = array<i32>} : memref<16x128xf32, #tpu.memory_space<vmem>>, vector<1x16xf32>,
    %swap3A_282 = arith.constant 5 : i32
    %swap3A_283 = arith.index_cast %swap3A_282 : i32 to index
    %swap3A_284 = arith.constant 112 : index
    %swap3A_285 = tpu.vector_load %arg10[%swap3A_283, %swap3A_284] {strides = array<i32>} : memref<16x128xf32, #tpu.memory_space<vmem>>, vector<1x16xf32>,
    %swap3A_286 = vector.shape_cast %swap3A_285 : vector<1x16xf32> to vector<16xf32>
    %swap3A_287 = vector.shape_cast %broadcast_in_dim3A_0 : vector<16xf32> to vector<1x16xf32>
    tpu.vector_store %arg10[%swap3A_283, %swap3A_284], %swap3A_287 {strides = array<i32>} : memref<16x128xf32, #tpu.memory_space<vmem>>, vector<1x16xf32>,
    %swap3A_288 = arith.constant 6 : i32
    %swap3A_289 = arith.index_cast %swap3A_288 : i32 to index
    %swap3A_290 = arith.constant 0 : index
    %swap3A_291 = tpu.vector_load %arg10[%swap3A_289, %swap3A_290] {strides = array<i32>} : memref<16x128xf32, #tpu.memory_space<vmem>>, vector<1x16xf32>,
    %swap3A_292 = vector.shape_cast %swap3A_291 : vector<1x16xf32> to vector<16xf32>
    %swap3A_293 = vector.shape_cast %broadcast_in_dim3A_0 : vector<16xf32> to vector<1x16xf32>
    tpu.vector_store %arg10[%swap3A_289, %swap3A_290], %swap3A_293 {strides = array<i32>} : memref<16x128xf32, #tpu.memory_space<vmem>>, vector<1x16xf32>,
    %swap3A_294 = arith.constant 6 : i32
    %swap3A_295 = arith.index_cast %swap3A_294 : i32 to index
    %swap3A_296 = arith.constant 16 : index
    %swap3A_297 = tpu.vector_load %arg10[%swap3A_295, %swap3A_296] {strides = array<i32>} : memref<16x128xf32, #tpu.memory_space<vmem>>, vector<1x16xf32>,
    %swap3A_298 = vector.shape_cast %swap3A_297 : vector<1x16xf32> to vector<16xf32>
    %swap3A_299 = vector.shape_cast %broadcast_in_dim3A_0 : vector<16xf32> to vector<1x16xf32>
    tpu.vector_store %arg10[%swap3A_295, %swap3A_296], %swap3A_299 {strides = array<i32>} : memref<16x128xf32, #tpu.memory_space<vmem>>, vector<1x16xf32>,
    %swap3A_300 = arith.constant 6 : i32
    %swap3A_301 = arith.index_cast %swap3A_300 : i32 to index
    %swap3A_302 = arith.constant 32 : index
    %swap3A_303 = tpu.vector_load %arg10[%swap3A_301, %swap3A_302] {strides = array<i32>} : memref<16x128xf32, #tpu.memory_space<vmem>>, vector<1x16xf32>,
    %swap3A_304 = vector.shape_cast %swap3A_303 : vector<1x16xf32> to vector<16xf32>
    %swap3A_305 = vector.shape_cast %broadcast_in_dim3A_0 : vector<16xf32> to vector<1x16xf32>
    tpu.vector_store %arg10[%swap3A_301, %swap3A_302], %swap3A_305 {strides = array<i32>} : memref<16x128xf32, #tpu.memory_space<vmem>>, vector<1x16xf32>,
    %swap3A_306 = arith.constant 6 : i32
    %swap3A_307 = arith.index_cast %swap3A_306 : i32 to index
    %swap3A_308 = arith.constant 48 : index
    %swap3A_309 = tpu.vector_load %arg10[%swap3A_307, %swap3A_308] {strides = array<i32>} : memref<16x128xf32, #tpu.memory_space<vmem>>, vector<1x16xf32>,
    %swap3A_310 = vector.shape_cast %swap3A_309 : vector<1x16xf32> to vector<16xf32>
    %swap3A_311 = vector.shape_cast %broadcast_in_dim3A_0 : vector<16xf32> to vector<1x16xf32>
    tpu.vector_store %arg10[%swap3A_307, %swap3A_308], %swap3A_311 {strides = array<i32>} : memref<16x128xf32, #tpu.memory_space<vmem>>, vector<1x16xf32>,
    %swap3A_312 = arith.constant 6 : i32
    %swap3A_313 = arith.index_cast %swap3A_312 : i32 to index
    %swap3A_314 = arith.constant 64 : index
    %swap3A_315 = tpu.vector_load %arg10[%swap3A_313, %swap3A_314] {strides = array<i32>} : memref<16x128xf32, #tpu.memory_space<vmem>>, vector<1x16xf32>,
    %swap3A_316 = vector.shape_cast %swap3A_315 : vector<1x16xf32> to vector<16xf32>
    %swap3A_317 = vector.shape_cast %broadcast_in_dim3A_0 : vector<16xf32> to vector<1x16xf32>
    tpu.vector_store %arg10[%swap3A_313, %swap3A_314], %swap3A_317 {strides = array<i32>} : memref<16x128xf32, #tpu.memory_space<vmem>>, vector<1x16xf32>,
    %swap3A_318 = arith.constant 6 : i32
    %swap3A_319 = arith.index_cast %swap3A_318 : i32 to index
    %swap3A_320 = arith.constant 80 : index
    %swap3A_321 = tpu.vector_load %arg10[%swap3A_319, %swap3A_320] {strides = array<i32>} : memref<16x128xf32, #tpu.memory_space<vmem>>, vector<1x16xf32>,
    %swap3A_322 = vector.shape_cast %swap3A_321 : vector<1x16xf32> to vector<16xf32>
    %swap3A_323 = vector.shape_cast %broadcast_in_dim3A_0 : vector<16xf32> to vector<1x16xf32>
    tpu.vector_store %arg10[%swap3A_319, %swap3A_320], %swap3A_323 {strides = array<i32>} : memref<16x128xf32, #tpu.memory_space<vmem>>, vector<1x16xf32>,
    %swap3A_324 = arith.constant 6 : i32
    %swap3A_325 = arith.index_cast %swap3A_324 : i32 to index
    %swap3A_326 = arith.constant 96 : index
    %swap3A_327 = tpu.vector_load %arg10[%swap3A_325, %swap3A_326] {strides = array<i32>} : memref<16x128xf32, #tpu.memory_space<vmem>>, vector<1x16xf32>,
    %swap3A_328 = vector.shape_cast %swap3A_327 : vector<1x16xf32> to vector<16xf32>
    %swap3A_329 = vector.shape_cast %broadcast_in_dim3A_0 : vector<16xf32> to vector<1x16xf32>
    tpu.vector_store %arg10[%swap3A_325, %swap3A_326], %swap3A_329 {strides = array<i32>} : memref<16x128xf32, #tpu.memory_space<vmem>>, vector<1x16xf32>,
    %swap3A_330 = arith.constant 6 : i32
    %swap3A_331 = arith.index_cast %swap3A_330 : i32 to index
    %swap3A_332 = arith.constant 112 : index
    %swap3A_333 = tpu.vector_load %arg10[%swap3A_331, %swap3A_332] {strides = array<i32>} : memref<16x128xf32, #tpu.memory_space<vmem>>, vector<1x16xf32>,
    %swap3A_334 = vector.shape_cast %swap3A_333 : vector<1x16xf32> to vector<16xf32>
    %swap3A_335 = vector.shape_cast %broadcast_in_dim3A_0 : vector<16xf32> to vector<1x16xf32>
    tpu.vector_store %arg10[%swap3A_331, %swap3A_332], %swap3A_335 {strides = array<i32>} : memref<16x128xf32, #tpu.memory_space<vmem>>, vector<1x16xf32>,
    %swap3A_336 = arith.constant 7 : i32
    %swap3A_337 = arith.index_cast %swap3A_336 : i32 to index
    %swap3A_338 = arith.constant 0 : index
    %swap3A_339 = tpu.vector_load %arg10[%swap3A_337, %swap3A_338] {strides = array<i32>} : memref<16x128xf32, #tpu.memory_space<vmem>>, vector<1x16xf32>,
    %swap3A_340 = vector.shape_cast %swap3A_339 : vector<1x16xf32> to vector<16xf32>
    %swap3A_341 = vector.shape_cast %broadcast_in_dim3A_0 : vector<16xf32> to vector<1x16xf32>
    tpu.vector_store %arg10[%swap3A_337, %swap3A_338], %swap3A_341 {strides = array<i32>} : memref<16x128xf32, #tpu.memory_space<vmem>>, vector<1x16xf32>,
    %swap3A_342 = arith.constant 7 : i32
    %swap3A_343 = arith.index_cast %swap3A_342 : i32 to index
    %swap3A_344 = arith.constant 16 : index
    %swap3A_345 = tpu.vector_load %arg10[%swap3A_343, %swap3A_344] {strides = array<i32>} : memref<16x128xf32, #tpu.memory_space<vmem>>, vector<1x16xf32>,
    %swap3A_346 = vector.shape_cast %swap3A_345 : vector<1x16xf32> to vector<16xf32>
    %swap3A_347 = vector.shape_cast %broadcast_in_dim3A_0 : vector<16xf32> to vector<1x16xf32>
    tpu.vector_store %arg10[%swap3A_343, %swap3A_344], %swap3A_347 {strides = array<i32>} : memref<16x128xf32, #tpu.memory_space<vmem>>, vector<1x16xf32>,
    %swap3A_348 = arith.constant 7 : i32
    %swap3A_349 = arith.index_cast %swap3A_348 : i32 to index
    %swap3A_350 = arith.constant 32 : index
    %swap3A_351 = tpu.vector_load %arg10[%swap3A_349, %swap3A_350] {strides = array<i32>} : memref<16x128xf32, #tpu.memory_space<vmem>>, vector<1x16xf32>,
    %swap3A_352 = vector.shape_cast %swap3A_351 : vector<1x16xf32> to vector<16xf32>
    %swap3A_353 = vector.shape_cast %broadcast_in_dim3A_0 : vector<16xf32> to vector<1x16xf32>
    tpu.vector_store %arg10[%swap3A_349, %swap3A_350], %swap3A_353 {strides = array<i32>} : memref<16x128xf32, #tpu.memory_space<vmem>>, vector<1x16xf32>,
    %swap3A_354 = arith.constant 7 : i32
    %swap3A_355 = arith.index_cast %swap3A_354 : i32 to index
    %swap3A_356 = arith.constant 48 : index
    %swap3A_357 = tpu.vector_load %arg10[%swap3A_355, %swap3A_356] {strides = array<i32>} : memref<16x128xf32, #tpu.memory_space<vmem>>, vector<1x16xf32>,
    %swap3A_358 = vector.shape_cast %swap3A_357 : vector<1x16xf32> to vector<16xf32>
    %swap3A_359 = vector.shape_cast %broadcast_in_dim3A_0 : vector<16xf32> to vector<1x16xf32>
    tpu.vector_store %arg10[%swap3A_355, %swap3A_356], %swap3A_359 {strides = array<i32>} : memref<16x128xf32, #tpu.memory_space<vmem>>, vector<1x16xf32>,
    %swap3A_360 = arith.constant 7 : i32
    %swap3A_361 = arith.index_cast %swap3A_360 : i32 to index
    %swap3A_362 = arith.constant 64 : index
    %swap3A_363 = tpu.vector_load %arg10[%swap3A_361, %swap3A_362] {strides = array<i32>} : memref<16x128xf32, #tpu.memory_space<vmem>>, vector<1x16xf32>,
    %swap3A_364 = vector.shape_cast %swap3A_363 : vector<1x16xf32> to vector<16xf32>
    %swap3A_365 = vector.shape_cast %broadcast_in_dim3A_0 : vector<16xf32> to vector<1x16xf32>
    tpu.vector_store %arg10[%swap3A_361, %swap3A_362], %swap3A_365 {strides = array<i32>} : memref<16x128xf32, #tpu.memory_space<vmem>>, vector<1x16xf32>,
    %swap3A_366 = arith.constant 7 : i32
    %swap3A_367 = arith.index_cast %swap3A_366 : i32 to index
    %swap3A_368 = arith.constant 80 : index
    %swap3A_369 = tpu.vector_load %arg10[%swap3A_367, %swap3A_368] {strides = array<i32>} : memref<16x128xf32, #tpu.memory_space<vmem>>, vector<1x16xf32>,
    %swap3A_370 = vector.shape_cast %swap3A_369 : vector<1x16xf32> to vector<16xf32>
    %swap3A_371 = vector.shape_cast %broadcast_in_dim3A_0 : vector<16xf32> to vector<1x16xf32>
    tpu.vector_store %arg10[%swap3A_367, %swap3A_368], %swap3A_371 {strides = array<i32>} : memref<16x128xf32, #tpu.memory_space<vmem>>, vector<1x16xf32>,
    %swap3A_372 = arith.constant 7 : i32
    %swap3A_373 = arith.index_cast %swap3A_372 : i32 to index
    %swap3A_374 = arith.constant 96 : index
    %swap3A_375 = tpu.vector_load %arg10[%swap3A_373, %swap3A_374] {strides = array<i32>} : memref<16x128xf32, #tpu.memory_space<vmem>>, vector<1x16xf32>,
    %swap3A_376 = vector.shape_cast %swap3A_375 : vector<1x16xf32> to vector<16xf32>
    %swap3A_377 = vector.shape_cast %broadcast_in_dim3A_0 : vector<16xf32> to vector<1x16xf32>
    tpu.vector_store %arg10[%swap3A_373, %swap3A_374], %swap3A_377 {strides = array<i32>} : memref<16x128xf32, #tpu.memory_space<vmem>>, vector<1x16xf32>,
    %swap3A_378 = arith.constant 7 : i32
    %swap3A_379 = arith.index_cast %swap3A_378 : i32 to index
    %swap3A_380 = arith.constant 112 : index
    %swap3A_381 = tpu.vector_load %arg10[%swap3A_379, %swap3A_380] {strides = array<i32>} : memref<16x128xf32, #tpu.memory_space<vmem>>, vector<1x16xf32>,
    %swap3A_382 = vector.shape_cast %swap3A_381 : vector<1x16xf32> to vector<16xf32>
    %swap3A_383 = vector.shape_cast %broadcast_in_dim3A_0 : vector<16xf32> to vector<1x16xf32>
    tpu.vector_store %arg10[%swap3A_379, %swap3A_380], %swap3A_383 {strides = array<i32>} : memref<16x128xf32, #tpu.memory_space<vmem>>, vector<1x16xf32>,
    %swap3A_384 = arith.constant 8 : i32
    %swap3A_385 = arith.index_cast %swap3A_384 : i32 to index
    %swap3A_386 = arith.constant 0 : index
    %swap3A_387 = tpu.vector_load %arg10[%swap3A_385, %swap3A_386] {strides = array<i32>} : memref<16x128xf32, #tpu.memory_space<vmem>>, vector<1x16xf32>,
    %swap3A_388 = vector.shape_cast %swap3A_387 : vector<1x16xf32> to vector<16xf32>
    %swap3A_389 = vector.shape_cast %broadcast_in_dim3A_0 : vector<16xf32> to vector<1x16xf32>
    tpu.vector_store %arg10[%swap3A_385, %swap3A_386], %swap3A_389 {strides = array<i32>} : memref<16x128xf32, #tpu.memory_space<vmem>>, vector<1x16xf32>,
    %swap3A_390 = arith.constant 8 : i32
    %swap3A_391 = arith.index_cast %swap3A_390 : i32 to index
    %swap3A_392 = arith.constant 16 : index
    %swap3A_393 = tpu.vector_load %arg10[%swap3A_391, %swap3A_392] {strides = array<i32>} : memref<16x128xf32, #tpu.memory_space<vmem>>, vector<1x16xf32>,
    %swap3A_394 = vector.shape_cast %swap3A_393 : vector<1x16xf32> to vector<16xf32>
    %swap3A_395 = vector.shape_cast %broadcast_in_dim3A_0 : vector<16xf32> to vector<1x16xf32>
    tpu.vector_store %arg10[%swap3A_391, %swap3A_392], %swap3A_395 {strides = array<i32>} : memref<16x128xf32, #tpu.memory_space<vmem>>, vector<1x16xf32>,
    %swap3A_396 = arith.constant 8 : i32
    %swap3A_397 = arith.index_cast %swap3A_396 : i32 to index
    %swap3A_398 = arith.constant 32 : index
    %swap3A_399 = tpu.vector_load %arg10[%swap3A_397, %swap3A_398] {strides = array<i32>} : memref<16x128xf32, #tpu.memory_space<vmem>>, vector<1x16xf32>,
    %swap3A_400 = vector.shape_cast %swap3A_399 : vector<1x16xf32> to vector<16xf32>
    %swap3A_401 = vector.shape_cast %broadcast_in_dim3A_0 : vector<16xf32> to vector<1x16xf32>
    tpu.vector_store %arg10[%swap3A_397, %swap3A_398], %swap3A_401 {strides = array<i32>} : memref<16x128xf32, #tpu.memory_space<vmem>>, vector<1x16xf32>,
    %swap3A_402 = arith.constant 8 : i32
    %swap3A_403 = arith.index_cast %swap3A_402 : i32 to index
    %swap3A_404 = arith.constant 48 : index
    %swap3A_405 = tpu.vector_load %arg10[%swap3A_403, %swap3A_404] {strides = array<i32>} : memref<16x128xf32, #tpu.memory_space<vmem>>, vector<1x16xf32>,
    %swap3A_406 = vector.shape_cast %swap3A_405 : vector<1x16xf32> to vector<16xf32>
    %swap3A_407 = vector.shape_cast %broadcast_in_dim3A_0 : vector<16xf32> to vector<1x16xf32>
    tpu.vector_store %arg10[%swap3A_403, %swap3A_404], %swap3A_407 {strides = array<i32>} : memref<16x128xf32, #tpu.memory_space<vmem>>, vector<1x16xf32>,
    %swap3A_408 = arith.constant 8 : i32
    %swap3A_409 = arith.index_cast %swap3A_408 : i32 to index
    %swap3A_410 = arith.constant 64 : index
    %swap3A_411 = tpu.vector_load %arg10[%swap3A_409, %swap3A_410] {strides = array<i32>} : memref<16x128xf32, #tpu.memory_space<vmem>>, vector<1x16xf32>,
    %swap3A_412 = vector.shape_cast %swap3A_411 : vector<1x16xf32> to vector<16xf32>
    %swap3A_413 = vector.shape_cast %broadcast_in_dim3A_0 : vector<16xf32> to vector<1x16xf32>
    tpu.vector_store %arg10[%swap3A_409, %swap3A_410], %swap3A_413 {strides = array<i32>} : memref<16x128xf32, #tpu.memory_space<vmem>>, vector<1x16xf32>,
    %swap3A_414 = arith.constant 8 : i32
    %swap3A_415 = arith.index_cast %swap3A_414 : i32 to index
    %swap3A_416 = arith.constant 80 : index
    %swap3A_417 = tpu.vector_load %arg10[%swap3A_415, %swap3A_416] {strides = array<i32>} : memref<16x128xf32, #tpu.memory_space<vmem>>, vector<1x16xf32>,
    %swap3A_418 = vector.shape_cast %swap3A_417 : vector<1x16xf32> to vector<16xf32>
    %swap3A_419 = vector.shape_cast %broadcast_in_dim3A_0 : vector<16xf32> to vector<1x16xf32>
    tpu.vector_store %arg10[%swap3A_415, %swap3A_416], %swap3A_419 {strides = array<i32>} : memref<16x128xf32, #tpu.memory_space<vmem>>, vector<1x16xf32>,
    %swap3A_420 = arith.constant 8 : i32
    %swap3A_421 = arith.index_cast %swap3A_420 : i32 to index
    %swap3A_422 = arith.constant 96 : index
    %swap3A_423 = tpu.vector_load %arg10[%swap3A_421, %swap3A_422] {strides = array<i32>} : memref<16x128xf32, #tpu.memory_space<vmem>>, vector<1x16xf32>,
    %swap3A_424 = vector.shape_cast %swap3A_423 : vector<1x16xf32> to vector<16xf32>
    %swap3A_425 = vector.shape_cast %broadcast_in_dim3A_0 : vector<16xf32> to vector<1x16xf32>
    tpu.vector_store %arg10[%swap3A_421, %swap3A_422], %swap3A_425 {strides = array<i32>} : memref<16x128xf32, #tpu.memory_space<vmem>>, vector<1x16xf32>,
    %swap3A_426 = arith.constant 8 : i32
    %swap3A_427 = arith.index_cast %swap3A_426 : i32 to index
    %swap3A_428 = arith.constant 112 : index
    %swap3A_429 = tpu.vector_load %arg10[%swap3A_427, %swap3A_428] {strides = array<i32>} : memref<16x128xf32, #tpu.memory_space<vmem>>, vector<1x16xf32>,
    %swap3A_430 = vector.shape_cast %swap3A_429 : vector<1x16xf32> to vector<16xf32>
    %swap3A_431 = vector.shape_cast %broadcast_in_dim3A_0 : vector<16xf32> to vector<1x16xf32>
    tpu.vector_store %arg10[%swap3A_427, %swap3A_428], %swap3A_431 {strides = array<i32>} : memref<16x128xf32, #tpu.memory_space<vmem>>, vector<1x16xf32>,
    %swap3A_432 = arith.constant 9 : i32
    %swap3A_433 = arith.index_cast %swap3A_432 : i32 to index
    %swap3A_434 = arith.constant 0 : index
    %swap3A_435 = tpu.vector_load %arg10[%swap3A_433, %swap3A_434] {strides = array<i32>} : memref<16x128xf32, #tpu.memory_space<vmem>>, vector<1x16xf32>,
    %swap3A_436 = vector.shape_cast %swap3A_435 : vector<1x16xf32> to vector<16xf32>
    %swap3A_437 = vector.shape_cast %broadcast_in_dim3A_0 : vector<16xf32> to vector<1x16xf32>
    tpu.vector_store %arg10[%swap3A_433, %swap3A_434], %swap3A_437 {strides = array<i32>} : memref<16x128xf32, #tpu.memory_space<vmem>>, vector<1x16xf32>,
    %swap3A_438 = arith.constant 9 : i32
    %swap3A_439 = arith.index_cast %swap3A_438 : i32 to index
    %swap3A_440 = arith.constant 16 : index
    %swap3A_441 = tpu.vector_load %arg10[%swap3A_439, %swap3A_440] {strides = array<i32>} : memref<16x128xf32, #tpu.memory_space<vmem>>, vector<1x16xf32>,
    %swap3A_442 = vector.shape_cast %swap3A_441 : vector<1x16xf32> to vector<16xf32>
    %swap3A_443 = vector.shape_cast %broadcast_in_dim3A_0 : vector<16xf32> to vector<1x16xf32>
    tpu.vector_store %arg10[%swap3A_439, %swap3A_440], %swap3A_443 {strides = array<i32>} : memref<16x128xf32, #tpu.memory_space<vmem>>, vector<1x16xf32>,
    %swap3A_444 = arith.constant 9 : i32
    %swap3A_445 = arith.index_cast %swap3A_444 : i32 to index
    %swap3A_446 = arith.constant 32 : index
    %swap3A_447 = tpu.vector_load %arg10[%swap3A_445, %swap3A_446] {strides = array<i32>} : memref<16x128xf32, #tpu.memory_space<vmem>>, vector<1x16xf32>,
    %swap3A_448 = vector.shape_cast %swap3A_447 : vector<1x16xf32> to vector<16xf32>
    %swap3A_449 = vector.shape_cast %broadcast_in_dim3A_0 : vector<16xf32> to vector<1x16xf32>
    tpu.vector_store %arg10[%swap3A_445, %swap3A_446], %swap3A_449 {strides = array<i32>} : memref<16x128xf32, #tpu.memory_space<vmem>>, vector<1x16xf32>,
    %swap3A_450 = arith.constant 9 : i32
    %swap3A_451 = arith.index_cast %swap3A_450 : i32 to index
    %swap3A_452 = arith.constant 48 : index
    %swap3A_453 = tpu.vector_load %arg10[%swap3A_451, %swap3A_452] {strides = array<i32>} : memref<16x128xf32, #tpu.memory_space<vmem>>, vector<1x16xf32>,
    %swap3A_454 = vector.shape_cast %swap3A_453 : vector<1x16xf32> to vector<16xf32>
    %swap3A_455 = vector.shape_cast %broadcast_in_dim3A_0 : vector<16xf32> to vector<1x16xf32>
    tpu.vector_store %arg10[%swap3A_451, %swap3A_452], %swap3A_455 {strides = array<i32>} : memref<16x128xf32, #tpu.memory_space<vmem>>, vector<1x16xf32>,
    %swap3A_456 = arith.constant 9 : i32
    %swap3A_457 = arith.index_cast %swap3A_456 : i32 to index
    %swap3A_458 = arith.constant 64 : index
    %swap3A_459 = tpu.vector_load %arg10[%swap3A_457, %swap3A_458] {strides = array<i32>} : memref<16x128xf32, #tpu.memory_space<vmem>>, vector<1x16xf32>,
    %swap3A_460 = vector.shape_cast %swap3A_459 : vector<1x16xf32> to vector<16xf32>
    %swap3A_461 = vector.shape_cast %broadcast_in_dim3A_0 : vector<16xf32> to vector<1x16xf32>
    tpu.vector_store %arg10[%swap3A_457, %swap3A_458], %swap3A_461 {strides = array<i32>} : memref<16x128xf32, #tpu.memory_space<vmem>>, vector<1x16xf32>,
    %swap3A_462 = arith.constant 9 : i32
    %swap3A_463 = arith.index_cast %swap3A_462 : i32 to index
    %swap3A_464 = arith.constant 80 : index
    %swap3A_465 = tpu.vector_load %arg10[%swap3A_463, %swap3A_464] {strides = array<i32>} : memref<16x128xf32, #tpu.memory_space<vmem>>, vector<1x16xf32>,
    %swap3A_466 = vector.shape_cast %swap3A_465 : vector<1x16xf32> to vector<16xf32>
    %swap3A_467 = vector.shape_cast %broadcast_in_dim3A_0 : vector<16xf32> to vector<1x16xf32>
    tpu.vector_store %arg10[%swap3A_463, %swap3A_464], %swap3A_467 {strides = array<i32>} : memref<16x128xf32, #tpu.memory_space<vmem>>, vector<1x16xf32>,
    %swap3A_468 = arith.constant 9 : i32
    %swap3A_469 = arith.index_cast %swap3A_468 : i32 to index
    %swap3A_470 = arith.constant 96 : index
    %swap3A_471 = tpu.vector_load %arg10[%swap3A_469, %swap3A_470] {strides = array<i32>} : memref<16x128xf32, #tpu.memory_space<vmem>>, vector<1x16xf32>,
    %swap3A_472 = vector.shape_cast %swap3A_471 : vector<1x16xf32> to vector<16xf32>
    %swap3A_473 = vector.shape_cast %broadcast_in_dim3A_0 : vector<16xf32> to vector<1x16xf32>
    tpu.vector_store %arg10[%swap3A_469, %swap3A_470], %swap3A_473 {strides = array<i32>} : memref<16x128xf32, #tpu.memory_space<vmem>>, vector<1x16xf32>,
    %swap3A_474 = arith.constant 9 : i32
    %swap3A_475 = arith.index_cast %swap3A_474 : i32 to index
    %swap3A_476 = arith.constant 112 : index
    %swap3A_477 = tpu.vector_load %arg10[%swap3A_475, %swap3A_476] {strides = array<i32>} : memref<16x128xf32, #tpu.memory_space<vmem>>, vector<1x16xf32>,
    %swap3A_478 = vector.shape_cast %swap3A_477 : vector<1x16xf32> to vector<16xf32>
    %swap3A_479 = vector.shape_cast %broadcast_in_dim3A_0 : vector<16xf32> to vector<1x16xf32>
    tpu.vector_store %arg10[%swap3A_475, %swap3A_476], %swap3A_479 {strides = array<i32>} : memref<16x128xf32, #tpu.memory_space<vmem>>, vector<1x16xf32>,
    %swap3A_480 = arith.constant 10 : i32
    %swap3A_481 = arith.index_cast %swap3A_480 : i32 to index
    %swap3A_482 = arith.constant 0 : index
    %swap3A_483 = tpu.vector_load %arg10[%swap3A_481, %swap3A_482] {strides = array<i32>} : memref<16x128xf32, #tpu.memory_space<vmem>>, vector<1x16xf32>,
    %swap3A_484 = vector.shape_cast %swap3A_483 : vector<1x16xf32> to vector<16xf32>
    %swap3A_485 = vector.shape_cast %broadcast_in_dim3A_0 : vector<16xf32> to vector<1x16xf32>
    tpu.vector_store %arg10[%swap3A_481, %swap3A_482], %swap3A_485 {strides = array<i32>} : memref<16x128xf32, #tpu.memory_space<vmem>>, vector<1x16xf32>,
    %swap3A_486 = arith.constant 10 : i32
    %swap3A_487 = arith.index_cast %swap3A_486 : i32 to index
    %swap3A_488 = arith.constant 16 : index
    %swap3A_489 = tpu.vector_load %arg10[%swap3A_487, %swap3A_488] {strides = array<i32>} : memref<16x128xf32, #tpu.memory_space<vmem>>, vector<1x16xf32>,
    %swap3A_490 = vector.shape_cast %swap3A_489 : vector<1x16xf32> to vector<16xf32>
    %swap3A_491 = vector.shape_cast %broadcast_in_dim3A_0 : vector<16xf32> to vector<1x16xf32>
    tpu.vector_store %arg10[%swap3A_487, %swap3A_488], %swap3A_491 {strides = array<i32>} : memref<16x128xf32, #tpu.memory_space<vmem>>, vector<1x16xf32>,
    %swap3A_492 = arith.constant 10 : i32
    %swap3A_493 = arith.index_cast %swap3A_492 : i32 to index
    %swap3A_494 = arith.constant 32 : index
    %swap3A_495 = tpu.vector_load %arg10[%swap3A_493, %swap3A_494] {strides = array<i32>} : memref<16x128xf32, #tpu.memory_space<vmem>>, vector<1x16xf32>,
    %swap3A_496 = vector.shape_cast %swap3A_495 : vector<1x16xf32> to vector<16xf32>
    %swap3A_497 = vector.shape_cast %broadcast_in_dim3A_0 : vector<16xf32> to vector<1x16xf32>
    tpu.vector_store %arg10[%swap3A_493, %swap3A_494], %swap3A_497 {strides = array<i32>} : memref<16x128xf32, #tpu.memory_space<vmem>>, vector<1x16xf32>,
    %swap3A_498 = arith.constant 10 : i32
    %swap3A_499 = arith.index_cast %swap3A_498 : i32 to index
    %swap3A_500 = arith.constant 48 : index
    %swap3A_501 = tpu.vector_load %arg10[%swap3A_499, %swap3A_500] {strides = array<i32>} : memref<16x128xf32, #tpu.memory_space<vmem>>, vector<1x16xf32>,
    %swap3A_502 = vector.shape_cast %swap3A_501 : vector<1x16xf32> to vector<16xf32>
    %swap3A_503 = vector.shape_cast %broadcast_in_dim3A_0 : vector<16xf32> to vector<1x16xf32>
    tpu.vector_store %arg10[%swap3A_499, %swap3A_500], %swap3A_503 {strides = array<i32>} : memref<16x128xf32, #tpu.memory_space<vmem>>, vector<1x16xf32>,
    %swap3A_504 = arith.constant 10 : i32
    %swap3A_505 = arith.index_cast %swap3A_504 : i32 to index
    %swap3A_506 = arith.constant 64 : index
    %swap3A_507 = tpu.vector_load %arg10[%swap3A_505, %swap3A_506] {strides = array<i32>} : memref<16x128xf32, #tpu.memory_space<vmem>>, vector<1x16xf32>,
    %swap3A_508 = vector.shape_cast %swap3A_507 : vector<1x16xf32> to vector<16xf32>
    %swap3A_509 = vector.shape_cast %broadcast_in_dim3A_0 : vector<16xf32> to vector<1x16xf32>
    tpu.vector_store %arg10[%swap3A_505, %swap3A_506], %swap3A_509 {strides = array<i32>} : memref<16x128xf32, #tpu.memory_space<vmem>>, vector<1x16xf32>,
    %swap3A_510 = arith.constant 10 : i32
    %swap3A_511 = arith.index_cast %swap3A_510 : i32 to index
    %swap3A_512 = arith.constant 80 : index
    %swap3A_513 = tpu.vector_load %arg10[%swap3A_511, %swap3A_512] {strides = array<i32>} : memref<16x128xf32, #tpu.memory_space<vmem>>, vector<1x16xf32>,
    %swap3A_514 = vector.shape_cast %swap3A_513 : vector<1x16xf32> to vector<16xf32>
    %swap3A_515 = vector.shape_cast %broadcast_in_dim3A_0 : vector<16xf32> to vector<1x16xf32>
    tpu.vector_store %arg10[%swap3A_511, %swap3A_512], %swap3A_515 {strides = array<i32>} : memref<16x128xf32, #tpu.memory_space<vmem>>, vector<1x16xf32>,
    %swap3A_516 = arith.constant 10 : i32
    %swap3A_517 = arith.index_cast %swap3A_516 : i32 to index
    %swap3A_518 = arith.constant 96 : index
    %swap3A_519 = tpu.vector_load %arg10[%swap3A_517, %swap3A_518] {strides = array<i32>} : memref<16x128xf32, #tpu.memory_space<vmem>>, vector<1x16xf32>,
    %swap3A_520 = vector.shape_cast %swap3A_519 : vector<1x16xf32> to vector<16xf32>
    %swap3A_521 = vector.shape_cast %broadcast_in_dim3A_0 : vector<16xf32> to vector<1x16xf32>
    tpu.vector_store %arg10[%swap3A_517, %swap3A_518], %swap3A_521 {strides = array<i32>} : memref<16x128xf32, #tpu.memory_space<vmem>>, vector<1x16xf32>,
    %swap3A_522 = arith.constant 10 : i32
    %swap3A_523 = arith.index_cast %swap3A_522 : i32 to index
    %swap3A_524 = arith.constant 112 : index
    %swap3A_525 = tpu.vector_load %arg10[%swap3A_523, %swap3A_524] {strides = array<i32>} : memref<16x128xf32, #tpu.memory_space<vmem>>, vector<1x16xf32>,
    %swap3A_526 = vector.shape_cast %swap3A_525 : vector<1x16xf32> to vector<16xf32>
    %swap3A_527 = vector.shape_cast %broadcast_in_dim3A_0 : vector<16xf32> to vector<1x16xf32>
    tpu.vector_store %arg10[%swap3A_523, %swap3A_524], %swap3A_527 {strides = array<i32>} : memref<16x128xf32, #tpu.memory_space<vmem>>, vector<1x16xf32>,
    %swap3A_528 = arith.constant 11 : i32
    %swap3A_529 = arith.index_cast %swap3A_528 : i32 to index
    %swap3A_530 = arith.constant 0 : index
    %swap3A_531 = tpu.vector_load %arg10[%swap3A_529, %swap3A_530] {strides = array<i32>} : memref<16x128xf32, #tpu.memory_space<vmem>>, vector<1x16xf32>,
    %swap3A_532 = vector.shape_cast %swap3A_531 : vector<1x16xf32> to vector<16xf32>
    %swap3A_533 = vector.shape_cast %broadcast_in_dim3A_0 : vector<16xf32> to vector<1x16xf32>
    tpu.vector_store %arg10[%swap3A_529, %swap3A_530], %swap3A_533 {strides = array<i32>} : memref<16x128xf32, #tpu.memory_space<vmem>>, vector<1x16xf32>,
    %swap3A_534 = arith.constant 11 : i32
    %swap3A_535 = arith.index_cast %swap3A_534 : i32 to index
    %swap3A_536 = arith.constant 16 : index
    %swap3A_537 = tpu.vector_load %arg10[%swap3A_535, %swap3A_536] {strides = array<i32>} : memref<16x128xf32, #tpu.memory_space<vmem>>, vector<1x16xf32>,
    %swap3A_538 = vector.shape_cast %swap3A_537 : vector<1x16xf32> to vector<16xf32>
    %swap3A_539 = vector.shape_cast %broadcast_in_dim3A_0 : vector<16xf32> to vector<1x16xf32>
    tpu.vector_store %arg10[%swap3A_535, %swap3A_536], %swap3A_539 {strides = array<i32>} : memref<16x128xf32, #tpu.memory_space<vmem>>, vector<1x16xf32>,
    %swap3A_540 = arith.constant 11 : i32
    %swap3A_541 = arith.index_cast %swap3A_540 : i32 to index
    %swap3A_542 = arith.constant 32 : index
    %swap3A_543 = tpu.vector_load %arg10[%swap3A_541, %swap3A_542] {strides = array<i32>} : memref<16x128xf32, #tpu.memory_space<vmem>>, vector<1x16xf32>,
    %swap3A_544 = vector.shape_cast %swap3A_543 : vector<1x16xf32> to vector<16xf32>
    %swap3A_545 = vector.shape_cast %broadcast_in_dim3A_0 : vector<16xf32> to vector<1x16xf32>
    tpu.vector_store %arg10[%swap3A_541, %swap3A_542], %swap3A_545 {strides = array<i32>} : memref<16x128xf32, #tpu.memory_space<vmem>>, vector<1x16xf32>,
    %swap3A_546 = arith.constant 11 : i32
    %swap3A_547 = arith.index_cast %swap3A_546 : i32 to index
    %swap3A_548 = arith.constant 48 : index
    %swap3A_549 = tpu.vector_load %arg10[%swap3A_547, %swap3A_548] {strides = array<i32>} : memref<16x128xf32, #tpu.memory_space<vmem>>, vector<1x16xf32>,
    %swap3A_550 = vector.shape_cast %swap3A_549 : vector<1x16xf32> to vector<16xf32>
    %swap3A_551 = vector.shape_cast %broadcast_in_dim3A_0 : vector<16xf32> to vector<1x16xf32>
    tpu.vector_store %arg10[%swap3A_547, %swap3A_548], %swap3A_551 {strides = array<i32>} : memref<16x128xf32, #tpu.memory_space<vmem>>, vector<1x16xf32>,
    %swap3A_552 = arith.constant 11 : i32
    %swap3A_553 = arith.index_cast %swap3A_552 : i32 to index
    %swap3A_554 = arith.constant 64 : index
    %swap3A_555 = tpu.vector_load %arg10[%swap3A_553, %swap3A_554] {strides = array<i32>} : memref<16x128xf32, #tpu.memory_space<vmem>>, vector<1x16xf32>,
    %swap3A_556 = vector.shape_cast %swap3A_555 : vector<1x16xf32> to vector<16xf32>
    %swap3A_557 = vector.shape_cast %broadcast_in_dim3A_0 : vector<16xf32> to vector<1x16xf32>
    tpu.vector_store %arg10[%swap3A_553, %swap3A_554], %swap3A_557 {strides = array<i32>} : memref<16x128xf32, #tpu.memory_space<vmem>>, vector<1x16xf32>,
    %swap3A_558 = arith.constant 11 : i32
    %swap3A_559 = arith.index_cast %swap3A_558 : i32 to index
    %swap3A_560 = arith.constant 80 : index
    %swap3A_561 = tpu.vector_load %arg10[%swap3A_559, %swap3A_560] {strides = array<i32>} : memref<16x128xf32, #tpu.memory_space<vmem>>, vector<1x16xf32>,
    %swap3A_562 = vector.shape_cast %swap3A_561 : vector<1x16xf32> to vector<16xf32>
    %swap3A_563 = vector.shape_cast %broadcast_in_dim3A_0 : vector<16xf32> to vector<1x16xf32>
    tpu.vector_store %arg10[%swap3A_559, %swap3A_560], %swap3A_563 {strides = array<i32>} : memref<16x128xf32, #tpu.memory_space<vmem>>, vector<1x16xf32>,
    %swap3A_564 = arith.constant 11 : i32
    %swap3A_565 = arith.index_cast %swap3A_564 : i32 to index
    %swap3A_566 = arith.constant 96 : index
    %swap3A_567 = tpu.vector_load %arg10[%swap3A_565, %swap3A_566] {strides = array<i32>} : memref<16x128xf32, #tpu.memory_space<vmem>>, vector<1x16xf32>,
    %swap3A_568 = vector.shape_cast %swap3A_567 : vector<1x16xf32> to vector<16xf32>
    %swap3A_569 = vector.shape_cast %broadcast_in_dim3A_0 : vector<16xf32> to vector<1x16xf32>
    tpu.vector_store %arg10[%swap3A_565, %swap3A_566], %swap3A_569 {strides = array<i32>} : memref<16x128xf32, #tpu.memory_space<vmem>>, vector<1x16xf32>,
    %swap3A_570 = arith.constant 11 : i32
    %swap3A_571 = arith.index_cast %swap3A_570 : i32 to index
    %swap3A_572 = arith.constant 112 : index
    %swap3A_573 = tpu.vector_load %arg10[%swap3A_571, %swap3A_572] {strides = array<i32>} : memref<16x128xf32, #tpu.memory_space<vmem>>, vector<1x16xf32>,
    %swap3A_574 = vector.shape_cast %swap3A_573 : vector<1x16xf32> to vector<16xf32>
    %swap3A_575 = vector.shape_cast %broadcast_in_dim3A_0 : vector<16xf32> to vector<1x16xf32>
    tpu.vector_store %arg10[%swap3A_571, %swap3A_572], %swap3A_575 {strides = array<i32>} : memref<16x128xf32, #tpu.memory_space<vmem>>, vector<1x16xf32>,
    %swap3A_576 = arith.constant 12 : i32
    %swap3A_577 = arith.index_cast %swap3A_576 : i32 to index
    %swap3A_578 = arith.constant 0 : index
    %swap3A_579 = tpu.vector_load %arg10[%swap3A_577, %swap3A_578] {strides = array<i32>} : memref<16x128xf32, #tpu.memory_space<vmem>>, vector<1x16xf32>,
    %swap3A_580 = vector.shape_cast %swap3A_579 : vector<1x16xf32> to vector<16xf32>
    %swap3A_581 = vector.shape_cast %broadcast_in_dim3A_0 : vector<16xf32> to vector<1x16xf32>
    tpu.vector_store %arg10[%swap3A_577, %swap3A_578], %swap3A_581 {strides = array<i32>} : memref<16x128xf32, #tpu.memory_space<vmem>>, vector<1x16xf32>,
    %swap3A_582 = arith.constant 12 : i32
    %swap3A_583 = arith.index_cast %swap3A_582 : i32 to index
    %swap3A_584 = arith.constant 16 : index
    %swap3A_585 = tpu.vector_load %arg10[%swap3A_583, %swap3A_584] {strides = array<i32>} : memref<16x128xf32, #tpu.memory_space<vmem>>, vector<1x16xf32>,
    %swap3A_586 = vector.shape_cast %swap3A_585 : vector<1x16xf32> to vector<16xf32>
    %swap3A_587 = vector.shape_cast %broadcast_in_dim3A_0 : vector<16xf32> to vector<1x16xf32>
    tpu.vector_store %arg10[%swap3A_583, %swap3A_584], %swap3A_587 {strides = array<i32>} : memref<16x128xf32, #tpu.memory_space<vmem>>, vector<1x16xf32>,
    %swap3A_588 = arith.constant 12 : i32
    %swap3A_589 = arith.index_cast %swap3A_588 : i32 to index
    %swap3A_590 = arith.constant 32 : index
    %swap3A_591 = tpu.vector_load %arg10[%swap3A_589, %swap3A_590] {strides = array<i32>} : memref<16x128xf32, #tpu.memory_space<vmem>>, vector<1x16xf32>,
    %swap3A_592 = vector.shape_cast %swap3A_591 : vector<1x16xf32> to vector<16xf32>
    %swap3A_593 = vector.shape_cast %broadcast_in_dim3A_0 : vector<16xf32> to vector<1x16xf32>
    tpu.vector_store %arg10[%swap3A_589, %swap3A_590], %swap3A_593 {strides = array<i32>} : memref<16x128xf32, #tpu.memory_space<vmem>>, vector<1x16xf32>,
    %swap3A_594 = arith.constant 12 : i32
    %swap3A_595 = arith.index_cast %swap3A_594 : i32 to index
    %swap3A_596 = arith.constant 48 : index
    %swap3A_597 = tpu.vector_load %arg10[%swap3A_595, %swap3A_596] {strides = array<i32>} : memref<16x128xf32, #tpu.memory_space<vmem>>, vector<1x16xf32>,
    %swap3A_598 = vector.shape_cast %swap3A_597 : vector<1x16xf32> to vector<16xf32>
    %swap3A_599 = vector.shape_cast %broadcast_in_dim3A_0 : vector<16xf32> to vector<1x16xf32>
    tpu.vector_store %arg10[%swap3A_595, %swap3A_596], %swap3A_599 {strides = array<i32>} : memref<16x128xf32, #tpu.memory_space<vmem>>, vector<1x16xf32>,
    %swap3A_600 = arith.constant 12 : i32
    %swap3A_601 = arith.index_cast %swap3A_600 : i32 to index
    %swap3A_602 = arith.constant 64 : index
    %swap3A_603 = tpu.vector_load %arg10[%swap3A_601, %swap3A_602] {strides = array<i32>} : memref<16x128xf32, #tpu.memory_space<vmem>>, vector<1x16xf32>,
    %swap3A_604 = vector.shape_cast %swap3A_603 : vector<1x16xf32> to vector<16xf32>
    %swap3A_605 = vector.shape_cast %broadcast_in_dim3A_0 : vector<16xf32> to vector<1x16xf32>
    tpu.vector_store %arg10[%swap3A_601, %swap3A_602], %swap3A_605 {strides = array<i32>} : memref<16x128xf32, #tpu.memory_space<vmem>>, vector<1x16xf32>,
    %swap3A_606 = arith.constant 12 : i32
    %swap3A_607 = arith.index_cast %swap3A_606 : i32 to index
    %swap3A_608 = arith.constant 80 : index
    %swap3A_609 = tpu.vector_load %arg10[%swap3A_607, %swap3A_608] {strides = array<i32>} : memref<16x128xf32, #tpu.memory_space<vmem>>, vector<1x16xf32>,
    %swap3A_610 = vector.shape_cast %swap3A_609 : vector<1x16xf32> to vector<16xf32>
    %swap3A_611 = vector.shape_cast %broadcast_in_dim3A_0 : vector<16xf32> to vector<1x16xf32>
    tpu.vector_store %arg10[%swap3A_607, %swap3A_608], %swap3A_611 {strides = array<i32>} : memref<16x128xf32, #tpu.memory_space<vmem>>, vector<1x16xf32>,
    %swap3A_612 = arith.constant 12 : i32
    %swap3A_613 = arith.index_cast %swap3A_612 : i32 to index
    %swap3A_614 = arith.constant 96 : index
    %swap3A_615 = tpu.vector_load %arg10[%swap3A_613, %swap3A_614] {strides = array<i32>} : memref<16x128xf32, #tpu.memory_space<vmem>>, vector<1x16xf32>,
    %swap3A_616 = vector.shape_cast %swap3A_615 : vector<1x16xf32> to vector<16xf32>
    %swap3A_617 = vector.shape_cast %broadcast_in_dim3A_0 : vector<16xf32> to vector<1x16xf32>
    tpu.vector_store %arg10[%swap3A_613, %swap3A_614], %swap3A_617 {strides = array<i32>} : memref<16x128xf32, #tpu.memory_space<vmem>>, vector<1x16xf32>,
    %swap3A_618 = arith.constant 12 : i32
    %swap3A_619 = arith.index_cast %swap3A_618 : i32 to index
    %swap3A_620 = arith.constant 112 : index
    %swap3A_621 = tpu.vector_load %arg10[%swap3A_619, %swap3A_620] {strides = array<i32>} : memref<16x128xf32, #tpu.memory_space<vmem>>, vector<1x16xf32>,
    %swap3A_622 = vector.shape_cast %swap3A_621 : vector<1x16xf32> to vector<16xf32>
    %swap3A_623 = vector.shape_cast %broadcast_in_dim3A_0 : vector<16xf32> to vector<1x16xf32>
    tpu.vector_store %arg10[%swap3A_619, %swap3A_620], %swap3A_623 {strides = array<i32>} : memref<16x128xf32, #tpu.memory_space<vmem>>, vector<1x16xf32>,
    %swap3A_624 = arith.constant 13 : i32
    %swap3A_625 = arith.index_cast %swap3A_624 : i32 to index
    %swap3A_626 = arith.constant 0 : index
    %swap3A_627 = tpu.vector_load %arg10[%swap3A_625, %swap3A_626] {strides = array<i32>} : memref<16x128xf32, #tpu.memory_space<vmem>>, vector<1x16xf32>,
    %swap3A_628 = vector.shape_cast %swap3A_627 : vector<1x16xf32> to vector<16xf32>
    %swap3A_629 = vector.shape_cast %broadcast_in_dim3A_0 : vector<16xf32> to vector<1x16xf32>
    tpu.vector_store %arg10[%swap3A_625, %swap3A_626], %swap3A_629 {strides = array<i32>} : memref<16x128xf32, #tpu.memory_space<vmem>>, vector<1x16xf32>,
    %swap3A_630 = arith.constant 13 : i32
    %swap3A_631 = arith.index_cast %swap3A_630 : i32 to index
    %swap3A_632 = arith.constant 16 : index
    %swap3A_633 = tpu.vector_load %arg10[%swap3A_631, %swap3A_632] {strides = array<i32>} : memref<16x128xf32, #tpu.memory_space<vmem>>, vector<1x16xf32>,
    %swap3A_634 = vector.shape_cast %swap3A_633 : vector<1x16xf32> to vector<16xf32>
    %swap3A_635 = vector.shape_cast %broadcast_in_dim3A_0 : vector<16xf32> to vector<1x16xf32>
    tpu.vector_store %arg10[%swap3A_631, %swap3A_632], %swap3A_635 {strides = array<i32>} : memref<16x128xf32, #tpu.memory_space<vmem>>, vector<1x16xf32>,
    %swap3A_636 = arith.constant 13 : i32
    %swap3A_637 = arith.index_cast %swap3A_636 : i32 to index
    %swap3A_638 = arith.constant 32 : index
    %swap3A_639 = tpu.vector_load %arg10[%swap3A_637, %swap3A_638] {strides = array<i32>} : memref<16x128xf32, #tpu.memory_space<vmem>>, vector<1x16xf32>,
    %swap3A_640 = vector.shape_cast %swap3A_639 : vector<1x16xf32> to vector<16xf32>
    %swap3A_641 = vector.shape_cast %broadcast_in_dim3A_0 : vector<16xf32> to vector<1x16xf32>
    tpu.vector_store %arg10[%swap3A_637, %swap3A_638], %swap3A_641 {strides = array<i32>} : memref<16x128xf32, #tpu.memory_space<vmem>>, vector<1x16xf32>,
    %swap3A_642 = arith.constant 13 : i32
    %swap3A_643 = arith.index_cast %swap3A_642 : i32 to index
    %swap3A_644 = arith.constant 48 : index
    %swap3A_645 = tpu.vector_load %arg10[%swap3A_643, %swap3A_644] {strides = array<i32>} : memref<16x128xf32, #tpu.memory_space<vmem>>, vector<1x16xf32>,
    %swap3A_646 = vector.shape_cast %swap3A_645 : vector<1x16xf32> to vector<16xf32>
    %swap3A_647 = vector.shape_cast %broadcast_in_dim3A_0 : vector<16xf32> to vector<1x16xf32>
    tpu.vector_store %arg10[%swap3A_643, %swap3A_644], %swap3A_647 {strides = array<i32>} : memref<16x128xf32, #tpu.memory_space<vmem>>, vector<1x16xf32>,
    %swap3A_648 = arith.constant 13 : i32
    %swap3A_649 = arith.index_cast %swap3A_648 : i32 to index
    %swap3A_650 = arith.constant 64 : index
    %swap3A_651 = tpu.vector_load %arg10[%swap3A_649, %swap3A_650] {strides = array<i32>} : memref<16x128xf32, #tpu.memory_space<vmem>>, vector<1x16xf32>,
    %swap3A_652 = vector.shape_cast %swap3A_651 : vector<1x16xf32> to vector<16xf32>
    %swap3A_653 = vector.shape_cast %broadcast_in_dim3A_0 : vector<16xf32> to vector<1x16xf32>
    tpu.vector_store %arg10[%swap3A_649, %swap3A_650], %swap3A_653 {strides = array<i32>} : memref<16x128xf32, #tpu.memory_space<vmem>>, vector<1x16xf32>,
    %swap3A_654 = arith.constant 13 : i32
    %swap3A_655 = arith.index_cast %swap3A_654 : i32 to index
    %swap3A_656 = arith.constant 80 : index
    %swap3A_657 = tpu.vector_load %arg10[%swap3A_655, %swap3A_656] {strides = array<i32>} : memref<16x128xf32, #tpu.memory_space<vmem>>, vector<1x16xf32>,
    %swap3A_658 = vector.shape_cast %swap3A_657 : vector<1x16xf32> to vector<16xf32>
    %swap3A_659 = vector.shape_cast %broadcast_in_dim3A_0 : vector<16xf32> to vector<1x16xf32>
    tpu.vector_store %arg10[%swap3A_655, %swap3A_656], %swap3A_659 {strides = array<i32>} : memref<16x128xf32, #tpu.memory_space<vmem>>, vector<1x16xf32>,
    %swap3A_660 = arith.constant 13 : i32
    %swap3A_661 = arith.index_cast %swap3A_660 : i32 to index
    %swap3A_662 = arith.constant 96 : index
    %swap3A_663 = tpu.vector_load %arg10[%swap3A_661, %swap3A_662] {strides = array<i32>} : memref<16x128xf32, #tpu.memory_space<vmem>>, vector<1x16xf32>,
    %swap3A_664 = vector.shape_cast %swap3A_663 : vector<1x16xf32> to vector<16xf32>
    %swap3A_665 = vector.shape_cast %broadcast_in_dim3A_0 : vector<16xf32> to vector<1x16xf32>
    tpu.vector_store %arg10[%swap3A_661, %swap3A_662], %swap3A_665 {strides = array<i32>} : memref<16x128xf32, #tpu.memory_space<vmem>>, vector<1x16xf32>,
    %swap3A_666 = arith.constant 13 : i32
    %swap3A_667 = arith.index_cast %swap3A_666 : i32 to index
    %swap3A_668 = arith.constant 112 : index
    %swap3A_669 = tpu.vector_load %arg10[%swap3A_667, %swap3A_668] {strides = array<i32>} : memref<16x128xf32, #tpu.memory_space<vmem>>, vector<1x16xf32>,
    %swap3A_670 = vector.shape_cast %swap3A_669 : vector<1x16xf32> to vector<16xf32>
    %swap3A_671 = vector.shape_cast %broadcast_in_dim3A_0 : vector<16xf32> to vector<1x16xf32>
    tpu.vector_store %arg10[%swap3A_667, %swap3A_668], %swap3A_671 {strides = array<i32>} : memref<16x128xf32, #tpu.memory_space<vmem>>, vector<1x16xf32>,
    %swap3A_672 = arith.constant 14 : i32
    %swap3A_673 = arith.index_cast %swap3A_672 : i32 to index
    %swap3A_674 = arith.constant 0 : index
    %swap3A_675 = tpu.vector_load %arg10[%swap3A_673, %swap3A_674] {strides = array<i32>} : memref<16x128xf32, #tpu.memory_space<vmem>>, vector<1x16xf32>,
    %swap3A_676 = vector.shape_cast %swap3A_675 : vector<1x16xf32> to vector<16xf32>
    %swap3A_677 = vector.shape_cast %broadcast_in_dim3A_0 : vector<16xf32> to vector<1x16xf32>
    tpu.vector_store %arg10[%swap3A_673, %swap3A_674], %swap3A_677 {strides = array<i32>} : memref<16x128xf32, #tpu.memory_space<vmem>>, vector<1x16xf32>,
    %swap3A_678 = arith.constant 14 : i32
    %swap3A_679 = arith.index_cast %swap3A_678 : i32 to index
    %swap3A_680 = arith.constant 16 : index
    %swap3A_681 = tpu.vector_load %arg10[%swap3A_679, %swap3A_680] {strides = array<i32>} : memref<16x128xf32, #tpu.memory_space<vmem>>, vector<1x16xf32>,
    %swap3A_682 = vector.shape_cast %swap3A_681 : vector<1x16xf32> to vector<16xf32>
    %swap3A_683 = vector.shape_cast %broadcast_in_dim3A_0 : vector<16xf32> to vector<1x16xf32>
    tpu.vector_store %arg10[%swap3A_679, %swap3A_680], %swap3A_683 {strides = array<i32>} : memref<16x128xf32, #tpu.memory_space<vmem>>, vector<1x16xf32>,
    %swap3A_684 = arith.constant 14 : i32
    %swap3A_685 = arith.index_cast %swap3A_684 : i32 to index
    %swap3A_686 = arith.constant 32 : index
    %swap3A_687 = tpu.vector_load %arg10[%swap3A_685, %swap3A_686] {strides = array<i32>} : memref<16x128xf32, #tpu.memory_space<vmem>>, vector<1x16xf32>,
    %swap3A_688 = vector.shape_cast %swap3A_687 : vector<1x16xf32> to vector<16xf32>
    %swap3A_689 = vector.shape_cast %broadcast_in_dim3A_0 : vector<16xf32> to vector<1x16xf32>
    tpu.vector_store %arg10[%swap3A_685, %swap3A_686], %swap3A_689 {strides = array<i32>} : memref<16x128xf32, #tpu.memory_space<vmem>>, vector<1x16xf32>,
    %swap3A_690 = arith.constant 14 : i32
    %swap3A_691 = arith.index_cast %swap3A_690 : i32 to index
    %swap3A_692 = arith.constant 48 : index
    %swap3A_693 = tpu.vector_load %arg10[%swap3A_691, %swap3A_692] {strides = array<i32>} : memref<16x128xf32, #tpu.memory_space<vmem>>, vector<1x16xf32>,
    %swap3A_694 = vector.shape_cast %swap3A_693 : vector<1x16xf32> to vector<16xf32>
    %swap3A_695 = vector.shape_cast %broadcast_in_dim3A_0 : vector<16xf32> to vector<1x16xf32>
    tpu.vector_store %arg10[%swap3A_691, %swap3A_692], %swap3A_695 {strides = array<i32>} : memref<16x128xf32, #tpu.memory_space<vmem>>, vector<1x16xf32>,
    %swap3A_696 = arith.constant 14 : i32
    %swap3A_697 = arith.index_cast %swap3A_696 : i32 to index
    %swap3A_698 = arith.constant 64 : index
    %swap3A_699 = tpu.vector_load %arg10[%swap3A_697, %swap3A_698] {strides = array<i32>} : memref<16x128xf32, #tpu.memory_space<vmem>>, vector<1x16xf32>,
    %swap3A_700 = vector.shape_cast %swap3A_699 : vector<1x16xf32> to vector<16xf32>
    %swap3A_701 = vector.shape_cast %broadcast_in_dim3A_0 : vector<16xf32> to vector<1x16xf32>
    tpu.vector_store %arg10[%swap3A_697, %swap3A_698], %swap3A_701 {strides = array<i32>} : memref<16x128xf32, #tpu.memory_space<vmem>>, vector<1x16xf32>,
    %swap3A_702 = arith.constant 14 : i32
    %swap3A_703 = arith.index_cast %swap3A_702 : i32 to index
    %swap3A_704 = arith.constant 80 : index
    %swap3A_705 = tpu.vector_load %arg10[%swap3A_703, %swap3A_704] {strides = array<i32>} : memref<16x128xf32, #tpu.memory_space<vmem>>, vector<1x16xf32>,
    %swap3A_706 = vector.shape_cast %swap3A_705 : vector<1x16xf32> to vector<16xf32>
    %swap3A_707 = vector.shape_cast %broadcast_in_dim3A_0 : vector<16xf32> to vector<1x16xf32>
    tpu.vector_store %arg10[%swap3A_703, %swap3A_704], %swap3A_707 {strides = array<i32>} : memref<16x128xf32, #tpu.memory_space<vmem>>, vector<1x16xf32>,
    %swap3A_708 = arith.constant 14 : i32
    %swap3A_709 = arith.index_cast %swap3A_708 : i32 to index
    %swap3A_710 = arith.constant 96 : index
    %swap3A_711 = tpu.vector_load %arg10[%swap3A_709, %swap3A_710] {strides = array<i32>} : memref<16x128xf32, #tpu.memory_space<vmem>>, vector<1x16xf32>,
    %swap3A_712 = vector.shape_cast %swap3A_711 : vector<1x16xf32> to vector<16xf32>
    %swap3A_713 = vector.shape_cast %broadcast_in_dim3A_0 : vector<16xf32> to vector<1x16xf32>
    tpu.vector_store %arg10[%swap3A_709, %swap3A_710], %swap3A_713 {strides = array<i32>} : memref<16x128xf32, #tpu.memory_space<vmem>>, vector<1x16xf32>,
    %swap3A_714 = arith.constant 14 : i32
    %swap3A_715 = arith.index_cast %swap3A_714 : i32 to index
    %swap3A_716 = arith.constant 112 : index
    %swap3A_717 = tpu.vector_load %arg10[%swap3A_715, %swap3A_716] {strides = array<i32>} : memref<16x128xf32, #tpu.memory_space<vmem>>, vector<1x16xf32>,
    %swap3A_718 = vector.shape_cast %swap3A_717 : vector<1x16xf32> to vector<16xf32>
    %swap3A_719 = vector.shape_cast %broadcast_in_dim3A_0 : vector<16xf32> to vector<1x16xf32>
    tpu.vector_store %arg10[%swap3A_715, %swap3A_716], %swap3A_719 {strides = array<i32>} : memref<16x128xf32, #tpu.memory_space<vmem>>, vector<1x16xf32>,
    %swap3A_720 = arith.constant 15 : i32
    %swap3A_721 = arith.index_cast %swap3A_720 : i32 to index
    %swap3A_722 = arith.constant 0 : index
    %swap3A_723 = tpu.vector_load %arg10[%swap3A_721, %swap3A_722] {strides = array<i32>} : memref<16x128xf32, #tpu.memory_space<vmem>>, vector<1x16xf32>,
    %swap3A_724 = vector.shape_cast %swap3A_723 : vector<1x16xf32> to vector<16xf32>
    %swap3A_725 = vector.shape_cast %broadcast_in_dim3A_0 : vector<16xf32> to vector<1x16xf32>
    tpu.vector_store %arg10[%swap3A_721, %swap3A_722], %swap3A_725 {strides = array<i32>} : memref<16x128xf32, #tpu.memory_space<vmem>>, vector<1x16xf32>,
    %swap3A_726 = arith.constant 15 : i32
    %swap3A_727 = arith.index_cast %swap3A_726 : i32 to index
    %swap3A_728 = arith.constant 16 : index
    %swap3A_729 = tpu.vector_load %arg10[%swap3A_727, %swap3A_728] {strides = array<i32>} : memref<16x128xf32, #tpu.memory_space<vmem>>, vector<1x16xf32>,
    %swap3A_730 = vector.shape_cast %swap3A_729 : vector<1x16xf32> to vector<16xf32>
    %swap3A_731 = vector.shape_cast %broadcast_in_dim3A_0 : vector<16xf32> to vector<1x16xf32>
    tpu.vector_store %arg10[%swap3A_727, %swap3A_728], %swap3A_731 {strides = array<i32>} : memref<16x128xf32, #tpu.memory_space<vmem>>, vector<1x16xf32>,
    %swap3A_732 = arith.constant 15 : i32
    %swap3A_733 = arith.index_cast %swap3A_732 : i32 to index
    %swap3A_734 = arith.constant 32 : index
    %swap3A_735 = tpu.vector_load %arg10[%swap3A_733, %swap3A_734] {strides = array<i32>} : memref<16x128xf32, #tpu.memory_space<vmem>>, vector<1x16xf32>,
    %swap3A_736 = vector.shape_cast %swap3A_735 : vector<1x16xf32> to vector<16xf32>
    %swap3A_737 = vector.shape_cast %broadcast_in_dim3A_0 : vector<16xf32> to vector<1x16xf32>
    tpu.vector_store %arg10[%swap3A_733, %swap3A_734], %swap3A_737 {strides = array<i32>} : memref<16x128xf32, #tpu.memory_space<vmem>>, vector<1x16xf32>,
    %swap3A_738 = arith.constant 15 : i32
    %swap3A_739 = arith.index_cast %swap3A_738 : i32 to index
    %swap3A_740 = arith.constant 48 : index
    %swap3A_741 = tpu.vector_load %arg10[%swap3A_739, %swap3A_740] {strides = array<i32>} : memref<16x128xf32, #tpu.memory_space<vmem>>, vector<1x16xf32>,
    %swap3A_742 = vector.shape_cast %swap3A_741 : vector<1x16xf32> to vector<16xf32>
    %swap3A_743 = vector.shape_cast %broadcast_in_dim3A_0 : vector<16xf32> to vector<1x16xf32>
    tpu.vector_store %arg10[%swap3A_739, %swap3A_740], %swap3A_743 {strides = array<i32>} : memref<16x128xf32, #tpu.memory_space<vmem>>, vector<1x16xf32>,
    %swap3A_744 = arith.constant 15 : i32
    %swap3A_745 = arith.index_cast %swap3A_744 : i32 to index
    %swap3A_746 = arith.constant 64 : index
    %swap3A_747 = tpu.vector_load %arg10[%swap3A_745, %swap3A_746] {strides = array<i32>} : memref<16x128xf32, #tpu.memory_space<vmem>>, vector<1x16xf32>,
    %swap3A_748 = vector.shape_cast %swap3A_747 : vector<1x16xf32> to vector<16xf32>
    %swap3A_749 = vector.shape_cast %broadcast_in_dim3A_0 : vector<16xf32> to vector<1x16xf32>
    tpu.vector_store %arg10[%swap3A_745, %swap3A_746], %swap3A_749 {strides = array<i32>} : memref<16x128xf32, #tpu.memory_space<vmem>>, vector<1x16xf32>,
    %swap3A_750 = arith.constant 15 : i32
    %swap3A_751 = arith.index_cast %swap3A_750 : i32 to index
    %swap3A_752 = arith.constant 80 : index
    %swap3A_753 = tpu.vector_load %arg10[%swap3A_751, %swap3A_752] {strides = array<i32>} : memref<16x128xf32, #tpu.memory_space<vmem>>, vector<1x16xf32>,
    %swap3A_754 = vector.shape_cast %swap3A_753 : vector<1x16xf32> to vector<16xf32>
    %swap3A_755 = vector.shape_cast %broadcast_in_dim3A_0 : vector<16xf32> to vector<1x16xf32>
    tpu.vector_store %arg10[%swap3A_751, %swap3A_752], %swap3A_755 {strides = array<i32>} : memref<16x128xf32, #tpu.memory_space<vmem>>, vector<1x16xf32>,
    %swap3A_756 = arith.constant 15 : i32
    %swap3A_757 = arith.index_cast %swap3A_756 : i32 to index
    %swap3A_758 = arith.constant 96 : index
    %swap3A_759 = tpu.vector_load %arg10[%swap3A_757, %swap3A_758] {strides = array<i32>} : memref<16x128xf32, #tpu.memory_space<vmem>>, vector<1x16xf32>,
    %swap3A_760 = vector.shape_cast %swap3A_759 : vector<1x16xf32> to vector<16xf32>
    %swap3A_761 = vector.shape_cast %broadcast_in_dim3A_0 : vector<16xf32> to vector<1x16xf32>
    tpu.vector_store %arg10[%swap3A_757, %swap3A_758], %swap3A_761 {strides = array<i32>} : memref<16x128xf32, #tpu.memory_space<vmem>>, vector<1x16xf32>,
    %swap3A_762 = arith.constant 15 : i32
    %swap3A_763 = arith.index_cast %swap3A_762 : i32 to index
    %swap3A_764 = arith.constant 112 : index
    %swap3A_765 = tpu.vector_load %arg10[%swap3A_763, %swap3A_764] {strides = array<i32>} : memref<16x128xf32, #tpu.memory_space<vmem>>, vector<1x16xf32>,
    %swap3A_766 = vector.shape_cast %swap3A_765 : vector<1x16xf32> to vector<16xf32>
    %swap3A_767 = vector.shape_cast %broadcast_in_dim3A_0 : vector<16xf32> to vector<1x16xf32>
    tpu.vector_store %arg10[%swap3A_763, %swap3A_764], %swap3A_767 {strides = array<i32>} : memref<16x128xf32, #tpu.memory_space<vmem>>, vector<1x16xf32>,
    %scan3A = arith.constant 0 : i32
    %scan3A_768 = arith.constant 40 : i32
    %scan3A_769 = arith.addi %scan3A, %scan3A_768 : i32
    %scan3A_770 = arith.constant 1 : i32
    scf.for %scan3A_783 = %scan3A to %scan3A_769 step %scan3A_770  : i32 {
      %mul3A_784 = arith.constant 1 : i32
      %mul3A_785 = arith.muli %scan3A_783, %mul3A_784 : i32
      %add3A = arith.constant 0 : i32
      %add3A_786 = arith.addi %add3A, %mul3A_785 : i32
      %mul3A_787 = arith.constant 640 : i32
      %mul3A_788 = arith.muli %arg1, %mul3A_787 : i32
      %mul3A_789 = arith.constant 16 : i32
      %mul3A_790 = arith.muli %add3A_786, %mul3A_789 : i32
      %add3A_791 = arith.addi %mul3A_788, %mul3A_790 : i32
      "tpu.region"() ({
        %run_scoped3A = tpu.sem_alloc : memref<!tpu.dma_semaphore, #tpu.memory_space<semaphore_mem>>
        %dma_start3A = arith.constant 0 : i32
        %dma_start3A_792 = tpu.memref_slice %arg6[%add3A_791, %dma_start3A] : memref<10240x128xf32, #tpu.memory_space<vmem_shared>> -> memref<16x128xf32, #tpu.memory_space<vmem_shared>>
        %dma_start3A_793 = arith.constant 0 : i32
        %dma_start3A_794 = tpu.memref_slice %arg6[%add3A_791, %dma_start3A_793] : memref<10240x128xf32, #tpu.memory_space<vmem_shared>> -> memref<16x128xf32, #tpu.memory_space<vmem_shared>>
        tpu.enqueue_dma source(%arg10 : memref<16x128xf32, #tpu.memory_space<vmem>>) target(%dma_start3A_794 : memref<16x128xf32, #tpu.memory_space<vmem_shared>>) target_semaphore(%run_scoped3A : memref<!tpu.dma_semaphore, #tpu.memory_space<semaphore_mem>>)
        %dma_wait3A = arith.constant 0 : i32
        %dma_wait3A_795 = tpu.memref_slice %arg6[%add3A_791, %dma_wait3A] : memref<10240x128xf32, #tpu.memory_space<vmem_shared>> -> memref<16x128xf32, #tpu.memory_space<vmem_shared>>
        %dma_wait3A_796 = arith.constant 0 : i32
        %dma_wait3A_797 = tpu.memref_slice %arg6[%add3A_791, %dma_wait3A_796] : memref<10240x128xf32, #tpu.memory_space<vmem_shared>> -> memref<16x128xf32, #tpu.memory_space<vmem_shared>>
        tpu.wait_dma2 semaphore(%run_scoped3A : memref<!tpu.dma_semaphore, #tpu.memory_space<semaphore_mem>>) src(%arg10 : memref<16x128xf32, #tpu.memory_space<vmem>>) dst(%dma_wait3A_797 : memref<16x128xf32, #tpu.memory_space<vmem_shared>>)
        tpu.yield
      }) : () -> ()
    }
    %scan3A_771 = arith.constant 40 : i32
    %barrier3A = arith.constant 0 : index
    tpu.barrier barrier_id(%barrier3A)
    %eq3A = arith.constant 0 : i32
    %eq3A_772 = arith.cmpi eq, %arg0, %eq3A : i32
    %convert_element_type3A = arith.extui %eq3A_772 : i1 to i32
    %cond3A = arith.constant 0 : i32
    %cond3A_773 = arith.cmpi ne, %convert_element_type3A, %cond3A : i32
    scf.if %cond3A_773 {
      %mul3A_783 = arith.constant 160 : i32
      %mul3A_784 = arith.muli %arg1, %mul3A_783 : i32
      %add3A = arith.constant 0 : i32
      %add3A_785 = arith.addi %mul3A_784, %add3A : i32
      %dma_start3A = arith.constant 0 : i32
      %dma_start3A_786 = arith.constant 0 : i32
      %dma_start3A_787 = arith.constant 0 : i32
      %dma_start3A_788 = arith.constant 0 : i32
      %dma_start3A_789 = tpu.memref_slice %arg7[%dma_start3A, %dma_start3A_787, %dma_start3A_788] : memref<2x1x128xi32, #tpu.memory_space<vmem>> -> memref<1x1x128xi32, #tpu.memory_space<vmem>>
      %dma_start3A_790 = tpu.memref_squeeze %dma_start3A_789 : memref<1x1x128xi32, #tpu.memory_space<vmem>> -> memref<1x128xi32, #tpu.memory_space<vmem>>
      %dma_start3A_791 = arith.constant 0 : i32
      %dma_start3A_792 = tpu.memref_slice %arg3[%add3A_785, %dma_start3A_791] : memref<2560x128xi32, #tpu.memory_space<hbm>> -> memref<1x128xi32, #tpu.memory_space<hbm>>
      %dma_start3A_793 = tpu.memref_slice %arg12[%dma_start3A_786] : memref<2x!tpu.dma_semaphore, #tpu.memory_space<semaphore_mem>> -> memref<1x!tpu.dma_semaphore, #tpu.memory_space<semaphore_mem>>
      %dma_start3A_794 = tpu.memref_squeeze %dma_start3A_793 : memref<1x!tpu.dma_semaphore, #tpu.memory_space<semaphore_mem>> -> memref<!tpu.dma_semaphore, #tpu.memory_space<semaphore_mem>>
      %dma_start3A_795 = arith.constant 0 : i32
      %dma_start3A_796 = arith.constant 0 : i32
      %dma_start3A_797 = tpu.memref_slice %arg7[%dma_start3A, %dma_start3A_795, %dma_start3A_796] : memref<2x1x128xi32, #tpu.memory_space<vmem>> -> memref<1x1x128xi32, #tpu.memory_space<vmem>>
      %dma_start3A_798 = tpu.memref_squeeze %dma_start3A_797 : memref<1x1x128xi32, #tpu.memory_space<vmem>> -> memref<1x128xi32, #tpu.memory_space<vmem>>
      %dma_start3A_799 = arith.constant 0 : i32
      %dma_start3A_800 = tpu.memref_slice %arg3[%add3A_785, %dma_start3A_799] : memref<2560x128xi32, #tpu.memory_space<hbm>> -> memref<1x128xi32, #tpu.memory_space<hbm>>
      tpu.enqueue_dma source(%dma_start3A_800 : memref<1x128xi32, #tpu.memory_space<hbm>>) target(%dma_start3A_798 : memref<1x128xi32, #tpu.memory_space<vmem>>) target_semaphore(%dma_start3A_794 : memref<!tpu.dma_semaphore, #tpu.memory_space<semaphore_mem>>)
      %add3A_801 = arith.constant 0 : i32
      %add3A_802 = arith.addi %mul3A_784, %add3A_801 : i32
      %dma_start3A_803 = arith.constant 0 : i32
      %dma_start3A_804 = arith.constant 0 : i32
      %dma_start3A_805 = arith.constant 0 : i32
      %dma_start3A_806 = arith.constant 0 : i32
      %dma_start3A_807 = tpu.memref_slice %arg8[%dma_start3A_803, %dma_start3A_805, %dma_start3A_806] : memref<2x1x128xi32, #tpu.memory_space<vmem>> -> memref<1x1x128xi32, #tpu.memory_space<vmem>>
      %dma_start3A_808 = tpu.memref_squeeze %dma_start3A_807 : memref<1x1x128xi32, #tpu.memory_space<vmem>> -> memref<1x128xi32, #tpu.memory_space<vmem>>
      %dma_start3A_809 = arith.constant 0 : i32
      %dma_start3A_810 = tpu.memref_slice %arg4[%add3A_802, %dma_start3A_809] : memref<2560x128xi32, #tpu.memory_space<hbm>> -> memref<1x128xi32, #tpu.memory_space<hbm>>
      %dma_start3A_811 = tpu.memref_slice %arg12[%dma_start3A_804] : memref<2x!tpu.dma_semaphore, #tpu.memory_space<semaphore_mem>> -> memref<1x!tpu.dma_semaphore, #tpu.memory_space<semaphore_mem>>
      %dma_start3A_812 = tpu.memref_squeeze %dma_start3A_811 : memref<1x!tpu.dma_semaphore, #tpu.memory_space<semaphore_mem>> -> memref<!tpu.dma_semaphore, #tpu.memory_space<semaphore_mem>>
      %dma_start3A_813 = arith.constant 0 : i32
      %dma_start3A_814 = arith.constant 0 : i32
      %dma_start3A_815 = tpu.memref_slice %arg8[%dma_start3A_803, %dma_start3A_813, %dma_start3A_814] : memref<2x1x128xi32, #tpu.memory_space<vmem>> -> memref<1x1x128xi32, #tpu.memory_space<vmem>>
      %dma_start3A_816 = tpu.memref_squeeze %dma_start3A_815 : memref<1x1x128xi32, #tpu.memory_space<vmem>> -> memref<1x128xi32, #tpu.memory_space<vmem>>
      %dma_start3A_817 = arith.constant 0 : i32
      %dma_start3A_818 = tpu.memref_slice %arg4[%add3A_802, %dma_start3A_817] : memref<2560x128xi32, #tpu.memory_space<hbm>> -> memref<1x128xi32, #tpu.memory_space<hbm>>
      tpu.enqueue_dma source(%dma_start3A_818 : memref<1x128xi32, #tpu.memory_space<hbm>>) target(%dma_start3A_816 : memref<1x128xi32, #tpu.memory_space<vmem>>) target_semaphore(%dma_start3A_812 : memref<!tpu.dma_semaphore, #tpu.memory_space<semaphore_mem>>)
      %add3A_819 = arith.constant 1 : i32
      %add3A_820 = arith.addi %mul3A_784, %add3A_819 : i32
      %dma_start3A_821 = arith.constant 1 : i32
      %dma_start3A_822 = arith.constant 1 : i32
      %dma_start3A_823 = arith.constant 0 : i32
      %dma_start3A_824 = arith.constant 0 : i32
      %dma_start3A_825 = tpu.memref_slice %arg7[%dma_start3A_821, %dma_start3A_823, %dma_start3A_824] : memref<2x1x128xi32, #tpu.memory_space<vmem>> -> memref<1x1x128xi32, #tpu.memory_space<vmem>>
      %dma_start3A_826 = tpu.memref_squeeze %dma_start3A_825 : memref<1x1x128xi32, #tpu.memory_space<vmem>> -> memref<1x128xi32, #tpu.memory_space<vmem>>
      %dma_start3A_827 = arith.constant 0 : i32
      %dma_start3A_828 = tpu.memref_slice %arg3[%add3A_820, %dma_start3A_827] : memref<2560x128xi32, #tpu.memory_space<hbm>> -> memref<1x128xi32, #tpu.memory_space<hbm>>
      %dma_start3A_829 = tpu.memref_slice %arg12[%dma_start3A_822] : memref<2x!tpu.dma_semaphore, #tpu.memory_space<semaphore_mem>> -> memref<1x!tpu.dma_semaphore, #tpu.memory_space<semaphore_mem>>
      %dma_start3A_830 = tpu.memref_squeeze %dma_start3A_829 : memref<1x!tpu.dma_semaphore, #tpu.memory_space<semaphore_mem>> -> memref<!tpu.dma_semaphore, #tpu.memory_space<semaphore_mem>>
      %dma_start3A_831 = arith.constant 0 : i32
      %dma_start3A_832 = arith.constant 0 : i32
      %dma_start3A_833 = tpu.memref_slice %arg7[%dma_start3A_821, %dma_start3A_831, %dma_start3A_832] : memref<2x1x128xi32, #tpu.memory_space<vmem>> -> memref<1x1x128xi32, #tpu.memory_space<vmem>>
      %dma_start3A_834 = tpu.memref_squeeze %dma_start3A_833 : memref<1x1x128xi32, #tpu.memory_space<vmem>> -> memref<1x128xi32, #tpu.memory_space<vmem>>
      %dma_start3A_835 = arith.constant 0 : i32
      %dma_start3A_836 = tpu.memref_slice %arg3[%add3A_820, %dma_start3A_835] : memref<2560x128xi32, #tpu.memory_space<hbm>> -> memref<1x128xi32, #tpu.memory_space<hbm>>
      tpu.enqueue_dma source(%dma_start3A_836 : memref<1x128xi32, #tpu.memory_space<hbm>>) target(%dma_start3A_834 : memref<1x128xi32, #tpu.memory_space<vmem>>) target_semaphore(%dma_start3A_830 : memref<!tpu.dma_semaphore, #tpu.memory_space<semaphore_mem>>)
      %add3A_837 = arith.constant 1 : i32
      %add3A_838 = arith.addi %mul3A_784, %add3A_837 : i32
      %dma_start3A_839 = arith.constant 1 : i32
      %dma_start3A_840 = arith.constant 1 : i32
      %dma_start3A_841 = arith.constant 0 : i32
      %dma_start3A_842 = arith.constant 0 : i32
      %dma_start3A_843 = tpu.memref_slice %arg8[%dma_start3A_839, %dma_start3A_841, %dma_start3A_842] : memref<2x1x128xi32, #tpu.memory_space<vmem>> -> memref<1x1x128xi32, #tpu.memory_space<vmem>>
      %dma_start3A_844 = tpu.memref_squeeze %dma_start3A_843 : memref<1x1x128xi32, #tpu.memory_space<vmem>> -> memref<1x128xi32, #tpu.memory_space<vmem>>
      %dma_start3A_845 = arith.constant 0 : i32
      %dma_start3A_846 = tpu.memref_slice %arg4[%add3A_838, %dma_start3A_845] : memref<2560x128xi32, #tpu.memory_space<hbm>> -> memref<1x128xi32, #tpu.memory_space<hbm>>
      %dma_start3A_847 = tpu.memref_slice %arg12[%dma_start3A_840] : memref<2x!tpu.dma_semaphore, #tpu.memory_space<semaphore_mem>> -> memref<1x!tpu.dma_semaphore, #tpu.memory_space<semaphore_mem>>
      %dma_start3A_848 = tpu.memref_squeeze %dma_start3A_847 : memref<1x!tpu.dma_semaphore, #tpu.memory_space<semaphore_mem>> -> memref<!tpu.dma_semaphore, #tpu.memory_space<semaphore_mem>>
      %dma_start3A_849 = arith.constant 0 : i32
      %dma_start3A_850 = arith.constant 0 : i32
      %dma_start3A_851 = tpu.memref_slice %arg8[%dma_start3A_839, %dma_start3A_849, %dma_start3A_850] : memref<2x1x128xi32, #tpu.memory_space<vmem>> -> memref<1x1x128xi32, #tpu.memory_space<vmem>>
      %dma_start3A_852 = tpu.memref_squeeze %dma_start3A_851 : memref<1x1x128xi32, #tpu.memory_space<vmem>> -> memref<1x128xi32, #tpu.memory_space<vmem>>
      %dma_start3A_853 = arith.constant 0 : i32
      %dma_start3A_854 = tpu.memref_slice %arg4[%add3A_838, %dma_start3A_853] : memref<2560x128xi32, #tpu.memory_space<hbm>> -> memref<1x128xi32, #tpu.memory_space<hbm>>
      tpu.enqueue_dma source(%dma_start3A_854 : memref<1x128xi32, #tpu.memory_space<hbm>>) target(%dma_start3A_852 : memref<1x128xi32, #tpu.memory_space<vmem>>) target_semaphore(%dma_start3A_848 : memref<!tpu.dma_semaphore, #tpu.memory_space<semaphore_mem>>)
      %dma_wait3A = arith.constant 0 : i32
      %dma_wait3A_855 = arith.constant 0 : i32
      %dma_wait3A_856 = arith.constant 0 : i32
      %dma_wait3A_857 = arith.constant 0 : i32
      %dma_wait3A_858 = tpu.memref_slice %arg7[%dma_wait3A, %dma_wait3A_856, %dma_wait3A_857] : memref<2x1x128xi32, #tpu.memory_space<vmem>> -> memref<1x1x128xi32, #tpu.memory_space<vmem>>
      %dma_wait3A_859 = tpu.memref_squeeze %dma_wait3A_858 : memref<1x1x128xi32, #tpu.memory_space<vmem>> -> memref<1x128xi32, #tpu.memory_space<vmem>>
      %dma_wait3A_860 = arith.constant 0 : i32
      %dma_wait3A_861 = tpu.memref_slice %arg3[%mul3A_784, %dma_wait3A_860] : memref<2560x128xi32, #tpu.memory_space<hbm>> -> memref<1x128xi32, #tpu.memory_space<hbm>>
      %dma_wait3A_862 = tpu.memref_slice %arg12[%dma_wait3A_855] : memref<2x!tpu.dma_semaphore, #tpu.memory_space<semaphore_mem>> -> memref<1x!tpu.dma_semaphore, #tpu.memory_space<semaphore_mem>>
      %dma_wait3A_863 = tpu.memref_squeeze %dma_wait3A_862 : memref<1x!tpu.dma_semaphore, #tpu.memory_space<semaphore_mem>> -> memref<!tpu.dma_semaphore, #tpu.memory_space<semaphore_mem>>
      %dma_wait3A_864 = arith.constant 0 : i32
      %dma_wait3A_865 = arith.constant 0 : i32
      %dma_wait3A_866 = tpu.memref_slice %arg7[%dma_wait3A, %dma_wait3A_864, %dma_wait3A_865] : memref<2x1x128xi32, #tpu.memory_space<vmem>> -> memref<1x1x128xi32, #tpu.memory_space<vmem>>
      %dma_wait3A_867 = tpu.memref_squeeze %dma_wait3A_866 : memref<1x1x128xi32, #tpu.memory_space<vmem>> -> memref<1x128xi32, #tpu.memory_space<vmem>>
      %dma_wait3A_868 = arith.constant 0 : i32
      %dma_wait3A_869 = tpu.memref_slice %arg3[%mul3A_784, %dma_wait3A_868] : memref<2560x128xi32, #tpu.memory_space<hbm>> -> memref<1x128xi32, #tpu.memory_space<hbm>>
      tpu.wait_dma2 semaphore(%dma_wait3A_863 : memref<!tpu.dma_semaphore, #tpu.memory_space<semaphore_mem>>) src(%dma_wait3A_869 : memref<1x128xi32, #tpu.memory_space<hbm>>) dst(%dma_wait3A_867 : memref<1x128xi32, #tpu.memory_space<vmem>>)
      %dma_wait3A_870 = arith.constant 0 : i32
      %dma_wait3A_871 = arith.constant 0 : i32
      %dma_wait3A_872 = arith.constant 0 : i32
      %dma_wait3A_873 = arith.constant 0 : i32
      %dma_wait3A_874 = tpu.memref_slice %arg8[%dma_wait3A_870, %dma_wait3A_872, %dma_wait3A_873] : memref<2x1x128xi32, #tpu.memory_space<vmem>> -> memref<1x1x128xi32, #tpu.memory_space<vmem>>
      %dma_wait3A_875 = tpu.memref_squeeze %dma_wait3A_874 : memref<1x1x128xi32, #tpu.memory_space<vmem>> -> memref<1x128xi32, #tpu.memory_space<vmem>>
      %dma_wait3A_876 = arith.constant 0 : i32
      %dma_wait3A_877 = tpu.memref_slice %arg4[%mul3A_784, %dma_wait3A_876] : memref<2560x128xi32, #tpu.memory_space<hbm>> -> memref<1x128xi32, #tpu.memory_space<hbm>>
      %dma_wait3A_878 = tpu.memref_slice %arg12[%dma_wait3A_871] : memref<2x!tpu.dma_semaphore, #tpu.memory_space<semaphore_mem>> -> memref<1x!tpu.dma_semaphore, #tpu.memory_space<semaphore_mem>>
      %dma_wait3A_879 = tpu.memref_squeeze %dma_wait3A_878 : memref<1x!tpu.dma_semaphore, #tpu.memory_space<semaphore_mem>> -> memref<!tpu.dma_semaphore, #tpu.memory_space<semaphore_mem>>
      %dma_wait3A_880 = arith.constant 0 : i32
      %dma_wait3A_881 = arith.constant 0 : i32
      %dma_wait3A_882 = tpu.memref_slice %arg8[%dma_wait3A_870, %dma_wait3A_880, %dma_wait3A_881] : memref<2x1x128xi32, #tpu.memory_space<vmem>> -> memref<1x1x128xi32, #tpu.memory_space<vmem>>
      %dma_wait3A_883 = tpu.memref_squeeze %dma_wait3A_882 : memref<1x1x128xi32, #tpu.memory_space<vmem>> -> memref<1x128xi32, #tpu.memory_space<vmem>>
      %dma_wait3A_884 = arith.constant 0 : i32
      %dma_wait3A_885 = tpu.memref_slice %arg4[%mul3A_784, %dma_wait3A_884] : memref<2560x128xi32, #tpu.memory_space<hbm>> -> memref<1x128xi32, #tpu.memory_space<hbm>>
      tpu.wait_dma2 semaphore(%dma_wait3A_879 : memref<!tpu.dma_semaphore, #tpu.memory_space<semaphore_mem>>) src(%dma_wait3A_885 : memref<1x128xi32, #tpu.memory_space<hbm>>) dst(%dma_wait3A_883 : memref<1x128xi32, #tpu.memory_space<vmem>>)
      %dma_start3A_886 = arith.constant 0 : i32
      %dma_start3A_887 = arith.constant 0 : i32
      %dma_start3A_888 = arith.constant 0 : i32
      %dma_start3A_889 = arith.constant 0 : i32
      %dma_start3A_890 = arith.constant 0 : i32
      %dma_start3A_891 = arith.constant 0 : i32
      %dma_start3A_892 = tpu.memref_slice %arg9[%dma_start3A_888, %dma_start3A_890, %dma_start3A_891] : memref<2x128x128xf32, #tpu.memory_space<vmem>> -> memref<1x128x128xf32, #tpu.memory_space<vmem>>
      %dma_start3A_893 = tpu.memref_squeeze %dma_start3A_892 : memref<1x128x128xf32, #tpu.memory_space<vmem>> -> memref<128x128xf32, #tpu.memory_space<vmem>>
      %dma_start3A_894 = arith.constant 0 : i32
      %dma_start3A_895 = tpu.memref_slice %arg7[%dma_start3A_886, %dma_start3A_887, %dma_start3A_894] : memref<2x1x128xi32, #tpu.memory_space<vmem>> -> memref<1x1x128xi32, #tpu.memory_space<vmem>>
      %dma_start3A_896 = tpu.memref_squeeze %dma_start3A_895 : memref<1x1x128xi32, #tpu.memory_space<vmem>> -> memref<128xi32, #tpu.memory_space<vmem>>
      %dma_start3A_897 = arith.constant 0 : i32
      %dma_start3A_898 = arith.constant 0 : i32
      %dma_start3A_899 = tpu.memref_slice %arg2[%dma_start3A_897, %dma_start3A_898] : memref<10000x128xf32, #tpu.memory_space<hbm>> -> memref<10000x128xf32, #tpu.memory_space<hbm>>
      %dma_start3A_900 = tpu.memref_slice %arg11[%dma_start3A_889] : memref<2x!tpu.dma_semaphore, #tpu.memory_space<semaphore_mem>> -> memref<1x!tpu.dma_semaphore, #tpu.memory_space<semaphore_mem>>
      %dma_start3A_901 = tpu.memref_squeeze %dma_start3A_900 : memref<1x!tpu.dma_semaphore, #tpu.memory_space<semaphore_mem>> -> memref<!tpu.dma_semaphore, #tpu.memory_space<semaphore_mem>>
      tpu.enqueue_indirect_dma source(%dma_start3A_899 : memref<10000x128xf32, #tpu.memory_space<hbm>>) target(%dma_start3A_893 : memref<128x128xf32, #tpu.memory_space<vmem>>) offsets(%dma_start3A_896 : memref<128xi32, #tpu.memory_space<vmem>>) semaphore(%dma_start3A_901 : memref<!tpu.dma_semaphore, #tpu.memory_space<semaphore_mem>>)
      %scan3A_902 = arith.constant 0 : i32
      %scan3A_903 = arith.constant 63 : i32
      %scan3A_904 = arith.addi %scan3A_902, %scan3A_903 : i32
      %scan3A_905 = arith.constant 1 : i32
      scf.for %scan3A_907 = %scan3A_902 to %scan3A_904 step %scan3A_905  : i32 {
        %mul3A_908 = arith.constant 1 : i32
        %mul3A_909 = arith.muli %scan3A_907, %mul3A_908 : i32
        %add3A_910 = arith.constant 0 : i32
        %add3A_911 = arith.addi %add3A_910, %mul3A_909 : i32
        %mul3A_912 = arith.constant 2 : i32
        %mul3A_913 = arith.muli %add3A_911, %mul3A_912 : i32
        %add3A_914 = arith.constant 0 : i32
        %add3A_915 = arith.addi %mul3A_913, %add3A_914 : i32
        %add3A_916 = arith.constant 1 : i32
        %add3A_917 = arith.addi %add3A_915, %add3A_916 : i32
        %lt3A = arith.constant 126 : i32
        %lt3A_918 = arith.cmpi slt, %add3A_917, %lt3A : i32
        %convert_element_type3A_919 = arith.extui %lt3A_918 : i1 to i32
        %cond3A_920 = arith.constant 0 : i32
        %cond3A_921 = arith.cmpi ne, %convert_element_type3A_919, %cond3A_920 : i32
        scf.if %cond3A_921 {
          %dma_wait3A_982 = arith.constant 1 : i32
          %dma_wait3A_983 = arith.constant 1 : i32
          %dma_wait3A_984 = arith.constant 0 : i32
          %dma_wait3A_985 = arith.constant 0 : i32
          %dma_wait3A_986 = tpu.memref_slice %arg7[%dma_wait3A_982, %dma_wait3A_984, %dma_wait3A_985] : memref<2x1x128xi32, #tpu.memory_space<vmem>> -> memref<1x1x128xi32, #tpu.memory_space<vmem>>
          %dma_wait3A_987 = tpu.memref_squeeze %dma_wait3A_986 : memref<1x1x128xi32, #tpu.memory_space<vmem>> -> memref<1x128xi32, #tpu.memory_space<vmem>>
          %dma_wait3A_988 = arith.constant 0 : i32
          %dma_wait3A_989 = tpu.memref_slice %arg3[%mul3A_784, %dma_wait3A_988] : memref<2560x128xi32, #tpu.memory_space<hbm>> -> memref<1x128xi32, #tpu.memory_space<hbm>>
          %dma_wait3A_990 = tpu.memref_slice %arg12[%dma_wait3A_983] : memref<2x!tpu.dma_semaphore, #tpu.memory_space<semaphore_mem>> -> memref<1x!tpu.dma_semaphore, #tpu.memory_space<semaphore_mem>>
          %dma_wait3A_991 = tpu.memref_squeeze %dma_wait3A_990 : memref<1x!tpu.dma_semaphore, #tpu.memory_space<semaphore_mem>> -> memref<!tpu.dma_semaphore, #tpu.memory_space<semaphore_mem>>
          %dma_wait3A_992 = arith.constant 0 : i32
          %dma_wait3A_993 = arith.constant 0 : i32
          %dma_wait3A_994 = tpu.memref_slice %arg7[%dma_wait3A_982, %dma_wait3A_992, %dma_wait3A_993] : memref<2x1x128xi32, #tpu.memory_space<vmem>> -> memref<1x1x128xi32, #tpu.memory_space<vmem>>
          %dma_wait3A_995 = tpu.memref_squeeze %dma_wait3A_994 : memref<1x1x128xi32, #tpu.memory_space<vmem>> -> memref<1x128xi32, #tpu.memory_space<vmem>>
          %dma_wait3A_996 = arith.constant 0 : i32
          %dma_wait3A_997 = tpu.memref_slice %arg3[%mul3A_784, %dma_wait3A_996] : memref<2560x128xi32, #tpu.memory_space<hbm>> -> memref<1x128xi32, #tpu.memory_space<hbm>>
          tpu.wait_dma2 semaphore(%dma_wait3A_991 : memref<!tpu.dma_semaphore, #tpu.memory_space<semaphore_mem>>) src(%dma_wait3A_997 : memref<1x128xi32, #tpu.memory_space<hbm>>) dst(%dma_wait3A_995 : memref<1x128xi32, #tpu.memory_space<vmem>>)
          %dma_wait3A_998 = arith.constant 1 : i32
          %dma_wait3A_999 = arith.constant 1 : i32
          %dma_wait3A_1000 = arith.constant 0 : i32
          %dma_wait3A_1001 = arith.constant 0 : i32
          %dma_wait3A_1002 = tpu.memref_slice %arg8[%dma_wait3A_998, %dma_wait3A_1000, %dma_wait3A_1001] : memref<2x1x128xi32, #tpu.memory_space<vmem>> -> memref<1x1x128xi32, #tpu.memory_space<vmem>>
          %dma_wait3A_1003 = tpu.memref_squeeze %dma_wait3A_1002 : memref<1x1x128xi32, #tpu.memory_space<vmem>> -> memref<1x128xi32, #tpu.memory_space<vmem>>
          %dma_wait3A_1004 = arith.constant 0 : i32
          %dma_wait3A_1005 = tpu.memref_slice %arg4[%mul3A_784, %dma_wait3A_1004] : memref<2560x128xi32, #tpu.memory_space<hbm>> -> memref<1x128xi32, #tpu.memory_space<hbm>>
          %dma_wait3A_1006 = tpu.memref_slice %arg12[%dma_wait3A_999] : memref<2x!tpu.dma_semaphore, #tpu.memory_space<semaphore_mem>> -> memref<1x!tpu.dma_semaphore, #tpu.memory_space<semaphore_mem>>
          %dma_wait3A_1007 = tpu.memref_squeeze %dma_wait3A_1006 : memref<1x!tpu.dma_semaphore, #tpu.memory_space<semaphore_mem>> -> memref<!tpu.dma_semaphore, #tpu.memory_space<semaphore_mem>>
          %dma_wait3A_1008 = arith.constant 0 : i32
          %dma_wait3A_1009 = arith.constant 0 : i32
          %dma_wait3A_1010 = tpu.memref_slice %arg8[%dma_wait3A_998, %dma_wait3A_1008, %dma_wait3A_1009] : memref<2x1x128xi32, #tpu.memory_space<vmem>> -> memref<1x1x128xi32, #tpu.memory_space<vmem>>
          %dma_wait3A_1011 = tpu.memref_squeeze %dma_wait3A_1010 : memref<1x1x128xi32, #tpu.memory_space<vmem>> -> memref<1x128xi32, #tpu.memory_space<vmem>>
          %dma_wait3A_1012 = arith.constant 0 : i32
          %dma_wait3A_1013 = tpu.memref_slice %arg4[%mul3A_784, %dma_wait3A_1012] : memref<2560x128xi32, #tpu.memory_space<hbm>> -> memref<1x128xi32, #tpu.memory_space<hbm>>
          tpu.wait_dma2 semaphore(%dma_wait3A_1007 : memref<!tpu.dma_semaphore, #tpu.memory_space<semaphore_mem>>) src(%dma_wait3A_1013 : memref<1x128xi32, #tpu.memory_space<hbm>>) dst(%dma_wait3A_1011 : memref<1x128xi32, #tpu.memory_space<vmem>>)
          %dma_start3A_1014 = arith.constant 1 : i32
          %dma_start3A_1015 = arith.constant 0 : i32
          %dma_start3A_1016 = arith.constant 1 : i32
          %dma_start3A_1017 = arith.constant 1 : i32
          %dma_start3A_1018 = arith.constant 0 : i32
          %dma_start3A_1019 = arith.constant 0 : i32
          %dma_start3A_1020 = tpu.memref_slice %arg9[%dma_start3A_1016, %dma_start3A_1018, %dma_start3A_1019] : memref<2x128x128xf32, #tpu.memory_space<vmem>> -> memref<1x128x128xf32, #tpu.memory_space<vmem>>
          %dma_start3A_1021 = tpu.memref_squeeze %dma_start3A_1020 : memref<1x128x128xf32, #tpu.memory_space<vmem>> -> memref<128x128xf32, #tpu.memory_space<vmem>>
          %dma_start3A_1022 = arith.constant 0 : i32
          %dma_start3A_1023 = tpu.memref_slice %arg7[%dma_start3A_1014, %dma_start3A_1015, %dma_start3A_1022] : memref<2x1x128xi32, #tpu.memory_space<vmem>> -> memref<1x1x128xi32, #tpu.memory_space<vmem>>
          %dma_start3A_1024 = tpu.memref_squeeze %dma_start3A_1023 : memref<1x1x128xi32, #tpu.memory_space<vmem>> -> memref<128xi32, #tpu.memory_space<vmem>>
          %dma_start3A_1025 = arith.constant 0 : i32
          %dma_start3A_1026 = arith.constant 0 : i32
          %dma_start3A_1027 = tpu.memref_slice %arg2[%dma_start3A_1025, %dma_start3A_1026] : memref<10000x128xf32, #tpu.memory_space<hbm>> -> memref<10000x128xf32, #tpu.memory_space<hbm>>
          %dma_start3A_1028 = tpu.memref_slice %arg11[%dma_start3A_1017] : memref<2x!tpu.dma_semaphore, #tpu.memory_space<semaphore_mem>> -> memref<1x!tpu.dma_semaphore, #tpu.memory_space<semaphore_mem>>
          %dma_start3A_1029 = tpu.memref_squeeze %dma_start3A_1028 : memref<1x!tpu.dma_semaphore, #tpu.memory_space<semaphore_mem>> -> memref<!tpu.dma_semaphore, #tpu.memory_space<semaphore_mem>>
          tpu.enqueue_indirect_dma source(%dma_start3A_1027 : memref<10000x128xf32, #tpu.memory_space<hbm>>) target(%dma_start3A_1021 : memref<128x128xf32, #tpu.memory_space<vmem>>) offsets(%dma_start3A_1024 : memref<128xi32, #tpu.memory_space<vmem>>) semaphore(%dma_start3A_1029 : memref<!tpu.dma_semaphore, #tpu.memory_space<semaphore_mem>>)
        } else {
        }
        %dma_wait3A_922 = arith.constant 0 : i32
        %dma_wait3A_923 = arith.constant 0 : i32
        %dma_wait3A_924 = arith.constant 0 : i32
        %dma_wait3A_925 = arith.constant 0 : i32
        %dma_wait3A_926 = arith.constant 0 : i32
        %dma_wait3A_927 = arith.constant 0 : i32
        %dma_wait3A_928 = tpu.memref_slice %arg9[%dma_wait3A_924, %dma_wait3A_926, %dma_wait3A_927] : memref<2x128x128xf32, #tpu.memory_space<vmem>> -> memref<1x128x128xf32, #tpu.memory_space<vmem>>
        %dma_wait3A_929 = tpu.memref_squeeze %dma_wait3A_928 : memref<1x128x128xf32, #tpu.memory_space<vmem>> -> memref<128x128xf32, #tpu.memory_space<vmem>>
        %dma_wait3A_930 = arith.constant 0 : i32
        %dma_wait3A_931 = tpu.memref_slice %arg7[%dma_wait3A_922, %dma_wait3A_923, %dma_wait3A_930] : memref<2x1x128xi32, #tpu.memory_space<vmem>> -> memref<1x1x128xi32, #tpu.memory_space<vmem>>
        %dma_wait3A_932 = tpu.memref_squeeze %dma_wait3A_931 : memref<1x1x128xi32, #tpu.memory_space<vmem>> -> memref<128xi32, #tpu.memory_space<vmem>>
        %dma_wait3A_933 = arith.constant 0 : i32
        %dma_wait3A_934 = arith.constant 0 : i32
        %dma_wait3A_935 = tpu.memref_slice %arg2[%dma_wait3A_933, %dma_wait3A_934] : memref<10000x128xf32, #tpu.memory_space<hbm>> -> memref<10000x128xf32, #tpu.memory_space<hbm>>
        %dma_wait3A_936 = tpu.memref_slice %arg11[%dma_wait3A_925] : memref<2x!tpu.dma_semaphore, #tpu.memory_space<semaphore_mem>> -> memref<1x!tpu.dma_semaphore, #tpu.memory_space<semaphore_mem>>
        %dma_wait3A_937 = tpu.memref_squeeze %dma_wait3A_936 : memref<1x!tpu.dma_semaphore, #tpu.memory_space<semaphore_mem>> -> memref<!tpu.dma_semaphore, #tpu.memory_space<semaphore_mem>>
        tpu.wait_indirect_dma semaphore(%dma_wait3A_937 : memref<!tpu.dma_semaphore, #tpu.memory_space<semaphore_mem>>) src(%dma_wait3A_935 : memref<10000x128xf32, #tpu.memory_space<hbm>>) dst(%dma_wait3A_929 : memref<128x128xf32, #tpu.memory_space<vmem>>)
        %run_scoped3A = arith.constant 0 : i32
        %run_scoped3A_938 = arith.constant 0 : i32
        %run_scoped3A_939 = arith.constant 0 : i32
        "tpu.region"() ({
          %run_scoped3A_982 = tpu.sem_alloc : memref<!tpu.dma_semaphore, #tpu.memory_space<semaphore_mem>>
          %dma_start3A_983 = arith.constant 0 : i32
          %dma_start3A_984 = arith.constant 0 : i32
          %dma_start3A_985 = tpu.memref_slice %arg9[%run_scoped3A, %dma_start3A_983, %dma_start3A_984] : memref<2x128x128xf32, #tpu.memory_space<vmem>> -> memref<1x128x128xf32, #tpu.memory_space<vmem>>
          %dma_start3A_986 = tpu.memref_squeeze %dma_start3A_985 : memref<1x128x128xf32, #tpu.memory_space<vmem>> -> memref<128x128xf32, #tpu.memory_space<vmem>>
          %dma_start3A_987 = arith.constant 0 : i32
          %dma_start3A_988 = tpu.memref_slice %arg8[%run_scoped3A_938, %run_scoped3A_939, %dma_start3A_987] : memref<2x1x128xi32, #tpu.memory_space<vmem>> -> memref<1x1x128xi32, #tpu.memory_space<vmem>>
          %dma_start3A_989 = tpu.memref_squeeze %dma_start3A_988 : memref<1x1x128xi32, #tpu.memory_space<vmem>> -> memref<128xi32, #tpu.memory_space<vmem>>
          %dma_start3A_990 = arith.constant 0 : i32
          %dma_start3A_991 = arith.constant 0 : i32
          %dma_start3A_992 = tpu.memref_slice %arg6[%dma_start3A_990, %dma_start3A_991] : memref<10240x128xf32, #tpu.memory_space<vmem_shared>> -> memref<10240x128xf32, #tpu.memory_space<vmem_shared>>
          tpu.enqueue_indirect_dma source(%dma_start3A_986 : memref<128x128xf32, #tpu.memory_space<vmem>>) target(%dma_start3A_992 : memref<10240x128xf32, #tpu.memory_space<vmem_shared>>) offsets(%dma_start3A_989 : memref<128xi32, #tpu.memory_space<vmem>>) semaphore(%run_scoped3A_982 : memref<!tpu.dma_semaphore, #tpu.memory_space<semaphore_mem>>) {add = true}
          %dma_wait3A_993 = arith.constant 0 : i32
          %dma_wait3A_994 = arith.constant 0 : i32
          %dma_wait3A_995 = tpu.memref_slice %arg9[%run_scoped3A, %dma_wait3A_993, %dma_wait3A_994] : memref<2x128x128xf32, #tpu.memory_space<vmem>> -> memref<1x128x128xf32, #tpu.memory_space<vmem>>
          %dma_wait3A_996 = tpu.memref_squeeze %dma_wait3A_995 : memref<1x128x128xf32, #tpu.memory_space<vmem>> -> memref<128x128xf32, #tpu.memory_space<vmem>>
          %dma_wait3A_997 = arith.constant 0 : i32
          %dma_wait3A_998 = tpu.memref_slice %arg8[%run_scoped3A_938, %run_scoped3A_939, %dma_wait3A_997] : memref<2x1x128xi32, #tpu.memory_space<vmem>> -> memref<1x1x128xi32, #tpu.memory_space<vmem>>
          %dma_wait3A_999 = tpu.memref_squeeze %dma_wait3A_998 : memref<1x1x128xi32, #tpu.memory_space<vmem>> -> memref<128xi32, #tpu.memory_space<vmem>>
          %dma_wait3A_1000 = arith.constant 0 : i32
          %dma_wait3A_1001 = arith.constant 0 : i32
          %dma_wait3A_1002 = tpu.memref_slice %arg6[%dma_wait3A_1000, %dma_wait3A_1001] : memref<10240x128xf32, #tpu.memory_space<vmem_shared>> -> memref<10240x128xf32, #tpu.memory_space<vmem_shared>>
          tpu.wait_indirect_dma semaphore(%run_scoped3A_982 : memref<!tpu.dma_semaphore, #tpu.memory_space<semaphore_mem>>) src(%dma_wait3A_996 : memref<128x128xf32, #tpu.memory_space<vmem>>) dst(%dma_wait3A_1002 : memref<10240x128xf32, #tpu.memory_space<vmem_shared>>)
          tpu.yield
        }) : () -> ()
        %add3A_940 = arith.constant 2 : i32
        %add3A_941 = arith.addi %add3A_915, %add3A_940 : i32
        %lt3A_942 = arith.constant 126 : i32
        %lt3A_943 = arith.cmpi slt, %add3A_941, %lt3A_942 : i32
        %convert_element_type3A_944 = arith.extui %lt3A_943 : i1 to i32
        %cond3A_945 = arith.constant 0 : i32
        %cond3A_946 = arith.cmpi ne, %convert_element_type3A_944, %cond3A_945 : i32
        scf.if %cond3A_946 {
          %add3A_982 = arith.constant 2 : i32
          %add3A_983 = arith.addi %add3A_915, %add3A_982 : i32
          %add3A_984 = arith.addi %mul3A_784, %add3A_983 : i32
          %dma_start3A_985 = arith.constant 0 : i32
          %dma_start3A_986 = arith.constant 0 : i32
          %dma_start3A_987 = arith.constant 0 : i32
          %dma_start3A_988 = arith.constant 0 : i32
          %dma_start3A_989 = tpu.memref_slice %arg7[%dma_start3A_985, %dma_start3A_987, %dma_start3A_988] : memref<2x1x128xi32, #tpu.memory_space<vmem>> -> memref<1x1x128xi32, #tpu.memory_space<vmem>>
          %dma_start3A_990 = tpu.memref_squeeze %dma_start3A_989 : memref<1x1x128xi32, #tpu.memory_space<vmem>> -> memref<1x128xi32, #tpu.memory_space<vmem>>
          %dma_start3A_991 = arith.constant 0 : i32
          %dma_start3A_992 = tpu.memref_slice %arg3[%add3A_984, %dma_start3A_991] : memref<2560x128xi32, #tpu.memory_space<hbm>> -> memref<1x128xi32, #tpu.memory_space<hbm>>
          %dma_start3A_993 = tpu.memref_slice %arg12[%dma_start3A_986] : memref<2x!tpu.dma_semaphore, #tpu.memory_space<semaphore_mem>> -> memref<1x!tpu.dma_semaphore, #tpu.memory_space<semaphore_mem>>
          %dma_start3A_994 = tpu.memref_squeeze %dma_start3A_993 : memref<1x!tpu.dma_semaphore, #tpu.memory_space<semaphore_mem>> -> memref<!tpu.dma_semaphore, #tpu.memory_space<semaphore_mem>>
          %dma_start3A_995 = arith.constant 0 : i32
          %dma_start3A_996 = arith.constant 0 : i32
          %dma_start3A_997 = tpu.memref_slice %arg7[%dma_start3A_985, %dma_start3A_995, %dma_start3A_996] : memref<2x1x128xi32, #tpu.memory_space<vmem>> -> memref<1x1x128xi32, #tpu.memory_space<vmem>>
          %dma_start3A_998 = tpu.memref_squeeze %dma_start3A_997 : memref<1x1x128xi32, #tpu.memory_space<vmem>> -> memref<1x128xi32, #tpu.memory_space<vmem>>
          %dma_start3A_999 = arith.constant 0 : i32
          %dma_start3A_1000 = tpu.memref_slice %arg3[%add3A_984, %dma_start3A_999] : memref<2560x128xi32, #tpu.memory_space<hbm>> -> memref<1x128xi32, #tpu.memory_space<hbm>>
          tpu.enqueue_dma source(%dma_start3A_1000 : memref<1x128xi32, #tpu.memory_space<hbm>>) target(%dma_start3A_998 : memref<1x128xi32, #tpu.memory_space<vmem>>) target_semaphore(%dma_start3A_994 : memref<!tpu.dma_semaphore, #tpu.memory_space<semaphore_mem>>)
          %add3A_1001 = arith.addi %mul3A_784, %add3A_983 : i32
          %dma_start3A_1002 = arith.constant 0 : i32
          %dma_start3A_1003 = arith.constant 0 : i32
          %dma_start3A_1004 = arith.constant 0 : i32
          %dma_start3A_1005 = arith.constant 0 : i32
          %dma_start3A_1006 = tpu.memref_slice %arg8[%dma_start3A_1002, %dma_start3A_1004, %dma_start3A_1005] : memref<2x1x128xi32, #tpu.memory_space<vmem>> -> memref<1x1x128xi32, #tpu.memory_space<vmem>>
          %dma_start3A_1007 = tpu.memref_squeeze %dma_start3A_1006 : memref<1x1x128xi32, #tpu.memory_space<vmem>> -> memref<1x128xi32, #tpu.memory_space<vmem>>
          %dma_start3A_1008 = arith.constant 0 : i32
          %dma_start3A_1009 = tpu.memref_slice %arg4[%add3A_1001, %dma_start3A_1008] : memref<2560x128xi32, #tpu.memory_space<hbm>> -> memref<1x128xi32, #tpu.memory_space<hbm>>
          %dma_start3A_1010 = tpu.memref_slice %arg12[%dma_start3A_1003] : memref<2x!tpu.dma_semaphore, #tpu.memory_space<semaphore_mem>> -> memref<1x!tpu.dma_semaphore, #tpu.memory_space<semaphore_mem>>
          %dma_start3A_1011 = tpu.memref_squeeze %dma_start3A_1010 : memref<1x!tpu.dma_semaphore, #tpu.memory_space<semaphore_mem>> -> memref<!tpu.dma_semaphore, #tpu.memory_space<semaphore_mem>>
          %dma_start3A_1012 = arith.constant 0 : i32
          %dma_start3A_1013 = arith.constant 0 : i32
          %dma_start3A_1014 = tpu.memref_slice %arg8[%dma_start3A_1002, %dma_start3A_1012, %dma_start3A_1013] : memref<2x1x128xi32, #tpu.memory_space<vmem>> -> memref<1x1x128xi32, #tpu.memory_space<vmem>>
          %dma_start3A_1015 = tpu.memref_squeeze %dma_start3A_1014 : memref<1x1x128xi32, #tpu.memory_space<vmem>> -> memref<1x128xi32, #tpu.memory_space<vmem>>
          %dma_start3A_1016 = arith.constant 0 : i32
          %dma_start3A_1017 = tpu.memref_slice %arg4[%add3A_1001, %dma_start3A_1016] : memref<2560x128xi32, #tpu.memory_space<hbm>> -> memref<1x128xi32, #tpu.memory_space<hbm>>
          tpu.enqueue_dma source(%dma_start3A_1017 : memref<1x128xi32, #tpu.memory_space<hbm>>) target(%dma_start3A_1015 : memref<1x128xi32, #tpu.memory_space<vmem>>) target_semaphore(%dma_start3A_1011 : memref<!tpu.dma_semaphore, #tpu.memory_space<semaphore_mem>>)
        } else {
        }
        %add3A_947 = arith.constant 1 : i32
        %add3A_948 = arith.addi %mul3A_913, %add3A_947 : i32
        %add3A_949 = arith.constant 1 : i32
        %add3A_950 = arith.addi %add3A_948, %add3A_949 : i32
        %lt3A_951 = arith.constant 126 : i32
        %lt3A_952 = arith.cmpi slt, %add3A_950, %lt3A_951 : i32
        %convert_element_type3A_953 = arith.extui %lt3A_952 : i1 to i32
        %cond3A_954 = arith.constant 0 : i32
        %cond3A_955 = arith.cmpi ne, %convert_element_type3A_953, %cond3A_954 : i32
        scf.if %cond3A_955 {
          %dma_wait3A_982 = arith.constant 0 : i32
          %dma_wait3A_983 = arith.constant 0 : i32
          %dma_wait3A_984 = arith.constant 0 : i32
          %dma_wait3A_985 = arith.constant 0 : i32
          %dma_wait3A_986 = tpu.memref_slice %arg7[%dma_wait3A_982, %dma_wait3A_984, %dma_wait3A_985] : memref<2x1x128xi32, #tpu.memory_space<vmem>> -> memref<1x1x128xi32, #tpu.memory_space<vmem>>
          %dma_wait3A_987 = tpu.memref_squeeze %dma_wait3A_986 : memref<1x1x128xi32, #tpu.memory_space<vmem>> -> memref<1x128xi32, #tpu.memory_space<vmem>>
          %dma_wait3A_988 = arith.constant 0 : i32
          %dma_wait3A_989 = tpu.memref_slice %arg3[%mul3A_784, %dma_wait3A_988] : memref<2560x128xi32, #tpu.memory_space<hbm>> -> memref<1x128xi32, #tpu.memory_space<hbm>>
          %dma_wait3A_990 = tpu.memref_slice %arg12[%dma_wait3A_983] : memref<2x!tpu.dma_semaphore, #tpu.memory_space<semaphore_mem>> -> memref<1x!tpu.dma_semaphore, #tpu.memory_space<semaphore_mem>>
          %dma_wait3A_991 = tpu.memref_squeeze %dma_wait3A_990 : memref<1x!tpu.dma_semaphore, #tpu.memory_space<semaphore_mem>> -> memref<!tpu.dma_semaphore, #tpu.memory_space<semaphore_mem>>
          %dma_wait3A_992 = arith.constant 0 : i32
          %dma_wait3A_993 = arith.constant 0 : i32
          %dma_wait3A_994 = tpu.memref_slice %arg7[%dma_wait3A_982, %dma_wait3A_992, %dma_wait3A_993] : memref<2x1x128xi32, #tpu.memory_space<vmem>> -> memref<1x1x128xi32, #tpu.memory_space<vmem>>
          %dma_wait3A_995 = tpu.memref_squeeze %dma_wait3A_994 : memref<1x1x128xi32, #tpu.memory_space<vmem>> -> memref<1x128xi32, #tpu.memory_space<vmem>>
          %dma_wait3A_996 = arith.constant 0 : i32
          %dma_wait3A_997 = tpu.memref_slice %arg3[%mul3A_784, %dma_wait3A_996] : memref<2560x128xi32, #tpu.memory_space<hbm>> -> memref<1x128xi32, #tpu.memory_space<hbm>>
          tpu.wait_dma2 semaphore(%dma_wait3A_991 : memref<!tpu.dma_semaphore, #tpu.memory_space<semaphore_mem>>) src(%dma_wait3A_997 : memref<1x128xi32, #tpu.memory_space<hbm>>) dst(%dma_wait3A_995 : memref<1x128xi32, #tpu.memory_space<vmem>>)
          %dma_wait3A_998 = arith.constant 0 : i32
          %dma_wait3A_999 = arith.constant 0 : i32
          %dma_wait3A_1000 = arith.constant 0 : i32
          %dma_wait3A_1001 = arith.constant 0 : i32
          %dma_wait3A_1002 = tpu.memref_slice %arg8[%dma_wait3A_998, %dma_wait3A_1000, %dma_wait3A_1001] : memref<2x1x128xi32, #tpu.memory_space<vmem>> -> memref<1x1x128xi32, #tpu.memory_space<vmem>>
          %dma_wait3A_1003 = tpu.memref_squeeze %dma_wait3A_1002 : memref<1x1x128xi32, #tpu.memory_space<vmem>> -> memref<1x128xi32, #tpu.memory_space<vmem>>
          %dma_wait3A_1004 = arith.constant 0 : i32
          %dma_wait3A_1005 = tpu.memref_slice %arg4[%mul3A_784, %dma_wait3A_1004] : memref<2560x128xi32, #tpu.memory_space<hbm>> -> memref<1x128xi32, #tpu.memory_space<hbm>>
          %dma_wait3A_1006 = tpu.memref_slice %arg12[%dma_wait3A_999] : memref<2x!tpu.dma_semaphore, #tpu.memory_space<semaphore_mem>> -> memref<1x!tpu.dma_semaphore, #tpu.memory_space<semaphore_mem>>
          %dma_wait3A_1007 = tpu.memref_squeeze %dma_wait3A_1006 : memref<1x!tpu.dma_semaphore, #tpu.memory_space<semaphore_mem>> -> memref<!tpu.dma_semaphore, #tpu.memory_space<semaphore_mem>>
          %dma_wait3A_1008 = arith.constant 0 : i32
          %dma_wait3A_1009 = arith.constant 0 : i32
          %dma_wait3A_1010 = tpu.memref_slice %arg8[%dma_wait3A_998, %dma_wait3A_1008, %dma_wait3A_1009] : memref<2x1x128xi32, #tpu.memory_space<vmem>> -> memref<1x1x128xi32, #tpu.memory_space<vmem>>
          %dma_wait3A_1011 = tpu.memref_squeeze %dma_wait3A_1010 : memref<1x1x128xi32, #tpu.memory_space<vmem>> -> memref<1x128xi32, #tpu.memory_space<vmem>>
          %dma_wait3A_1012 = arith.constant 0 : i32
          %dma_wait3A_1013 = tpu.memref_slice %arg4[%mul3A_784, %dma_wait3A_1012] : memref<2560x128xi32, #tpu.memory_space<hbm>> -> memref<1x128xi32, #tpu.memory_space<hbm>>
          tpu.wait_dma2 semaphore(%dma_wait3A_1007 : memref<!tpu.dma_semaphore, #tpu.memory_space<semaphore_mem>>) src(%dma_wait3A_1013 : memref<1x128xi32, #tpu.memory_space<hbm>>) dst(%dma_wait3A_1011 : memref<1x128xi32, #tpu.memory_space<vmem>>)
          %dma_start3A_1014 = arith.constant 0 : i32
          %dma_start3A_1015 = arith.constant 0 : i32
          %dma_start3A_1016 = arith.constant 0 : i32
          %dma_start3A_1017 = arith.constant 0 : i32
          %dma_start3A_1018 = arith.constant 0 : i32
          %dma_start3A_1019 = arith.constant 0 : i32
          %dma_start3A_1020 = tpu.memref_slice %arg9[%dma_start3A_1016, %dma_start3A_1018, %dma_start3A_1019] : memref<2x128x128xf32, #tpu.memory_space<vmem>> -> memref<1x128x128xf32, #tpu.memory_space<vmem>>
          %dma_start3A_1021 = tpu.memref_squeeze %dma_start3A_1020 : memref<1x128x128xf32, #tpu.memory_space<vmem>> -> memref<128x128xf32, #tpu.memory_space<vmem>>
          %dma_start3A_1022 = arith.constant 0 : i32
          %dma_start3A_1023 = tpu.memref_slice %arg7[%dma_start3A_1014, %dma_start3A_1015, %dma_start3A_1022] : memref<2x1x128xi32, #tpu.memory_space<vmem>> -> memref<1x1x128xi32, #tpu.memory_space<vmem>>
          %dma_start3A_1024 = tpu.memref_squeeze %dma_start3A_1023 : memref<1x1x128xi32, #tpu.memory_space<vmem>> -> memref<128xi32, #tpu.memory_space<vmem>>
          %dma_start3A_1025 = arith.constant 0 : i32
          %dma_start3A_1026 = arith.constant 0 : i32
          %dma_start3A_1027 = tpu.memref_slice %arg2[%dma_start3A_1025, %dma_start3A_1026] : memref<10000x128xf32, #tpu.memory_space<hbm>> -> memref<10000x128xf32, #tpu.memory_space<hbm>>
          %dma_start3A_1028 = tpu.memref_slice %arg11[%dma_start3A_1017] : memref<2x!tpu.dma_semaphore, #tpu.memory_space<semaphore_mem>> -> memref<1x!tpu.dma_semaphore, #tpu.memory_space<semaphore_mem>>
          %dma_start3A_1029 = tpu.memref_squeeze %dma_start3A_1028 : memref<1x!tpu.dma_semaphore, #tpu.memory_space<semaphore_mem>> -> memref<!tpu.dma_semaphore, #tpu.memory_space<semaphore_mem>>
          tpu.enqueue_indirect_dma source(%dma_start3A_1027 : memref<10000x128xf32, #tpu.memory_space<hbm>>) target(%dma_start3A_1021 : memref<128x128xf32, #tpu.memory_space<vmem>>) offsets(%dma_start3A_1024 : memref<128xi32, #tpu.memory_space<vmem>>) semaphore(%dma_start3A_1029 : memref<!tpu.dma_semaphore, #tpu.memory_space<semaphore_mem>>)
        } else {
        }
        %dma_wait3A_956 = arith.constant 1 : i32
        %dma_wait3A_957 = arith.constant 0 : i32
        %dma_wait3A_958 = arith.constant 1 : i32
        %dma_wait3A_959 = arith.constant 1 : i32
        %dma_wait3A_960 = arith.constant 0 : i32
        %dma_wait3A_961 = arith.constant 0 : i32
        %dma_wait3A_962 = tpu.memref_slice %arg9[%dma_wait3A_958, %dma_wait3A_960, %dma_wait3A_961] : memref<2x128x128xf32, #tpu.memory_space<vmem>> -> memref<1x128x128xf32, #tpu.memory_space<vmem>>
        %dma_wait3A_963 = tpu.memref_squeeze %dma_wait3A_962 : memref<1x128x128xf32, #tpu.memory_space<vmem>> -> memref<128x128xf32, #tpu.memory_space<vmem>>
        %dma_wait3A_964 = arith.constant 0 : i32
        %dma_wait3A_965 = tpu.memref_slice %arg7[%dma_wait3A_956, %dma_wait3A_957, %dma_wait3A_964] : memref<2x1x128xi32, #tpu.memory_space<vmem>> -> memref<1x1x128xi32, #tpu.memory_space<vmem>>
        %dma_wait3A_966 = tpu.memref_squeeze %dma_wait3A_965 : memref<1x1x128xi32, #tpu.memory_space<vmem>> -> memref<128xi32, #tpu.memory_space<vmem>>
        %dma_wait3A_967 = arith.constant 0 : i32
        %dma_wait3A_968 = arith.constant 0 : i32
        %dma_wait3A_969 = tpu.memref_slice %arg2[%dma_wait3A_967, %dma_wait3A_968] : memref<10000x128xf32, #tpu.memory_space<hbm>> -> memref<10000x128xf32, #tpu.memory_space<hbm>>
        %dma_wait3A_970 = tpu.memref_slice %arg11[%dma_wait3A_959] : memref<2x!tpu.dma_semaphore, #tpu.memory_space<semaphore_mem>> -> memref<1x!tpu.dma_semaphore, #tpu.memory_space<semaphore_mem>>
        %dma_wait3A_971 = tpu.memref_squeeze %dma_wait3A_970 : memref<1x!tpu.dma_semaphore, #tpu.memory_space<semaphore_mem>> -> memref<!tpu.dma_semaphore, #tpu.memory_space<semaphore_mem>>
        tpu.wait_indirect_dma semaphore(%dma_wait3A_971 : memref<!tpu.dma_semaphore, #tpu.memory_space<semaphore_mem>>) src(%dma_wait3A_969 : memref<10000x128xf32, #tpu.memory_space<hbm>>) dst(%dma_wait3A_963 : memref<128x128xf32, #tpu.memory_space<vmem>>)
        %run_scoped3A_972 = arith.constant 1 : i32
        %run_scoped3A_973 = arith.constant 1 : i32
        %run_scoped3A_974 = arith.constant 0 : i32
        "tpu.region"() ({
          %run_scoped3A_982 = tpu.sem_alloc : memref<!tpu.dma_semaphore, #tpu.memory_space<semaphore_mem>>
          %dma_start3A_983 = arith.constant 0 : i32
          %dma_start3A_984 = arith.constant 0 : i32
          %dma_start3A_985 = tpu.memref_slice %arg9[%run_scoped3A_972, %dma_start3A_983, %dma_start3A_984] : memref<2x128x128xf32, #tpu.memory_space<vmem>> -> memref<1x128x128xf32, #tpu.memory_space<vmem>>
          %dma_start3A_986 = tpu.memref_squeeze %dma_start3A_985 : memref<1x128x128xf32, #tpu.memory_space<vmem>> -> memref<128x128xf32, #tpu.memory_space<vmem>>
          %dma_start3A_987 = arith.constant 0 : i32
          %dma_start3A_988 = tpu.memref_slice %arg8[%run_scoped3A_973, %run_scoped3A_974, %dma_start3A_987] : memref<2x1x128xi32, #tpu.memory_space<vmem>> -> memref<1x1x128xi32, #tpu.memory_space<vmem>>
          %dma_start3A_989 = tpu.memref_squeeze %dma_start3A_988 : memref<1x1x128xi32, #tpu.memory_space<vmem>> -> memref<128xi32, #tpu.memory_space<vmem>>
          %dma_start3A_990 = arith.constant 0 : i32
          %dma_start3A_991 = arith.constant 0 : i32
          %dma_start3A_992 = tpu.memref_slice %arg6[%dma_start3A_990, %dma_start3A_991] : memref<10240x128xf32, #tpu.memory_space<vmem_shared>> -> memref<10240x128xf32, #tpu.memory_space<vmem_shared>>
          tpu.enqueue_indirect_dma source(%dma_start3A_986 : memref<128x128xf32, #tpu.memory_space<vmem>>) target(%dma_start3A_992 : memref<10240x128xf32, #tpu.memory_space<vmem_shared>>) offsets(%dma_start3A_989 : memref<128xi32, #tpu.memory_space<vmem>>) semaphore(%run_scoped3A_982 : memref<!tpu.dma_semaphore, #tpu.memory_space<semaphore_mem>>) {add = true}
          %dma_wait3A_993 = arith.constant 0 : i32
          %dma_wait3A_994 = arith.constant 0 : i32
          %dma_wait3A_995 = tpu.memref_slice %arg9[%run_scoped3A_972, %dma_wait3A_993, %dma_wait3A_994] : memref<2x128x128xf32, #tpu.memory_space<vmem>> -> memref<1x128x128xf32, #tpu.memory_space<vmem>>
          %dma_wait3A_996 = tpu.memref_squeeze %dma_wait3A_995 : memref<1x128x128xf32, #tpu.memory_space<vmem>> -> memref<128x128xf32, #tpu.memory_space<vmem>>
          %dma_wait3A_997 = arith.constant 0 : i32
          %dma_wait3A_998 = tpu.memref_slice %arg8[%run_scoped3A_973, %run_scoped3A_974, %dma_wait3A_997] : memref<2x1x128xi32, #tpu.memory_space<vmem>> -> memref<1x1x128xi32, #tpu.memory_space<vmem>>
          %dma_wait3A_999 = tpu.memref_squeeze %dma_wait3A_998 : memref<1x1x128xi32, #tpu.memory_space<vmem>> -> memref<128xi32, #tpu.memory_space<vmem>>
          %dma_wait3A_1000 = arith.constant 0 : i32
          %dma_wait3A_1001 = arith.constant 0 : i32
          %dma_wait3A_1002 = tpu.memref_slice %arg6[%dma_wait3A_1000, %dma_wait3A_1001] : memref<10240x128xf32, #tpu.memory_space<vmem_shared>> -> memref<10240x128xf32, #tpu.memory_space<vmem_shared>>
          tpu.wait_indirect_dma semaphore(%run_scoped3A_982 : memref<!tpu.dma_semaphore, #tpu.memory_space<semaphore_mem>>) src(%dma_wait3A_996 : memref<128x128xf32, #tpu.memory_space<vmem>>) dst(%dma_wait3A_1002 : memref<10240x128xf32, #tpu.memory_space<vmem_shared>>)
          tpu.yield
        }) : () -> ()
        %add3A_975 = arith.constant 2 : i32
        %add3A_976 = arith.addi %add3A_948, %add3A_975 : i32
        %lt3A_977 = arith.constant 126 : i32
        %lt3A_978 = arith.cmpi slt, %add3A_976, %lt3A_977 : i32
        %convert_element_type3A_979 = arith.extui %lt3A_978 : i1 to i32
        %cond3A_980 = arith.constant 0 : i32
        %cond3A_981 = arith.cmpi ne, %convert_element_type3A_979, %cond3A_980 : i32
        scf.if %cond3A_981 {
          %add3A_982 = arith.constant 2 : i32
          %add3A_983 = arith.addi %add3A_948, %add3A_982 : i32
          %add3A_984 = arith.addi %mul3A_784, %add3A_983 : i32
          %dma_start3A_985 = arith.constant 1 : i32
          %dma_start3A_986 = arith.constant 1 : i32
          %dma_start3A_987 = arith.constant 0 : i32
          %dma_start3A_988 = arith.constant 0 : i32
          %dma_start3A_989 = tpu.memref_slice %arg7[%dma_start3A_985, %dma_start3A_987, %dma_start3A_988] : memref<2x1x128xi32, #tpu.memory_space<vmem>> -> memref<1x1x128xi32, #tpu.memory_space<vmem>>
          %dma_start3A_990 = tpu.memref_squeeze %dma_start3A_989 : memref<1x1x128xi32, #tpu.memory_space<vmem>> -> memref<1x128xi32, #tpu.memory_space<vmem>>
          %dma_start3A_991 = arith.constant 0 : i32
          %dma_start3A_992 = tpu.memref_slice %arg3[%add3A_984, %dma_start3A_991] : memref<2560x128xi32, #tpu.memory_space<hbm>> -> memref<1x128xi32, #tpu.memory_space<hbm>>
          %dma_start3A_993 = tpu.memref_slice %arg12[%dma_start3A_986] : memref<2x!tpu.dma_semaphore, #tpu.memory_space<semaphore_mem>> -> memref<1x!tpu.dma_semaphore, #tpu.memory_space<semaphore_mem>>
          %dma_start3A_994 = tpu.memref_squeeze %dma_start3A_993 : memref<1x!tpu.dma_semaphore, #tpu.memory_space<semaphore_mem>> -> memref<!tpu.dma_semaphore, #tpu.memory_space<semaphore_mem>>
          %dma_start3A_995 = arith.constant 0 : i32
          %dma_start3A_996 = arith.constant 0 : i32
          %dma_start3A_997 = tpu.memref_slice %arg7[%dma_start3A_985, %dma_start3A_995, %dma_start3A_996] : memref<2x1x128xi32, #tpu.memory_space<vmem>> -> memref<1x1x128xi32, #tpu.memory_space<vmem>>
          %dma_start3A_998 = tpu.memref_squeeze %dma_start3A_997 : memref<1x1x128xi32, #tpu.memory_space<vmem>> -> memref<1x128xi32, #tpu.memory_space<vmem>>
          %dma_start3A_999 = arith.constant 0 : i32
          %dma_start3A_1000 = tpu.memref_slice %arg3[%add3A_984, %dma_start3A_999] : memref<2560x128xi32, #tpu.memory_space<hbm>> -> memref<1x128xi32, #tpu.memory_space<hbm>>
          tpu.enqueue_dma source(%dma_start3A_1000 : memref<1x128xi32, #tpu.memory_space<hbm>>) target(%dma_start3A_998 : memref<1x128xi32, #tpu.memory_space<vmem>>) target_semaphore(%dma_start3A_994 : memref<!tpu.dma_semaphore, #tpu.memory_space<semaphore_mem>>)
          %add3A_1001 = arith.addi %mul3A_784, %add3A_983 : i32
          %dma_start3A_1002 = arith.constant 1 : i32
          %dma_start3A_1003 = arith.constant 1 : i32
          %dma_start3A_1004 = arith.constant 0 : i32
          %dma_start3A_1005 = arith.constant 0 : i32
          %dma_start3A_1006 = tpu.memref_slice %arg8[%dma_start3A_1002, %dma_start3A_1004, %dma_start3A_1005] : memref<2x1x128xi32, #tpu.memory_space<vmem>> -> memref<1x1x128xi32, #tpu.memory_space<vmem>>
          %dma_start3A_1007 = tpu.memref_squeeze %dma_start3A_1006 : memref<1x1x128xi32, #tpu.memory_space<vmem>> -> memref<1x128xi32, #tpu.memory_space<vmem>>
          %dma_start3A_1008 = arith.constant 0 : i32
          %dma_start3A_1009 = tpu.memref_slice %arg4[%add3A_1001, %dma_start3A_1008] : memref<2560x128xi32, #tpu.memory_space<hbm>> -> memref<1x128xi32, #tpu.memory_space<hbm>>
          %dma_start3A_1010 = tpu.memref_slice %arg12[%dma_start3A_1003] : memref<2x!tpu.dma_semaphore, #tpu.memory_space<semaphore_mem>> -> memref<1x!tpu.dma_semaphore, #tpu.memory_space<semaphore_mem>>
          %dma_start3A_1011 = tpu.memref_squeeze %dma_start3A_1010 : memref<1x!tpu.dma_semaphore, #tpu.memory_space<semaphore_mem>> -> memref<!tpu.dma_semaphore, #tpu.memory_space<semaphore_mem>>
          %dma_start3A_1012 = arith.constant 0 : i32
          %dma_start3A_1013 = arith.constant 0 : i32
          %dma_start3A_1014 = tpu.memref_slice %arg8[%dma_start3A_1002, %dma_start3A_1012, %dma_start3A_1013] : memref<2x1x128xi32, #tpu.memory_space<vmem>> -> memref<1x1x128xi32, #tpu.memory_space<vmem>>
          %dma_start3A_1015 = tpu.memref_squeeze %dma_start3A_1014 : memref<1x1x128xi32, #tpu.memory_space<vmem>> -> memref<1x128xi32, #tpu.memory_space<vmem>>
          %dma_start3A_1016 = arith.constant 0 : i32
          %dma_start3A_1017 = tpu.memref_slice %arg4[%add3A_1001, %dma_start3A_1016] : memref<2560x128xi32, #tpu.memory_space<hbm>> -> memref<1x128xi32, #tpu.memory_space<hbm>>
          tpu.enqueue_dma source(%dma_start3A_1017 : memref<1x128xi32, #tpu.memory_space<hbm>>) target(%dma_start3A_1015 : memref<1x128xi32, #tpu.memory_space<vmem>>) target_semaphore(%dma_start3A_1011 : memref<!tpu.dma_semaphore, #tpu.memory_space<semaphore_mem>>)
        } else {
        }
      }
      %scan3A_906 = arith.constant 63 : i32
    } else {
    }
    %eq3A_774 = arith.constant 1 : i32
    %eq3A_775 = arith.cmpi eq, %arg0, %eq3A_774 : i32
    %convert_element_type3A_776 = arith.extui %eq3A_775 : i1 to i32
    %cond3A_777 = arith.constant 0 : i32
    %cond3A_778 = arith.cmpi ne, %convert_element_type3A_776, %cond3A_777 : i32
    scf.if %cond3A_778 {
      %mul3A_783 = arith.constant 160 : i32
      %mul3A_784 = arith.muli %arg1, %mul3A_783 : i32
      %add3A = arith.constant 126 : i32
      %add3A_785 = arith.addi %mul3A_784, %add3A : i32
      %add3A_786 = arith.constant 0 : i32
      %add3A_787 = arith.addi %add3A_785, %add3A_786 : i32
      %dma_start3A = arith.constant 0 : i32
      %dma_start3A_788 = arith.constant 0 : i32
      %dma_start3A_789 = arith.constant 0 : i32
      %dma_start3A_790 = arith.constant 0 : i32
      %dma_start3A_791 = tpu.memref_slice %arg7[%dma_start3A, %dma_start3A_789, %dma_start3A_790] : memref<2x1x128xi32, #tpu.memory_space<vmem>> -> memref<1x1x128xi32, #tpu.memory_space<vmem>>
      %dma_start3A_792 = tpu.memref_squeeze %dma_start3A_791 : memref<1x1x128xi32, #tpu.memory_space<vmem>> -> memref<1x128xi32, #tpu.memory_space<vmem>>
      %dma_start3A_793 = arith.constant 0 : i32
      %dma_start3A_794 = tpu.memref_slice %arg3[%add3A_787, %dma_start3A_793] : memref<2560x128xi32, #tpu.memory_space<hbm>> -> memref<1x128xi32, #tpu.memory_space<hbm>>
      %dma_start3A_795 = tpu.memref_slice %arg12[%dma_start3A_788] : memref<2x!tpu.dma_semaphore, #tpu.memory_space<semaphore_mem>> -> memref<1x!tpu.dma_semaphore, #tpu.memory_space<semaphore_mem>>
      %dma_start3A_796 = tpu.memref_squeeze %dma_start3A_795 : memref<1x!tpu.dma_semaphore, #tpu.memory_space<semaphore_mem>> -> memref<!tpu.dma_semaphore, #tpu.memory_space<semaphore_mem>>
      %dma_start3A_797 = arith.constant 0 : i32
      %dma_start3A_798 = arith.constant 0 : i32
      %dma_start3A_799 = tpu.memref_slice %arg7[%dma_start3A, %dma_start3A_797, %dma_start3A_798] : memref<2x1x128xi32, #tpu.memory_space<vmem>> -> memref<1x1x128xi32, #tpu.memory_space<vmem>>
      %dma_start3A_800 = tpu.memref_squeeze %dma_start3A_799 : memref<1x1x128xi32, #tpu.memory_space<vmem>> -> memref<1x128xi32, #tpu.memory_space<vmem>>
      %dma_start3A_801 = arith.constant 0 : i32
      %dma_start3A_802 = tpu.memref_slice %arg3[%add3A_787, %dma_start3A_801] : memref<2560x128xi32, #tpu.memory_space<hbm>> -> memref<1x128xi32, #tpu.memory_space<hbm>>
      tpu.enqueue_dma source(%dma_start3A_802 : memref<1x128xi32, #tpu.memory_space<hbm>>) target(%dma_start3A_800 : memref<1x128xi32, #tpu.memory_space<vmem>>) target_semaphore(%dma_start3A_796 : memref<!tpu.dma_semaphore, #tpu.memory_space<semaphore_mem>>)
      %add3A_803 = arith.constant 0 : i32
      %add3A_804 = arith.addi %add3A_785, %add3A_803 : i32
      %dma_start3A_805 = arith.constant 0 : i32
      %dma_start3A_806 = arith.constant 0 : i32
      %dma_start3A_807 = arith.constant 0 : i32
      %dma_start3A_808 = arith.constant 0 : i32
      %dma_start3A_809 = tpu.memref_slice %arg8[%dma_start3A_805, %dma_start3A_807, %dma_start3A_808] : memref<2x1x128xi32, #tpu.memory_space<vmem>> -> memref<1x1x128xi32, #tpu.memory_space<vmem>>
      %dma_start3A_810 = tpu.memref_squeeze %dma_start3A_809 : memref<1x1x128xi32, #tpu.memory_space<vmem>> -> memref<1x128xi32, #tpu.memory_space<vmem>>
      %dma_start3A_811 = arith.constant 0 : i32
      %dma_start3A_812 = tpu.memref_slice %arg4[%add3A_804, %dma_start3A_811] : memref<2560x128xi32, #tpu.memory_space<hbm>> -> memref<1x128xi32, #tpu.memory_space<hbm>>
      %dma_start3A_813 = tpu.memref_slice %arg12[%dma_start3A_806] : memref<2x!tpu.dma_semaphore, #tpu.memory_space<semaphore_mem>> -> memref<1x!tpu.dma_semaphore, #tpu.memory_space<semaphore_mem>>
      %dma_start3A_814 = tpu.memref_squeeze %dma_start3A_813 : memref<1x!tpu.dma_semaphore, #tpu.memory_space<semaphore_mem>> -> memref<!tpu.dma_semaphore, #tpu.memory_space<semaphore_mem>>
      %dma_start3A_815 = arith.constant 0 : i32
      %dma_start3A_816 = arith.constant 0 : i32
      %dma_start3A_817 = tpu.memref_slice %arg8[%dma_start3A_805, %dma_start3A_815, %dma_start3A_816] : memref<2x1x128xi32, #tpu.memory_space<vmem>> -> memref<1x1x128xi32, #tpu.memory_space<vmem>>
      %dma_start3A_818 = tpu.memref_squeeze %dma_start3A_817 : memref<1x1x128xi32, #tpu.memory_space<vmem>> -> memref<1x128xi32, #tpu.memory_space<vmem>>
      %dma_start3A_819 = arith.constant 0 : i32
      %dma_start3A_820 = tpu.memref_slice %arg4[%add3A_804, %dma_start3A_819] : memref<2560x128xi32, #tpu.memory_space<hbm>> -> memref<1x128xi32, #tpu.memory_space<hbm>>
      tpu.enqueue_dma source(%dma_start3A_820 : memref<1x128xi32, #tpu.memory_space<hbm>>) target(%dma_start3A_818 : memref<1x128xi32, #tpu.memory_space<vmem>>) target_semaphore(%dma_start3A_814 : memref<!tpu.dma_semaphore, #tpu.memory_space<semaphore_mem>>)
      %add3A_821 = arith.constant 1 : i32
      %add3A_822 = arith.addi %add3A_785, %add3A_821 : i32
      %dma_start3A_823 = arith.constant 1 : i32
      %dma_start3A_824 = arith.constant 1 : i32
      %dma_start3A_825 = arith.constant 0 : i32
      %dma_start3A_826 = arith.constant 0 : i32
      %dma_start3A_827 = tpu.memref_slice %arg7[%dma_start3A_823, %dma_start3A_825, %dma_start3A_826] : memref<2x1x128xi32, #tpu.memory_space<vmem>> -> memref<1x1x128xi32, #tpu.memory_space<vmem>>
      %dma_start3A_828 = tpu.memref_squeeze %dma_start3A_827 : memref<1x1x128xi32, #tpu.memory_space<vmem>> -> memref<1x128xi32, #tpu.memory_space<vmem>>
      %dma_start3A_829 = arith.constant 0 : i32
      %dma_start3A_830 = tpu.memref_slice %arg3[%add3A_822, %dma_start3A_829] : memref<2560x128xi32, #tpu.memory_space<hbm>> -> memref<1x128xi32, #tpu.memory_space<hbm>>
      %dma_start3A_831 = tpu.memref_slice %arg12[%dma_start3A_824] : memref<2x!tpu.dma_semaphore, #tpu.memory_space<semaphore_mem>> -> memref<1x!tpu.dma_semaphore, #tpu.memory_space<semaphore_mem>>
      %dma_start3A_832 = tpu.memref_squeeze %dma_start3A_831 : memref<1x!tpu.dma_semaphore, #tpu.memory_space<semaphore_mem>> -> memref<!tpu.dma_semaphore, #tpu.memory_space<semaphore_mem>>
      %dma_start3A_833 = arith.constant 0 : i32
      %dma_start3A_834 = arith.constant 0 : i32
      %dma_start3A_835 = tpu.memref_slice %arg7[%dma_start3A_823, %dma_start3A_833, %dma_start3A_834] : memref<2x1x128xi32, #tpu.memory_space<vmem>> -> memref<1x1x128xi32, #tpu.memory_space<vmem>>
      %dma_start3A_836 = tpu.memref_squeeze %dma_start3A_835 : memref<1x1x128xi32, #tpu.memory_space<vmem>> -> memref<1x128xi32, #tpu.memory_space<vmem>>
      %dma_start3A_837 = arith.constant 0 : i32
      %dma_start3A_838 = tpu.memref_slice %arg3[%add3A_822, %dma_start3A_837] : memref<2560x128xi32, #tpu.memory_space<hbm>> -> memref<1x128xi32, #tpu.memory_space<hbm>>
      tpu.enqueue_dma source(%dma_start3A_838 : memref<1x128xi32, #tpu.memory_space<hbm>>) target(%dma_start3A_836 : memref<1x128xi32, #tpu.memory_space<vmem>>) target_semaphore(%dma_start3A_832 : memref<!tpu.dma_semaphore, #tpu.memory_space<semaphore_mem>>)
      %add3A_839 = arith.constant 1 : i32
      %add3A_840 = arith.addi %add3A_785, %add3A_839 : i32
      %dma_start3A_841 = arith.constant 1 : i32
      %dma_start3A_842 = arith.constant 1 : i32
      %dma_start3A_843 = arith.constant 0 : i32
      %dma_start3A_844 = arith.constant 0 : i32
      %dma_start3A_845 = tpu.memref_slice %arg8[%dma_start3A_841, %dma_start3A_843, %dma_start3A_844] : memref<2x1x128xi32, #tpu.memory_space<vmem>> -> memref<1x1x128xi32, #tpu.memory_space<vmem>>
      %dma_start3A_846 = tpu.memref_squeeze %dma_start3A_845 : memref<1x1x128xi32, #tpu.memory_space<vmem>> -> memref<1x128xi32, #tpu.memory_space<vmem>>
      %dma_start3A_847 = arith.constant 0 : i32
      %dma_start3A_848 = tpu.memref_slice %arg4[%add3A_840, %dma_start3A_847] : memref<2560x128xi32, #tpu.memory_space<hbm>> -> memref<1x128xi32, #tpu.memory_space<hbm>>
      %dma_start3A_849 = tpu.memref_slice %arg12[%dma_start3A_842] : memref<2x!tpu.dma_semaphore, #tpu.memory_space<semaphore_mem>> -> memref<1x!tpu.dma_semaphore, #tpu.memory_space<semaphore_mem>>
      %dma_start3A_850 = tpu.memref_squeeze %dma_start3A_849 : memref<1x!tpu.dma_semaphore, #tpu.memory_space<semaphore_mem>> -> memref<!tpu.dma_semaphore, #tpu.memory_space<semaphore_mem>>
      %dma_start3A_851 = arith.constant 0 : i32
      %dma_start3A_852 = arith.constant 0 : i32
      %dma_start3A_853 = tpu.memref_slice %arg8[%dma_start3A_841, %dma_start3A_851, %dma_start3A_852] : memref<2x1x128xi32, #tpu.memory_space<vmem>> -> memref<1x1x128xi32, #tpu.memory_space<vmem>>
      %dma_start3A_854 = tpu.memref_squeeze %dma_start3A_853 : memref<1x1x128xi32, #tpu.memory_space<vmem>> -> memref<1x128xi32, #tpu.memory_space<vmem>>
      %dma_start3A_855 = arith.constant 0 : i32
      %dma_start3A_856 = tpu.memref_slice %arg4[%add3A_840, %dma_start3A_855] : memref<2560x128xi32, #tpu.memory_space<hbm>> -> memref<1x128xi32, #tpu.memory_space<hbm>>
      tpu.enqueue_dma source(%dma_start3A_856 : memref<1x128xi32, #tpu.memory_space<hbm>>) target(%dma_start3A_854 : memref<1x128xi32, #tpu.memory_space<vmem>>) target_semaphore(%dma_start3A_850 : memref<!tpu.dma_semaphore, #tpu.memory_space<semaphore_mem>>)
      %dma_wait3A = arith.constant 0 : i32
      %dma_wait3A_857 = arith.constant 0 : i32
      %dma_wait3A_858 = arith.constant 0 : i32
      %dma_wait3A_859 = arith.constant 0 : i32
      %dma_wait3A_860 = tpu.memref_slice %arg7[%dma_wait3A, %dma_wait3A_858, %dma_wait3A_859] : memref<2x1x128xi32, #tpu.memory_space<vmem>> -> memref<1x1x128xi32, #tpu.memory_space<vmem>>
      %dma_wait3A_861 = tpu.memref_squeeze %dma_wait3A_860 : memref<1x1x128xi32, #tpu.memory_space<vmem>> -> memref<1x128xi32, #tpu.memory_space<vmem>>
      %dma_wait3A_862 = arith.constant 0 : i32
      %dma_wait3A_863 = tpu.memref_slice %arg3[%add3A_785, %dma_wait3A_862] : memref<2560x128xi32, #tpu.memory_space<hbm>> -> memref<1x128xi32, #tpu.memory_space<hbm>>
      %dma_wait3A_864 = tpu.memref_slice %arg12[%dma_wait3A_857] : memref<2x!tpu.dma_semaphore, #tpu.memory_space<semaphore_mem>> -> memref<1x!tpu.dma_semaphore, #tpu.memory_space<semaphore_mem>>
      %dma_wait3A_865 = tpu.memref_squeeze %dma_wait3A_864 : memref<1x!tpu.dma_semaphore, #tpu.memory_space<semaphore_mem>> -> memref<!tpu.dma_semaphore, #tpu.memory_space<semaphore_mem>>
      %dma_wait3A_866 = arith.constant 0 : i32
      %dma_wait3A_867 = arith.constant 0 : i32
      %dma_wait3A_868 = tpu.memref_slice %arg7[%dma_wait3A, %dma_wait3A_866, %dma_wait3A_867] : memref<2x1x128xi32, #tpu.memory_space<vmem>> -> memref<1x1x128xi32, #tpu.memory_space<vmem>>
      %dma_wait3A_869 = tpu.memref_squeeze %dma_wait3A_868 : memref<1x1x128xi32, #tpu.memory_space<vmem>> -> memref<1x128xi32, #tpu.memory_space<vmem>>
      %dma_wait3A_870 = arith.constant 0 : i32
      %dma_wait3A_871 = tpu.memref_slice %arg3[%add3A_785, %dma_wait3A_870] : memref<2560x128xi32, #tpu.memory_space<hbm>> -> memref<1x128xi32, #tpu.memory_space<hbm>>
      tpu.wait_dma2 semaphore(%dma_wait3A_865 : memref<!tpu.dma_semaphore, #tpu.memory_space<semaphore_mem>>) src(%dma_wait3A_871 : memref<1x128xi32, #tpu.memory_space<hbm>>) dst(%dma_wait3A_869 : memref<1x128xi32, #tpu.memory_space<vmem>>)
      %dma_wait3A_872 = arith.constant 0 : i32
      %dma_wait3A_873 = arith.constant 0 : i32
      %dma_wait3A_874 = arith.constant 0 : i32
      %dma_wait3A_875 = arith.constant 0 : i32
      %dma_wait3A_876 = tpu.memref_slice %arg8[%dma_wait3A_872, %dma_wait3A_874, %dma_wait3A_875] : memref<2x1x128xi32, #tpu.memory_space<vmem>> -> memref<1x1x128xi32, #tpu.memory_space<vmem>>
      %dma_wait3A_877 = tpu.memref_squeeze %dma_wait3A_876 : memref<1x1x128xi32, #tpu.memory_space<vmem>> -> memref<1x128xi32, #tpu.memory_space<vmem>>
      %dma_wait3A_878 = arith.constant 0 : i32
      %dma_wait3A_879 = tpu.memref_slice %arg4[%add3A_785, %dma_wait3A_878] : memref<2560x128xi32, #tpu.memory_space<hbm>> -> memref<1x128xi32, #tpu.memory_space<hbm>>
      %dma_wait3A_880 = tpu.memref_slice %arg12[%dma_wait3A_873] : memref<2x!tpu.dma_semaphore, #tpu.memory_space<semaphore_mem>> -> memref<1x!tpu.dma_semaphore, #tpu.memory_space<semaphore_mem>>
      %dma_wait3A_881 = tpu.memref_squeeze %dma_wait3A_880 : memref<1x!tpu.dma_semaphore, #tpu.memory_space<semaphore_mem>> -> memref<!tpu.dma_semaphore, #tpu.memory_space<semaphore_mem>>
      %dma_wait3A_882 = arith.constant 0 : i32
      %dma_wait3A_883 = arith.constant 0 : i32
      %dma_wait3A_884 = tpu.memref_slice %arg8[%dma_wait3A_872, %dma_wait3A_882, %dma_wait3A_883] : memref<2x1x128xi32, #tpu.memory_space<vmem>> -> memref<1x1x128xi32, #tpu.memory_space<vmem>>
      %dma_wait3A_885 = tpu.memref_squeeze %dma_wait3A_884 : memref<1x1x128xi32, #tpu.memory_space<vmem>> -> memref<1x128xi32, #tpu.memory_space<vmem>>
      %dma_wait3A_886 = arith.constant 0 : i32
      %dma_wait3A_887 = tpu.memref_slice %arg4[%add3A_785, %dma_wait3A_886] : memref<2560x128xi32, #tpu.memory_space<hbm>> -> memref<1x128xi32, #tpu.memory_space<hbm>>
      tpu.wait_dma2 semaphore(%dma_wait3A_881 : memref<!tpu.dma_semaphore, #tpu.memory_space<semaphore_mem>>) src(%dma_wait3A_887 : memref<1x128xi32, #tpu.memory_space<hbm>>) dst(%dma_wait3A_885 : memref<1x128xi32, #tpu.memory_space<vmem>>)
      %dma_start3A_888 = arith.constant 0 : i32
      %dma_start3A_889 = arith.constant 0 : i32
      %dma_start3A_890 = arith.constant 0 : i32
      %dma_start3A_891 = arith.constant 0 : i32
      %dma_start3A_892 = arith.constant 0 : i32
      %dma_start3A_893 = arith.constant 0 : i32
      %dma_start3A_894 = tpu.memref_slice %arg9[%dma_start3A_890, %dma_start3A_892, %dma_start3A_893] : memref<2x128x128xf32, #tpu.memory_space<vmem>> -> memref<1x128x128xf32, #tpu.memory_space<vmem>>
      %dma_start3A_895 = tpu.memref_squeeze %dma_start3A_894 : memref<1x128x128xf32, #tpu.memory_space<vmem>> -> memref<128x128xf32, #tpu.memory_space<vmem>>
      %dma_start3A_896 = arith.constant 0 : i32
      %dma_start3A_897 = tpu.memref_slice %arg7[%dma_start3A_888, %dma_start3A_889, %dma_start3A_896] : memref<2x1x128xi32, #tpu.memory_space<vmem>> -> memref<1x1x128xi32, #tpu.memory_space<vmem>>
      %dma_start3A_898 = tpu.memref_squeeze %dma_start3A_897 : memref<1x1x128xi32, #tpu.memory_space<vmem>> -> memref<128xi32, #tpu.memory_space<vmem>>
      %dma_start3A_899 = arith.constant 0 : i32
      %dma_start3A_900 = arith.constant 0 : i32
      %dma_start3A_901 = tpu.memref_slice %arg2[%dma_start3A_899, %dma_start3A_900] : memref<10000x128xf32, #tpu.memory_space<hbm>> -> memref<10000x128xf32, #tpu.memory_space<hbm>>
      %dma_start3A_902 = tpu.memref_slice %arg11[%dma_start3A_891] : memref<2x!tpu.dma_semaphore, #tpu.memory_space<semaphore_mem>> -> memref<1x!tpu.dma_semaphore, #tpu.memory_space<semaphore_mem>>
      %dma_start3A_903 = tpu.memref_squeeze %dma_start3A_902 : memref<1x!tpu.dma_semaphore, #tpu.memory_space<semaphore_mem>> -> memref<!tpu.dma_semaphore, #tpu.memory_space<semaphore_mem>>
      tpu.enqueue_indirect_dma source(%dma_start3A_901 : memref<10000x128xf32, #tpu.memory_space<hbm>>) target(%dma_start3A_895 : memref<128x128xf32, #tpu.memory_space<vmem>>) offsets(%dma_start3A_898 : memref<128xi32, #tpu.memory_space<vmem>>) semaphore(%dma_start3A_903 : memref<!tpu.dma_semaphore, #tpu.memory_space<semaphore_mem>>)
      %scan3A_904 = arith.constant 0 : i32
      %scan3A_905 = arith.constant 17 : i32
      %scan3A_906 = arith.addi %scan3A_904, %scan3A_905 : i32
      %scan3A_907 = arith.constant 1 : i32
      scf.for %scan3A_909 = %scan3A_904 to %scan3A_906 step %scan3A_907  : i32 {
        %mul3A_910 = arith.constant 1 : i32
        %mul3A_911 = arith.muli %scan3A_909, %mul3A_910 : i32
        %add3A_912 = arith.constant 0 : i32
        %add3A_913 = arith.addi %add3A_912, %mul3A_911 : i32
        %mul3A_914 = arith.constant 2 : i32
        %mul3A_915 = arith.muli %add3A_913, %mul3A_914 : i32
        %add3A_916 = arith.constant 0 : i32
        %add3A_917 = arith.addi %mul3A_915, %add3A_916 : i32
        %add3A_918 = arith.constant 1 : i32
        %add3A_919 = arith.addi %add3A_917, %add3A_918 : i32
        %lt3A = arith.constant 34 : i32
        %lt3A_920 = arith.cmpi slt, %add3A_919, %lt3A : i32
        %convert_element_type3A_921 = arith.extui %lt3A_920 : i1 to i32
        %cond3A_922 = arith.constant 0 : i32
        %cond3A_923 = arith.cmpi ne, %convert_element_type3A_921, %cond3A_922 : i32
        scf.if %cond3A_923 {
          %dma_wait3A_984 = arith.constant 1 : i32
          %dma_wait3A_985 = arith.constant 1 : i32
          %dma_wait3A_986 = arith.constant 0 : i32
          %dma_wait3A_987 = arith.constant 0 : i32
          %dma_wait3A_988 = tpu.memref_slice %arg7[%dma_wait3A_984, %dma_wait3A_986, %dma_wait3A_987] : memref<2x1x128xi32, #tpu.memory_space<vmem>> -> memref<1x1x128xi32, #tpu.memory_space<vmem>>
          %dma_wait3A_989 = tpu.memref_squeeze %dma_wait3A_988 : memref<1x1x128xi32, #tpu.memory_space<vmem>> -> memref<1x128xi32, #tpu.memory_space<vmem>>
          %dma_wait3A_990 = arith.constant 0 : i32
          %dma_wait3A_991 = tpu.memref_slice %arg3[%add3A_785, %dma_wait3A_990] : memref<2560x128xi32, #tpu.memory_space<hbm>> -> memref<1x128xi32, #tpu.memory_space<hbm>>
          %dma_wait3A_992 = tpu.memref_slice %arg12[%dma_wait3A_985] : memref<2x!tpu.dma_semaphore, #tpu.memory_space<semaphore_mem>> -> memref<1x!tpu.dma_semaphore, #tpu.memory_space<semaphore_mem>>
          %dma_wait3A_993 = tpu.memref_squeeze %dma_wait3A_992 : memref<1x!tpu.dma_semaphore, #tpu.memory_space<semaphore_mem>> -> memref<!tpu.dma_semaphore, #tpu.memory_space<semaphore_mem>>
          %dma_wait3A_994 = arith.constant 0 : i32
          %dma_wait3A_995 = arith.constant 0 : i32
          %dma_wait3A_996 = tpu.memref_slice %arg7[%dma_wait3A_984, %dma_wait3A_994, %dma_wait3A_995] : memref<2x1x128xi32, #tpu.memory_space<vmem>> -> memref<1x1x128xi32, #tpu.memory_space<vmem>>
          %dma_wait3A_997 = tpu.memref_squeeze %dma_wait3A_996 : memref<1x1x128xi32, #tpu.memory_space<vmem>> -> memref<1x128xi32, #tpu.memory_space<vmem>>
          %dma_wait3A_998 = arith.constant 0 : i32
          %dma_wait3A_999 = tpu.memref_slice %arg3[%add3A_785, %dma_wait3A_998] : memref<2560x128xi32, #tpu.memory_space<hbm>> -> memref<1x128xi32, #tpu.memory_space<hbm>>
          tpu.wait_dma2 semaphore(%dma_wait3A_993 : memref<!tpu.dma_semaphore, #tpu.memory_space<semaphore_mem>>) src(%dma_wait3A_999 : memref<1x128xi32, #tpu.memory_space<hbm>>) dst(%dma_wait3A_997 : memref<1x128xi32, #tpu.memory_space<vmem>>)
          %dma_wait3A_1000 = arith.constant 1 : i32
          %dma_wait3A_1001 = arith.constant 1 : i32
          %dma_wait3A_1002 = arith.constant 0 : i32
          %dma_wait3A_1003 = arith.constant 0 : i32
          %dma_wait3A_1004 = tpu.memref_slice %arg8[%dma_wait3A_1000, %dma_wait3A_1002, %dma_wait3A_1003] : memref<2x1x128xi32, #tpu.memory_space<vmem>> -> memref<1x1x128xi32, #tpu.memory_space<vmem>>
          %dma_wait3A_1005 = tpu.memref_squeeze %dma_wait3A_1004 : memref<1x1x128xi32, #tpu.memory_space<vmem>> -> memref<1x128xi32, #tpu.memory_space<vmem>>
          %dma_wait3A_1006 = arith.constant 0 : i32
          %dma_wait3A_1007 = tpu.memref_slice %arg4[%add3A_785, %dma_wait3A_1006] : memref<2560x128xi32, #tpu.memory_space<hbm>> -> memref<1x128xi32, #tpu.memory_space<hbm>>
          %dma_wait3A_1008 = tpu.memref_slice %arg12[%dma_wait3A_1001] : memref<2x!tpu.dma_semaphore, #tpu.memory_space<semaphore_mem>> -> memref<1x!tpu.dma_semaphore, #tpu.memory_space<semaphore_mem>>
          %dma_wait3A_1009 = tpu.memref_squeeze %dma_wait3A_1008 : memref<1x!tpu.dma_semaphore, #tpu.memory_space<semaphore_mem>> -> memref<!tpu.dma_semaphore, #tpu.memory_space<semaphore_mem>>
          %dma_wait3A_1010 = arith.constant 0 : i32
          %dma_wait3A_1011 = arith.constant 0 : i32
          %dma_wait3A_1012 = tpu.memref_slice %arg8[%dma_wait3A_1000, %dma_wait3A_1010, %dma_wait3A_1011] : memref<2x1x128xi32, #tpu.memory_space<vmem>> -> memref<1x1x128xi32, #tpu.memory_space<vmem>>
          %dma_wait3A_1013 = tpu.memref_squeeze %dma_wait3A_1012 : memref<1x1x128xi32, #tpu.memory_space<vmem>> -> memref<1x128xi32, #tpu.memory_space<vmem>>
          %dma_wait3A_1014 = arith.constant 0 : i32
          %dma_wait3A_1015 = tpu.memref_slice %arg4[%add3A_785, %dma_wait3A_1014] : memref<2560x128xi32, #tpu.memory_space<hbm>> -> memref<1x128xi32, #tpu.memory_space<hbm>>
          tpu.wait_dma2 semaphore(%dma_wait3A_1009 : memref<!tpu.dma_semaphore, #tpu.memory_space<semaphore_mem>>) src(%dma_wait3A_1015 : memref<1x128xi32, #tpu.memory_space<hbm>>) dst(%dma_wait3A_1013 : memref<1x128xi32, #tpu.memory_space<vmem>>)
          %dma_start3A_1016 = arith.constant 1 : i32
          %dma_start3A_1017 = arith.constant 0 : i32
          %dma_start3A_1018 = arith.constant 1 : i32
          %dma_start3A_1019 = arith.constant 1 : i32
          %dma_start3A_1020 = arith.constant 0 : i32
          %dma_start3A_1021 = arith.constant 0 : i32
          %dma_start3A_1022 = tpu.memref_slice %arg9[%dma_start3A_1018, %dma_start3A_1020, %dma_start3A_1021] : memref<2x128x128xf32, #tpu.memory_space<vmem>> -> memref<1x128x128xf32, #tpu.memory_space<vmem>>
          %dma_start3A_1023 = tpu.memref_squeeze %dma_start3A_1022 : memref<1x128x128xf32, #tpu.memory_space<vmem>> -> memref<128x128xf32, #tpu.memory_space<vmem>>
          %dma_start3A_1024 = arith.constant 0 : i32
          %dma_start3A_1025 = tpu.memref_slice %arg7[%dma_start3A_1016, %dma_start3A_1017, %dma_start3A_1024] : memref<2x1x128xi32, #tpu.memory_space<vmem>> -> memref<1x1x128xi32, #tpu.memory_space<vmem>>
          %dma_start3A_1026 = tpu.memref_squeeze %dma_start3A_1025 : memref<1x1x128xi32, #tpu.memory_space<vmem>> -> memref<128xi32, #tpu.memory_space<vmem>>
          %dma_start3A_1027 = arith.constant 0 : i32
          %dma_start3A_1028 = arith.constant 0 : i32
          %dma_start3A_1029 = tpu.memref_slice %arg2[%dma_start3A_1027, %dma_start3A_1028] : memref<10000x128xf32, #tpu.memory_space<hbm>> -> memref<10000x128xf32, #tpu.memory_space<hbm>>
          %dma_start3A_1030 = tpu.memref_slice %arg11[%dma_start3A_1019] : memref<2x!tpu.dma_semaphore, #tpu.memory_space<semaphore_mem>> -> memref<1x!tpu.dma_semaphore, #tpu.memory_space<semaphore_mem>>
          %dma_start3A_1031 = tpu.memref_squeeze %dma_start3A_1030 : memref<1x!tpu.dma_semaphore, #tpu.memory_space<semaphore_mem>> -> memref<!tpu.dma_semaphore, #tpu.memory_space<semaphore_mem>>
          tpu.enqueue_indirect_dma source(%dma_start3A_1029 : memref<10000x128xf32, #tpu.memory_space<hbm>>) target(%dma_start3A_1023 : memref<128x128xf32, #tpu.memory_space<vmem>>) offsets(%dma_start3A_1026 : memref<128xi32, #tpu.memory_space<vmem>>) semaphore(%dma_start3A_1031 : memref<!tpu.dma_semaphore, #tpu.memory_space<semaphore_mem>>)
        } else {
        }
        %dma_wait3A_924 = arith.constant 0 : i32
        %dma_wait3A_925 = arith.constant 0 : i32
        %dma_wait3A_926 = arith.constant 0 : i32
        %dma_wait3A_927 = arith.constant 0 : i32
        %dma_wait3A_928 = arith.constant 0 : i32
        %dma_wait3A_929 = arith.constant 0 : i32
        %dma_wait3A_930 = tpu.memref_slice %arg9[%dma_wait3A_926, %dma_wait3A_928, %dma_wait3A_929] : memref<2x128x128xf32, #tpu.memory_space<vmem>> -> memref<1x128x128xf32, #tpu.memory_space<vmem>>
        %dma_wait3A_931 = tpu.memref_squeeze %dma_wait3A_930 : memref<1x128x128xf32, #tpu.memory_space<vmem>> -> memref<128x128xf32, #tpu.memory_space<vmem>>
        %dma_wait3A_932 = arith.constant 0 : i32
        %dma_wait3A_933 = tpu.memref_slice %arg7[%dma_wait3A_924, %dma_wait3A_925, %dma_wait3A_932] : memref<2x1x128xi32, #tpu.memory_space<vmem>> -> memref<1x1x128xi32, #tpu.memory_space<vmem>>
        %dma_wait3A_934 = tpu.memref_squeeze %dma_wait3A_933 : memref<1x1x128xi32, #tpu.memory_space<vmem>> -> memref<128xi32, #tpu.memory_space<vmem>>
        %dma_wait3A_935 = arith.constant 0 : i32
        %dma_wait3A_936 = arith.constant 0 : i32
        %dma_wait3A_937 = tpu.memref_slice %arg2[%dma_wait3A_935, %dma_wait3A_936] : memref<10000x128xf32, #tpu.memory_space<hbm>> -> memref<10000x128xf32, #tpu.memory_space<hbm>>
        %dma_wait3A_938 = tpu.memref_slice %arg11[%dma_wait3A_927] : memref<2x!tpu.dma_semaphore, #tpu.memory_space<semaphore_mem>> -> memref<1x!tpu.dma_semaphore, #tpu.memory_space<semaphore_mem>>
        %dma_wait3A_939 = tpu.memref_squeeze %dma_wait3A_938 : memref<1x!tpu.dma_semaphore, #tpu.memory_space<semaphore_mem>> -> memref<!tpu.dma_semaphore, #tpu.memory_space<semaphore_mem>>
        tpu.wait_indirect_dma semaphore(%dma_wait3A_939 : memref<!tpu.dma_semaphore, #tpu.memory_space<semaphore_mem>>) src(%dma_wait3A_937 : memref<10000x128xf32, #tpu.memory_space<hbm>>) dst(%dma_wait3A_931 : memref<128x128xf32, #tpu.memory_space<vmem>>)
        %run_scoped3A = arith.constant 0 : i32
        %run_scoped3A_940 = arith.constant 0 : i32
        %run_scoped3A_941 = arith.constant 0 : i32
        "tpu.region"() ({
          %run_scoped3A_984 = tpu.sem_alloc : memref<!tpu.dma_semaphore, #tpu.memory_space<semaphore_mem>>
          %dma_start3A_985 = arith.constant 0 : i32
          %dma_start3A_986 = arith.constant 0 : i32
          %dma_start3A_987 = tpu.memref_slice %arg9[%run_scoped3A, %dma_start3A_985, %dma_start3A_986] : memref<2x128x128xf32, #tpu.memory_space<vmem>> -> memref<1x128x128xf32, #tpu.memory_space<vmem>>
          %dma_start3A_988 = tpu.memref_squeeze %dma_start3A_987 : memref<1x128x128xf32, #tpu.memory_space<vmem>> -> memref<128x128xf32, #tpu.memory_space<vmem>>
          %dma_start3A_989 = arith.constant 0 : i32
          %dma_start3A_990 = tpu.memref_slice %arg8[%run_scoped3A_940, %run_scoped3A_941, %dma_start3A_989] : memref<2x1x128xi32, #tpu.memory_space<vmem>> -> memref<1x1x128xi32, #tpu.memory_space<vmem>>
          %dma_start3A_991 = tpu.memref_squeeze %dma_start3A_990 : memref<1x1x128xi32, #tpu.memory_space<vmem>> -> memref<128xi32, #tpu.memory_space<vmem>>
          %dma_start3A_992 = arith.constant 0 : i32
          %dma_start3A_993 = arith.constant 0 : i32
          %dma_start3A_994 = tpu.memref_slice %arg6[%dma_start3A_992, %dma_start3A_993] : memref<10240x128xf32, #tpu.memory_space<vmem_shared>> -> memref<10240x128xf32, #tpu.memory_space<vmem_shared>>
          tpu.enqueue_indirect_dma source(%dma_start3A_988 : memref<128x128xf32, #tpu.memory_space<vmem>>) target(%dma_start3A_994 : memref<10240x128xf32, #tpu.memory_space<vmem_shared>>) offsets(%dma_start3A_991 : memref<128xi32, #tpu.memory_space<vmem>>) semaphore(%run_scoped3A_984 : memref<!tpu.dma_semaphore, #tpu.memory_space<semaphore_mem>>) {add = true}
          %dma_wait3A_995 = arith.constant 0 : i32
          %dma_wait3A_996 = arith.constant 0 : i32
          %dma_wait3A_997 = tpu.memref_slice %arg9[%run_scoped3A, %dma_wait3A_995, %dma_wait3A_996] : memref<2x128x128xf32, #tpu.memory_space<vmem>> -> memref<1x128x128xf32, #tpu.memory_space<vmem>>
          %dma_wait3A_998 = tpu.memref_squeeze %dma_wait3A_997 : memref<1x128x128xf32, #tpu.memory_space<vmem>> -> memref<128x128xf32, #tpu.memory_space<vmem>>
          %dma_wait3A_999 = arith.constant 0 : i32
          %dma_wait3A_1000 = tpu.memref_slice %arg8[%run_scoped3A_940, %run_scoped3A_941, %dma_wait3A_999] : memref<2x1x128xi32, #tpu.memory_space<vmem>> -> memref<1x1x128xi32, #tpu.memory_space<vmem>>
          %dma_wait3A_1001 = tpu.memref_squeeze %dma_wait3A_1000 : memref<1x1x128xi32, #tpu.memory_space<vmem>> -> memref<128xi32, #tpu.memory_space<vmem>>
          %dma_wait3A_1002 = arith.constant 0 : i32
          %dma_wait3A_1003 = arith.constant 0 : i32
          %dma_wait3A_1004 = tpu.memref_slice %arg6[%dma_wait3A_1002, %dma_wait3A_1003] : memref<10240x128xf32, #tpu.memory_space<vmem_shared>> -> memref<10240x128xf32, #tpu.memory_space<vmem_shared>>
          tpu.wait_indirect_dma semaphore(%run_scoped3A_984 : memref<!tpu.dma_semaphore, #tpu.memory_space<semaphore_mem>>) src(%dma_wait3A_998 : memref<128x128xf32, #tpu.memory_space<vmem>>) dst(%dma_wait3A_1004 : memref<10240x128xf32, #tpu.memory_space<vmem_shared>>)
          tpu.yield
        }) : () -> ()
        %add3A_942 = arith.constant 2 : i32
        %add3A_943 = arith.addi %add3A_917, %add3A_942 : i32
        %lt3A_944 = arith.constant 34 : i32
        %lt3A_945 = arith.cmpi slt, %add3A_943, %lt3A_944 : i32
        %convert_element_type3A_946 = arith.extui %lt3A_945 : i1 to i32
        %cond3A_947 = arith.constant 0 : i32
        %cond3A_948 = arith.cmpi ne, %convert_element_type3A_946, %cond3A_947 : i32
        scf.if %cond3A_948 {
          %add3A_984 = arith.constant 2 : i32
          %add3A_985 = arith.addi %add3A_917, %add3A_984 : i32
          %add3A_986 = arith.addi %add3A_785, %add3A_985 : i32
          %dma_start3A_987 = arith.constant 0 : i32
          %dma_start3A_988 = arith.constant 0 : i32
          %dma_start3A_989 = arith.constant 0 : i32
          %dma_start3A_990 = arith.constant 0 : i32
          %dma_start3A_991 = tpu.memref_slice %arg7[%dma_start3A_987, %dma_start3A_989, %dma_start3A_990] : memref<2x1x128xi32, #tpu.memory_space<vmem>> -> memref<1x1x128xi32, #tpu.memory_space<vmem>>
          %dma_start3A_992 = tpu.memref_squeeze %dma_start3A_991 : memref<1x1x128xi32, #tpu.memory_space<vmem>> -> memref<1x128xi32, #tpu.memory_space<vmem>>
          %dma_start3A_993 = arith.constant 0 : i32
          %dma_start3A_994 = tpu.memref_slice %arg3[%add3A_986, %dma_start3A_993] : memref<2560x128xi32, #tpu.memory_space<hbm>> -> memref<1x128xi32, #tpu.memory_space<hbm>>
          %dma_start3A_995 = tpu.memref_slice %arg12[%dma_start3A_988] : memref<2x!tpu.dma_semaphore, #tpu.memory_space<semaphore_mem>> -> memref<1x!tpu.dma_semaphore, #tpu.memory_space<semaphore_mem>>
          %dma_start3A_996 = tpu.memref_squeeze %dma_start3A_995 : memref<1x!tpu.dma_semaphore, #tpu.memory_space<semaphore_mem>> -> memref<!tpu.dma_semaphore, #tpu.memory_space<semaphore_mem>>
          %dma_start3A_997 = arith.constant 0 : i32
          %dma_start3A_998 = arith.constant 0 : i32
          %dma_start3A_999 = tpu.memref_slice %arg7[%dma_start3A_987, %dma_start3A_997, %dma_start3A_998] : memref<2x1x128xi32, #tpu.memory_space<vmem>> -> memref<1x1x128xi32, #tpu.memory_space<vmem>>
          %dma_start3A_1000 = tpu.memref_squeeze %dma_start3A_999 : memref<1x1x128xi32, #tpu.memory_space<vmem>> -> memref<1x128xi32, #tpu.memory_space<vmem>>
          %dma_start3A_1001 = arith.constant 0 : i32
          %dma_start3A_1002 = tpu.memref_slice %arg3[%add3A_986, %dma_start3A_1001] : memref<2560x128xi32, #tpu.memory_space<hbm>> -> memref<1x128xi32, #tpu.memory_space<hbm>>
          tpu.enqueue_dma source(%dma_start3A_1002 : memref<1x128xi32, #tpu.memory_space<hbm>>) target(%dma_start3A_1000 : memref<1x128xi32, #tpu.memory_space<vmem>>) target_semaphore(%dma_start3A_996 : memref<!tpu.dma_semaphore, #tpu.memory_space<semaphore_mem>>)
          %add3A_1003 = arith.addi %add3A_785, %add3A_985 : i32
          %dma_start3A_1004 = arith.constant 0 : i32
          %dma_start3A_1005 = arith.constant 0 : i32
          %dma_start3A_1006 = arith.constant 0 : i32
          %dma_start3A_1007 = arith.constant 0 : i32
          %dma_start3A_1008 = tpu.memref_slice %arg8[%dma_start3A_1004, %dma_start3A_1006, %dma_start3A_1007] : memref<2x1x128xi32, #tpu.memory_space<vmem>> -> memref<1x1x128xi32, #tpu.memory_space<vmem>>
          %dma_start3A_1009 = tpu.memref_squeeze %dma_start3A_1008 : memref<1x1x128xi32, #tpu.memory_space<vmem>> -> memref<1x128xi32, #tpu.memory_space<vmem>>
          %dma_start3A_1010 = arith.constant 0 : i32
          %dma_start3A_1011 = tpu.memref_slice %arg4[%add3A_1003, %dma_start3A_1010] : memref<2560x128xi32, #tpu.memory_space<hbm>> -> memref<1x128xi32, #tpu.memory_space<hbm>>
          %dma_start3A_1012 = tpu.memref_slice %arg12[%dma_start3A_1005] : memref<2x!tpu.dma_semaphore, #tpu.memory_space<semaphore_mem>> -> memref<1x!tpu.dma_semaphore, #tpu.memory_space<semaphore_mem>>
          %dma_start3A_1013 = tpu.memref_squeeze %dma_start3A_1012 : memref<1x!tpu.dma_semaphore, #tpu.memory_space<semaphore_mem>> -> memref<!tpu.dma_semaphore, #tpu.memory_space<semaphore_mem>>
          %dma_start3A_1014 = arith.constant 0 : i32
          %dma_start3A_1015 = arith.constant 0 : i32
          %dma_start3A_1016 = tpu.memref_slice %arg8[%dma_start3A_1004, %dma_start3A_1014, %dma_start3A_1015] : memref<2x1x128xi32, #tpu.memory_space<vmem>> -> memref<1x1x128xi32, #tpu.memory_space<vmem>>
          %dma_start3A_1017 = tpu.memref_squeeze %dma_start3A_1016 : memref<1x1x128xi32, #tpu.memory_space<vmem>> -> memref<1x128xi32, #tpu.memory_space<vmem>>
          %dma_start3A_1018 = arith.constant 0 : i32
          %dma_start3A_1019 = tpu.memref_slice %arg4[%add3A_1003, %dma_start3A_1018] : memref<2560x128xi32, #tpu.memory_space<hbm>> -> memref<1x128xi32, #tpu.memory_space<hbm>>
          tpu.enqueue_dma source(%dma_start3A_1019 : memref<1x128xi32, #tpu.memory_space<hbm>>) target(%dma_start3A_1017 : memref<1x128xi32, #tpu.memory_space<vmem>>) target_semaphore(%dma_start3A_1013 : memref<!tpu.dma_semaphore, #tpu.memory_space<semaphore_mem>>)
        } else {
        }
        %add3A_949 = arith.constant 1 : i32
        %add3A_950 = arith.addi %mul3A_915, %add3A_949 : i32
        %add3A_951 = arith.constant 1 : i32
        %add3A_952 = arith.addi %add3A_950, %add3A_951 : i32
        %lt3A_953 = arith.constant 34 : i32
        %lt3A_954 = arith.cmpi slt, %add3A_952, %lt3A_953 : i32
        %convert_element_type3A_955 = arith.extui %lt3A_954 : i1 to i32
        %cond3A_956 = arith.constant 0 : i32
        %cond3A_957 = arith.cmpi ne, %convert_element_type3A_955, %cond3A_956 : i32
        scf.if %cond3A_957 {
          %dma_wait3A_984 = arith.constant 0 : i32
          %dma_wait3A_985 = arith.constant 0 : i32
          %dma_wait3A_986 = arith.constant 0 : i32
          %dma_wait3A_987 = arith.constant 0 : i32
          %dma_wait3A_988 = tpu.memref_slice %arg7[%dma_wait3A_984, %dma_wait3A_986, %dma_wait3A_987] : memref<2x1x128xi32, #tpu.memory_space<vmem>> -> memref<1x1x128xi32, #tpu.memory_space<vmem>>
          %dma_wait3A_989 = tpu.memref_squeeze %dma_wait3A_988 : memref<1x1x128xi32, #tpu.memory_space<vmem>> -> memref<1x128xi32, #tpu.memory_space<vmem>>
          %dma_wait3A_990 = arith.constant 0 : i32
          %dma_wait3A_991 = tpu.memref_slice %arg3[%add3A_785, %dma_wait3A_990] : memref<2560x128xi32, #tpu.memory_space<hbm>> -> memref<1x128xi32, #tpu.memory_space<hbm>>
          %dma_wait3A_992 = tpu.memref_slice %arg12[%dma_wait3A_985] : memref<2x!tpu.dma_semaphore, #tpu.memory_space<semaphore_mem>> -> memref<1x!tpu.dma_semaphore, #tpu.memory_space<semaphore_mem>>
          %dma_wait3A_993 = tpu.memref_squeeze %dma_wait3A_992 : memref<1x!tpu.dma_semaphore, #tpu.memory_space<semaphore_mem>> -> memref<!tpu.dma_semaphore, #tpu.memory_space<semaphore_mem>>
          %dma_wait3A_994 = arith.constant 0 : i32
          %dma_wait3A_995 = arith.constant 0 : i32
          %dma_wait3A_996 = tpu.memref_slice %arg7[%dma_wait3A_984, %dma_wait3A_994, %dma_wait3A_995] : memref<2x1x128xi32, #tpu.memory_space<vmem>> -> memref<1x1x128xi32, #tpu.memory_space<vmem>>
          %dma_wait3A_997 = tpu.memref_squeeze %dma_wait3A_996 : memref<1x1x128xi32, #tpu.memory_space<vmem>> -> memref<1x128xi32, #tpu.memory_space<vmem>>
          %dma_wait3A_998 = arith.constant 0 : i32
          %dma_wait3A_999 = tpu.memref_slice %arg3[%add3A_785, %dma_wait3A_998] : memref<2560x128xi32, #tpu.memory_space<hbm>> -> memref<1x128xi32, #tpu.memory_space<hbm>>
          tpu.wait_dma2 semaphore(%dma_wait3A_993 : memref<!tpu.dma_semaphore, #tpu.memory_space<semaphore_mem>>) src(%dma_wait3A_999 : memref<1x128xi32, #tpu.memory_space<hbm>>) dst(%dma_wait3A_997 : memref<1x128xi32, #tpu.memory_space<vmem>>)
          %dma_wait3A_1000 = arith.constant 0 : i32
          %dma_wait3A_1001 = arith.constant 0 : i32
          %dma_wait3A_1002 = arith.constant 0 : i32
          %dma_wait3A_1003 = arith.constant 0 : i32
          %dma_wait3A_1004 = tpu.memref_slice %arg8[%dma_wait3A_1000, %dma_wait3A_1002, %dma_wait3A_1003] : memref<2x1x128xi32, #tpu.memory_space<vmem>> -> memref<1x1x128xi32, #tpu.memory_space<vmem>>
          %dma_wait3A_1005 = tpu.memref_squeeze %dma_wait3A_1004 : memref<1x1x128xi32, #tpu.memory_space<vmem>> -> memref<1x128xi32, #tpu.memory_space<vmem>>
          %dma_wait3A_1006 = arith.constant 0 : i32
          %dma_wait3A_1007 = tpu.memref_slice %arg4[%add3A_785, %dma_wait3A_1006] : memref<2560x128xi32, #tpu.memory_space<hbm>> -> memref<1x128xi32, #tpu.memory_space<hbm>>
          %dma_wait3A_1008 = tpu.memref_slice %arg12[%dma_wait3A_1001] : memref<2x!tpu.dma_semaphore, #tpu.memory_space<semaphore_mem>> -> memref<1x!tpu.dma_semaphore, #tpu.memory_space<semaphore_mem>>
          %dma_wait3A_1009 = tpu.memref_squeeze %dma_wait3A_1008 : memref<1x!tpu.dma_semaphore, #tpu.memory_space<semaphore_mem>> -> memref<!tpu.dma_semaphore, #tpu.memory_space<semaphore_mem>>
          %dma_wait3A_1010 = arith.constant 0 : i32
          %dma_wait3A_1011 = arith.constant 0 : i32
          %dma_wait3A_1012 = tpu.memref_slice %arg8[%dma_wait3A_1000, %dma_wait3A_1010, %dma_wait3A_1011] : memref<2x1x128xi32, #tpu.memory_space<vmem>> -> memref<1x1x128xi32, #tpu.memory_space<vmem>>
          %dma_wait3A_1013 = tpu.memref_squeeze %dma_wait3A_1012 : memref<1x1x128xi32, #tpu.memory_space<vmem>> -> memref<1x128xi32, #tpu.memory_space<vmem>>
          %dma_wait3A_1014 = arith.constant 0 : i32
          %dma_wait3A_1015 = tpu.memref_slice %arg4[%add3A_785, %dma_wait3A_1014] : memref<2560x128xi32, #tpu.memory_space<hbm>> -> memref<1x128xi32, #tpu.memory_space<hbm>>
          tpu.wait_dma2 semaphore(%dma_wait3A_1009 : memref<!tpu.dma_semaphore, #tpu.memory_space<semaphore_mem>>) src(%dma_wait3A_1015 : memref<1x128xi32, #tpu.memory_space<hbm>>) dst(%dma_wait3A_1013 : memref<1x128xi32, #tpu.memory_space<vmem>>)
          %dma_start3A_1016 = arith.constant 0 : i32
          %dma_start3A_1017 = arith.constant 0 : i32
          %dma_start3A_1018 = arith.constant 0 : i32
          %dma_start3A_1019 = arith.constant 0 : i32
          %dma_start3A_1020 = arith.constant 0 : i32
          %dma_start3A_1021 = arith.constant 0 : i32
          %dma_start3A_1022 = tpu.memref_slice %arg9[%dma_start3A_1018, %dma_start3A_1020, %dma_start3A_1021] : memref<2x128x128xf32, #tpu.memory_space<vmem>> -> memref<1x128x128xf32, #tpu.memory_space<vmem>>
          %dma_start3A_1023 = tpu.memref_squeeze %dma_start3A_1022 : memref<1x128x128xf32, #tpu.memory_space<vmem>> -> memref<128x128xf32, #tpu.memory_space<vmem>>
          %dma_start3A_1024 = arith.constant 0 : i32
          %dma_start3A_1025 = tpu.memref_slice %arg7[%dma_start3A_1016, %dma_start3A_1017, %dma_start3A_1024] : memref<2x1x128xi32, #tpu.memory_space<vmem>> -> memref<1x1x128xi32, #tpu.memory_space<vmem>>
          %dma_start3A_1026 = tpu.memref_squeeze %dma_start3A_1025 : memref<1x1x128xi32, #tpu.memory_space<vmem>> -> memref<128xi32, #tpu.memory_space<vmem>>
          %dma_start3A_1027 = arith.constant 0 : i32
          %dma_start3A_1028 = arith.constant 0 : i32
          %dma_start3A_1029 = tpu.memref_slice %arg2[%dma_start3A_1027, %dma_start3A_1028] : memref<10000x128xf32, #tpu.memory_space<hbm>> -> memref<10000x128xf32, #tpu.memory_space<hbm>>
          %dma_start3A_1030 = tpu.memref_slice %arg11[%dma_start3A_1019] : memref<2x!tpu.dma_semaphore, #tpu.memory_space<semaphore_mem>> -> memref<1x!tpu.dma_semaphore, #tpu.memory_space<semaphore_mem>>
          %dma_start3A_1031 = tpu.memref_squeeze %dma_start3A_1030 : memref<1x!tpu.dma_semaphore, #tpu.memory_space<semaphore_mem>> -> memref<!tpu.dma_semaphore, #tpu.memory_space<semaphore_mem>>
          tpu.enqueue_indirect_dma source(%dma_start3A_1029 : memref<10000x128xf32, #tpu.memory_space<hbm>>) target(%dma_start3A_1023 : memref<128x128xf32, #tpu.memory_space<vmem>>) offsets(%dma_start3A_1026 : memref<128xi32, #tpu.memory_space<vmem>>) semaphore(%dma_start3A_1031 : memref<!tpu.dma_semaphore, #tpu.memory_space<semaphore_mem>>)
        } else {
        }
        %dma_wait3A_958 = arith.constant 1 : i32
        %dma_wait3A_959 = arith.constant 0 : i32
        %dma_wait3A_960 = arith.constant 1 : i32
        %dma_wait3A_961 = arith.constant 1 : i32
        %dma_wait3A_962 = arith.constant 0 : i32
        %dma_wait3A_963 = arith.constant 0 : i32
        %dma_wait3A_964 = tpu.memref_slice %arg9[%dma_wait3A_960, %dma_wait3A_962, %dma_wait3A_963] : memref<2x128x128xf32, #tpu.memory_space<vmem>> -> memref<1x128x128xf32, #tpu.memory_space<vmem>>
        %dma_wait3A_965 = tpu.memref_squeeze %dma_wait3A_964 : memref<1x128x128xf32, #tpu.memory_space<vmem>> -> memref<128x128xf32, #tpu.memory_space<vmem>>
        %dma_wait3A_966 = arith.constant 0 : i32
        %dma_wait3A_967 = tpu.memref_slice %arg7[%dma_wait3A_958, %dma_wait3A_959, %dma_wait3A_966] : memref<2x1x128xi32, #tpu.memory_space<vmem>> -> memref<1x1x128xi32, #tpu.memory_space<vmem>>
        %dma_wait3A_968 = tpu.memref_squeeze %dma_wait3A_967 : memref<1x1x128xi32, #tpu.memory_space<vmem>> -> memref<128xi32, #tpu.memory_space<vmem>>
        %dma_wait3A_969 = arith.constant 0 : i32
        %dma_wait3A_970 = arith.constant 0 : i32
        %dma_wait3A_971 = tpu.memref_slice %arg2[%dma_wait3A_969, %dma_wait3A_970] : memref<10000x128xf32, #tpu.memory_space<hbm>> -> memref<10000x128xf32, #tpu.memory_space<hbm>>
        %dma_wait3A_972 = tpu.memref_slice %arg11[%dma_wait3A_961] : memref<2x!tpu.dma_semaphore, #tpu.memory_space<semaphore_mem>> -> memref<1x!tpu.dma_semaphore, #tpu.memory_space<semaphore_mem>>
        %dma_wait3A_973 = tpu.memref_squeeze %dma_wait3A_972 : memref<1x!tpu.dma_semaphore, #tpu.memory_space<semaphore_mem>> -> memref<!tpu.dma_semaphore, #tpu.memory_space<semaphore_mem>>
        tpu.wait_indirect_dma semaphore(%dma_wait3A_973 : memref<!tpu.dma_semaphore, #tpu.memory_space<semaphore_mem>>) src(%dma_wait3A_971 : memref<10000x128xf32, #tpu.memory_space<hbm>>) dst(%dma_wait3A_965 : memref<128x128xf32, #tpu.memory_space<vmem>>)
        %run_scoped3A_974 = arith.constant 1 : i32
        %run_scoped3A_975 = arith.constant 1 : i32
        %run_scoped3A_976 = arith.constant 0 : i32
        "tpu.region"() ({
          %run_scoped3A_984 = tpu.sem_alloc : memref<!tpu.dma_semaphore, #tpu.memory_space<semaphore_mem>>
          %dma_start3A_985 = arith.constant 0 : i32
          %dma_start3A_986 = arith.constant 0 : i32
          %dma_start3A_987 = tpu.memref_slice %arg9[%run_scoped3A_974, %dma_start3A_985, %dma_start3A_986] : memref<2x128x128xf32, #tpu.memory_space<vmem>> -> memref<1x128x128xf32, #tpu.memory_space<vmem>>
          %dma_start3A_988 = tpu.memref_squeeze %dma_start3A_987 : memref<1x128x128xf32, #tpu.memory_space<vmem>> -> memref<128x128xf32, #tpu.memory_space<vmem>>
          %dma_start3A_989 = arith.constant 0 : i32
          %dma_start3A_990 = tpu.memref_slice %arg8[%run_scoped3A_975, %run_scoped3A_976, %dma_start3A_989] : memref<2x1x128xi32, #tpu.memory_space<vmem>> -> memref<1x1x128xi32, #tpu.memory_space<vmem>>
          %dma_start3A_991 = tpu.memref_squeeze %dma_start3A_990 : memref<1x1x128xi32, #tpu.memory_space<vmem>> -> memref<128xi32, #tpu.memory_space<vmem>>
          %dma_start3A_992 = arith.constant 0 : i32
          %dma_start3A_993 = arith.constant 0 : i32
          %dma_start3A_994 = tpu.memref_slice %arg6[%dma_start3A_992, %dma_start3A_993] : memref<10240x128xf32, #tpu.memory_space<vmem_shared>> -> memref<10240x128xf32, #tpu.memory_space<vmem_shared>>
          tpu.enqueue_indirect_dma source(%dma_start3A_988 : memref<128x128xf32, #tpu.memory_space<vmem>>) target(%dma_start3A_994 : memref<10240x128xf32, #tpu.memory_space<vmem_shared>>) offsets(%dma_start3A_991 : memref<128xi32, #tpu.memory_space<vmem>>) semaphore(%run_scoped3A_984 : memref<!tpu.dma_semaphore, #tpu.memory_space<semaphore_mem>>) {add = true}
          %dma_wait3A_995 = arith.constant 0 : i32
          %dma_wait3A_996 = arith.constant 0 : i32
          %dma_wait3A_997 = tpu.memref_slice %arg9[%run_scoped3A_974, %dma_wait3A_995, %dma_wait3A_996] : memref<2x128x128xf32, #tpu.memory_space<vmem>> -> memref<1x128x128xf32, #tpu.memory_space<vmem>>
          %dma_wait3A_998 = tpu.memref_squeeze %dma_wait3A_997 : memref<1x128x128xf32, #tpu.memory_space<vmem>> -> memref<128x128xf32, #tpu.memory_space<vmem>>
          %dma_wait3A_999 = arith.constant 0 : i32
          %dma_wait3A_1000 = tpu.memref_slice %arg8[%run_scoped3A_975, %run_scoped3A_976, %dma_wait3A_999] : memref<2x1x128xi32, #tpu.memory_space<vmem>> -> memref<1x1x128xi32, #tpu.memory_space<vmem>>
          %dma_wait3A_1001 = tpu.memref_squeeze %dma_wait3A_1000 : memref<1x1x128xi32, #tpu.memory_space<vmem>> -> memref<128xi32, #tpu.memory_space<vmem>>
          %dma_wait3A_1002 = arith.constant 0 : i32
          %dma_wait3A_1003 = arith.constant 0 : i32
          %dma_wait3A_1004 = tpu.memref_slice %arg6[%dma_wait3A_1002, %dma_wait3A_1003] : memref<10240x128xf32, #tpu.memory_space<vmem_shared>> -> memref<10240x128xf32, #tpu.memory_space<vmem_shared>>
          tpu.wait_indirect_dma semaphore(%run_scoped3A_984 : memref<!tpu.dma_semaphore, #tpu.memory_space<semaphore_mem>>) src(%dma_wait3A_998 : memref<128x128xf32, #tpu.memory_space<vmem>>) dst(%dma_wait3A_1004 : memref<10240x128xf32, #tpu.memory_space<vmem_shared>>)
          tpu.yield
        }) : () -> ()
        %add3A_977 = arith.constant 2 : i32
        %add3A_978 = arith.addi %add3A_950, %add3A_977 : i32
        %lt3A_979 = arith.constant 34 : i32
        %lt3A_980 = arith.cmpi slt, %add3A_978, %lt3A_979 : i32
        %convert_element_type3A_981 = arith.extui %lt3A_980 : i1 to i32
        %cond3A_982 = arith.constant 0 : i32
        %cond3A_983 = arith.cmpi ne, %convert_element_type3A_981, %cond3A_982 : i32
        scf.if %cond3A_983 {
          %add3A_984 = arith.constant 2 : i32
          %add3A_985 = arith.addi %add3A_950, %add3A_984 : i32
          %add3A_986 = arith.addi %add3A_785, %add3A_985 : i32
          %dma_start3A_987 = arith.constant 1 : i32
          %dma_start3A_988 = arith.constant 1 : i32
          %dma_start3A_989 = arith.constant 0 : i32
          %dma_start3A_990 = arith.constant 0 : i32
          %dma_start3A_991 = tpu.memref_slice %arg7[%dma_start3A_987, %dma_start3A_989, %dma_start3A_990] : memref<2x1x128xi32, #tpu.memory_space<vmem>> -> memref<1x1x128xi32, #tpu.memory_space<vmem>>
          %dma_start3A_992 = tpu.memref_squeeze %dma_start3A_991 : memref<1x1x128xi32, #tpu.memory_space<vmem>> -> memref<1x128xi32, #tpu.memory_space<vmem>>
          %dma_start3A_993 = arith.constant 0 : i32
          %dma_start3A_994 = tpu.memref_slice %arg3[%add3A_986, %dma_start3A_993] : memref<2560x128xi32, #tpu.memory_space<hbm>> -> memref<1x128xi32, #tpu.memory_space<hbm>>
          %dma_start3A_995 = tpu.memref_slice %arg12[%dma_start3A_988] : memref<2x!tpu.dma_semaphore, #tpu.memory_space<semaphore_mem>> -> memref<1x!tpu.dma_semaphore, #tpu.memory_space<semaphore_mem>>
          %dma_start3A_996 = tpu.memref_squeeze %dma_start3A_995 : memref<1x!tpu.dma_semaphore, #tpu.memory_space<semaphore_mem>> -> memref<!tpu.dma_semaphore, #tpu.memory_space<semaphore_mem>>
          %dma_start3A_997 = arith.constant 0 : i32
          %dma_start3A_998 = arith.constant 0 : i32
          %dma_start3A_999 = tpu.memref_slice %arg7[%dma_start3A_987, %dma_start3A_997, %dma_start3A_998] : memref<2x1x128xi32, #tpu.memory_space<vmem>> -> memref<1x1x128xi32, #tpu.memory_space<vmem>>
          %dma_start3A_1000 = tpu.memref_squeeze %dma_start3A_999 : memref<1x1x128xi32, #tpu.memory_space<vmem>> -> memref<1x128xi32, #tpu.memory_space<vmem>>
          %dma_start3A_1001 = arith.constant 0 : i32
          %dma_start3A_1002 = tpu.memref_slice %arg3[%add3A_986, %dma_start3A_1001] : memref<2560x128xi32, #tpu.memory_space<hbm>> -> memref<1x128xi32, #tpu.memory_space<hbm>>
          tpu.enqueue_dma source(%dma_start3A_1002 : memref<1x128xi32, #tpu.memory_space<hbm>>) target(%dma_start3A_1000 : memref<1x128xi32, #tpu.memory_space<vmem>>) target_semaphore(%dma_start3A_996 : memref<!tpu.dma_semaphore, #tpu.memory_space<semaphore_mem>>)
          %add3A_1003 = arith.addi %add3A_785, %add3A_985 : i32
          %dma_start3A_1004 = arith.constant 1 : i32
          %dma_start3A_1005 = arith.constant 1 : i32
          %dma_start3A_1006 = arith.constant 0 : i32
          %dma_start3A_1007 = arith.constant 0 : i32
          %dma_start3A_1008 = tpu.memref_slice %arg8[%dma_start3A_1004, %dma_start3A_1006, %dma_start3A_1007] : memref<2x1x128xi32, #tpu.memory_space<vmem>> -> memref<1x1x128xi32, #tpu.memory_space<vmem>>
          %dma_start3A_1009 = tpu.memref_squeeze %dma_start3A_1008 : memref<1x1x128xi32, #tpu.memory_space<vmem>> -> memref<1x128xi32, #tpu.memory_space<vmem>>
          %dma_start3A_1010 = arith.constant 0 : i32
          %dma_start3A_1011 = tpu.memref_slice %arg4[%add3A_1003, %dma_start3A_1010] : memref<2560x128xi32, #tpu.memory_space<hbm>> -> memref<1x128xi32, #tpu.memory_space<hbm>>
          %dma_start3A_1012 = tpu.memref_slice %arg12[%dma_start3A_1005] : memref<2x!tpu.dma_semaphore, #tpu.memory_space<semaphore_mem>> -> memref<1x!tpu.dma_semaphore, #tpu.memory_space<semaphore_mem>>
          %dma_start3A_1013 = tpu.memref_squeeze %dma_start3A_1012 : memref<1x!tpu.dma_semaphore, #tpu.memory_space<semaphore_mem>> -> memref<!tpu.dma_semaphore, #tpu.memory_space<semaphore_mem>>
          %dma_start3A_1014 = arith.constant 0 : i32
          %dma_start3A_1015 = arith.constant 0 : i32
          %dma_start3A_1016 = tpu.memref_slice %arg8[%dma_start3A_1004, %dma_start3A_1014, %dma_start3A_1015] : memref<2x1x128xi32, #tpu.memory_space<vmem>> -> memref<1x1x128xi32, #tpu.memory_space<vmem>>
          %dma_start3A_1017 = tpu.memref_squeeze %dma_start3A_1016 : memref<1x1x128xi32, #tpu.memory_space<vmem>> -> memref<1x128xi32, #tpu.memory_space<vmem>>
          %dma_start3A_1018 = arith.constant 0 : i32
          %dma_start3A_1019 = tpu.memref_slice %arg4[%add3A_1003, %dma_start3A_1018] : memref<2560x128xi32, #tpu.memory_space<hbm>> -> memref<1x128xi32, #tpu.memory_space<hbm>>
          tpu.enqueue_dma source(%dma_start3A_1019 : memref<1x128xi32, #tpu.memory_space<hbm>>) target(%dma_start3A_1017 : memref<1x128xi32, #tpu.memory_space<vmem>>) target_semaphore(%dma_start3A_1013 : memref<!tpu.dma_semaphore, #tpu.memory_space<semaphore_mem>>)
        } else {
        }
      }
      %scan3A_908 = arith.constant 17 : i32
    } else {
    }
    %barrier3A_779 = arith.constant 0 : index
    tpu.barrier barrier_id(%barrier3A_779)
    %mul3A = arith.constant 640 : i32
    %mul3A_780 = arith.muli %arg1, %mul3A : i32
    %mul3A_781 = arith.constant 640 : i32
    %mul3A_782 = arith.muli %arg1, %mul3A_781 : i32
    "tpu.region"() ({
      %run_scoped3A = tpu.sem_alloc : memref<!tpu.dma_semaphore, #tpu.memory_space<semaphore_mem>>
      %dma_start3A = arith.constant 0 : i32
      %dma_start3A_783 = tpu.memref_slice %arg5[%arg0, %mul3A_782, %dma_start3A] : memref<2x10240x128xf32, #tpu.memory_space<hbm>> -> memref<1x640x128xf32, #tpu.memory_space<hbm>>
      %dma_start3A_784 = tpu.memref_squeeze %dma_start3A_783 : memref<1x640x128xf32, #tpu.memory_space<hbm>> -> memref<640x128xf32, #tpu.memory_space<hbm>>
      %dma_start3A_785 = arith.constant 0 : i32
      %dma_start3A_786 = tpu.memref_slice %arg6[%mul3A_780, %dma_start3A_785] : memref<10240x128xf32, #tpu.memory_space<vmem_shared>> -> memref<640x128xf32, #tpu.memory_space<vmem_shared>>
      tpu.enqueue_dma source(%dma_start3A_786 : memref<640x128xf32, #tpu.memory_space<vmem_shared>>) target(%dma_start3A_784 : memref<640x128xf32, #tpu.memory_space<hbm>>) target_semaphore(%run_scoped3A : memref<!tpu.dma_semaphore, #tpu.memory_space<semaphore_mem>>)
      %dma_wait3A = arith.constant 0 : i32
      %dma_wait3A_787 = tpu.memref_slice %arg5[%arg0, %mul3A_782, %dma_wait3A] : memref<2x10240x128xf32, #tpu.memory_space<hbm>> -> memref<1x640x128xf32, #tpu.memory_space<hbm>>
      %dma_wait3A_788 = tpu.memref_squeeze %dma_wait3A_787 : memref<1x640x128xf32, #tpu.memory_space<hbm>> -> memref<640x128xf32, #tpu.memory_space<hbm>>
      %dma_wait3A_789 = arith.constant 0 : i32
      %dma_wait3A_790 = tpu.memref_slice %arg6[%mul3A_780, %dma_wait3A_789] : memref<10240x128xf32, #tpu.memory_space<vmem_shared>> -> memref<640x128xf32, #tpu.memory_space<vmem_shared>>
      tpu.wait_dma2 semaphore(%run_scoped3A : memref<!tpu.dma_semaphore, #tpu.memory_space<semaphore_mem>>) src(%dma_wait3A_790 : memref<640x128xf32, #tpu.memory_space<vmem_shared>>) dst(%dma_wait3A_788 : memref<640x128xf32, #tpu.memory_space<hbm>>)
      tpu.yield
    }) : () -> ()
    return
  }
}

#map = affine_map<(d0, d1) -> (0, 0)>
#map1 = affine_map<(d0, d1) -> (0, 0, 0)>
module attributes {stable_mosaic.version = 14 : i64} {
  func.func @_sc_msgpass(%arg0: i32, %arg1: i32, %arg2: memref<10000x128xf32, #tpu.memory_space<hbm>>, %arg3: memref<2560x128xi32, #tpu.memory_space<hbm>>, %arg4: memref<2560x128xi32, #tpu.memory_space<hbm>>, %arg5: memref<2x10240x128xf32, #tpu.memory_space<hbm>>, %arg6: memref<10240x128xf32, #tpu.memory_space<vmem_shared>>, %arg7: memref<2x1x128xi32, #tpu.memory_space<vmem>>, %arg8: memref<2x1x128xi32, #tpu.memory_space<vmem>>, %arg9: memref<2x128x128xf32, #tpu.memory_space<vmem>>, %arg10: memref<16x128xf32, #tpu.memory_space<vmem>>, %arg11: memref<2x!tpu.dma_semaphore, #tpu.memory_space<semaphore_mem>>, %arg12: memref<2x!tpu.dma_semaphore, #tpu.memory_space<semaphore_mem>>) attributes {dimension_semantics = [#tpu.dimension_semantics<core_parallel>, #tpu.dimension_semantics<subcore_parallel>], iteration_bounds = array<i64: 2, 16>, scalar_prefetch = 0 : i64, scratch_operands = 7 : i64, tpu.core_type = #tpu.core_type<sc_vector_subcore>, window_params = [{transform_indices = #map}, {transform_indices = #map}, {transform_indices = #map}, {transform_indices = #map1}]} {
    %broadcast_in_dim3A = arith.constant 0.000000e+00 : f32
    %broadcast_in_dim3A_0 = vector.broadcast %broadcast_in_dim3A : f32 to vector<16xf32>
    %swap3A = arith.constant 0 : i32
    %swap3A_1 = arith.index_cast %swap3A : i32 to index
    %swap3A_2 = arith.constant 0 : index
    %swap3A_3 = tpu.vector_load %arg10[%swap3A_1, %swap3A_2] {strides = array<i32>} : memref<16x128xf32, #tpu.memory_space<vmem>>, vector<1x16xf32>,
    %swap3A_4 = vector.shape_cast %swap3A_3 : vector<1x16xf32> to vector<16xf32>
    %swap3A_5 = vector.shape_cast %broadcast_in_dim3A_0 : vector<16xf32> to vector<1x16xf32>
    tpu.vector_store %arg10[%swap3A_1, %swap3A_2], %swap3A_5 {strides = array<i32>} : memref<16x128xf32, #tpu.memory_space<vmem>>, vector<1x16xf32>,
    %swap3A_6 = arith.constant 0 : i32
    %swap3A_7 = arith.index_cast %swap3A_6 : i32 to index
    %swap3A_8 = arith.constant 16 : index
    %swap3A_9 = tpu.vector_load %arg10[%swap3A_7, %swap3A_8] {strides = array<i32>} : memref<16x128xf32, #tpu.memory_space<vmem>>, vector<1x16xf32>,
    %swap3A_10 = vector.shape_cast %swap3A_9 : vector<1x16xf32> to vector<16xf32>
    %swap3A_11 = vector.shape_cast %broadcast_in_dim3A_0 : vector<16xf32> to vector<1x16xf32>
    tpu.vector_store %arg10[%swap3A_7, %swap3A_8], %swap3A_11 {strides = array<i32>} : memref<16x128xf32, #tpu.memory_space<vmem>>, vector<1x16xf32>,
    %swap3A_12 = arith.constant 0 : i32
    %swap3A_13 = arith.index_cast %swap3A_12 : i32 to index
    %swap3A_14 = arith.constant 32 : index
    %swap3A_15 = tpu.vector_load %arg10[%swap3A_13, %swap3A_14] {strides = array<i32>} : memref<16x128xf32, #tpu.memory_space<vmem>>, vector<1x16xf32>,
    %swap3A_16 = vector.shape_cast %swap3A_15 : vector<1x16xf32> to vector<16xf32>
    %swap3A_17 = vector.shape_cast %broadcast_in_dim3A_0 : vector<16xf32> to vector<1x16xf32>
    tpu.vector_store %arg10[%swap3A_13, %swap3A_14], %swap3A_17 {strides = array<i32>} : memref<16x128xf32, #tpu.memory_space<vmem>>, vector<1x16xf32>,
    %swap3A_18 = arith.constant 0 : i32
    %swap3A_19 = arith.index_cast %swap3A_18 : i32 to index
    %swap3A_20 = arith.constant 48 : index
    %swap3A_21 = tpu.vector_load %arg10[%swap3A_19, %swap3A_20] {strides = array<i32>} : memref<16x128xf32, #tpu.memory_space<vmem>>, vector<1x16xf32>,
    %swap3A_22 = vector.shape_cast %swap3A_21 : vector<1x16xf32> to vector<16xf32>
    %swap3A_23 = vector.shape_cast %broadcast_in_dim3A_0 : vector<16xf32> to vector<1x16xf32>
    tpu.vector_store %arg10[%swap3A_19, %swap3A_20], %swap3A_23 {strides = array<i32>} : memref<16x128xf32, #tpu.memory_space<vmem>>, vector<1x16xf32>,
    %swap3A_24 = arith.constant 0 : i32
    %swap3A_25 = arith.index_cast %swap3A_24 : i32 to index
    %swap3A_26 = arith.constant 64 : index
    %swap3A_27 = tpu.vector_load %arg10[%swap3A_25, %swap3A_26] {strides = array<i32>} : memref<16x128xf32, #tpu.memory_space<vmem>>, vector<1x16xf32>,
    %swap3A_28 = vector.shape_cast %swap3A_27 : vector<1x16xf32> to vector<16xf32>
    %swap3A_29 = vector.shape_cast %broadcast_in_dim3A_0 : vector<16xf32> to vector<1x16xf32>
    tpu.vector_store %arg10[%swap3A_25, %swap3A_26], %swap3A_29 {strides = array<i32>} : memref<16x128xf32, #tpu.memory_space<vmem>>, vector<1x16xf32>,
    %swap3A_30 = arith.constant 0 : i32
    %swap3A_31 = arith.index_cast %swap3A_30 : i32 to index
    %swap3A_32 = arith.constant 80 : index
    %swap3A_33 = tpu.vector_load %arg10[%swap3A_31, %swap3A_32] {strides = array<i32>} : memref<16x128xf32, #tpu.memory_space<vmem>>, vector<1x16xf32>,
    %swap3A_34 = vector.shape_cast %swap3A_33 : vector<1x16xf32> to vector<16xf32>
    %swap3A_35 = vector.shape_cast %broadcast_in_dim3A_0 : vector<16xf32> to vector<1x16xf32>
    tpu.vector_store %arg10[%swap3A_31, %swap3A_32], %swap3A_35 {strides = array<i32>} : memref<16x128xf32, #tpu.memory_space<vmem>>, vector<1x16xf32>,
    %swap3A_36 = arith.constant 0 : i32
    %swap3A_37 = arith.index_cast %swap3A_36 : i32 to index
    %swap3A_38 = arith.constant 96 : index
    %swap3A_39 = tpu.vector_load %arg10[%swap3A_37, %swap3A_38] {strides = array<i32>} : memref<16x128xf32, #tpu.memory_space<vmem>>, vector<1x16xf32>,
    %swap3A_40 = vector.shape_cast %swap3A_39 : vector<1x16xf32> to vector<16xf32>
    %swap3A_41 = vector.shape_cast %broadcast_in_dim3A_0 : vector<16xf32> to vector<1x16xf32>
    tpu.vector_store %arg10[%swap3A_37, %swap3A_38], %swap3A_41 {strides = array<i32>} : memref<16x128xf32, #tpu.memory_space<vmem>>, vector<1x16xf32>,
    %swap3A_42 = arith.constant 0 : i32
    %swap3A_43 = arith.index_cast %swap3A_42 : i32 to index
    %swap3A_44 = arith.constant 112 : index
    %swap3A_45 = tpu.vector_load %arg10[%swap3A_43, %swap3A_44] {strides = array<i32>} : memref<16x128xf32, #tpu.memory_space<vmem>>, vector<1x16xf32>,
    %swap3A_46 = vector.shape_cast %swap3A_45 : vector<1x16xf32> to vector<16xf32>
    %swap3A_47 = vector.shape_cast %broadcast_in_dim3A_0 : vector<16xf32> to vector<1x16xf32>
    tpu.vector_store %arg10[%swap3A_43, %swap3A_44], %swap3A_47 {strides = array<i32>} : memref<16x128xf32, #tpu.memory_space<vmem>>, vector<1x16xf32>,
    %swap3A_48 = arith.constant 1 : i32
    %swap3A_49 = arith.index_cast %swap3A_48 : i32 to index
    %swap3A_50 = arith.constant 0 : index
    %swap3A_51 = tpu.vector_load %arg10[%swap3A_49, %swap3A_50] {strides = array<i32>} : memref<16x128xf32, #tpu.memory_space<vmem>>, vector<1x16xf32>,
    %swap3A_52 = vector.shape_cast %swap3A_51 : vector<1x16xf32> to vector<16xf32>
    %swap3A_53 = vector.shape_cast %broadcast_in_dim3A_0 : vector<16xf32> to vector<1x16xf32>
    tpu.vector_store %arg10[%swap3A_49, %swap3A_50], %swap3A_53 {strides = array<i32>} : memref<16x128xf32, #tpu.memory_space<vmem>>, vector<1x16xf32>,
    %swap3A_54 = arith.constant 1 : i32
    %swap3A_55 = arith.index_cast %swap3A_54 : i32 to index
    %swap3A_56 = arith.constant 16 : index
    %swap3A_57 = tpu.vector_load %arg10[%swap3A_55, %swap3A_56] {strides = array<i32>} : memref<16x128xf32, #tpu.memory_space<vmem>>, vector<1x16xf32>,
    %swap3A_58 = vector.shape_cast %swap3A_57 : vector<1x16xf32> to vector<16xf32>
    %swap3A_59 = vector.shape_cast %broadcast_in_dim3A_0 : vector<16xf32> to vector<1x16xf32>
    tpu.vector_store %arg10[%swap3A_55, %swap3A_56], %swap3A_59 {strides = array<i32>} : memref<16x128xf32, #tpu.memory_space<vmem>>, vector<1x16xf32>,
    %swap3A_60 = arith.constant 1 : i32
    %swap3A_61 = arith.index_cast %swap3A_60 : i32 to index
    %swap3A_62 = arith.constant 32 : index
    %swap3A_63 = tpu.vector_load %arg10[%swap3A_61, %swap3A_62] {strides = array<i32>} : memref<16x128xf32, #tpu.memory_space<vmem>>, vector<1x16xf32>,
    %swap3A_64 = vector.shape_cast %swap3A_63 : vector<1x16xf32> to vector<16xf32>
    %swap3A_65 = vector.shape_cast %broadcast_in_dim3A_0 : vector<16xf32> to vector<1x16xf32>
    tpu.vector_store %arg10[%swap3A_61, %swap3A_62], %swap3A_65 {strides = array<i32>} : memref<16x128xf32, #tpu.memory_space<vmem>>, vector<1x16xf32>,
    %swap3A_66 = arith.constant 1 : i32
    %swap3A_67 = arith.index_cast %swap3A_66 : i32 to index
    %swap3A_68 = arith.constant 48 : index
    %swap3A_69 = tpu.vector_load %arg10[%swap3A_67, %swap3A_68] {strides = array<i32>} : memref<16x128xf32, #tpu.memory_space<vmem>>, vector<1x16xf32>,
    %swap3A_70 = vector.shape_cast %swap3A_69 : vector<1x16xf32> to vector<16xf32>
    %swap3A_71 = vector.shape_cast %broadcast_in_dim3A_0 : vector<16xf32> to vector<1x16xf32>
    tpu.vector_store %arg10[%swap3A_67, %swap3A_68], %swap3A_71 {strides = array<i32>} : memref<16x128xf32, #tpu.memory_space<vmem>>, vector<1x16xf32>,
    %swap3A_72 = arith.constant 1 : i32
    %swap3A_73 = arith.index_cast %swap3A_72 : i32 to index
    %swap3A_74 = arith.constant 64 : index
    %swap3A_75 = tpu.vector_load %arg10[%swap3A_73, %swap3A_74] {strides = array<i32>} : memref<16x128xf32, #tpu.memory_space<vmem>>, vector<1x16xf32>,
    %swap3A_76 = vector.shape_cast %swap3A_75 : vector<1x16xf32> to vector<16xf32>
    %swap3A_77 = vector.shape_cast %broadcast_in_dim3A_0 : vector<16xf32> to vector<1x16xf32>
    tpu.vector_store %arg10[%swap3A_73, %swap3A_74], %swap3A_77 {strides = array<i32>} : memref<16x128xf32, #tpu.memory_space<vmem>>, vector<1x16xf32>,
    %swap3A_78 = arith.constant 1 : i32
    %swap3A_79 = arith.index_cast %swap3A_78 : i32 to index
    %swap3A_80 = arith.constant 80 : index
    %swap3A_81 = tpu.vector_load %arg10[%swap3A_79, %swap3A_80] {strides = array<i32>} : memref<16x128xf32, #tpu.memory_space<vmem>>, vector<1x16xf32>,
    %swap3A_82 = vector.shape_cast %swap3A_81 : vector<1x16xf32> to vector<16xf32>
    %swap3A_83 = vector.shape_cast %broadcast_in_dim3A_0 : vector<16xf32> to vector<1x16xf32>
    tpu.vector_store %arg10[%swap3A_79, %swap3A_80], %swap3A_83 {strides = array<i32>} : memref<16x128xf32, #tpu.memory_space<vmem>>, vector<1x16xf32>,
    %swap3A_84 = arith.constant 1 : i32
    %swap3A_85 = arith.index_cast %swap3A_84 : i32 to index
    %swap3A_86 = arith.constant 96 : index
    %swap3A_87 = tpu.vector_load %arg10[%swap3A_85, %swap3A_86] {strides = array<i32>} : memref<16x128xf32, #tpu.memory_space<vmem>>, vector<1x16xf32>,
    %swap3A_88 = vector.shape_cast %swap3A_87 : vector<1x16xf32> to vector<16xf32>
    %swap3A_89 = vector.shape_cast %broadcast_in_dim3A_0 : vector<16xf32> to vector<1x16xf32>
    tpu.vector_store %arg10[%swap3A_85, %swap3A_86], %swap3A_89 {strides = array<i32>} : memref<16x128xf32, #tpu.memory_space<vmem>>, vector<1x16xf32>,
    %swap3A_90 = arith.constant 1 : i32
    %swap3A_91 = arith.index_cast %swap3A_90 : i32 to index
    %swap3A_92 = arith.constant 112 : index
    %swap3A_93 = tpu.vector_load %arg10[%swap3A_91, %swap3A_92] {strides = array<i32>} : memref<16x128xf32, #tpu.memory_space<vmem>>, vector<1x16xf32>,
    %swap3A_94 = vector.shape_cast %swap3A_93 : vector<1x16xf32> to vector<16xf32>
    %swap3A_95 = vector.shape_cast %broadcast_in_dim3A_0 : vector<16xf32> to vector<1x16xf32>
    tpu.vector_store %arg10[%swap3A_91, %swap3A_92], %swap3A_95 {strides = array<i32>} : memref<16x128xf32, #tpu.memory_space<vmem>>, vector<1x16xf32>,
    %swap3A_96 = arith.constant 2 : i32
    %swap3A_97 = arith.index_cast %swap3A_96 : i32 to index
    %swap3A_98 = arith.constant 0 : index
    %swap3A_99 = tpu.vector_load %arg10[%swap3A_97, %swap3A_98] {strides = array<i32>} : memref<16x128xf32, #tpu.memory_space<vmem>>, vector<1x16xf32>,
    %swap3A_100 = vector.shape_cast %swap3A_99 : vector<1x16xf32> to vector<16xf32>
    %swap3A_101 = vector.shape_cast %broadcast_in_dim3A_0 : vector<16xf32> to vector<1x16xf32>
    tpu.vector_store %arg10[%swap3A_97, %swap3A_98], %swap3A_101 {strides = array<i32>} : memref<16x128xf32, #tpu.memory_space<vmem>>, vector<1x16xf32>,
    %swap3A_102 = arith.constant 2 : i32
    %swap3A_103 = arith.index_cast %swap3A_102 : i32 to index
    %swap3A_104 = arith.constant 16 : index
    %swap3A_105 = tpu.vector_load %arg10[%swap3A_103, %swap3A_104] {strides = array<i32>} : memref<16x128xf32, #tpu.memory_space<vmem>>, vector<1x16xf32>,
    %swap3A_106 = vector.shape_cast %swap3A_105 : vector<1x16xf32> to vector<16xf32>
    %swap3A_107 = vector.shape_cast %broadcast_in_dim3A_0 : vector<16xf32> to vector<1x16xf32>
    tpu.vector_store %arg10[%swap3A_103, %swap3A_104], %swap3A_107 {strides = array<i32>} : memref<16x128xf32, #tpu.memory_space<vmem>>, vector<1x16xf32>,
    %swap3A_108 = arith.constant 2 : i32
    %swap3A_109 = arith.index_cast %swap3A_108 : i32 to index
    %swap3A_110 = arith.constant 32 : index
    %swap3A_111 = tpu.vector_load %arg10[%swap3A_109, %swap3A_110] {strides = array<i32>} : memref<16x128xf32, #tpu.memory_space<vmem>>, vector<1x16xf32>,
    %swap3A_112 = vector.shape_cast %swap3A_111 : vector<1x16xf32> to vector<16xf32>
    %swap3A_113 = vector.shape_cast %broadcast_in_dim3A_0 : vector<16xf32> to vector<1x16xf32>
    tpu.vector_store %arg10[%swap3A_109, %swap3A_110], %swap3A_113 {strides = array<i32>} : memref<16x128xf32, #tpu.memory_space<vmem>>, vector<1x16xf32>,
    %swap3A_114 = arith.constant 2 : i32
    %swap3A_115 = arith.index_cast %swap3A_114 : i32 to index
    %swap3A_116 = arith.constant 48 : index
    %swap3A_117 = tpu.vector_load %arg10[%swap3A_115, %swap3A_116] {strides = array<i32>} : memref<16x128xf32, #tpu.memory_space<vmem>>, vector<1x16xf32>,
    %swap3A_118 = vector.shape_cast %swap3A_117 : vector<1x16xf32> to vector<16xf32>
    %swap3A_119 = vector.shape_cast %broadcast_in_dim3A_0 : vector<16xf32> to vector<1x16xf32>
    tpu.vector_store %arg10[%swap3A_115, %swap3A_116], %swap3A_119 {strides = array<i32>} : memref<16x128xf32, #tpu.memory_space<vmem>>, vector<1x16xf32>,
    %swap3A_120 = arith.constant 2 : i32
    %swap3A_121 = arith.index_cast %swap3A_120 : i32 to index
    %swap3A_122 = arith.constant 64 : index
    %swap3A_123 = tpu.vector_load %arg10[%swap3A_121, %swap3A_122] {strides = array<i32>} : memref<16x128xf32, #tpu.memory_space<vmem>>, vector<1x16xf32>,
    %swap3A_124 = vector.shape_cast %swap3A_123 : vector<1x16xf32> to vector<16xf32>
    %swap3A_125 = vector.shape_cast %broadcast_in_dim3A_0 : vector<16xf32> to vector<1x16xf32>
    tpu.vector_store %arg10[%swap3A_121, %swap3A_122], %swap3A_125 {strides = array<i32>} : memref<16x128xf32, #tpu.memory_space<vmem>>, vector<1x16xf32>,
    %swap3A_126 = arith.constant 2 : i32
    %swap3A_127 = arith.index_cast %swap3A_126 : i32 to index
    %swap3A_128 = arith.constant 80 : index
    %swap3A_129 = tpu.vector_load %arg10[%swap3A_127, %swap3A_128] {strides = array<i32>} : memref<16x128xf32, #tpu.memory_space<vmem>>, vector<1x16xf32>,
    %swap3A_130 = vector.shape_cast %swap3A_129 : vector<1x16xf32> to vector<16xf32>
    %swap3A_131 = vector.shape_cast %broadcast_in_dim3A_0 : vector<16xf32> to vector<1x16xf32>
    tpu.vector_store %arg10[%swap3A_127, %swap3A_128], %swap3A_131 {strides = array<i32>} : memref<16x128xf32, #tpu.memory_space<vmem>>, vector<1x16xf32>,
    %swap3A_132 = arith.constant 2 : i32
    %swap3A_133 = arith.index_cast %swap3A_132 : i32 to index
    %swap3A_134 = arith.constant 96 : index
    %swap3A_135 = tpu.vector_load %arg10[%swap3A_133, %swap3A_134] {strides = array<i32>} : memref<16x128xf32, #tpu.memory_space<vmem>>, vector<1x16xf32>,
    %swap3A_136 = vector.shape_cast %swap3A_135 : vector<1x16xf32> to vector<16xf32>
    %swap3A_137 = vector.shape_cast %broadcast_in_dim3A_0 : vector<16xf32> to vector<1x16xf32>
    tpu.vector_store %arg10[%swap3A_133, %swap3A_134], %swap3A_137 {strides = array<i32>} : memref<16x128xf32, #tpu.memory_space<vmem>>, vector<1x16xf32>,
    %swap3A_138 = arith.constant 2 : i32
    %swap3A_139 = arith.index_cast %swap3A_138 : i32 to index
    %swap3A_140 = arith.constant 112 : index
    %swap3A_141 = tpu.vector_load %arg10[%swap3A_139, %swap3A_140] {strides = array<i32>} : memref<16x128xf32, #tpu.memory_space<vmem>>, vector<1x16xf32>,
    %swap3A_142 = vector.shape_cast %swap3A_141 : vector<1x16xf32> to vector<16xf32>
    %swap3A_143 = vector.shape_cast %broadcast_in_dim3A_0 : vector<16xf32> to vector<1x16xf32>
    tpu.vector_store %arg10[%swap3A_139, %swap3A_140], %swap3A_143 {strides = array<i32>} : memref<16x128xf32, #tpu.memory_space<vmem>>, vector<1x16xf32>,
    %swap3A_144 = arith.constant 3 : i32
    %swap3A_145 = arith.index_cast %swap3A_144 : i32 to index
    %swap3A_146 = arith.constant 0 : index
    %swap3A_147 = tpu.vector_load %arg10[%swap3A_145, %swap3A_146] {strides = array<i32>} : memref<16x128xf32, #tpu.memory_space<vmem>>, vector<1x16xf32>,
    %swap3A_148 = vector.shape_cast %swap3A_147 : vector<1x16xf32> to vector<16xf32>
    %swap3A_149 = vector.shape_cast %broadcast_in_dim3A_0 : vector<16xf32> to vector<1x16xf32>
    tpu.vector_store %arg10[%swap3A_145, %swap3A_146], %swap3A_149 {strides = array<i32>} : memref<16x128xf32, #tpu.memory_space<vmem>>, vector<1x16xf32>,
    %swap3A_150 = arith.constant 3 : i32
    %swap3A_151 = arith.index_cast %swap3A_150 : i32 to index
    %swap3A_152 = arith.constant 16 : index
    %swap3A_153 = tpu.vector_load %arg10[%swap3A_151, %swap3A_152] {strides = array<i32>} : memref<16x128xf32, #tpu.memory_space<vmem>>, vector<1x16xf32>,
    %swap3A_154 = vector.shape_cast %swap3A_153 : vector<1x16xf32> to vector<16xf32>
    %swap3A_155 = vector.shape_cast %broadcast_in_dim3A_0 : vector<16xf32> to vector<1x16xf32>
    tpu.vector_store %arg10[%swap3A_151, %swap3A_152], %swap3A_155 {strides = array<i32>} : memref<16x128xf32, #tpu.memory_space<vmem>>, vector<1x16xf32>,
    %swap3A_156 = arith.constant 3 : i32
    %swap3A_157 = arith.index_cast %swap3A_156 : i32 to index
    %swap3A_158 = arith.constant 32 : index
    %swap3A_159 = tpu.vector_load %arg10[%swap3A_157, %swap3A_158] {strides = array<i32>} : memref<16x128xf32, #tpu.memory_space<vmem>>, vector<1x16xf32>,
    %swap3A_160 = vector.shape_cast %swap3A_159 : vector<1x16xf32> to vector<16xf32>
    %swap3A_161 = vector.shape_cast %broadcast_in_dim3A_0 : vector<16xf32> to vector<1x16xf32>
    tpu.vector_store %arg10[%swap3A_157, %swap3A_158], %swap3A_161 {strides = array<i32>} : memref<16x128xf32, #tpu.memory_space<vmem>>, vector<1x16xf32>,
    %swap3A_162 = arith.constant 3 : i32
    %swap3A_163 = arith.index_cast %swap3A_162 : i32 to index
    %swap3A_164 = arith.constant 48 : index
    %swap3A_165 = tpu.vector_load %arg10[%swap3A_163, %swap3A_164] {strides = array<i32>} : memref<16x128xf32, #tpu.memory_space<vmem>>, vector<1x16xf32>,
    %swap3A_166 = vector.shape_cast %swap3A_165 : vector<1x16xf32> to vector<16xf32>
    %swap3A_167 = vector.shape_cast %broadcast_in_dim3A_0 : vector<16xf32> to vector<1x16xf32>
    tpu.vector_store %arg10[%swap3A_163, %swap3A_164], %swap3A_167 {strides = array<i32>} : memref<16x128xf32, #tpu.memory_space<vmem>>, vector<1x16xf32>,
    %swap3A_168 = arith.constant 3 : i32
    %swap3A_169 = arith.index_cast %swap3A_168 : i32 to index
    %swap3A_170 = arith.constant 64 : index
    %swap3A_171 = tpu.vector_load %arg10[%swap3A_169, %swap3A_170] {strides = array<i32>} : memref<16x128xf32, #tpu.memory_space<vmem>>, vector<1x16xf32>,
    %swap3A_172 = vector.shape_cast %swap3A_171 : vector<1x16xf32> to vector<16xf32>
    %swap3A_173 = vector.shape_cast %broadcast_in_dim3A_0 : vector<16xf32> to vector<1x16xf32>
    tpu.vector_store %arg10[%swap3A_169, %swap3A_170], %swap3A_173 {strides = array<i32>} : memref<16x128xf32, #tpu.memory_space<vmem>>, vector<1x16xf32>,
    %swap3A_174 = arith.constant 3 : i32
    %swap3A_175 = arith.index_cast %swap3A_174 : i32 to index
    %swap3A_176 = arith.constant 80 : index
    %swap3A_177 = tpu.vector_load %arg10[%swap3A_175, %swap3A_176] {strides = array<i32>} : memref<16x128xf32, #tpu.memory_space<vmem>>, vector<1x16xf32>,
    %swap3A_178 = vector.shape_cast %swap3A_177 : vector<1x16xf32> to vector<16xf32>
    %swap3A_179 = vector.shape_cast %broadcast_in_dim3A_0 : vector<16xf32> to vector<1x16xf32>
    tpu.vector_store %arg10[%swap3A_175, %swap3A_176], %swap3A_179 {strides = array<i32>} : memref<16x128xf32, #tpu.memory_space<vmem>>, vector<1x16xf32>,
    %swap3A_180 = arith.constant 3 : i32
    %swap3A_181 = arith.index_cast %swap3A_180 : i32 to index
    %swap3A_182 = arith.constant 96 : index
    %swap3A_183 = tpu.vector_load %arg10[%swap3A_181, %swap3A_182] {strides = array<i32>} : memref<16x128xf32, #tpu.memory_space<vmem>>, vector<1x16xf32>,
    %swap3A_184 = vector.shape_cast %swap3A_183 : vector<1x16xf32> to vector<16xf32>
    %swap3A_185 = vector.shape_cast %broadcast_in_dim3A_0 : vector<16xf32> to vector<1x16xf32>
    tpu.vector_store %arg10[%swap3A_181, %swap3A_182], %swap3A_185 {strides = array<i32>} : memref<16x128xf32, #tpu.memory_space<vmem>>, vector<1x16xf32>,
    %swap3A_186 = arith.constant 3 : i32
    %swap3A_187 = arith.index_cast %swap3A_186 : i32 to index
    %swap3A_188 = arith.constant 112 : index
    %swap3A_189 = tpu.vector_load %arg10[%swap3A_187, %swap3A_188] {strides = array<i32>} : memref<16x128xf32, #tpu.memory_space<vmem>>, vector<1x16xf32>,
    %swap3A_190 = vector.shape_cast %swap3A_189 : vector<1x16xf32> to vector<16xf32>
    %swap3A_191 = vector.shape_cast %broadcast_in_dim3A_0 : vector<16xf32> to vector<1x16xf32>
    tpu.vector_store %arg10[%swap3A_187, %swap3A_188], %swap3A_191 {strides = array<i32>} : memref<16x128xf32, #tpu.memory_space<vmem>>, vector<1x16xf32>,
    %swap3A_192 = arith.constant 4 : i32
    %swap3A_193 = arith.index_cast %swap3A_192 : i32 to index
    %swap3A_194 = arith.constant 0 : index
    %swap3A_195 = tpu.vector_load %arg10[%swap3A_193, %swap3A_194] {strides = array<i32>} : memref<16x128xf32, #tpu.memory_space<vmem>>, vector<1x16xf32>,
    %swap3A_196 = vector.shape_cast %swap3A_195 : vector<1x16xf32> to vector<16xf32>
    %swap3A_197 = vector.shape_cast %broadcast_in_dim3A_0 : vector<16xf32> to vector<1x16xf32>
    tpu.vector_store %arg10[%swap3A_193, %swap3A_194], %swap3A_197 {strides = array<i32>} : memref<16x128xf32, #tpu.memory_space<vmem>>, vector<1x16xf32>,
    %swap3A_198 = arith.constant 4 : i32
    %swap3A_199 = arith.index_cast %swap3A_198 : i32 to index
    %swap3A_200 = arith.constant 16 : index
    %swap3A_201 = tpu.vector_load %arg10[%swap3A_199, %swap3A_200] {strides = array<i32>} : memref<16x128xf32, #tpu.memory_space<vmem>>, vector<1x16xf32>,
    %swap3A_202 = vector.shape_cast %swap3A_201 : vector<1x16xf32> to vector<16xf32>
    %swap3A_203 = vector.shape_cast %broadcast_in_dim3A_0 : vector<16xf32> to vector<1x16xf32>
    tpu.vector_store %arg10[%swap3A_199, %swap3A_200], %swap3A_203 {strides = array<i32>} : memref<16x128xf32, #tpu.memory_space<vmem>>, vector<1x16xf32>,
    %swap3A_204 = arith.constant 4 : i32
    %swap3A_205 = arith.index_cast %swap3A_204 : i32 to index
    %swap3A_206 = arith.constant 32 : index
    %swap3A_207 = tpu.vector_load %arg10[%swap3A_205, %swap3A_206] {strides = array<i32>} : memref<16x128xf32, #tpu.memory_space<vmem>>, vector<1x16xf32>,
    %swap3A_208 = vector.shape_cast %swap3A_207 : vector<1x16xf32> to vector<16xf32>
    %swap3A_209 = vector.shape_cast %broadcast_in_dim3A_0 : vector<16xf32> to vector<1x16xf32>
    tpu.vector_store %arg10[%swap3A_205, %swap3A_206], %swap3A_209 {strides = array<i32>} : memref<16x128xf32, #tpu.memory_space<vmem>>, vector<1x16xf32>,
    %swap3A_210 = arith.constant 4 : i32
    %swap3A_211 = arith.index_cast %swap3A_210 : i32 to index
    %swap3A_212 = arith.constant 48 : index
    %swap3A_213 = tpu.vector_load %arg10[%swap3A_211, %swap3A_212] {strides = array<i32>} : memref<16x128xf32, #tpu.memory_space<vmem>>, vector<1x16xf32>,
    %swap3A_214 = vector.shape_cast %swap3A_213 : vector<1x16xf32> to vector<16xf32>
    %swap3A_215 = vector.shape_cast %broadcast_in_dim3A_0 : vector<16xf32> to vector<1x16xf32>
    tpu.vector_store %arg10[%swap3A_211, %swap3A_212], %swap3A_215 {strides = array<i32>} : memref<16x128xf32, #tpu.memory_space<vmem>>, vector<1x16xf32>,
    %swap3A_216 = arith.constant 4 : i32
    %swap3A_217 = arith.index_cast %swap3A_216 : i32 to index
    %swap3A_218 = arith.constant 64 : index
    %swap3A_219 = tpu.vector_load %arg10[%swap3A_217, %swap3A_218] {strides = array<i32>} : memref<16x128xf32, #tpu.memory_space<vmem>>, vector<1x16xf32>,
    %swap3A_220 = vector.shape_cast %swap3A_219 : vector<1x16xf32> to vector<16xf32>
    %swap3A_221 = vector.shape_cast %broadcast_in_dim3A_0 : vector<16xf32> to vector<1x16xf32>
    tpu.vector_store %arg10[%swap3A_217, %swap3A_218], %swap3A_221 {strides = array<i32>} : memref<16x128xf32, #tpu.memory_space<vmem>>, vector<1x16xf32>,
    %swap3A_222 = arith.constant 4 : i32
    %swap3A_223 = arith.index_cast %swap3A_222 : i32 to index
    %swap3A_224 = arith.constant 80 : index
    %swap3A_225 = tpu.vector_load %arg10[%swap3A_223, %swap3A_224] {strides = array<i32>} : memref<16x128xf32, #tpu.memory_space<vmem>>, vector<1x16xf32>,
    %swap3A_226 = vector.shape_cast %swap3A_225 : vector<1x16xf32> to vector<16xf32>
    %swap3A_227 = vector.shape_cast %broadcast_in_dim3A_0 : vector<16xf32> to vector<1x16xf32>
    tpu.vector_store %arg10[%swap3A_223, %swap3A_224], %swap3A_227 {strides = array<i32>} : memref<16x128xf32, #tpu.memory_space<vmem>>, vector<1x16xf32>,
    %swap3A_228 = arith.constant 4 : i32
    %swap3A_229 = arith.index_cast %swap3A_228 : i32 to index
    %swap3A_230 = arith.constant 96 : index
    %swap3A_231 = tpu.vector_load %arg10[%swap3A_229, %swap3A_230] {strides = array<i32>} : memref<16x128xf32, #tpu.memory_space<vmem>>, vector<1x16xf32>,
    %swap3A_232 = vector.shape_cast %swap3A_231 : vector<1x16xf32> to vector<16xf32>
    %swap3A_233 = vector.shape_cast %broadcast_in_dim3A_0 : vector<16xf32> to vector<1x16xf32>
    tpu.vector_store %arg10[%swap3A_229, %swap3A_230], %swap3A_233 {strides = array<i32>} : memref<16x128xf32, #tpu.memory_space<vmem>>, vector<1x16xf32>,
    %swap3A_234 = arith.constant 4 : i32
    %swap3A_235 = arith.index_cast %swap3A_234 : i32 to index
    %swap3A_236 = arith.constant 112 : index
    %swap3A_237 = tpu.vector_load %arg10[%swap3A_235, %swap3A_236] {strides = array<i32>} : memref<16x128xf32, #tpu.memory_space<vmem>>, vector<1x16xf32>,
    %swap3A_238 = vector.shape_cast %swap3A_237 : vector<1x16xf32> to vector<16xf32>
    %swap3A_239 = vector.shape_cast %broadcast_in_dim3A_0 : vector<16xf32> to vector<1x16xf32>
    tpu.vector_store %arg10[%swap3A_235, %swap3A_236], %swap3A_239 {strides = array<i32>} : memref<16x128xf32, #tpu.memory_space<vmem>>, vector<1x16xf32>,
    %swap3A_240 = arith.constant 5 : i32
    %swap3A_241 = arith.index_cast %swap3A_240 : i32 to index
    %swap3A_242 = arith.constant 0 : index
    %swap3A_243 = tpu.vector_load %arg10[%swap3A_241, %swap3A_242] {strides = array<i32>} : memref<16x128xf32, #tpu.memory_space<vmem>>, vector<1x16xf32>,
    %swap3A_244 = vector.shape_cast %swap3A_243 : vector<1x16xf32> to vector<16xf32>
    %swap3A_245 = vector.shape_cast %broadcast_in_dim3A_0 : vector<16xf32> to vector<1x16xf32>
    tpu.vector_store %arg10[%swap3A_241, %swap3A_242], %swap3A_245 {strides = array<i32>} : memref<16x128xf32, #tpu.memory_space<vmem>>, vector<1x16xf32>,
    %swap3A_246 = arith.constant 5 : i32
    %swap3A_247 = arith.index_cast %swap3A_246 : i32 to index
    %swap3A_248 = arith.constant 16 : index
    %swap3A_249 = tpu.vector_load %arg10[%swap3A_247, %swap3A_248] {strides = array<i32>} : memref<16x128xf32, #tpu.memory_space<vmem>>, vector<1x16xf32>,
    %swap3A_250 = vector.shape_cast %swap3A_249 : vector<1x16xf32> to vector<16xf32>
    %swap3A_251 = vector.shape_cast %broadcast_in_dim3A_0 : vector<16xf32> to vector<1x16xf32>
    tpu.vector_store %arg10[%swap3A_247, %swap3A_248], %swap3A_251 {strides = array<i32>} : memref<16x128xf32, #tpu.memory_space<vmem>>, vector<1x16xf32>,
    %swap3A_252 = arith.constant 5 : i32
    %swap3A_253 = arith.index_cast %swap3A_252 : i32 to index
    %swap3A_254 = arith.constant 32 : index
    %swap3A_255 = tpu.vector_load %arg10[%swap3A_253, %swap3A_254] {strides = array<i32>} : memref<16x128xf32, #tpu.memory_space<vmem>>, vector<1x16xf32>,
    %swap3A_256 = vector.shape_cast %swap3A_255 : vector<1x16xf32> to vector<16xf32>
    %swap3A_257 = vector.shape_cast %broadcast_in_dim3A_0 : vector<16xf32> to vector<1x16xf32>
    tpu.vector_store %arg10[%swap3A_253, %swap3A_254], %swap3A_257 {strides = array<i32>} : memref<16x128xf32, #tpu.memory_space<vmem>>, vector<1x16xf32>,
    %swap3A_258 = arith.constant 5 : i32
    %swap3A_259 = arith.index_cast %swap3A_258 : i32 to index
    %swap3A_260 = arith.constant 48 : index
    %swap3A_261 = tpu.vector_load %arg10[%swap3A_259, %swap3A_260] {strides = array<i32>} : memref<16x128xf32, #tpu.memory_space<vmem>>, vector<1x16xf32>,
    %swap3A_262 = vector.shape_cast %swap3A_261 : vector<1x16xf32> to vector<16xf32>
    %swap3A_263 = vector.shape_cast %broadcast_in_dim3A_0 : vector<16xf32> to vector<1x16xf32>
    tpu.vector_store %arg10[%swap3A_259, %swap3A_260], %swap3A_263 {strides = array<i32>} : memref<16x128xf32, #tpu.memory_space<vmem>>, vector<1x16xf32>,
    %swap3A_264 = arith.constant 5 : i32
    %swap3A_265 = arith.index_cast %swap3A_264 : i32 to index
    %swap3A_266 = arith.constant 64 : index
    %swap3A_267 = tpu.vector_load %arg10[%swap3A_265, %swap3A_266] {strides = array<i32>} : memref<16x128xf32, #tpu.memory_space<vmem>>, vector<1x16xf32>,
    %swap3A_268 = vector.shape_cast %swap3A_267 : vector<1x16xf32> to vector<16xf32>
    %swap3A_269 = vector.shape_cast %broadcast_in_dim3A_0 : vector<16xf32> to vector<1x16xf32>
    tpu.vector_store %arg10[%swap3A_265, %swap3A_266], %swap3A_269 {strides = array<i32>} : memref<16x128xf32, #tpu.memory_space<vmem>>, vector<1x16xf32>,
    %swap3A_270 = arith.constant 5 : i32
    %swap3A_271 = arith.index_cast %swap3A_270 : i32 to index
    %swap3A_272 = arith.constant 80 : index
    %swap3A_273 = tpu.vector_load %arg10[%swap3A_271, %swap3A_272] {strides = array<i32>} : memref<16x128xf32, #tpu.memory_space<vmem>>, vector<1x16xf32>,
    %swap3A_274 = vector.shape_cast %swap3A_273 : vector<1x16xf32> to vector<16xf32>
    %swap3A_275 = vector.shape_cast %broadcast_in_dim3A_0 : vector<16xf32> to vector<1x16xf32>
    tpu.vector_store %arg10[%swap3A_271, %swap3A_272], %swap3A_275 {strides = array<i32>} : memref<16x128xf32, #tpu.memory_space<vmem>>, vector<1x16xf32>,
    %swap3A_276 = arith.constant 5 : i32
    %swap3A_277 = arith.index_cast %swap3A_276 : i32 to index
    %swap3A_278 = arith.constant 96 : index
    %swap3A_279 = tpu.vector_load %arg10[%swap3A_277, %swap3A_278] {strides = array<i32>} : memref<16x128xf32, #tpu.memory_space<vmem>>, vector<1x16xf32>,
    %swap3A_280 = vector.shape_cast %swap3A_279 : vector<1x16xf32> to vector<16xf32>
    %swap3A_281 = vector.shape_cast %broadcast_in_dim3A_0 : vector<16xf32> to vector<1x16xf32>
    tpu.vector_store %arg10[%swap3A_277, %swap3A_278], %swap3A_281 {strides = array<i32>} : memref<16x128xf32, #tpu.memory_space<vmem>>, vector<1x16xf32>,
    %swap3A_282 = arith.constant 5 : i32
    %swap3A_283 = arith.index_cast %swap3A_282 : i32 to index
    %swap3A_284 = arith.constant 112 : index
    %swap3A_285 = tpu.vector_load %arg10[%swap3A_283, %swap3A_284] {strides = array<i32>} : memref<16x128xf32, #tpu.memory_space<vmem>>, vector<1x16xf32>,
    %swap3A_286 = vector.shape_cast %swap3A_285 : vector<1x16xf32> to vector<16xf32>
    %swap3A_287 = vector.shape_cast %broadcast_in_dim3A_0 : vector<16xf32> to vector<1x16xf32>
    tpu.vector_store %arg10[%swap3A_283, %swap3A_284], %swap3A_287 {strides = array<i32>} : memref<16x128xf32, #tpu.memory_space<vmem>>, vector<1x16xf32>,
    %swap3A_288 = arith.constant 6 : i32
    %swap3A_289 = arith.index_cast %swap3A_288 : i32 to index
    %swap3A_290 = arith.constant 0 : index
    %swap3A_291 = tpu.vector_load %arg10[%swap3A_289, %swap3A_290] {strides = array<i32>} : memref<16x128xf32, #tpu.memory_space<vmem>>, vector<1x16xf32>,
    %swap3A_292 = vector.shape_cast %swap3A_291 : vector<1x16xf32> to vector<16xf32>
    %swap3A_293 = vector.shape_cast %broadcast_in_dim3A_0 : vector<16xf32> to vector<1x16xf32>
    tpu.vector_store %arg10[%swap3A_289, %swap3A_290], %swap3A_293 {strides = array<i32>} : memref<16x128xf32, #tpu.memory_space<vmem>>, vector<1x16xf32>,
    %swap3A_294 = arith.constant 6 : i32
    %swap3A_295 = arith.index_cast %swap3A_294 : i32 to index
    %swap3A_296 = arith.constant 16 : index
    %swap3A_297 = tpu.vector_load %arg10[%swap3A_295, %swap3A_296] {strides = array<i32>} : memref<16x128xf32, #tpu.memory_space<vmem>>, vector<1x16xf32>,
    %swap3A_298 = vector.shape_cast %swap3A_297 : vector<1x16xf32> to vector<16xf32>
    %swap3A_299 = vector.shape_cast %broadcast_in_dim3A_0 : vector<16xf32> to vector<1x16xf32>
    tpu.vector_store %arg10[%swap3A_295, %swap3A_296], %swap3A_299 {strides = array<i32>} : memref<16x128xf32, #tpu.memory_space<vmem>>, vector<1x16xf32>,
    %swap3A_300 = arith.constant 6 : i32
    %swap3A_301 = arith.index_cast %swap3A_300 : i32 to index
    %swap3A_302 = arith.constant 32 : index
    %swap3A_303 = tpu.vector_load %arg10[%swap3A_301, %swap3A_302] {strides = array<i32>} : memref<16x128xf32, #tpu.memory_space<vmem>>, vector<1x16xf32>,
    %swap3A_304 = vector.shape_cast %swap3A_303 : vector<1x16xf32> to vector<16xf32>
    %swap3A_305 = vector.shape_cast %broadcast_in_dim3A_0 : vector<16xf32> to vector<1x16xf32>
    tpu.vector_store %arg10[%swap3A_301, %swap3A_302], %swap3A_305 {strides = array<i32>} : memref<16x128xf32, #tpu.memory_space<vmem>>, vector<1x16xf32>,
    %swap3A_306 = arith.constant 6 : i32
    %swap3A_307 = arith.index_cast %swap3A_306 : i32 to index
    %swap3A_308 = arith.constant 48 : index
    %swap3A_309 = tpu.vector_load %arg10[%swap3A_307, %swap3A_308] {strides = array<i32>} : memref<16x128xf32, #tpu.memory_space<vmem>>, vector<1x16xf32>,
    %swap3A_310 = vector.shape_cast %swap3A_309 : vector<1x16xf32> to vector<16xf32>
    %swap3A_311 = vector.shape_cast %broadcast_in_dim3A_0 : vector<16xf32> to vector<1x16xf32>
    tpu.vector_store %arg10[%swap3A_307, %swap3A_308], %swap3A_311 {strides = array<i32>} : memref<16x128xf32, #tpu.memory_space<vmem>>, vector<1x16xf32>,
    %swap3A_312 = arith.constant 6 : i32
    %swap3A_313 = arith.index_cast %swap3A_312 : i32 to index
    %swap3A_314 = arith.constant 64 : index
    %swap3A_315 = tpu.vector_load %arg10[%swap3A_313, %swap3A_314] {strides = array<i32>} : memref<16x128xf32, #tpu.memory_space<vmem>>, vector<1x16xf32>,
    %swap3A_316 = vector.shape_cast %swap3A_315 : vector<1x16xf32> to vector<16xf32>
    %swap3A_317 = vector.shape_cast %broadcast_in_dim3A_0 : vector<16xf32> to vector<1x16xf32>
    tpu.vector_store %arg10[%swap3A_313, %swap3A_314], %swap3A_317 {strides = array<i32>} : memref<16x128xf32, #tpu.memory_space<vmem>>, vector<1x16xf32>,
    %swap3A_318 = arith.constant 6 : i32
    %swap3A_319 = arith.index_cast %swap3A_318 : i32 to index
    %swap3A_320 = arith.constant 80 : index
    %swap3A_321 = tpu.vector_load %arg10[%swap3A_319, %swap3A_320] {strides = array<i32>} : memref<16x128xf32, #tpu.memory_space<vmem>>, vector<1x16xf32>,
    %swap3A_322 = vector.shape_cast %swap3A_321 : vector<1x16xf32> to vector<16xf32>
    %swap3A_323 = vector.shape_cast %broadcast_in_dim3A_0 : vector<16xf32> to vector<1x16xf32>
    tpu.vector_store %arg10[%swap3A_319, %swap3A_320], %swap3A_323 {strides = array<i32>} : memref<16x128xf32, #tpu.memory_space<vmem>>, vector<1x16xf32>,
    %swap3A_324 = arith.constant 6 : i32
    %swap3A_325 = arith.index_cast %swap3A_324 : i32 to index
    %swap3A_326 = arith.constant 96 : index
    %swap3A_327 = tpu.vector_load %arg10[%swap3A_325, %swap3A_326] {strides = array<i32>} : memref<16x128xf32, #tpu.memory_space<vmem>>, vector<1x16xf32>,
    %swap3A_328 = vector.shape_cast %swap3A_327 : vector<1x16xf32> to vector<16xf32>
    %swap3A_329 = vector.shape_cast %broadcast_in_dim3A_0 : vector<16xf32> to vector<1x16xf32>
    tpu.vector_store %arg10[%swap3A_325, %swap3A_326], %swap3A_329 {strides = array<i32>} : memref<16x128xf32, #tpu.memory_space<vmem>>, vector<1x16xf32>,
    %swap3A_330 = arith.constant 6 : i32
    %swap3A_331 = arith.index_cast %swap3A_330 : i32 to index
    %swap3A_332 = arith.constant 112 : index
    %swap3A_333 = tpu.vector_load %arg10[%swap3A_331, %swap3A_332] {strides = array<i32>} : memref<16x128xf32, #tpu.memory_space<vmem>>, vector<1x16xf32>,
    %swap3A_334 = vector.shape_cast %swap3A_333 : vector<1x16xf32> to vector<16xf32>
    %swap3A_335 = vector.shape_cast %broadcast_in_dim3A_0 : vector<16xf32> to vector<1x16xf32>
    tpu.vector_store %arg10[%swap3A_331, %swap3A_332], %swap3A_335 {strides = array<i32>} : memref<16x128xf32, #tpu.memory_space<vmem>>, vector<1x16xf32>,
    %swap3A_336 = arith.constant 7 : i32
    %swap3A_337 = arith.index_cast %swap3A_336 : i32 to index
    %swap3A_338 = arith.constant 0 : index
    %swap3A_339 = tpu.vector_load %arg10[%swap3A_337, %swap3A_338] {strides = array<i32>} : memref<16x128xf32, #tpu.memory_space<vmem>>, vector<1x16xf32>,
    %swap3A_340 = vector.shape_cast %swap3A_339 : vector<1x16xf32> to vector<16xf32>
    %swap3A_341 = vector.shape_cast %broadcast_in_dim3A_0 : vector<16xf32> to vector<1x16xf32>
    tpu.vector_store %arg10[%swap3A_337, %swap3A_338], %swap3A_341 {strides = array<i32>} : memref<16x128xf32, #tpu.memory_space<vmem>>, vector<1x16xf32>,
    %swap3A_342 = arith.constant 7 : i32
    %swap3A_343 = arith.index_cast %swap3A_342 : i32 to index
    %swap3A_344 = arith.constant 16 : index
    %swap3A_345 = tpu.vector_load %arg10[%swap3A_343, %swap3A_344] {strides = array<i32>} : memref<16x128xf32, #tpu.memory_space<vmem>>, vector<1x16xf32>,
    %swap3A_346 = vector.shape_cast %swap3A_345 : vector<1x16xf32> to vector<16xf32>
    %swap3A_347 = vector.shape_cast %broadcast_in_dim3A_0 : vector<16xf32> to vector<1x16xf32>
    tpu.vector_store %arg10[%swap3A_343, %swap3A_344], %swap3A_347 {strides = array<i32>} : memref<16x128xf32, #tpu.memory_space<vmem>>, vector<1x16xf32>,
    %swap3A_348 = arith.constant 7 : i32
    %swap3A_349 = arith.index_cast %swap3A_348 : i32 to index
    %swap3A_350 = arith.constant 32 : index
    %swap3A_351 = tpu.vector_load %arg10[%swap3A_349, %swap3A_350] {strides = array<i32>} : memref<16x128xf32, #tpu.memory_space<vmem>>, vector<1x16xf32>,
    %swap3A_352 = vector.shape_cast %swap3A_351 : vector<1x16xf32> to vector<16xf32>
    %swap3A_353 = vector.shape_cast %broadcast_in_dim3A_0 : vector<16xf32> to vector<1x16xf32>
    tpu.vector_store %arg10[%swap3A_349, %swap3A_350], %swap3A_353 {strides = array<i32>} : memref<16x128xf32, #tpu.memory_space<vmem>>, vector<1x16xf32>,
    %swap3A_354 = arith.constant 7 : i32
    %swap3A_355 = arith.index_cast %swap3A_354 : i32 to index
    %swap3A_356 = arith.constant 48 : index
    %swap3A_357 = tpu.vector_load %arg10[%swap3A_355, %swap3A_356] {strides = array<i32>} : memref<16x128xf32, #tpu.memory_space<vmem>>, vector<1x16xf32>,
    %swap3A_358 = vector.shape_cast %swap3A_357 : vector<1x16xf32> to vector<16xf32>
    %swap3A_359 = vector.shape_cast %broadcast_in_dim3A_0 : vector<16xf32> to vector<1x16xf32>
    tpu.vector_store %arg10[%swap3A_355, %swap3A_356], %swap3A_359 {strides = array<i32>} : memref<16x128xf32, #tpu.memory_space<vmem>>, vector<1x16xf32>,
    %swap3A_360 = arith.constant 7 : i32
    %swap3A_361 = arith.index_cast %swap3A_360 : i32 to index
    %swap3A_362 = arith.constant 64 : index
    %swap3A_363 = tpu.vector_load %arg10[%swap3A_361, %swap3A_362] {strides = array<i32>} : memref<16x128xf32, #tpu.memory_space<vmem>>, vector<1x16xf32>,
    %swap3A_364 = vector.shape_cast %swap3A_363 : vector<1x16xf32> to vector<16xf32>
    %swap3A_365 = vector.shape_cast %broadcast_in_dim3A_0 : vector<16xf32> to vector<1x16xf32>
    tpu.vector_store %arg10[%swap3A_361, %swap3A_362], %swap3A_365 {strides = array<i32>} : memref<16x128xf32, #tpu.memory_space<vmem>>, vector<1x16xf32>,
    %swap3A_366 = arith.constant 7 : i32
    %swap3A_367 = arith.index_cast %swap3A_366 : i32 to index
    %swap3A_368 = arith.constant 80 : index
    %swap3A_369 = tpu.vector_load %arg10[%swap3A_367, %swap3A_368] {strides = array<i32>} : memref<16x128xf32, #tpu.memory_space<vmem>>, vector<1x16xf32>,
    %swap3A_370 = vector.shape_cast %swap3A_369 : vector<1x16xf32> to vector<16xf32>
    %swap3A_371 = vector.shape_cast %broadcast_in_dim3A_0 : vector<16xf32> to vector<1x16xf32>
    tpu.vector_store %arg10[%swap3A_367, %swap3A_368], %swap3A_371 {strides = array<i32>} : memref<16x128xf32, #tpu.memory_space<vmem>>, vector<1x16xf32>,
    %swap3A_372 = arith.constant 7 : i32
    %swap3A_373 = arith.index_cast %swap3A_372 : i32 to index
    %swap3A_374 = arith.constant 96 : index
    %swap3A_375 = tpu.vector_load %arg10[%swap3A_373, %swap3A_374] {strides = array<i32>} : memref<16x128xf32, #tpu.memory_space<vmem>>, vector<1x16xf32>,
    %swap3A_376 = vector.shape_cast %swap3A_375 : vector<1x16xf32> to vector<16xf32>
    %swap3A_377 = vector.shape_cast %broadcast_in_dim3A_0 : vector<16xf32> to vector<1x16xf32>
    tpu.vector_store %arg10[%swap3A_373, %swap3A_374], %swap3A_377 {strides = array<i32>} : memref<16x128xf32, #tpu.memory_space<vmem>>, vector<1x16xf32>,
    %swap3A_378 = arith.constant 7 : i32
    %swap3A_379 = arith.index_cast %swap3A_378 : i32 to index
    %swap3A_380 = arith.constant 112 : index
    %swap3A_381 = tpu.vector_load %arg10[%swap3A_379, %swap3A_380] {strides = array<i32>} : memref<16x128xf32, #tpu.memory_space<vmem>>, vector<1x16xf32>,
    %swap3A_382 = vector.shape_cast %swap3A_381 : vector<1x16xf32> to vector<16xf32>
    %swap3A_383 = vector.shape_cast %broadcast_in_dim3A_0 : vector<16xf32> to vector<1x16xf32>
    tpu.vector_store %arg10[%swap3A_379, %swap3A_380], %swap3A_383 {strides = array<i32>} : memref<16x128xf32, #tpu.memory_space<vmem>>, vector<1x16xf32>,
    %swap3A_384 = arith.constant 8 : i32
    %swap3A_385 = arith.index_cast %swap3A_384 : i32 to index
    %swap3A_386 = arith.constant 0 : index
    %swap3A_387 = tpu.vector_load %arg10[%swap3A_385, %swap3A_386] {strides = array<i32>} : memref<16x128xf32, #tpu.memory_space<vmem>>, vector<1x16xf32>,
    %swap3A_388 = vector.shape_cast %swap3A_387 : vector<1x16xf32> to vector<16xf32>
    %swap3A_389 = vector.shape_cast %broadcast_in_dim3A_0 : vector<16xf32> to vector<1x16xf32>
    tpu.vector_store %arg10[%swap3A_385, %swap3A_386], %swap3A_389 {strides = array<i32>} : memref<16x128xf32, #tpu.memory_space<vmem>>, vector<1x16xf32>,
    %swap3A_390 = arith.constant 8 : i32
    %swap3A_391 = arith.index_cast %swap3A_390 : i32 to index
    %swap3A_392 = arith.constant 16 : index
    %swap3A_393 = tpu.vector_load %arg10[%swap3A_391, %swap3A_392] {strides = array<i32>} : memref<16x128xf32, #tpu.memory_space<vmem>>, vector<1x16xf32>,
    %swap3A_394 = vector.shape_cast %swap3A_393 : vector<1x16xf32> to vector<16xf32>
    %swap3A_395 = vector.shape_cast %broadcast_in_dim3A_0 : vector<16xf32> to vector<1x16xf32>
    tpu.vector_store %arg10[%swap3A_391, %swap3A_392], %swap3A_395 {strides = array<i32>} : memref<16x128xf32, #tpu.memory_space<vmem>>, vector<1x16xf32>,
    %swap3A_396 = arith.constant 8 : i32
    %swap3A_397 = arith.index_cast %swap3A_396 : i32 to index
    %swap3A_398 = arith.constant 32 : index
    %swap3A_399 = tpu.vector_load %arg10[%swap3A_397, %swap3A_398] {strides = array<i32>} : memref<16x128xf32, #tpu.memory_space<vmem>>, vector<1x16xf32>,
    %swap3A_400 = vector.shape_cast %swap3A_399 : vector<1x16xf32> to vector<16xf32>
    %swap3A_401 = vector.shape_cast %broadcast_in_dim3A_0 : vector<16xf32> to vector<1x16xf32>
    tpu.vector_store %arg10[%swap3A_397, %swap3A_398], %swap3A_401 {strides = array<i32>} : memref<16x128xf32, #tpu.memory_space<vmem>>, vector<1x16xf32>,
    %swap3A_402 = arith.constant 8 : i32
    %swap3A_403 = arith.index_cast %swap3A_402 : i32 to index
    %swap3A_404 = arith.constant 48 : index
    %swap3A_405 = tpu.vector_load %arg10[%swap3A_403, %swap3A_404] {strides = array<i32>} : memref<16x128xf32, #tpu.memory_space<vmem>>, vector<1x16xf32>,
    %swap3A_406 = vector.shape_cast %swap3A_405 : vector<1x16xf32> to vector<16xf32>
    %swap3A_407 = vector.shape_cast %broadcast_in_dim3A_0 : vector<16xf32> to vector<1x16xf32>
    tpu.vector_store %arg10[%swap3A_403, %swap3A_404], %swap3A_407 {strides = array<i32>} : memref<16x128xf32, #tpu.memory_space<vmem>>, vector<1x16xf32>,
    %swap3A_408 = arith.constant 8 : i32
    %swap3A_409 = arith.index_cast %swap3A_408 : i32 to index
    %swap3A_410 = arith.constant 64 : index
    %swap3A_411 = tpu.vector_load %arg10[%swap3A_409, %swap3A_410] {strides = array<i32>} : memref<16x128xf32, #tpu.memory_space<vmem>>, vector<1x16xf32>,
    %swap3A_412 = vector.shape_cast %swap3A_411 : vector<1x16xf32> to vector<16xf32>
    %swap3A_413 = vector.shape_cast %broadcast_in_dim3A_0 : vector<16xf32> to vector<1x16xf32>
    tpu.vector_store %arg10[%swap3A_409, %swap3A_410], %swap3A_413 {strides = array<i32>} : memref<16x128xf32, #tpu.memory_space<vmem>>, vector<1x16xf32>,
    %swap3A_414 = arith.constant 8 : i32
    %swap3A_415 = arith.index_cast %swap3A_414 : i32 to index
    %swap3A_416 = arith.constant 80 : index
    %swap3A_417 = tpu.vector_load %arg10[%swap3A_415, %swap3A_416] {strides = array<i32>} : memref<16x128xf32, #tpu.memory_space<vmem>>, vector<1x16xf32>,
    %swap3A_418 = vector.shape_cast %swap3A_417 : vector<1x16xf32> to vector<16xf32>
    %swap3A_419 = vector.shape_cast %broadcast_in_dim3A_0 : vector<16xf32> to vector<1x16xf32>
    tpu.vector_store %arg10[%swap3A_415, %swap3A_416], %swap3A_419 {strides = array<i32>} : memref<16x128xf32, #tpu.memory_space<vmem>>, vector<1x16xf32>,
    %swap3A_420 = arith.constant 8 : i32
    %swap3A_421 = arith.index_cast %swap3A_420 : i32 to index
    %swap3A_422 = arith.constant 96 : index
    %swap3A_423 = tpu.vector_load %arg10[%swap3A_421, %swap3A_422] {strides = array<i32>} : memref<16x128xf32, #tpu.memory_space<vmem>>, vector<1x16xf32>,
    %swap3A_424 = vector.shape_cast %swap3A_423 : vector<1x16xf32> to vector<16xf32>
    %swap3A_425 = vector.shape_cast %broadcast_in_dim3A_0 : vector<16xf32> to vector<1x16xf32>
    tpu.vector_store %arg10[%swap3A_421, %swap3A_422], %swap3A_425 {strides = array<i32>} : memref<16x128xf32, #tpu.memory_space<vmem>>, vector<1x16xf32>,
    %swap3A_426 = arith.constant 8 : i32
    %swap3A_427 = arith.index_cast %swap3A_426 : i32 to index
    %swap3A_428 = arith.constant 112 : index
    %swap3A_429 = tpu.vector_load %arg10[%swap3A_427, %swap3A_428] {strides = array<i32>} : memref<16x128xf32, #tpu.memory_space<vmem>>, vector<1x16xf32>,
    %swap3A_430 = vector.shape_cast %swap3A_429 : vector<1x16xf32> to vector<16xf32>
    %swap3A_431 = vector.shape_cast %broadcast_in_dim3A_0 : vector<16xf32> to vector<1x16xf32>
    tpu.vector_store %arg10[%swap3A_427, %swap3A_428], %swap3A_431 {strides = array<i32>} : memref<16x128xf32, #tpu.memory_space<vmem>>, vector<1x16xf32>,
    %swap3A_432 = arith.constant 9 : i32
    %swap3A_433 = arith.index_cast %swap3A_432 : i32 to index
    %swap3A_434 = arith.constant 0 : index
    %swap3A_435 = tpu.vector_load %arg10[%swap3A_433, %swap3A_434] {strides = array<i32>} : memref<16x128xf32, #tpu.memory_space<vmem>>, vector<1x16xf32>,
    %swap3A_436 = vector.shape_cast %swap3A_435 : vector<1x16xf32> to vector<16xf32>
    %swap3A_437 = vector.shape_cast %broadcast_in_dim3A_0 : vector<16xf32> to vector<1x16xf32>
    tpu.vector_store %arg10[%swap3A_433, %swap3A_434], %swap3A_437 {strides = array<i32>} : memref<16x128xf32, #tpu.memory_space<vmem>>, vector<1x16xf32>,
    %swap3A_438 = arith.constant 9 : i32
    %swap3A_439 = arith.index_cast %swap3A_438 : i32 to index
    %swap3A_440 = arith.constant 16 : index
    %swap3A_441 = tpu.vector_load %arg10[%swap3A_439, %swap3A_440] {strides = array<i32>} : memref<16x128xf32, #tpu.memory_space<vmem>>, vector<1x16xf32>,
    %swap3A_442 = vector.shape_cast %swap3A_441 : vector<1x16xf32> to vector<16xf32>
    %swap3A_443 = vector.shape_cast %broadcast_in_dim3A_0 : vector<16xf32> to vector<1x16xf32>
    tpu.vector_store %arg10[%swap3A_439, %swap3A_440], %swap3A_443 {strides = array<i32>} : memref<16x128xf32, #tpu.memory_space<vmem>>, vector<1x16xf32>,
    %swap3A_444 = arith.constant 9 : i32
    %swap3A_445 = arith.index_cast %swap3A_444 : i32 to index
    %swap3A_446 = arith.constant 32 : index
    %swap3A_447 = tpu.vector_load %arg10[%swap3A_445, %swap3A_446] {strides = array<i32>} : memref<16x128xf32, #tpu.memory_space<vmem>>, vector<1x16xf32>,
    %swap3A_448 = vector.shape_cast %swap3A_447 : vector<1x16xf32> to vector<16xf32>
    %swap3A_449 = vector.shape_cast %broadcast_in_dim3A_0 : vector<16xf32> to vector<1x16xf32>
    tpu.vector_store %arg10[%swap3A_445, %swap3A_446], %swap3A_449 {strides = array<i32>} : memref<16x128xf32, #tpu.memory_space<vmem>>, vector<1x16xf32>,
    %swap3A_450 = arith.constant 9 : i32
    %swap3A_451 = arith.index_cast %swap3A_450 : i32 to index
    %swap3A_452 = arith.constant 48 : index
    %swap3A_453 = tpu.vector_load %arg10[%swap3A_451, %swap3A_452] {strides = array<i32>} : memref<16x128xf32, #tpu.memory_space<vmem>>, vector<1x16xf32>,
    %swap3A_454 = vector.shape_cast %swap3A_453 : vector<1x16xf32> to vector<16xf32>
    %swap3A_455 = vector.shape_cast %broadcast_in_dim3A_0 : vector<16xf32> to vector<1x16xf32>
    tpu.vector_store %arg10[%swap3A_451, %swap3A_452], %swap3A_455 {strides = array<i32>} : memref<16x128xf32, #tpu.memory_space<vmem>>, vector<1x16xf32>,
    %swap3A_456 = arith.constant 9 : i32
    %swap3A_457 = arith.index_cast %swap3A_456 : i32 to index
    %swap3A_458 = arith.constant 64 : index
    %swap3A_459 = tpu.vector_load %arg10[%swap3A_457, %swap3A_458] {strides = array<i32>} : memref<16x128xf32, #tpu.memory_space<vmem>>, vector<1x16xf32>,
    %swap3A_460 = vector.shape_cast %swap3A_459 : vector<1x16xf32> to vector<16xf32>
    %swap3A_461 = vector.shape_cast %broadcast_in_dim3A_0 : vector<16xf32> to vector<1x16xf32>
    tpu.vector_store %arg10[%swap3A_457, %swap3A_458], %swap3A_461 {strides = array<i32>} : memref<16x128xf32, #tpu.memory_space<vmem>>, vector<1x16xf32>,
    %swap3A_462 = arith.constant 9 : i32
    %swap3A_463 = arith.index_cast %swap3A_462 : i32 to index
    %swap3A_464 = arith.constant 80 : index
    %swap3A_465 = tpu.vector_load %arg10[%swap3A_463, %swap3A_464] {strides = array<i32>} : memref<16x128xf32, #tpu.memory_space<vmem>>, vector<1x16xf32>,
    %swap3A_466 = vector.shape_cast %swap3A_465 : vector<1x16xf32> to vector<16xf32>
    %swap3A_467 = vector.shape_cast %broadcast_in_dim3A_0 : vector<16xf32> to vector<1x16xf32>
    tpu.vector_store %arg10[%swap3A_463, %swap3A_464], %swap3A_467 {strides = array<i32>} : memref<16x128xf32, #tpu.memory_space<vmem>>, vector<1x16xf32>,
    %swap3A_468 = arith.constant 9 : i32
    %swap3A_469 = arith.index_cast %swap3A_468 : i32 to index
    %swap3A_470 = arith.constant 96 : index
    %swap3A_471 = tpu.vector_load %arg10[%swap3A_469, %swap3A_470] {strides = array<i32>} : memref<16x128xf32, #tpu.memory_space<vmem>>, vector<1x16xf32>,
    %swap3A_472 = vector.shape_cast %swap3A_471 : vector<1x16xf32> to vector<16xf32>
    %swap3A_473 = vector.shape_cast %broadcast_in_dim3A_0 : vector<16xf32> to vector<1x16xf32>
    tpu.vector_store %arg10[%swap3A_469, %swap3A_470], %swap3A_473 {strides = array<i32>} : memref<16x128xf32, #tpu.memory_space<vmem>>, vector<1x16xf32>,
    %swap3A_474 = arith.constant 9 : i32
    %swap3A_475 = arith.index_cast %swap3A_474 : i32 to index
    %swap3A_476 = arith.constant 112 : index
    %swap3A_477 = tpu.vector_load %arg10[%swap3A_475, %swap3A_476] {strides = array<i32>} : memref<16x128xf32, #tpu.memory_space<vmem>>, vector<1x16xf32>,
    %swap3A_478 = vector.shape_cast %swap3A_477 : vector<1x16xf32> to vector<16xf32>
    %swap3A_479 = vector.shape_cast %broadcast_in_dim3A_0 : vector<16xf32> to vector<1x16xf32>
    tpu.vector_store %arg10[%swap3A_475, %swap3A_476], %swap3A_479 {strides = array<i32>} : memref<16x128xf32, #tpu.memory_space<vmem>>, vector<1x16xf32>,
    %swap3A_480 = arith.constant 10 : i32
    %swap3A_481 = arith.index_cast %swap3A_480 : i32 to index
    %swap3A_482 = arith.constant 0 : index
    %swap3A_483 = tpu.vector_load %arg10[%swap3A_481, %swap3A_482] {strides = array<i32>} : memref<16x128xf32, #tpu.memory_space<vmem>>, vector<1x16xf32>,
    %swap3A_484 = vector.shape_cast %swap3A_483 : vector<1x16xf32> to vector<16xf32>
    %swap3A_485 = vector.shape_cast %broadcast_in_dim3A_0 : vector<16xf32> to vector<1x16xf32>
    tpu.vector_store %arg10[%swap3A_481, %swap3A_482], %swap3A_485 {strides = array<i32>} : memref<16x128xf32, #tpu.memory_space<vmem>>, vector<1x16xf32>,
    %swap3A_486 = arith.constant 10 : i32
    %swap3A_487 = arith.index_cast %swap3A_486 : i32 to index
    %swap3A_488 = arith.constant 16 : index
    %swap3A_489 = tpu.vector_load %arg10[%swap3A_487, %swap3A_488] {strides = array<i32>} : memref<16x128xf32, #tpu.memory_space<vmem>>, vector<1x16xf32>,
    %swap3A_490 = vector.shape_cast %swap3A_489 : vector<1x16xf32> to vector<16xf32>
    %swap3A_491 = vector.shape_cast %broadcast_in_dim3A_0 : vector<16xf32> to vector<1x16xf32>
    tpu.vector_store %arg10[%swap3A_487, %swap3A_488], %swap3A_491 {strides = array<i32>} : memref<16x128xf32, #tpu.memory_space<vmem>>, vector<1x16xf32>,
    %swap3A_492 = arith.constant 10 : i32
    %swap3A_493 = arith.index_cast %swap3A_492 : i32 to index
    %swap3A_494 = arith.constant 32 : index
    %swap3A_495 = tpu.vector_load %arg10[%swap3A_493, %swap3A_494] {strides = array<i32>} : memref<16x128xf32, #tpu.memory_space<vmem>>, vector<1x16xf32>,
    %swap3A_496 = vector.shape_cast %swap3A_495 : vector<1x16xf32> to vector<16xf32>
    %swap3A_497 = vector.shape_cast %broadcast_in_dim3A_0 : vector<16xf32> to vector<1x16xf32>
    tpu.vector_store %arg10[%swap3A_493, %swap3A_494], %swap3A_497 {strides = array<i32>} : memref<16x128xf32, #tpu.memory_space<vmem>>, vector<1x16xf32>,
    %swap3A_498 = arith.constant 10 : i32
    %swap3A_499 = arith.index_cast %swap3A_498 : i32 to index
    %swap3A_500 = arith.constant 48 : index
    %swap3A_501 = tpu.vector_load %arg10[%swap3A_499, %swap3A_500] {strides = array<i32>} : memref<16x128xf32, #tpu.memory_space<vmem>>, vector<1x16xf32>,
    %swap3A_502 = vector.shape_cast %swap3A_501 : vector<1x16xf32> to vector<16xf32>
    %swap3A_503 = vector.shape_cast %broadcast_in_dim3A_0 : vector<16xf32> to vector<1x16xf32>
    tpu.vector_store %arg10[%swap3A_499, %swap3A_500], %swap3A_503 {strides = array<i32>} : memref<16x128xf32, #tpu.memory_space<vmem>>, vector<1x16xf32>,
    %swap3A_504 = arith.constant 10 : i32
    %swap3A_505 = arith.index_cast %swap3A_504 : i32 to index
    %swap3A_506 = arith.constant 64 : index
    %swap3A_507 = tpu.vector_load %arg10[%swap3A_505, %swap3A_506] {strides = array<i32>} : memref<16x128xf32, #tpu.memory_space<vmem>>, vector<1x16xf32>,
    %swap3A_508 = vector.shape_cast %swap3A_507 : vector<1x16xf32> to vector<16xf32>
    %swap3A_509 = vector.shape_cast %broadcast_in_dim3A_0 : vector<16xf32> to vector<1x16xf32>
    tpu.vector_store %arg10[%swap3A_505, %swap3A_506], %swap3A_509 {strides = array<i32>} : memref<16x128xf32, #tpu.memory_space<vmem>>, vector<1x16xf32>,
    %swap3A_510 = arith.constant 10 : i32
    %swap3A_511 = arith.index_cast %swap3A_510 : i32 to index
    %swap3A_512 = arith.constant 80 : index
    %swap3A_513 = tpu.vector_load %arg10[%swap3A_511, %swap3A_512] {strides = array<i32>} : memref<16x128xf32, #tpu.memory_space<vmem>>, vector<1x16xf32>,
    %swap3A_514 = vector.shape_cast %swap3A_513 : vector<1x16xf32> to vector<16xf32>
    %swap3A_515 = vector.shape_cast %broadcast_in_dim3A_0 : vector<16xf32> to vector<1x16xf32>
    tpu.vector_store %arg10[%swap3A_511, %swap3A_512], %swap3A_515 {strides = array<i32>} : memref<16x128xf32, #tpu.memory_space<vmem>>, vector<1x16xf32>,
    %swap3A_516 = arith.constant 10 : i32
    %swap3A_517 = arith.index_cast %swap3A_516 : i32 to index
    %swap3A_518 = arith.constant 96 : index
    %swap3A_519 = tpu.vector_load %arg10[%swap3A_517, %swap3A_518] {strides = array<i32>} : memref<16x128xf32, #tpu.memory_space<vmem>>, vector<1x16xf32>,
    %swap3A_520 = vector.shape_cast %swap3A_519 : vector<1x16xf32> to vector<16xf32>
    %swap3A_521 = vector.shape_cast %broadcast_in_dim3A_0 : vector<16xf32> to vector<1x16xf32>
    tpu.vector_store %arg10[%swap3A_517, %swap3A_518], %swap3A_521 {strides = array<i32>} : memref<16x128xf32, #tpu.memory_space<vmem>>, vector<1x16xf32>,
    %swap3A_522 = arith.constant 10 : i32
    %swap3A_523 = arith.index_cast %swap3A_522 : i32 to index
    %swap3A_524 = arith.constant 112 : index
    %swap3A_525 = tpu.vector_load %arg10[%swap3A_523, %swap3A_524] {strides = array<i32>} : memref<16x128xf32, #tpu.memory_space<vmem>>, vector<1x16xf32>,
    %swap3A_526 = vector.shape_cast %swap3A_525 : vector<1x16xf32> to vector<16xf32>
    %swap3A_527 = vector.shape_cast %broadcast_in_dim3A_0 : vector<16xf32> to vector<1x16xf32>
    tpu.vector_store %arg10[%swap3A_523, %swap3A_524], %swap3A_527 {strides = array<i32>} : memref<16x128xf32, #tpu.memory_space<vmem>>, vector<1x16xf32>,
    %swap3A_528 = arith.constant 11 : i32
    %swap3A_529 = arith.index_cast %swap3A_528 : i32 to index
    %swap3A_530 = arith.constant 0 : index
    %swap3A_531 = tpu.vector_load %arg10[%swap3A_529, %swap3A_530] {strides = array<i32>} : memref<16x128xf32, #tpu.memory_space<vmem>>, vector<1x16xf32>,
    %swap3A_532 = vector.shape_cast %swap3A_531 : vector<1x16xf32> to vector<16xf32>
    %swap3A_533 = vector.shape_cast %broadcast_in_dim3A_0 : vector<16xf32> to vector<1x16xf32>
    tpu.vector_store %arg10[%swap3A_529, %swap3A_530], %swap3A_533 {strides = array<i32>} : memref<16x128xf32, #tpu.memory_space<vmem>>, vector<1x16xf32>,
    %swap3A_534 = arith.constant 11 : i32
    %swap3A_535 = arith.index_cast %swap3A_534 : i32 to index
    %swap3A_536 = arith.constant 16 : index
    %swap3A_537 = tpu.vector_load %arg10[%swap3A_535, %swap3A_536] {strides = array<i32>} : memref<16x128xf32, #tpu.memory_space<vmem>>, vector<1x16xf32>,
    %swap3A_538 = vector.shape_cast %swap3A_537 : vector<1x16xf32> to vector<16xf32>
    %swap3A_539 = vector.shape_cast %broadcast_in_dim3A_0 : vector<16xf32> to vector<1x16xf32>
    tpu.vector_store %arg10[%swap3A_535, %swap3A_536], %swap3A_539 {strides = array<i32>} : memref<16x128xf32, #tpu.memory_space<vmem>>, vector<1x16xf32>,
    %swap3A_540 = arith.constant 11 : i32
    %swap3A_541 = arith.index_cast %swap3A_540 : i32 to index
    %swap3A_542 = arith.constant 32 : index
    %swap3A_543 = tpu.vector_load %arg10[%swap3A_541, %swap3A_542] {strides = array<i32>} : memref<16x128xf32, #tpu.memory_space<vmem>>, vector<1x16xf32>,
    %swap3A_544 = vector.shape_cast %swap3A_543 : vector<1x16xf32> to vector<16xf32>
    %swap3A_545 = vector.shape_cast %broadcast_in_dim3A_0 : vector<16xf32> to vector<1x16xf32>
    tpu.vector_store %arg10[%swap3A_541, %swap3A_542], %swap3A_545 {strides = array<i32>} : memref<16x128xf32, #tpu.memory_space<vmem>>, vector<1x16xf32>,
    %swap3A_546 = arith.constant 11 : i32
    %swap3A_547 = arith.index_cast %swap3A_546 : i32 to index
    %swap3A_548 = arith.constant 48 : index
    %swap3A_549 = tpu.vector_load %arg10[%swap3A_547, %swap3A_548] {strides = array<i32>} : memref<16x128xf32, #tpu.memory_space<vmem>>, vector<1x16xf32>,
    %swap3A_550 = vector.shape_cast %swap3A_549 : vector<1x16xf32> to vector<16xf32>
    %swap3A_551 = vector.shape_cast %broadcast_in_dim3A_0 : vector<16xf32> to vector<1x16xf32>
    tpu.vector_store %arg10[%swap3A_547, %swap3A_548], %swap3A_551 {strides = array<i32>} : memref<16x128xf32, #tpu.memory_space<vmem>>, vector<1x16xf32>,
    %swap3A_552 = arith.constant 11 : i32
    %swap3A_553 = arith.index_cast %swap3A_552 : i32 to index
    %swap3A_554 = arith.constant 64 : index
    %swap3A_555 = tpu.vector_load %arg10[%swap3A_553, %swap3A_554] {strides = array<i32>} : memref<16x128xf32, #tpu.memory_space<vmem>>, vector<1x16xf32>,
    %swap3A_556 = vector.shape_cast %swap3A_555 : vector<1x16xf32> to vector<16xf32>
    %swap3A_557 = vector.shape_cast %broadcast_in_dim3A_0 : vector<16xf32> to vector<1x16xf32>
    tpu.vector_store %arg10[%swap3A_553, %swap3A_554], %swap3A_557 {strides = array<i32>} : memref<16x128xf32, #tpu.memory_space<vmem>>, vector<1x16xf32>,
    %swap3A_558 = arith.constant 11 : i32
    %swap3A_559 = arith.index_cast %swap3A_558 : i32 to index
    %swap3A_560 = arith.constant 80 : index
    %swap3A_561 = tpu.vector_load %arg10[%swap3A_559, %swap3A_560] {strides = array<i32>} : memref<16x128xf32, #tpu.memory_space<vmem>>, vector<1x16xf32>,
    %swap3A_562 = vector.shape_cast %swap3A_561 : vector<1x16xf32> to vector<16xf32>
    %swap3A_563 = vector.shape_cast %broadcast_in_dim3A_0 : vector<16xf32> to vector<1x16xf32>
    tpu.vector_store %arg10[%swap3A_559, %swap3A_560], %swap3A_563 {strides = array<i32>} : memref<16x128xf32, #tpu.memory_space<vmem>>, vector<1x16xf32>,
    %swap3A_564 = arith.constant 11 : i32
    %swap3A_565 = arith.index_cast %swap3A_564 : i32 to index
    %swap3A_566 = arith.constant 96 : index
    %swap3A_567 = tpu.vector_load %arg10[%swap3A_565, %swap3A_566] {strides = array<i32>} : memref<16x128xf32, #tpu.memory_space<vmem>>, vector<1x16xf32>,
    %swap3A_568 = vector.shape_cast %swap3A_567 : vector<1x16xf32> to vector<16xf32>
    %swap3A_569 = vector.shape_cast %broadcast_in_dim3A_0 : vector<16xf32> to vector<1x16xf32>
    tpu.vector_store %arg10[%swap3A_565, %swap3A_566], %swap3A_569 {strides = array<i32>} : memref<16x128xf32, #tpu.memory_space<vmem>>, vector<1x16xf32>,
    %swap3A_570 = arith.constant 11 : i32
    %swap3A_571 = arith.index_cast %swap3A_570 : i32 to index
    %swap3A_572 = arith.constant 112 : index
    %swap3A_573 = tpu.vector_load %arg10[%swap3A_571, %swap3A_572] {strides = array<i32>} : memref<16x128xf32, #tpu.memory_space<vmem>>, vector<1x16xf32>,
    %swap3A_574 = vector.shape_cast %swap3A_573 : vector<1x16xf32> to vector<16xf32>
    %swap3A_575 = vector.shape_cast %broadcast_in_dim3A_0 : vector<16xf32> to vector<1x16xf32>
    tpu.vector_store %arg10[%swap3A_571, %swap3A_572], %swap3A_575 {strides = array<i32>} : memref<16x128xf32, #tpu.memory_space<vmem>>, vector<1x16xf32>,
    %swap3A_576 = arith.constant 12 : i32
    %swap3A_577 = arith.index_cast %swap3A_576 : i32 to index
    %swap3A_578 = arith.constant 0 : index
    %swap3A_579 = tpu.vector_load %arg10[%swap3A_577, %swap3A_578] {strides = array<i32>} : memref<16x128xf32, #tpu.memory_space<vmem>>, vector<1x16xf32>,
    %swap3A_580 = vector.shape_cast %swap3A_579 : vector<1x16xf32> to vector<16xf32>
    %swap3A_581 = vector.shape_cast %broadcast_in_dim3A_0 : vector<16xf32> to vector<1x16xf32>
    tpu.vector_store %arg10[%swap3A_577, %swap3A_578], %swap3A_581 {strides = array<i32>} : memref<16x128xf32, #tpu.memory_space<vmem>>, vector<1x16xf32>,
    %swap3A_582 = arith.constant 12 : i32
    %swap3A_583 = arith.index_cast %swap3A_582 : i32 to index
    %swap3A_584 = arith.constant 16 : index
    %swap3A_585 = tpu.vector_load %arg10[%swap3A_583, %swap3A_584] {strides = array<i32>} : memref<16x128xf32, #tpu.memory_space<vmem>>, vector<1x16xf32>,
    %swap3A_586 = vector.shape_cast %swap3A_585 : vector<1x16xf32> to vector<16xf32>
    %swap3A_587 = vector.shape_cast %broadcast_in_dim3A_0 : vector<16xf32> to vector<1x16xf32>
    tpu.vector_store %arg10[%swap3A_583, %swap3A_584], %swap3A_587 {strides = array<i32>} : memref<16x128xf32, #tpu.memory_space<vmem>>, vector<1x16xf32>,
    %swap3A_588 = arith.constant 12 : i32
    %swap3A_589 = arith.index_cast %swap3A_588 : i32 to index
    %swap3A_590 = arith.constant 32 : index
    %swap3A_591 = tpu.vector_load %arg10[%swap3A_589, %swap3A_590] {strides = array<i32>} : memref<16x128xf32, #tpu.memory_space<vmem>>, vector<1x16xf32>,
    %swap3A_592 = vector.shape_cast %swap3A_591 : vector<1x16xf32> to vector<16xf32>
    %swap3A_593 = vector.shape_cast %broadcast_in_dim3A_0 : vector<16xf32> to vector<1x16xf32>
    tpu.vector_store %arg10[%swap3A_589, %swap3A_590], %swap3A_593 {strides = array<i32>} : memref<16x128xf32, #tpu.memory_space<vmem>>, vector<1x16xf32>,
    %swap3A_594 = arith.constant 12 : i32
    %swap3A_595 = arith.index_cast %swap3A_594 : i32 to index
    %swap3A_596 = arith.constant 48 : index
    %swap3A_597 = tpu.vector_load %arg10[%swap3A_595, %swap3A_596] {strides = array<i32>} : memref<16x128xf32, #tpu.memory_space<vmem>>, vector<1x16xf32>,
    %swap3A_598 = vector.shape_cast %swap3A_597 : vector<1x16xf32> to vector<16xf32>
    %swap3A_599 = vector.shape_cast %broadcast_in_dim3A_0 : vector<16xf32> to vector<1x16xf32>
    tpu.vector_store %arg10[%swap3A_595, %swap3A_596], %swap3A_599 {strides = array<i32>} : memref<16x128xf32, #tpu.memory_space<vmem>>, vector<1x16xf32>,
    %swap3A_600 = arith.constant 12 : i32
    %swap3A_601 = arith.index_cast %swap3A_600 : i32 to index
    %swap3A_602 = arith.constant 64 : index
    %swap3A_603 = tpu.vector_load %arg10[%swap3A_601, %swap3A_602] {strides = array<i32>} : memref<16x128xf32, #tpu.memory_space<vmem>>, vector<1x16xf32>,
    %swap3A_604 = vector.shape_cast %swap3A_603 : vector<1x16xf32> to vector<16xf32>
    %swap3A_605 = vector.shape_cast %broadcast_in_dim3A_0 : vector<16xf32> to vector<1x16xf32>
    tpu.vector_store %arg10[%swap3A_601, %swap3A_602], %swap3A_605 {strides = array<i32>} : memref<16x128xf32, #tpu.memory_space<vmem>>, vector<1x16xf32>,
    %swap3A_606 = arith.constant 12 : i32
    %swap3A_607 = arith.index_cast %swap3A_606 : i32 to index
    %swap3A_608 = arith.constant 80 : index
    %swap3A_609 = tpu.vector_load %arg10[%swap3A_607, %swap3A_608] {strides = array<i32>} : memref<16x128xf32, #tpu.memory_space<vmem>>, vector<1x16xf32>,
    %swap3A_610 = vector.shape_cast %swap3A_609 : vector<1x16xf32> to vector<16xf32>
    %swap3A_611 = vector.shape_cast %broadcast_in_dim3A_0 : vector<16xf32> to vector<1x16xf32>
    tpu.vector_store %arg10[%swap3A_607, %swap3A_608], %swap3A_611 {strides = array<i32>} : memref<16x128xf32, #tpu.memory_space<vmem>>, vector<1x16xf32>,
    %swap3A_612 = arith.constant 12 : i32
    %swap3A_613 = arith.index_cast %swap3A_612 : i32 to index
    %swap3A_614 = arith.constant 96 : index
    %swap3A_615 = tpu.vector_load %arg10[%swap3A_613, %swap3A_614] {strides = array<i32>} : memref<16x128xf32, #tpu.memory_space<vmem>>, vector<1x16xf32>,
    %swap3A_616 = vector.shape_cast %swap3A_615 : vector<1x16xf32> to vector<16xf32>
    %swap3A_617 = vector.shape_cast %broadcast_in_dim3A_0 : vector<16xf32> to vector<1x16xf32>
    tpu.vector_store %arg10[%swap3A_613, %swap3A_614], %swap3A_617 {strides = array<i32>} : memref<16x128xf32, #tpu.memory_space<vmem>>, vector<1x16xf32>,
    %swap3A_618 = arith.constant 12 : i32
    %swap3A_619 = arith.index_cast %swap3A_618 : i32 to index
    %swap3A_620 = arith.constant 112 : index
    %swap3A_621 = tpu.vector_load %arg10[%swap3A_619, %swap3A_620] {strides = array<i32>} : memref<16x128xf32, #tpu.memory_space<vmem>>, vector<1x16xf32>,
    %swap3A_622 = vector.shape_cast %swap3A_621 : vector<1x16xf32> to vector<16xf32>
    %swap3A_623 = vector.shape_cast %broadcast_in_dim3A_0 : vector<16xf32> to vector<1x16xf32>
    tpu.vector_store %arg10[%swap3A_619, %swap3A_620], %swap3A_623 {strides = array<i32>} : memref<16x128xf32, #tpu.memory_space<vmem>>, vector<1x16xf32>,
    %swap3A_624 = arith.constant 13 : i32
    %swap3A_625 = arith.index_cast %swap3A_624 : i32 to index
    %swap3A_626 = arith.constant 0 : index
    %swap3A_627 = tpu.vector_load %arg10[%swap3A_625, %swap3A_626] {strides = array<i32>} : memref<16x128xf32, #tpu.memory_space<vmem>>, vector<1x16xf32>,
    %swap3A_628 = vector.shape_cast %swap3A_627 : vector<1x16xf32> to vector<16xf32>
    %swap3A_629 = vector.shape_cast %broadcast_in_dim3A_0 : vector<16xf32> to vector<1x16xf32>
    tpu.vector_store %arg10[%swap3A_625, %swap3A_626], %swap3A_629 {strides = array<i32>} : memref<16x128xf32, #tpu.memory_space<vmem>>, vector<1x16xf32>,
    %swap3A_630 = arith.constant 13 : i32
    %swap3A_631 = arith.index_cast %swap3A_630 : i32 to index
    %swap3A_632 = arith.constant 16 : index
    %swap3A_633 = tpu.vector_load %arg10[%swap3A_631, %swap3A_632] {strides = array<i32>} : memref<16x128xf32, #tpu.memory_space<vmem>>, vector<1x16xf32>,
    %swap3A_634 = vector.shape_cast %swap3A_633 : vector<1x16xf32> to vector<16xf32>
    %swap3A_635 = vector.shape_cast %broadcast_in_dim3A_0 : vector<16xf32> to vector<1x16xf32>
    tpu.vector_store %arg10[%swap3A_631, %swap3A_632], %swap3A_635 {strides = array<i32>} : memref<16x128xf32, #tpu.memory_space<vmem>>, vector<1x16xf32>,
    %swap3A_636 = arith.constant 13 : i32
    %swap3A_637 = arith.index_cast %swap3A_636 : i32 to index
    %swap3A_638 = arith.constant 32 : index
    %swap3A_639 = tpu.vector_load %arg10[%swap3A_637, %swap3A_638] {strides = array<i32>} : memref<16x128xf32, #tpu.memory_space<vmem>>, vector<1x16xf32>,
    %swap3A_640 = vector.shape_cast %swap3A_639 : vector<1x16xf32> to vector<16xf32>
    %swap3A_641 = vector.shape_cast %broadcast_in_dim3A_0 : vector<16xf32> to vector<1x16xf32>
    tpu.vector_store %arg10[%swap3A_637, %swap3A_638], %swap3A_641 {strides = array<i32>} : memref<16x128xf32, #tpu.memory_space<vmem>>, vector<1x16xf32>,
    %swap3A_642 = arith.constant 13 : i32
    %swap3A_643 = arith.index_cast %swap3A_642 : i32 to index
    %swap3A_644 = arith.constant 48 : index
    %swap3A_645 = tpu.vector_load %arg10[%swap3A_643, %swap3A_644] {strides = array<i32>} : memref<16x128xf32, #tpu.memory_space<vmem>>, vector<1x16xf32>,
    %swap3A_646 = vector.shape_cast %swap3A_645 : vector<1x16xf32> to vector<16xf32>
    %swap3A_647 = vector.shape_cast %broadcast_in_dim3A_0 : vector<16xf32> to vector<1x16xf32>
    tpu.vector_store %arg10[%swap3A_643, %swap3A_644], %swap3A_647 {strides = array<i32>} : memref<16x128xf32, #tpu.memory_space<vmem>>, vector<1x16xf32>,
    %swap3A_648 = arith.constant 13 : i32
    %swap3A_649 = arith.index_cast %swap3A_648 : i32 to index
    %swap3A_650 = arith.constant 64 : index
    %swap3A_651 = tpu.vector_load %arg10[%swap3A_649, %swap3A_650] {strides = array<i32>} : memref<16x128xf32, #tpu.memory_space<vmem>>, vector<1x16xf32>,
    %swap3A_652 = vector.shape_cast %swap3A_651 : vector<1x16xf32> to vector<16xf32>
    %swap3A_653 = vector.shape_cast %broadcast_in_dim3A_0 : vector<16xf32> to vector<1x16xf32>
    tpu.vector_store %arg10[%swap3A_649, %swap3A_650], %swap3A_653 {strides = array<i32>} : memref<16x128xf32, #tpu.memory_space<vmem>>, vector<1x16xf32>,
    %swap3A_654 = arith.constant 13 : i32
    %swap3A_655 = arith.index_cast %swap3A_654 : i32 to index
    %swap3A_656 = arith.constant 80 : index
    %swap3A_657 = tpu.vector_load %arg10[%swap3A_655, %swap3A_656] {strides = array<i32>} : memref<16x128xf32, #tpu.memory_space<vmem>>, vector<1x16xf32>,
    %swap3A_658 = vector.shape_cast %swap3A_657 : vector<1x16xf32> to vector<16xf32>
    %swap3A_659 = vector.shape_cast %broadcast_in_dim3A_0 : vector<16xf32> to vector<1x16xf32>
    tpu.vector_store %arg10[%swap3A_655, %swap3A_656], %swap3A_659 {strides = array<i32>} : memref<16x128xf32, #tpu.memory_space<vmem>>, vector<1x16xf32>,
    %swap3A_660 = arith.constant 13 : i32
    %swap3A_661 = arith.index_cast %swap3A_660 : i32 to index
    %swap3A_662 = arith.constant 96 : index
    %swap3A_663 = tpu.vector_load %arg10[%swap3A_661, %swap3A_662] {strides = array<i32>} : memref<16x128xf32, #tpu.memory_space<vmem>>, vector<1x16xf32>,
    %swap3A_664 = vector.shape_cast %swap3A_663 : vector<1x16xf32> to vector<16xf32>
    %swap3A_665 = vector.shape_cast %broadcast_in_dim3A_0 : vector<16xf32> to vector<1x16xf32>
    tpu.vector_store %arg10[%swap3A_661, %swap3A_662], %swap3A_665 {strides = array<i32>} : memref<16x128xf32, #tpu.memory_space<vmem>>, vector<1x16xf32>,
    %swap3A_666 = arith.constant 13 : i32
    %swap3A_667 = arith.index_cast %swap3A_666 : i32 to index
    %swap3A_668 = arith.constant 112 : index
    %swap3A_669 = tpu.vector_load %arg10[%swap3A_667, %swap3A_668] {strides = array<i32>} : memref<16x128xf32, #tpu.memory_space<vmem>>, vector<1x16xf32>,
    %swap3A_670 = vector.shape_cast %swap3A_669 : vector<1x16xf32> to vector<16xf32>
    %swap3A_671 = vector.shape_cast %broadcast_in_dim3A_0 : vector<16xf32> to vector<1x16xf32>
    tpu.vector_store %arg10[%swap3A_667, %swap3A_668], %swap3A_671 {strides = array<i32>} : memref<16x128xf32, #tpu.memory_space<vmem>>, vector<1x16xf32>,
    %swap3A_672 = arith.constant 14 : i32
    %swap3A_673 = arith.index_cast %swap3A_672 : i32 to index
    %swap3A_674 = arith.constant 0 : index
    %swap3A_675 = tpu.vector_load %arg10[%swap3A_673, %swap3A_674] {strides = array<i32>} : memref<16x128xf32, #tpu.memory_space<vmem>>, vector<1x16xf32>,
    %swap3A_676 = vector.shape_cast %swap3A_675 : vector<1x16xf32> to vector<16xf32>
    %swap3A_677 = vector.shape_cast %broadcast_in_dim3A_0 : vector<16xf32> to vector<1x16xf32>
    tpu.vector_store %arg10[%swap3A_673, %swap3A_674], %swap3A_677 {strides = array<i32>} : memref<16x128xf32, #tpu.memory_space<vmem>>, vector<1x16xf32>,
    %swap3A_678 = arith.constant 14 : i32
    %swap3A_679 = arith.index_cast %swap3A_678 : i32 to index
    %swap3A_680 = arith.constant 16 : index
    %swap3A_681 = tpu.vector_load %arg10[%swap3A_679, %swap3A_680] {strides = array<i32>} : memref<16x128xf32, #tpu.memory_space<vmem>>, vector<1x16xf32>,
    %swap3A_682 = vector.shape_cast %swap3A_681 : vector<1x16xf32> to vector<16xf32>
    %swap3A_683 = vector.shape_cast %broadcast_in_dim3A_0 : vector<16xf32> to vector<1x16xf32>
    tpu.vector_store %arg10[%swap3A_679, %swap3A_680], %swap3A_683 {strides = array<i32>} : memref<16x128xf32, #tpu.memory_space<vmem>>, vector<1x16xf32>,
    %swap3A_684 = arith.constant 14 : i32
    %swap3A_685 = arith.index_cast %swap3A_684 : i32 to index
    %swap3A_686 = arith.constant 32 : index
    %swap3A_687 = tpu.vector_load %arg10[%swap3A_685, %swap3A_686] {strides = array<i32>} : memref<16x128xf32, #tpu.memory_space<vmem>>, vector<1x16xf32>,
    %swap3A_688 = vector.shape_cast %swap3A_687 : vector<1x16xf32> to vector<16xf32>
    %swap3A_689 = vector.shape_cast %broadcast_in_dim3A_0 : vector<16xf32> to vector<1x16xf32>
    tpu.vector_store %arg10[%swap3A_685, %swap3A_686], %swap3A_689 {strides = array<i32>} : memref<16x128xf32, #tpu.memory_space<vmem>>, vector<1x16xf32>,
    %swap3A_690 = arith.constant 14 : i32
    %swap3A_691 = arith.index_cast %swap3A_690 : i32 to index
    %swap3A_692 = arith.constant 48 : index
    %swap3A_693 = tpu.vector_load %arg10[%swap3A_691, %swap3A_692] {strides = array<i32>} : memref<16x128xf32, #tpu.memory_space<vmem>>, vector<1x16xf32>,
    %swap3A_694 = vector.shape_cast %swap3A_693 : vector<1x16xf32> to vector<16xf32>
    %swap3A_695 = vector.shape_cast %broadcast_in_dim3A_0 : vector<16xf32> to vector<1x16xf32>
    tpu.vector_store %arg10[%swap3A_691, %swap3A_692], %swap3A_695 {strides = array<i32>} : memref<16x128xf32, #tpu.memory_space<vmem>>, vector<1x16xf32>,
    %swap3A_696 = arith.constant 14 : i32
    %swap3A_697 = arith.index_cast %swap3A_696 : i32 to index
    %swap3A_698 = arith.constant 64 : index
    %swap3A_699 = tpu.vector_load %arg10[%swap3A_697, %swap3A_698] {strides = array<i32>} : memref<16x128xf32, #tpu.memory_space<vmem>>, vector<1x16xf32>,
    %swap3A_700 = vector.shape_cast %swap3A_699 : vector<1x16xf32> to vector<16xf32>
    %swap3A_701 = vector.shape_cast %broadcast_in_dim3A_0 : vector<16xf32> to vector<1x16xf32>
    tpu.vector_store %arg10[%swap3A_697, %swap3A_698], %swap3A_701 {strides = array<i32>} : memref<16x128xf32, #tpu.memory_space<vmem>>, vector<1x16xf32>,
    %swap3A_702 = arith.constant 14 : i32
    %swap3A_703 = arith.index_cast %swap3A_702 : i32 to index
    %swap3A_704 = arith.constant 80 : index
    %swap3A_705 = tpu.vector_load %arg10[%swap3A_703, %swap3A_704] {strides = array<i32>} : memref<16x128xf32, #tpu.memory_space<vmem>>, vector<1x16xf32>,
    %swap3A_706 = vector.shape_cast %swap3A_705 : vector<1x16xf32> to vector<16xf32>
    %swap3A_707 = vector.shape_cast %broadcast_in_dim3A_0 : vector<16xf32> to vector<1x16xf32>
    tpu.vector_store %arg10[%swap3A_703, %swap3A_704], %swap3A_707 {strides = array<i32>} : memref<16x128xf32, #tpu.memory_space<vmem>>, vector<1x16xf32>,
    %swap3A_708 = arith.constant 14 : i32
    %swap3A_709 = arith.index_cast %swap3A_708 : i32 to index
    %swap3A_710 = arith.constant 96 : index
    %swap3A_711 = tpu.vector_load %arg10[%swap3A_709, %swap3A_710] {strides = array<i32>} : memref<16x128xf32, #tpu.memory_space<vmem>>, vector<1x16xf32>,
    %swap3A_712 = vector.shape_cast %swap3A_711 : vector<1x16xf32> to vector<16xf32>
    %swap3A_713 = vector.shape_cast %broadcast_in_dim3A_0 : vector<16xf32> to vector<1x16xf32>
    tpu.vector_store %arg10[%swap3A_709, %swap3A_710], %swap3A_713 {strides = array<i32>} : memref<16x128xf32, #tpu.memory_space<vmem>>, vector<1x16xf32>,
    %swap3A_714 = arith.constant 14 : i32
    %swap3A_715 = arith.index_cast %swap3A_714 : i32 to index
    %swap3A_716 = arith.constant 112 : index
    %swap3A_717 = tpu.vector_load %arg10[%swap3A_715, %swap3A_716] {strides = array<i32>} : memref<16x128xf32, #tpu.memory_space<vmem>>, vector<1x16xf32>,
    %swap3A_718 = vector.shape_cast %swap3A_717 : vector<1x16xf32> to vector<16xf32>
    %swap3A_719 = vector.shape_cast %broadcast_in_dim3A_0 : vector<16xf32> to vector<1x16xf32>
    tpu.vector_store %arg10[%swap3A_715, %swap3A_716], %swap3A_719 {strides = array<i32>} : memref<16x128xf32, #tpu.memory_space<vmem>>, vector<1x16xf32>,
    %swap3A_720 = arith.constant 15 : i32
    %swap3A_721 = arith.index_cast %swap3A_720 : i32 to index
    %swap3A_722 = arith.constant 0 : index
    %swap3A_723 = tpu.vector_load %arg10[%swap3A_721, %swap3A_722] {strides = array<i32>} : memref<16x128xf32, #tpu.memory_space<vmem>>, vector<1x16xf32>,
    %swap3A_724 = vector.shape_cast %swap3A_723 : vector<1x16xf32> to vector<16xf32>
    %swap3A_725 = vector.shape_cast %broadcast_in_dim3A_0 : vector<16xf32> to vector<1x16xf32>
    tpu.vector_store %arg10[%swap3A_721, %swap3A_722], %swap3A_725 {strides = array<i32>} : memref<16x128xf32, #tpu.memory_space<vmem>>, vector<1x16xf32>,
    %swap3A_726 = arith.constant 15 : i32
    %swap3A_727 = arith.index_cast %swap3A_726 : i32 to index
    %swap3A_728 = arith.constant 16 : index
    %swap3A_729 = tpu.vector_load %arg10[%swap3A_727, %swap3A_728] {strides = array<i32>} : memref<16x128xf32, #tpu.memory_space<vmem>>, vector<1x16xf32>,
    %swap3A_730 = vector.shape_cast %swap3A_729 : vector<1x16xf32> to vector<16xf32>
    %swap3A_731 = vector.shape_cast %broadcast_in_dim3A_0 : vector<16xf32> to vector<1x16xf32>
    tpu.vector_store %arg10[%swap3A_727, %swap3A_728], %swap3A_731 {strides = array<i32>} : memref<16x128xf32, #tpu.memory_space<vmem>>, vector<1x16xf32>,
    %swap3A_732 = arith.constant 15 : i32
    %swap3A_733 = arith.index_cast %swap3A_732 : i32 to index
    %swap3A_734 = arith.constant 32 : index
    %swap3A_735 = tpu.vector_load %arg10[%swap3A_733, %swap3A_734] {strides = array<i32>} : memref<16x128xf32, #tpu.memory_space<vmem>>, vector<1x16xf32>,
    %swap3A_736 = vector.shape_cast %swap3A_735 : vector<1x16xf32> to vector<16xf32>
    %swap3A_737 = vector.shape_cast %broadcast_in_dim3A_0 : vector<16xf32> to vector<1x16xf32>
    tpu.vector_store %arg10[%swap3A_733, %swap3A_734], %swap3A_737 {strides = array<i32>} : memref<16x128xf32, #tpu.memory_space<vmem>>, vector<1x16xf32>,
    %swap3A_738 = arith.constant 15 : i32
    %swap3A_739 = arith.index_cast %swap3A_738 : i32 to index
    %swap3A_740 = arith.constant 48 : index
    %swap3A_741 = tpu.vector_load %arg10[%swap3A_739, %swap3A_740] {strides = array<i32>} : memref<16x128xf32, #tpu.memory_space<vmem>>, vector<1x16xf32>,
    %swap3A_742 = vector.shape_cast %swap3A_741 : vector<1x16xf32> to vector<16xf32>
    %swap3A_743 = vector.shape_cast %broadcast_in_dim3A_0 : vector<16xf32> to vector<1x16xf32>
    tpu.vector_store %arg10[%swap3A_739, %swap3A_740], %swap3A_743 {strides = array<i32>} : memref<16x128xf32, #tpu.memory_space<vmem>>, vector<1x16xf32>,
    %swap3A_744 = arith.constant 15 : i32
    %swap3A_745 = arith.index_cast %swap3A_744 : i32 to index
    %swap3A_746 = arith.constant 64 : index
    %swap3A_747 = tpu.vector_load %arg10[%swap3A_745, %swap3A_746] {strides = array<i32>} : memref<16x128xf32, #tpu.memory_space<vmem>>, vector<1x16xf32>,
    %swap3A_748 = vector.shape_cast %swap3A_747 : vector<1x16xf32> to vector<16xf32>
    %swap3A_749 = vector.shape_cast %broadcast_in_dim3A_0 : vector<16xf32> to vector<1x16xf32>
    tpu.vector_store %arg10[%swap3A_745, %swap3A_746], %swap3A_749 {strides = array<i32>} : memref<16x128xf32, #tpu.memory_space<vmem>>, vector<1x16xf32>,
    %swap3A_750 = arith.constant 15 : i32
    %swap3A_751 = arith.index_cast %swap3A_750 : i32 to index
    %swap3A_752 = arith.constant 80 : index
    %swap3A_753 = tpu.vector_load %arg10[%swap3A_751, %swap3A_752] {strides = array<i32>} : memref<16x128xf32, #tpu.memory_space<vmem>>, vector<1x16xf32>,
    %swap3A_754 = vector.shape_cast %swap3A_753 : vector<1x16xf32> to vector<16xf32>
    %swap3A_755 = vector.shape_cast %broadcast_in_dim3A_0 : vector<16xf32> to vector<1x16xf32>
    tpu.vector_store %arg10[%swap3A_751, %swap3A_752], %swap3A_755 {strides = array<i32>} : memref<16x128xf32, #tpu.memory_space<vmem>>, vector<1x16xf32>,
    %swap3A_756 = arith.constant 15 : i32
    %swap3A_757 = arith.index_cast %swap3A_756 : i32 to index
    %swap3A_758 = arith.constant 96 : index
    %swap3A_759 = tpu.vector_load %arg10[%swap3A_757, %swap3A_758] {strides = array<i32>} : memref<16x128xf32, #tpu.memory_space<vmem>>, vector<1x16xf32>,
    %swap3A_760 = vector.shape_cast %swap3A_759 : vector<1x16xf32> to vector<16xf32>
    %swap3A_761 = vector.shape_cast %broadcast_in_dim3A_0 : vector<16xf32> to vector<1x16xf32>
    tpu.vector_store %arg10[%swap3A_757, %swap3A_758], %swap3A_761 {strides = array<i32>} : memref<16x128xf32, #tpu.memory_space<vmem>>, vector<1x16xf32>,
    %swap3A_762 = arith.constant 15 : i32
    %swap3A_763 = arith.index_cast %swap3A_762 : i32 to index
    %swap3A_764 = arith.constant 112 : index
    %swap3A_765 = tpu.vector_load %arg10[%swap3A_763, %swap3A_764] {strides = array<i32>} : memref<16x128xf32, #tpu.memory_space<vmem>>, vector<1x16xf32>,
    %swap3A_766 = vector.shape_cast %swap3A_765 : vector<1x16xf32> to vector<16xf32>
    %swap3A_767 = vector.shape_cast %broadcast_in_dim3A_0 : vector<16xf32> to vector<1x16xf32>
    tpu.vector_store %arg10[%swap3A_763, %swap3A_764], %swap3A_767 {strides = array<i32>} : memref<16x128xf32, #tpu.memory_space<vmem>>, vector<1x16xf32>,
    %scan3A = arith.constant 0 : i32
    %scan3A_768 = arith.constant 40 : i32
    %scan3A_769 = arith.addi %scan3A, %scan3A_768 : i32
    %scan3A_770 = arith.constant 1 : i32
    scf.for %scan3A_783 = %scan3A to %scan3A_769 step %scan3A_770  : i32 {
      %mul3A_784 = arith.constant 1 : i32
      %mul3A_785 = arith.muli %scan3A_783, %mul3A_784 : i32
      %add3A = arith.constant 0 : i32
      %add3A_786 = arith.addi %add3A, %mul3A_785 : i32
      %mul3A_787 = arith.constant 640 : i32
      %mul3A_788 = arith.muli %arg1, %mul3A_787 : i32
      %mul3A_789 = arith.constant 16 : i32
      %mul3A_790 = arith.muli %add3A_786, %mul3A_789 : i32
      %add3A_791 = arith.addi %mul3A_788, %mul3A_790 : i32
      "tpu.region"() ({
        %run_scoped3A = tpu.sem_alloc : memref<!tpu.dma_semaphore, #tpu.memory_space<semaphore_mem>>
        %dma_start3A = arith.constant 0 : i32
        %dma_start3A_792 = tpu.memref_slice %arg6[%add3A_791, %dma_start3A] : memref<10240x128xf32, #tpu.memory_space<vmem_shared>> -> memref<16x128xf32, #tpu.memory_space<vmem_shared>>
        %dma_start3A_793 = arith.constant 0 : i32
        %dma_start3A_794 = tpu.memref_slice %arg6[%add3A_791, %dma_start3A_793] : memref<10240x128xf32, #tpu.memory_space<vmem_shared>> -> memref<16x128xf32, #tpu.memory_space<vmem_shared>>
        tpu.enqueue_dma source(%arg10 : memref<16x128xf32, #tpu.memory_space<vmem>>) target(%dma_start3A_794 : memref<16x128xf32, #tpu.memory_space<vmem_shared>>) target_semaphore(%run_scoped3A : memref<!tpu.dma_semaphore, #tpu.memory_space<semaphore_mem>>)
        %dma_wait3A = arith.constant 0 : i32
        %dma_wait3A_795 = tpu.memref_slice %arg6[%add3A_791, %dma_wait3A] : memref<10240x128xf32, #tpu.memory_space<vmem_shared>> -> memref<16x128xf32, #tpu.memory_space<vmem_shared>>
        %dma_wait3A_796 = arith.constant 0 : i32
        %dma_wait3A_797 = tpu.memref_slice %arg6[%add3A_791, %dma_wait3A_796] : memref<10240x128xf32, #tpu.memory_space<vmem_shared>> -> memref<16x128xf32, #tpu.memory_space<vmem_shared>>
        tpu.wait_dma2 semaphore(%run_scoped3A : memref<!tpu.dma_semaphore, #tpu.memory_space<semaphore_mem>>) src(%arg10 : memref<16x128xf32, #tpu.memory_space<vmem>>) dst(%dma_wait3A_797 : memref<16x128xf32, #tpu.memory_space<vmem_shared>>)
        tpu.yield
      }) : () -> ()
    }
    %scan3A_771 = arith.constant 40 : i32
    %barrier3A = arith.constant 0 : index
    tpu.barrier barrier_id(%barrier3A)
    %eq3A = arith.constant 0 : i32
    %eq3A_772 = arith.cmpi eq, %arg0, %eq3A : i32
    %convert_element_type3A = arith.extui %eq3A_772 : i1 to i32
    %cond3A = arith.constant 0 : i32
    %cond3A_773 = arith.cmpi ne, %convert_element_type3A, %cond3A : i32
    scf.if %cond3A_773 {
      %mul3A_783 = arith.constant 160 : i32
      %mul3A_784 = arith.muli %arg1, %mul3A_783 : i32
      %add3A = arith.constant 0 : i32
      %add3A_785 = arith.addi %mul3A_784, %add3A : i32
      %dma_start3A = arith.constant 0 : i32
      %dma_start3A_786 = arith.constant 0 : i32
      %dma_start3A_787 = arith.constant 0 : i32
      %dma_start3A_788 = arith.constant 0 : i32
      %dma_start3A_789 = tpu.memref_slice %arg7[%dma_start3A, %dma_start3A_787, %dma_start3A_788] : memref<2x1x128xi32, #tpu.memory_space<vmem>> -> memref<1x1x128xi32, #tpu.memory_space<vmem>>
      %dma_start3A_790 = tpu.memref_squeeze %dma_start3A_789 : memref<1x1x128xi32, #tpu.memory_space<vmem>> -> memref<1x128xi32, #tpu.memory_space<vmem>>
      %dma_start3A_791 = arith.constant 0 : i32
      %dma_start3A_792 = tpu.memref_slice %arg3[%add3A_785, %dma_start3A_791] : memref<2560x128xi32, #tpu.memory_space<hbm>> -> memref<1x128xi32, #tpu.memory_space<hbm>>
      %dma_start3A_793 = tpu.memref_slice %arg12[%dma_start3A_786] : memref<2x!tpu.dma_semaphore, #tpu.memory_space<semaphore_mem>> -> memref<1x!tpu.dma_semaphore, #tpu.memory_space<semaphore_mem>>
      %dma_start3A_794 = tpu.memref_squeeze %dma_start3A_793 : memref<1x!tpu.dma_semaphore, #tpu.memory_space<semaphore_mem>> -> memref<!tpu.dma_semaphore, #tpu.memory_space<semaphore_mem>>
      %dma_start3A_795 = arith.constant 0 : i32
      %dma_start3A_796 = arith.constant 0 : i32
      %dma_start3A_797 = tpu.memref_slice %arg7[%dma_start3A, %dma_start3A_795, %dma_start3A_796] : memref<2x1x128xi32, #tpu.memory_space<vmem>> -> memref<1x1x128xi32, #tpu.memory_space<vmem>>
      %dma_start3A_798 = tpu.memref_squeeze %dma_start3A_797 : memref<1x1x128xi32, #tpu.memory_space<vmem>> -> memref<1x128xi32, #tpu.memory_space<vmem>>
      %dma_start3A_799 = arith.constant 0 : i32
      %dma_start3A_800 = tpu.memref_slice %arg3[%add3A_785, %dma_start3A_799] : memref<2560x128xi32, #tpu.memory_space<hbm>> -> memref<1x128xi32, #tpu.memory_space<hbm>>
      tpu.enqueue_dma source(%dma_start3A_800 : memref<1x128xi32, #tpu.memory_space<hbm>>) target(%dma_start3A_798 : memref<1x128xi32, #tpu.memory_space<vmem>>) target_semaphore(%dma_start3A_794 : memref<!tpu.dma_semaphore, #tpu.memory_space<semaphore_mem>>)
      %add3A_801 = arith.constant 0 : i32
      %add3A_802 = arith.addi %mul3A_784, %add3A_801 : i32
      %dma_start3A_803 = arith.constant 0 : i32
      %dma_start3A_804 = arith.constant 0 : i32
      %dma_start3A_805 = arith.constant 0 : i32
      %dma_start3A_806 = arith.constant 0 : i32
      %dma_start3A_807 = tpu.memref_slice %arg8[%dma_start3A_803, %dma_start3A_805, %dma_start3A_806] : memref<2x1x128xi32, #tpu.memory_space<vmem>> -> memref<1x1x128xi32, #tpu.memory_space<vmem>>
      %dma_start3A_808 = tpu.memref_squeeze %dma_start3A_807 : memref<1x1x128xi32, #tpu.memory_space<vmem>> -> memref<1x128xi32, #tpu.memory_space<vmem>>
      %dma_start3A_809 = arith.constant 0 : i32
      %dma_start3A_810 = tpu.memref_slice %arg4[%add3A_802, %dma_start3A_809] : memref<2560x128xi32, #tpu.memory_space<hbm>> -> memref<1x128xi32, #tpu.memory_space<hbm>>
      %dma_start3A_811 = tpu.memref_slice %arg12[%dma_start3A_804] : memref<2x!tpu.dma_semaphore, #tpu.memory_space<semaphore_mem>> -> memref<1x!tpu.dma_semaphore, #tpu.memory_space<semaphore_mem>>
      %dma_start3A_812 = tpu.memref_squeeze %dma_start3A_811 : memref<1x!tpu.dma_semaphore, #tpu.memory_space<semaphore_mem>> -> memref<!tpu.dma_semaphore, #tpu.memory_space<semaphore_mem>>
      %dma_start3A_813 = arith.constant 0 : i32
      %dma_start3A_814 = arith.constant 0 : i32
      %dma_start3A_815 = tpu.memref_slice %arg8[%dma_start3A_803, %dma_start3A_813, %dma_start3A_814] : memref<2x1x128xi32, #tpu.memory_space<vmem>> -> memref<1x1x128xi32, #tpu.memory_space<vmem>>
      %dma_start3A_816 = tpu.memref_squeeze %dma_start3A_815 : memref<1x1x128xi32, #tpu.memory_space<vmem>> -> memref<1x128xi32, #tpu.memory_space<vmem>>
      %dma_start3A_817 = arith.constant 0 : i32
      %dma_start3A_818 = tpu.memref_slice %arg4[%add3A_802, %dma_start3A_817] : memref<2560x128xi32, #tpu.memory_space<hbm>> -> memref<1x128xi32, #tpu.memory_space<hbm>>
      tpu.enqueue_dma source(%dma_start3A_818 : memref<1x128xi32, #tpu.memory_space<hbm>>) target(%dma_start3A_816 : memref<1x128xi32, #tpu.memory_space<vmem>>) target_semaphore(%dma_start3A_812 : memref<!tpu.dma_semaphore, #tpu.memory_space<semaphore_mem>>)
      %add3A_819 = arith.constant 1 : i32
      %add3A_820 = arith.addi %mul3A_784, %add3A_819 : i32
      %dma_start3A_821 = arith.constant 1 : i32
      %dma_start3A_822 = arith.constant 1 : i32
      %dma_start3A_823 = arith.constant 0 : i32
      %dma_start3A_824 = arith.constant 0 : i32
      %dma_start3A_825 = tpu.memref_slice %arg7[%dma_start3A_821, %dma_start3A_823, %dma_start3A_824] : memref<2x1x128xi32, #tpu.memory_space<vmem>> -> memref<1x1x128xi32, #tpu.memory_space<vmem>>
      %dma_start3A_826 = tpu.memref_squeeze %dma_start3A_825 : memref<1x1x128xi32, #tpu.memory_space<vmem>> -> memref<1x128xi32, #tpu.memory_space<vmem>>
      %dma_start3A_827 = arith.constant 0 : i32
      %dma_start3A_828 = tpu.memref_slice %arg3[%add3A_820, %dma_start3A_827] : memref<2560x128xi32, #tpu.memory_space<hbm>> -> memref<1x128xi32, #tpu.memory_space<hbm>>
      %dma_start3A_829 = tpu.memref_slice %arg12[%dma_start3A_822] : memref<2x!tpu.dma_semaphore, #tpu.memory_space<semaphore_mem>> -> memref<1x!tpu.dma_semaphore, #tpu.memory_space<semaphore_mem>>
      %dma_start3A_830 = tpu.memref_squeeze %dma_start3A_829 : memref<1x!tpu.dma_semaphore, #tpu.memory_space<semaphore_mem>> -> memref<!tpu.dma_semaphore, #tpu.memory_space<semaphore_mem>>
      %dma_start3A_831 = arith.constant 0 : i32
      %dma_start3A_832 = arith.constant 0 : i32
      %dma_start3A_833 = tpu.memref_slice %arg7[%dma_start3A_821, %dma_start3A_831, %dma_start3A_832] : memref<2x1x128xi32, #tpu.memory_space<vmem>> -> memref<1x1x128xi32, #tpu.memory_space<vmem>>
      %dma_start3A_834 = tpu.memref_squeeze %dma_start3A_833 : memref<1x1x128xi32, #tpu.memory_space<vmem>> -> memref<1x128xi32, #tpu.memory_space<vmem>>
      %dma_start3A_835 = arith.constant 0 : i32
      %dma_start3A_836 = tpu.memref_slice %arg3[%add3A_820, %dma_start3A_835] : memref<2560x128xi32, #tpu.memory_space<hbm>> -> memref<1x128xi32, #tpu.memory_space<hbm>>
      tpu.enqueue_dma source(%dma_start3A_836 : memref<1x128xi32, #tpu.memory_space<hbm>>) target(%dma_start3A_834 : memref<1x128xi32, #tpu.memory_space<vmem>>) target_semaphore(%dma_start3A_830 : memref<!tpu.dma_semaphore, #tpu.memory_space<semaphore_mem>>)
      %add3A_837 = arith.constant 1 : i32
      %add3A_838 = arith.addi %mul3A_784, %add3A_837 : i32
      %dma_start3A_839 = arith.constant 1 : i32
      %dma_start3A_840 = arith.constant 1 : i32
      %dma_start3A_841 = arith.constant 0 : i32
      %dma_start3A_842 = arith.constant 0 : i32
      %dma_start3A_843 = tpu.memref_slice %arg8[%dma_start3A_839, %dma_start3A_841, %dma_start3A_842] : memref<2x1x128xi32, #tpu.memory_space<vmem>> -> memref<1x1x128xi32, #tpu.memory_space<vmem>>
      %dma_start3A_844 = tpu.memref_squeeze %dma_start3A_843 : memref<1x1x128xi32, #tpu.memory_space<vmem>> -> memref<1x128xi32, #tpu.memory_space<vmem>>
      %dma_start3A_845 = arith.constant 0 : i32
      %dma_start3A_846 = tpu.memref_slice %arg4[%add3A_838, %dma_start3A_845] : memref<2560x128xi32, #tpu.memory_space<hbm>> -> memref<1x128xi32, #tpu.memory_space<hbm>>
      %dma_start3A_847 = tpu.memref_slice %arg12[%dma_start3A_840] : memref<2x!tpu.dma_semaphore, #tpu.memory_space<semaphore_mem>> -> memref<1x!tpu.dma_semaphore, #tpu.memory_space<semaphore_mem>>
      %dma_start3A_848 = tpu.memref_squeeze %dma_start3A_847 : memref<1x!tpu.dma_semaphore, #tpu.memory_space<semaphore_mem>> -> memref<!tpu.dma_semaphore, #tpu.memory_space<semaphore_mem>>
      %dma_start3A_849 = arith.constant 0 : i32
      %dma_start3A_850 = arith.constant 0 : i32
      %dma_start3A_851 = tpu.memref_slice %arg8[%dma_start3A_839, %dma_start3A_849, %dma_start3A_850] : memref<2x1x128xi32, #tpu.memory_space<vmem>> -> memref<1x1x128xi32, #tpu.memory_space<vmem>>
      %dma_start3A_852 = tpu.memref_squeeze %dma_start3A_851 : memref<1x1x128xi32, #tpu.memory_space<vmem>> -> memref<1x128xi32, #tpu.memory_space<vmem>>
      %dma_start3A_853 = arith.constant 0 : i32
      %dma_start3A_854 = tpu.memref_slice %arg4[%add3A_838, %dma_start3A_853] : memref<2560x128xi32, #tpu.memory_space<hbm>> -> memref<1x128xi32, #tpu.memory_space<hbm>>
      tpu.enqueue_dma source(%dma_start3A_854 : memref<1x128xi32, #tpu.memory_space<hbm>>) target(%dma_start3A_852 : memref<1x128xi32, #tpu.memory_space<vmem>>) target_semaphore(%dma_start3A_848 : memref<!tpu.dma_semaphore, #tpu.memory_space<semaphore_mem>>)
      %dma_wait3A = arith.constant 0 : i32
      %dma_wait3A_855 = arith.constant 0 : i32
      %dma_wait3A_856 = arith.constant 0 : i32
      %dma_wait3A_857 = arith.constant 0 : i32
      %dma_wait3A_858 = tpu.memref_slice %arg7[%dma_wait3A, %dma_wait3A_856, %dma_wait3A_857] : memref<2x1x128xi32, #tpu.memory_space<vmem>> -> memref<1x1x128xi32, #tpu.memory_space<vmem>>
      %dma_wait3A_859 = tpu.memref_squeeze %dma_wait3A_858 : memref<1x1x128xi32, #tpu.memory_space<vmem>> -> memref<1x128xi32, #tpu.memory_space<vmem>>
      %dma_wait3A_860 = arith.constant 0 : i32
      %dma_wait3A_861 = tpu.memref_slice %arg3[%mul3A_784, %dma_wait3A_860] : memref<2560x128xi32, #tpu.memory_space<hbm>> -> memref<1x128xi32, #tpu.memory_space<hbm>>
      %dma_wait3A_862 = tpu.memref_slice %arg12[%dma_wait3A_855] : memref<2x!tpu.dma_semaphore, #tpu.memory_space<semaphore_mem>> -> memref<1x!tpu.dma_semaphore, #tpu.memory_space<semaphore_mem>>
      %dma_wait3A_863 = tpu.memref_squeeze %dma_wait3A_862 : memref<1x!tpu.dma_semaphore, #tpu.memory_space<semaphore_mem>> -> memref<!tpu.dma_semaphore, #tpu.memory_space<semaphore_mem>>
      %dma_wait3A_864 = arith.constant 0 : i32
      %dma_wait3A_865 = arith.constant 0 : i32
      %dma_wait3A_866 = tpu.memref_slice %arg7[%dma_wait3A, %dma_wait3A_864, %dma_wait3A_865] : memref<2x1x128xi32, #tpu.memory_space<vmem>> -> memref<1x1x128xi32, #tpu.memory_space<vmem>>
      %dma_wait3A_867 = tpu.memref_squeeze %dma_wait3A_866 : memref<1x1x128xi32, #tpu.memory_space<vmem>> -> memref<1x128xi32, #tpu.memory_space<vmem>>
      %dma_wait3A_868 = arith.constant 0 : i32
      %dma_wait3A_869 = tpu.memref_slice %arg3[%mul3A_784, %dma_wait3A_868] : memref<2560x128xi32, #tpu.memory_space<hbm>> -> memref<1x128xi32, #tpu.memory_space<hbm>>
      tpu.wait_dma2 semaphore(%dma_wait3A_863 : memref<!tpu.dma_semaphore, #tpu.memory_space<semaphore_mem>>) src(%dma_wait3A_869 : memref<1x128xi32, #tpu.memory_space<hbm>>) dst(%dma_wait3A_867 : memref<1x128xi32, #tpu.memory_space<vmem>>)
      %dma_wait3A_870 = arith.constant 0 : i32
      %dma_wait3A_871 = arith.constant 0 : i32
      %dma_wait3A_872 = arith.constant 0 : i32
      %dma_wait3A_873 = arith.constant 0 : i32
      %dma_wait3A_874 = tpu.memref_slice %arg8[%dma_wait3A_870, %dma_wait3A_872, %dma_wait3A_873] : memref<2x1x128xi32, #tpu.memory_space<vmem>> -> memref<1x1x128xi32, #tpu.memory_space<vmem>>
      %dma_wait3A_875 = tpu.memref_squeeze %dma_wait3A_874 : memref<1x1x128xi32, #tpu.memory_space<vmem>> -> memref<1x128xi32, #tpu.memory_space<vmem>>
      %dma_wait3A_876 = arith.constant 0 : i32
      %dma_wait3A_877 = tpu.memref_slice %arg4[%mul3A_784, %dma_wait3A_876] : memref<2560x128xi32, #tpu.memory_space<hbm>> -> memref<1x128xi32, #tpu.memory_space<hbm>>
      %dma_wait3A_878 = tpu.memref_slice %arg12[%dma_wait3A_871] : memref<2x!tpu.dma_semaphore, #tpu.memory_space<semaphore_mem>> -> memref<1x!tpu.dma_semaphore, #tpu.memory_space<semaphore_mem>>
      %dma_wait3A_879 = tpu.memref_squeeze %dma_wait3A_878 : memref<1x!tpu.dma_semaphore, #tpu.memory_space<semaphore_mem>> -> memref<!tpu.dma_semaphore, #tpu.memory_space<semaphore_mem>>
      %dma_wait3A_880 = arith.constant 0 : i32
      %dma_wait3A_881 = arith.constant 0 : i32
      %dma_wait3A_882 = tpu.memref_slice %arg8[%dma_wait3A_870, %dma_wait3A_880, %dma_wait3A_881] : memref<2x1x128xi32, #tpu.memory_space<vmem>> -> memref<1x1x128xi32, #tpu.memory_space<vmem>>
      %dma_wait3A_883 = tpu.memref_squeeze %dma_wait3A_882 : memref<1x1x128xi32, #tpu.memory_space<vmem>> -> memref<1x128xi32, #tpu.memory_space<vmem>>
      %dma_wait3A_884 = arith.constant 0 : i32
      %dma_wait3A_885 = tpu.memref_slice %arg4[%mul3A_784, %dma_wait3A_884] : memref<2560x128xi32, #tpu.memory_space<hbm>> -> memref<1x128xi32, #tpu.memory_space<hbm>>
      tpu.wait_dma2 semaphore(%dma_wait3A_879 : memref<!tpu.dma_semaphore, #tpu.memory_space<semaphore_mem>>) src(%dma_wait3A_885 : memref<1x128xi32, #tpu.memory_space<hbm>>) dst(%dma_wait3A_883 : memref<1x128xi32, #tpu.memory_space<vmem>>)
      %dma_start3A_886 = arith.constant 0 : i32
      %dma_start3A_887 = arith.constant 0 : i32
      %dma_start3A_888 = arith.constant 0 : i32
      %dma_start3A_889 = arith.constant 0 : i32
      %dma_start3A_890 = arith.constant 0 : i32
      %dma_start3A_891 = arith.constant 0 : i32
      %dma_start3A_892 = tpu.memref_slice %arg9[%dma_start3A_888, %dma_start3A_890, %dma_start3A_891] : memref<2x128x128xf32, #tpu.memory_space<vmem>> -> memref<1x128x128xf32, #tpu.memory_space<vmem>>
      %dma_start3A_893 = tpu.memref_squeeze %dma_start3A_892 : memref<1x128x128xf32, #tpu.memory_space<vmem>> -> memref<128x128xf32, #tpu.memory_space<vmem>>
      %dma_start3A_894 = arith.constant 0 : i32
      %dma_start3A_895 = tpu.memref_slice %arg7[%dma_start3A_886, %dma_start3A_887, %dma_start3A_894] : memref<2x1x128xi32, #tpu.memory_space<vmem>> -> memref<1x1x128xi32, #tpu.memory_space<vmem>>
      %dma_start3A_896 = tpu.memref_squeeze %dma_start3A_895 : memref<1x1x128xi32, #tpu.memory_space<vmem>> -> memref<128xi32, #tpu.memory_space<vmem>>
      %dma_start3A_897 = arith.constant 0 : i32
      %dma_start3A_898 = arith.constant 0 : i32
      %dma_start3A_899 = tpu.memref_slice %arg2[%dma_start3A_897, %dma_start3A_898] : memref<10000x128xf32, #tpu.memory_space<hbm>> -> memref<10000x128xf32, #tpu.memory_space<hbm>>
      %dma_start3A_900 = tpu.memref_slice %arg11[%dma_start3A_889] : memref<2x!tpu.dma_semaphore, #tpu.memory_space<semaphore_mem>> -> memref<1x!tpu.dma_semaphore, #tpu.memory_space<semaphore_mem>>
      %dma_start3A_901 = tpu.memref_squeeze %dma_start3A_900 : memref<1x!tpu.dma_semaphore, #tpu.memory_space<semaphore_mem>> -> memref<!tpu.dma_semaphore, #tpu.memory_space<semaphore_mem>>
      tpu.enqueue_indirect_dma source(%dma_start3A_899 : memref<10000x128xf32, #tpu.memory_space<hbm>>) target(%dma_start3A_893 : memref<128x128xf32, #tpu.memory_space<vmem>>) offsets(%dma_start3A_896 : memref<128xi32, #tpu.memory_space<vmem>>) semaphore(%dma_start3A_901 : memref<!tpu.dma_semaphore, #tpu.memory_space<semaphore_mem>>)
      %scan3A_902 = arith.constant 0 : i32
      %scan3A_903 = arith.constant 63 : i32
      %scan3A_904 = arith.addi %scan3A_902, %scan3A_903 : i32
      %scan3A_905 = arith.constant 1 : i32
      scf.for %scan3A_907 = %scan3A_902 to %scan3A_904 step %scan3A_905  : i32 {
        %mul3A_908 = arith.constant 1 : i32
        %mul3A_909 = arith.muli %scan3A_907, %mul3A_908 : i32
        %add3A_910 = arith.constant 0 : i32
        %add3A_911 = arith.addi %add3A_910, %mul3A_909 : i32
        %mul3A_912 = arith.constant 2 : i32
        %mul3A_913 = arith.muli %add3A_911, %mul3A_912 : i32
        %add3A_914 = arith.constant 0 : i32
        %add3A_915 = arith.addi %mul3A_913, %add3A_914 : i32
        %add3A_916 = arith.constant 1 : i32
        %add3A_917 = arith.addi %add3A_915, %add3A_916 : i32
        %lt3A = arith.constant 126 : i32
        %lt3A_918 = arith.cmpi slt, %add3A_917, %lt3A : i32
        %convert_element_type3A_919 = arith.extui %lt3A_918 : i1 to i32
        %cond3A_920 = arith.constant 0 : i32
        %cond3A_921 = arith.cmpi ne, %convert_element_type3A_919, %cond3A_920 : i32
        scf.if %cond3A_921 {
          %dma_wait3A_982 = arith.constant 1 : i32
          %dma_wait3A_983 = arith.constant 1 : i32
          %dma_wait3A_984 = arith.constant 0 : i32
          %dma_wait3A_985 = arith.constant 0 : i32
          %dma_wait3A_986 = tpu.memref_slice %arg7[%dma_wait3A_982, %dma_wait3A_984, %dma_wait3A_985] : memref<2x1x128xi32, #tpu.memory_space<vmem>> -> memref<1x1x128xi32, #tpu.memory_space<vmem>>
          %dma_wait3A_987 = tpu.memref_squeeze %dma_wait3A_986 : memref<1x1x128xi32, #tpu.memory_space<vmem>> -> memref<1x128xi32, #tpu.memory_space<vmem>>
          %dma_wait3A_988 = arith.constant 0 : i32
          %dma_wait3A_989 = tpu.memref_slice %arg3[%mul3A_784, %dma_wait3A_988] : memref<2560x128xi32, #tpu.memory_space<hbm>> -> memref<1x128xi32, #tpu.memory_space<hbm>>
          %dma_wait3A_990 = tpu.memref_slice %arg12[%dma_wait3A_983] : memref<2x!tpu.dma_semaphore, #tpu.memory_space<semaphore_mem>> -> memref<1x!tpu.dma_semaphore, #tpu.memory_space<semaphore_mem>>
          %dma_wait3A_991 = tpu.memref_squeeze %dma_wait3A_990 : memref<1x!tpu.dma_semaphore, #tpu.memory_space<semaphore_mem>> -> memref<!tpu.dma_semaphore, #tpu.memory_space<semaphore_mem>>
          %dma_wait3A_992 = arith.constant 0 : i32
          %dma_wait3A_993 = arith.constant 0 : i32
          %dma_wait3A_994 = tpu.memref_slice %arg7[%dma_wait3A_982, %dma_wait3A_992, %dma_wait3A_993] : memref<2x1x128xi32, #tpu.memory_space<vmem>> -> memref<1x1x128xi32, #tpu.memory_space<vmem>>
          %dma_wait3A_995 = tpu.memref_squeeze %dma_wait3A_994 : memref<1x1x128xi32, #tpu.memory_space<vmem>> -> memref<1x128xi32, #tpu.memory_space<vmem>>
          %dma_wait3A_996 = arith.constant 0 : i32
          %dma_wait3A_997 = tpu.memref_slice %arg3[%mul3A_784, %dma_wait3A_996] : memref<2560x128xi32, #tpu.memory_space<hbm>> -> memref<1x128xi32, #tpu.memory_space<hbm>>
          tpu.wait_dma2 semaphore(%dma_wait3A_991 : memref<!tpu.dma_semaphore, #tpu.memory_space<semaphore_mem>>) src(%dma_wait3A_997 : memref<1x128xi32, #tpu.memory_space<hbm>>) dst(%dma_wait3A_995 : memref<1x128xi32, #tpu.memory_space<vmem>>)
          %dma_wait3A_998 = arith.constant 1 : i32
          %dma_wait3A_999 = arith.constant 1 : i32
          %dma_wait3A_1000 = arith.constant 0 : i32
          %dma_wait3A_1001 = arith.constant 0 : i32
          %dma_wait3A_1002 = tpu.memref_slice %arg8[%dma_wait3A_998, %dma_wait3A_1000, %dma_wait3A_1001] : memref<2x1x128xi32, #tpu.memory_space<vmem>> -> memref<1x1x128xi32, #tpu.memory_space<vmem>>
          %dma_wait3A_1003 = tpu.memref_squeeze %dma_wait3A_1002 : memref<1x1x128xi32, #tpu.memory_space<vmem>> -> memref<1x128xi32, #tpu.memory_space<vmem>>
          %dma_wait3A_1004 = arith.constant 0 : i32
          %dma_wait3A_1005 = tpu.memref_slice %arg4[%mul3A_784, %dma_wait3A_1004] : memref<2560x128xi32, #tpu.memory_space<hbm>> -> memref<1x128xi32, #tpu.memory_space<hbm>>
          %dma_wait3A_1006 = tpu.memref_slice %arg12[%dma_wait3A_999] : memref<2x!tpu.dma_semaphore, #tpu.memory_space<semaphore_mem>> -> memref<1x!tpu.dma_semaphore, #tpu.memory_space<semaphore_mem>>
          %dma_wait3A_1007 = tpu.memref_squeeze %dma_wait3A_1006 : memref<1x!tpu.dma_semaphore, #tpu.memory_space<semaphore_mem>> -> memref<!tpu.dma_semaphore, #tpu.memory_space<semaphore_mem>>
          %dma_wait3A_1008 = arith.constant 0 : i32
          %dma_wait3A_1009 = arith.constant 0 : i32
          %dma_wait3A_1010 = tpu.memref_slice %arg8[%dma_wait3A_998, %dma_wait3A_1008, %dma_wait3A_1009] : memref<2x1x128xi32, #tpu.memory_space<vmem>> -> memref<1x1x128xi32, #tpu.memory_space<vmem>>
          %dma_wait3A_1011 = tpu.memref_squeeze %dma_wait3A_1010 : memref<1x1x128xi32, #tpu.memory_space<vmem>> -> memref<1x128xi32, #tpu.memory_space<vmem>>
          %dma_wait3A_1012 = arith.constant 0 : i32
          %dma_wait3A_1013 = tpu.memref_slice %arg4[%mul3A_784, %dma_wait3A_1012] : memref<2560x128xi32, #tpu.memory_space<hbm>> -> memref<1x128xi32, #tpu.memory_space<hbm>>
          tpu.wait_dma2 semaphore(%dma_wait3A_1007 : memref<!tpu.dma_semaphore, #tpu.memory_space<semaphore_mem>>) src(%dma_wait3A_1013 : memref<1x128xi32, #tpu.memory_space<hbm>>) dst(%dma_wait3A_1011 : memref<1x128xi32, #tpu.memory_space<vmem>>)
          %dma_start3A_1014 = arith.constant 1 : i32
          %dma_start3A_1015 = arith.constant 0 : i32
          %dma_start3A_1016 = arith.constant 1 : i32
          %dma_start3A_1017 = arith.constant 1 : i32
          %dma_start3A_1018 = arith.constant 0 : i32
          %dma_start3A_1019 = arith.constant 0 : i32
          %dma_start3A_1020 = tpu.memref_slice %arg9[%dma_start3A_1016, %dma_start3A_1018, %dma_start3A_1019] : memref<2x128x128xf32, #tpu.memory_space<vmem>> -> memref<1x128x128xf32, #tpu.memory_space<vmem>>
          %dma_start3A_1021 = tpu.memref_squeeze %dma_start3A_1020 : memref<1x128x128xf32, #tpu.memory_space<vmem>> -> memref<128x128xf32, #tpu.memory_space<vmem>>
          %dma_start3A_1022 = arith.constant 0 : i32
          %dma_start3A_1023 = tpu.memref_slice %arg7[%dma_start3A_1014, %dma_start3A_1015, %dma_start3A_1022] : memref<2x1x128xi32, #tpu.memory_space<vmem>> -> memref<1x1x128xi32, #tpu.memory_space<vmem>>
          %dma_start3A_1024 = tpu.memref_squeeze %dma_start3A_1023 : memref<1x1x128xi32, #tpu.memory_space<vmem>> -> memref<128xi32, #tpu.memory_space<vmem>>
          %dma_start3A_1025 = arith.constant 0 : i32
          %dma_start3A_1026 = arith.constant 0 : i32
          %dma_start3A_1027 = tpu.memref_slice %arg2[%dma_start3A_1025, %dma_start3A_1026] : memref<10000x128xf32, #tpu.memory_space<hbm>> -> memref<10000x128xf32, #tpu.memory_space<hbm>>
          %dma_start3A_1028 = tpu.memref_slice %arg11[%dma_start3A_1017] : memref<2x!tpu.dma_semaphore, #tpu.memory_space<semaphore_mem>> -> memref<1x!tpu.dma_semaphore, #tpu.memory_space<semaphore_mem>>
          %dma_start3A_1029 = tpu.memref_squeeze %dma_start3A_1028 : memref<1x!tpu.dma_semaphore, #tpu.memory_space<semaphore_mem>> -> memref<!tpu.dma_semaphore, #tpu.memory_space<semaphore_mem>>
          tpu.enqueue_indirect_dma source(%dma_start3A_1027 : memref<10000x128xf32, #tpu.memory_space<hbm>>) target(%dma_start3A_1021 : memref<128x128xf32, #tpu.memory_space<vmem>>) offsets(%dma_start3A_1024 : memref<128xi32, #tpu.memory_space<vmem>>) semaphore(%dma_start3A_1029 : memref<!tpu.dma_semaphore, #tpu.memory_space<semaphore_mem>>)
        } else {
        }
        %dma_wait3A_922 = arith.constant 0 : i32
        %dma_wait3A_923 = arith.constant 0 : i32
        %dma_wait3A_924 = arith.constant 0 : i32
        %dma_wait3A_925 = arith.constant 0 : i32
        %dma_wait3A_926 = arith.constant 0 : i32
        %dma_wait3A_927 = arith.constant 0 : i32
        %dma_wait3A_928 = tpu.memref_slice %arg9[%dma_wait3A_924, %dma_wait3A_926, %dma_wait3A_927] : memref<2x128x128xf32, #tpu.memory_space<vmem>> -> memref<1x128x128xf32, #tpu.memory_space<vmem>>
        %dma_wait3A_929 = tpu.memref_squeeze %dma_wait3A_928 : memref<1x128x128xf32, #tpu.memory_space<vmem>> -> memref<128x128xf32, #tpu.memory_space<vmem>>
        %dma_wait3A_930 = arith.constant 0 : i32
        %dma_wait3A_931 = tpu.memref_slice %arg7[%dma_wait3A_922, %dma_wait3A_923, %dma_wait3A_930] : memref<2x1x128xi32, #tpu.memory_space<vmem>> -> memref<1x1x128xi32, #tpu.memory_space<vmem>>
        %dma_wait3A_932 = tpu.memref_squeeze %dma_wait3A_931 : memref<1x1x128xi32, #tpu.memory_space<vmem>> -> memref<128xi32, #tpu.memory_space<vmem>>
        %dma_wait3A_933 = arith.constant 0 : i32
        %dma_wait3A_934 = arith.constant 0 : i32
        %dma_wait3A_935 = tpu.memref_slice %arg2[%dma_wait3A_933, %dma_wait3A_934] : memref<10000x128xf32, #tpu.memory_space<hbm>> -> memref<10000x128xf32, #tpu.memory_space<hbm>>
        %dma_wait3A_936 = tpu.memref_slice %arg11[%dma_wait3A_925] : memref<2x!tpu.dma_semaphore, #tpu.memory_space<semaphore_mem>> -> memref<1x!tpu.dma_semaphore, #tpu.memory_space<semaphore_mem>>
        %dma_wait3A_937 = tpu.memref_squeeze %dma_wait3A_936 : memref<1x!tpu.dma_semaphore, #tpu.memory_space<semaphore_mem>> -> memref<!tpu.dma_semaphore, #tpu.memory_space<semaphore_mem>>
        tpu.wait_indirect_dma semaphore(%dma_wait3A_937 : memref<!tpu.dma_semaphore, #tpu.memory_space<semaphore_mem>>) src(%dma_wait3A_935 : memref<10000x128xf32, #tpu.memory_space<hbm>>) dst(%dma_wait3A_929 : memref<128x128xf32, #tpu.memory_space<vmem>>)
        %run_scoped3A = arith.constant 0 : i32
        %run_scoped3A_938 = arith.constant 0 : i32
        %run_scoped3A_939 = arith.constant 0 : i32
        "tpu.region"() ({
          %run_scoped3A_982 = tpu.sem_alloc : memref<!tpu.dma_semaphore, #tpu.memory_space<semaphore_mem>>
          %dma_start3A_983 = arith.constant 0 : i32
          %dma_start3A_984 = arith.constant 0 : i32
          %dma_start3A_985 = tpu.memref_slice %arg9[%run_scoped3A, %dma_start3A_983, %dma_start3A_984] : memref<2x128x128xf32, #tpu.memory_space<vmem>> -> memref<1x128x128xf32, #tpu.memory_space<vmem>>
          %dma_start3A_986 = tpu.memref_squeeze %dma_start3A_985 : memref<1x128x128xf32, #tpu.memory_space<vmem>> -> memref<128x128xf32, #tpu.memory_space<vmem>>
          %dma_start3A_987 = arith.constant 0 : i32
          %dma_start3A_988 = tpu.memref_slice %arg8[%run_scoped3A_938, %run_scoped3A_939, %dma_start3A_987] : memref<2x1x128xi32, #tpu.memory_space<vmem>> -> memref<1x1x128xi32, #tpu.memory_space<vmem>>
          %dma_start3A_989 = tpu.memref_squeeze %dma_start3A_988 : memref<1x1x128xi32, #tpu.memory_space<vmem>> -> memref<128xi32, #tpu.memory_space<vmem>>
          %dma_start3A_990 = arith.constant 0 : i32
          %dma_start3A_991 = arith.constant 0 : i32
          %dma_start3A_992 = tpu.memref_slice %arg6[%dma_start3A_990, %dma_start3A_991] : memref<10240x128xf32, #tpu.memory_space<vmem_shared>> -> memref<10240x128xf32, #tpu.memory_space<vmem_shared>>
          tpu.enqueue_indirect_dma source(%dma_start3A_986 : memref<128x128xf32, #tpu.memory_space<vmem>>) target(%dma_start3A_992 : memref<10240x128xf32, #tpu.memory_space<vmem_shared>>) offsets(%dma_start3A_989 : memref<128xi32, #tpu.memory_space<vmem>>) semaphore(%run_scoped3A_982 : memref<!tpu.dma_semaphore, #tpu.memory_space<semaphore_mem>>) {add = true}
          %dma_wait3A_993 = arith.constant 0 : i32
          %dma_wait3A_994 = arith.constant 0 : i32
          %dma_wait3A_995 = tpu.memref_slice %arg9[%run_scoped3A, %dma_wait3A_993, %dma_wait3A_994] : memref<2x128x128xf32, #tpu.memory_space<vmem>> -> memref<1x128x128xf32, #tpu.memory_space<vmem>>
          %dma_wait3A_996 = tpu.memref_squeeze %dma_wait3A_995 : memref<1x128x128xf32, #tpu.memory_space<vmem>> -> memref<128x128xf32, #tpu.memory_space<vmem>>
          %dma_wait3A_997 = arith.constant 0 : i32
          %dma_wait3A_998 = tpu.memref_slice %arg8[%run_scoped3A_938, %run_scoped3A_939, %dma_wait3A_997] : memref<2x1x128xi32, #tpu.memory_space<vmem>> -> memref<1x1x128xi32, #tpu.memory_space<vmem>>
          %dma_wait3A_999 = tpu.memref_squeeze %dma_wait3A_998 : memref<1x1x128xi32, #tpu.memory_space<vmem>> -> memref<128xi32, #tpu.memory_space<vmem>>
          %dma_wait3A_1000 = arith.constant 0 : i32
          %dma_wait3A_1001 = arith.constant 0 : i32
          %dma_wait3A_1002 = tpu.memref_slice %arg6[%dma_wait3A_1000, %dma_wait3A_1001] : memref<10240x128xf32, #tpu.memory_space<vmem_shared>> -> memref<10240x128xf32, #tpu.memory_space<vmem_shared>>
          tpu.wait_indirect_dma semaphore(%run_scoped3A_982 : memref<!tpu.dma_semaphore, #tpu.memory_space<semaphore_mem>>) src(%dma_wait3A_996 : memref<128x128xf32, #tpu.memory_space<vmem>>) dst(%dma_wait3A_1002 : memref<10240x128xf32, #tpu.memory_space<vmem_shared>>)
          tpu.yield
        }) : () -> ()
        %add3A_940 = arith.constant 2 : i32
        %add3A_941 = arith.addi %add3A_915, %add3A_940 : i32
        %lt3A_942 = arith.constant 126 : i32
        %lt3A_943 = arith.cmpi slt, %add3A_941, %lt3A_942 : i32
        %convert_element_type3A_944 = arith.extui %lt3A_943 : i1 to i32
        %cond3A_945 = arith.constant 0 : i32
        %cond3A_946 = arith.cmpi ne, %convert_element_type3A_944, %cond3A_945 : i32
        scf.if %cond3A_946 {
          %add3A_982 = arith.constant 2 : i32
          %add3A_983 = arith.addi %add3A_915, %add3A_982 : i32
          %add3A_984 = arith.addi %mul3A_784, %add3A_983 : i32
          %dma_start3A_985 = arith.constant 0 : i32
          %dma_start3A_986 = arith.constant 0 : i32
          %dma_start3A_987 = arith.constant 0 : i32
          %dma_start3A_988 = arith.constant 0 : i32
          %dma_start3A_989 = tpu.memref_slice %arg7[%dma_start3A_985, %dma_start3A_987, %dma_start3A_988] : memref<2x1x128xi32, #tpu.memory_space<vmem>> -> memref<1x1x128xi32, #tpu.memory_space<vmem>>
          %dma_start3A_990 = tpu.memref_squeeze %dma_start3A_989 : memref<1x1x128xi32, #tpu.memory_space<vmem>> -> memref<1x128xi32, #tpu.memory_space<vmem>>
          %dma_start3A_991 = arith.constant 0 : i32
          %dma_start3A_992 = tpu.memref_slice %arg3[%add3A_984, %dma_start3A_991] : memref<2560x128xi32, #tpu.memory_space<hbm>> -> memref<1x128xi32, #tpu.memory_space<hbm>>
          %dma_start3A_993 = tpu.memref_slice %arg12[%dma_start3A_986] : memref<2x!tpu.dma_semaphore, #tpu.memory_space<semaphore_mem>> -> memref<1x!tpu.dma_semaphore, #tpu.memory_space<semaphore_mem>>
          %dma_start3A_994 = tpu.memref_squeeze %dma_start3A_993 : memref<1x!tpu.dma_semaphore, #tpu.memory_space<semaphore_mem>> -> memref<!tpu.dma_semaphore, #tpu.memory_space<semaphore_mem>>
          %dma_start3A_995 = arith.constant 0 : i32
          %dma_start3A_996 = arith.constant 0 : i32
          %dma_start3A_997 = tpu.memref_slice %arg7[%dma_start3A_985, %dma_start3A_995, %dma_start3A_996] : memref<2x1x128xi32, #tpu.memory_space<vmem>> -> memref<1x1x128xi32, #tpu.memory_space<vmem>>
          %dma_start3A_998 = tpu.memref_squeeze %dma_start3A_997 : memref<1x1x128xi32, #tpu.memory_space<vmem>> -> memref<1x128xi32, #tpu.memory_space<vmem>>
          %dma_start3A_999 = arith.constant 0 : i32
          %dma_start3A_1000 = tpu.memref_slice %arg3[%add3A_984, %dma_start3A_999] : memref<2560x128xi32, #tpu.memory_space<hbm>> -> memref<1x128xi32, #tpu.memory_space<hbm>>
          tpu.enqueue_dma source(%dma_start3A_1000 : memref<1x128xi32, #tpu.memory_space<hbm>>) target(%dma_start3A_998 : memref<1x128xi32, #tpu.memory_space<vmem>>) target_semaphore(%dma_start3A_994 : memref<!tpu.dma_semaphore, #tpu.memory_space<semaphore_mem>>)
          %add3A_1001 = arith.addi %mul3A_784, %add3A_983 : i32
          %dma_start3A_1002 = arith.constant 0 : i32
          %dma_start3A_1003 = arith.constant 0 : i32
          %dma_start3A_1004 = arith.constant 0 : i32
          %dma_start3A_1005 = arith.constant 0 : i32
          %dma_start3A_1006 = tpu.memref_slice %arg8[%dma_start3A_1002, %dma_start3A_1004, %dma_start3A_1005] : memref<2x1x128xi32, #tpu.memory_space<vmem>> -> memref<1x1x128xi32, #tpu.memory_space<vmem>>
          %dma_start3A_1007 = tpu.memref_squeeze %dma_start3A_1006 : memref<1x1x128xi32, #tpu.memory_space<vmem>> -> memref<1x128xi32, #tpu.memory_space<vmem>>
          %dma_start3A_1008 = arith.constant 0 : i32
          %dma_start3A_1009 = tpu.memref_slice %arg4[%add3A_1001, %dma_start3A_1008] : memref<2560x128xi32, #tpu.memory_space<hbm>> -> memref<1x128xi32, #tpu.memory_space<hbm>>
          %dma_start3A_1010 = tpu.memref_slice %arg12[%dma_start3A_1003] : memref<2x!tpu.dma_semaphore, #tpu.memory_space<semaphore_mem>> -> memref<1x!tpu.dma_semaphore, #tpu.memory_space<semaphore_mem>>
          %dma_start3A_1011 = tpu.memref_squeeze %dma_start3A_1010 : memref<1x!tpu.dma_semaphore, #tpu.memory_space<semaphore_mem>> -> memref<!tpu.dma_semaphore, #tpu.memory_space<semaphore_mem>>
          %dma_start3A_1012 = arith.constant 0 : i32
          %dma_start3A_1013 = arith.constant 0 : i32
          %dma_start3A_1014 = tpu.memref_slice %arg8[%dma_start3A_1002, %dma_start3A_1012, %dma_start3A_1013] : memref<2x1x128xi32, #tpu.memory_space<vmem>> -> memref<1x1x128xi32, #tpu.memory_space<vmem>>
          %dma_start3A_1015 = tpu.memref_squeeze %dma_start3A_1014 : memref<1x1x128xi32, #tpu.memory_space<vmem>> -> memref<1x128xi32, #tpu.memory_space<vmem>>
          %dma_start3A_1016 = arith.constant 0 : i32
          %dma_start3A_1017 = tpu.memref_slice %arg4[%add3A_1001, %dma_start3A_1016] : memref<2560x128xi32, #tpu.memory_space<hbm>> -> memref<1x128xi32, #tpu.memory_space<hbm>>
          tpu.enqueue_dma source(%dma_start3A_1017 : memref<1x128xi32, #tpu.memory_space<hbm>>) target(%dma_start3A_1015 : memref<1x128xi32, #tpu.memory_space<vmem>>) target_semaphore(%dma_start3A_1011 : memref<!tpu.dma_semaphore, #tpu.memory_space<semaphore_mem>>)
        } else {
        }
        %add3A_947 = arith.constant 1 : i32
        %add3A_948 = arith.addi %mul3A_913, %add3A_947 : i32
        %add3A_949 = arith.constant 1 : i32
        %add3A_950 = arith.addi %add3A_948, %add3A_949 : i32
        %lt3A_951 = arith.constant 126 : i32
        %lt3A_952 = arith.cmpi slt, %add3A_950, %lt3A_951 : i32
        %convert_element_type3A_953 = arith.extui %lt3A_952 : i1 to i32
        %cond3A_954 = arith.constant 0 : i32
        %cond3A_955 = arith.cmpi ne, %convert_element_type3A_953, %cond3A_954 : i32
        scf.if %cond3A_955 {
          %dma_wait3A_982 = arith.constant 0 : i32
          %dma_wait3A_983 = arith.constant 0 : i32
          %dma_wait3A_984 = arith.constant 0 : i32
          %dma_wait3A_985 = arith.constant 0 : i32
          %dma_wait3A_986 = tpu.memref_slice %arg7[%dma_wait3A_982, %dma_wait3A_984, %dma_wait3A_985] : memref<2x1x128xi32, #tpu.memory_space<vmem>> -> memref<1x1x128xi32, #tpu.memory_space<vmem>>
          %dma_wait3A_987 = tpu.memref_squeeze %dma_wait3A_986 : memref<1x1x128xi32, #tpu.memory_space<vmem>> -> memref<1x128xi32, #tpu.memory_space<vmem>>
          %dma_wait3A_988 = arith.constant 0 : i32
          %dma_wait3A_989 = tpu.memref_slice %arg3[%mul3A_784, %dma_wait3A_988] : memref<2560x128xi32, #tpu.memory_space<hbm>> -> memref<1x128xi32, #tpu.memory_space<hbm>>
          %dma_wait3A_990 = tpu.memref_slice %arg12[%dma_wait3A_983] : memref<2x!tpu.dma_semaphore, #tpu.memory_space<semaphore_mem>> -> memref<1x!tpu.dma_semaphore, #tpu.memory_space<semaphore_mem>>
          %dma_wait3A_991 = tpu.memref_squeeze %dma_wait3A_990 : memref<1x!tpu.dma_semaphore, #tpu.memory_space<semaphore_mem>> -> memref<!tpu.dma_semaphore, #tpu.memory_space<semaphore_mem>>
          %dma_wait3A_992 = arith.constant 0 : i32
          %dma_wait3A_993 = arith.constant 0 : i32
          %dma_wait3A_994 = tpu.memref_slice %arg7[%dma_wait3A_982, %dma_wait3A_992, %dma_wait3A_993] : memref<2x1x128xi32, #tpu.memory_space<vmem>> -> memref<1x1x128xi32, #tpu.memory_space<vmem>>
          %dma_wait3A_995 = tpu.memref_squeeze %dma_wait3A_994 : memref<1x1x128xi32, #tpu.memory_space<vmem>> -> memref<1x128xi32, #tpu.memory_space<vmem>>
          %dma_wait3A_996 = arith.constant 0 : i32
          %dma_wait3A_997 = tpu.memref_slice %arg3[%mul3A_784, %dma_wait3A_996] : memref<2560x128xi32, #tpu.memory_space<hbm>> -> memref<1x128xi32, #tpu.memory_space<hbm>>
          tpu.wait_dma2 semaphore(%dma_wait3A_991 : memref<!tpu.dma_semaphore, #tpu.memory_space<semaphore_mem>>) src(%dma_wait3A_997 : memref<1x128xi32, #tpu.memory_space<hbm>>) dst(%dma_wait3A_995 : memref<1x128xi32, #tpu.memory_space<vmem>>)
          %dma_wait3A_998 = arith.constant 0 : i32
          %dma_wait3A_999 = arith.constant 0 : i32
          %dma_wait3A_1000 = arith.constant 0 : i32
          %dma_wait3A_1001 = arith.constant 0 : i32
          %dma_wait3A_1002 = tpu.memref_slice %arg8[%dma_wait3A_998, %dma_wait3A_1000, %dma_wait3A_1001] : memref<2x1x128xi32, #tpu.memory_space<vmem>> -> memref<1x1x128xi32, #tpu.memory_space<vmem>>
          %dma_wait3A_1003 = tpu.memref_squeeze %dma_wait3A_1002 : memref<1x1x128xi32, #tpu.memory_space<vmem>> -> memref<1x128xi32, #tpu.memory_space<vmem>>
          %dma_wait3A_1004 = arith.constant 0 : i32
          %dma_wait3A_1005 = tpu.memref_slice %arg4[%mul3A_784, %dma_wait3A_1004] : memref<2560x128xi32, #tpu.memory_space<hbm>> -> memref<1x128xi32, #tpu.memory_space<hbm>>
          %dma_wait3A_1006 = tpu.memref_slice %arg12[%dma_wait3A_999] : memref<2x!tpu.dma_semaphore, #tpu.memory_space<semaphore_mem>> -> memref<1x!tpu.dma_semaphore, #tpu.memory_space<semaphore_mem>>
          %dma_wait3A_1007 = tpu.memref_squeeze %dma_wait3A_1006 : memref<1x!tpu.dma_semaphore, #tpu.memory_space<semaphore_mem>> -> memref<!tpu.dma_semaphore, #tpu.memory_space<semaphore_mem>>
          %dma_wait3A_1008 = arith.constant 0 : i32
          %dma_wait3A_1009 = arith.constant 0 : i32
          %dma_wait3A_1010 = tpu.memref_slice %arg8[%dma_wait3A_998, %dma_wait3A_1008, %dma_wait3A_1009] : memref<2x1x128xi32, #tpu.memory_space<vmem>> -> memref<1x1x128xi32, #tpu.memory_space<vmem>>
          %dma_wait3A_1011 = tpu.memref_squeeze %dma_wait3A_1010 : memref<1x1x128xi32, #tpu.memory_space<vmem>> -> memref<1x128xi32, #tpu.memory_space<vmem>>
          %dma_wait3A_1012 = arith.constant 0 : i32
          %dma_wait3A_1013 = tpu.memref_slice %arg4[%mul3A_784, %dma_wait3A_1012] : memref<2560x128xi32, #tpu.memory_space<hbm>> -> memref<1x128xi32, #tpu.memory_space<hbm>>
          tpu.wait_dma2 semaphore(%dma_wait3A_1007 : memref<!tpu.dma_semaphore, #tpu.memory_space<semaphore_mem>>) src(%dma_wait3A_1013 : memref<1x128xi32, #tpu.memory_space<hbm>>) dst(%dma_wait3A_1011 : memref<1x128xi32, #tpu.memory_space<vmem>>)
          %dma_start3A_1014 = arith.constant 0 : i32
          %dma_start3A_1015 = arith.constant 0 : i32
          %dma_start3A_1016 = arith.constant 0 : i32
          %dma_start3A_1017 = arith.constant 0 : i32
          %dma_start3A_1018 = arith.constant 0 : i32
          %dma_start3A_1019 = arith.constant 0 : i32
          %dma_start3A_1020 = tpu.memref_slice %arg9[%dma_start3A_1016, %dma_start3A_1018, %dma_start3A_1019] : memref<2x128x128xf32, #tpu.memory_space<vmem>> -> memref<1x128x128xf32, #tpu.memory_space<vmem>>
          %dma_start3A_1021 = tpu.memref_squeeze %dma_start3A_1020 : memref<1x128x128xf32, #tpu.memory_space<vmem>> -> memref<128x128xf32, #tpu.memory_space<vmem>>
          %dma_start3A_1022 = arith.constant 0 : i32
          %dma_start3A_1023 = tpu.memref_slice %arg7[%dma_start3A_1014, %dma_start3A_1015, %dma_start3A_1022] : memref<2x1x128xi32, #tpu.memory_space<vmem>> -> memref<1x1x128xi32, #tpu.memory_space<vmem>>
          %dma_start3A_1024 = tpu.memref_squeeze %dma_start3A_1023 : memref<1x1x128xi32, #tpu.memory_space<vmem>> -> memref<128xi32, #tpu.memory_space<vmem>>
          %dma_start3A_1025 = arith.constant 0 : i32
          %dma_start3A_1026 = arith.constant 0 : i32
          %dma_start3A_1027 = tpu.memref_slice %arg2[%dma_start3A_1025, %dma_start3A_1026] : memref<10000x128xf32, #tpu.memory_space<hbm>> -> memref<10000x128xf32, #tpu.memory_space<hbm>>
          %dma_start3A_1028 = tpu.memref_slice %arg11[%dma_start3A_1017] : memref<2x!tpu.dma_semaphore, #tpu.memory_space<semaphore_mem>> -> memref<1x!tpu.dma_semaphore, #tpu.memory_space<semaphore_mem>>
          %dma_start3A_1029 = tpu.memref_squeeze %dma_start3A_1028 : memref<1x!tpu.dma_semaphore, #tpu.memory_space<semaphore_mem>> -> memref<!tpu.dma_semaphore, #tpu.memory_space<semaphore_mem>>
          tpu.enqueue_indirect_dma source(%dma_start3A_1027 : memref<10000x128xf32, #tpu.memory_space<hbm>>) target(%dma_start3A_1021 : memref<128x128xf32, #tpu.memory_space<vmem>>) offsets(%dma_start3A_1024 : memref<128xi32, #tpu.memory_space<vmem>>) semaphore(%dma_start3A_1029 : memref<!tpu.dma_semaphore, #tpu.memory_space<semaphore_mem>>)
        } else {
        }
        %dma_wait3A_956 = arith.constant 1 : i32
        %dma_wait3A_957 = arith.constant 0 : i32
        %dma_wait3A_958 = arith.constant 1 : i32
        %dma_wait3A_959 = arith.constant 1 : i32
        %dma_wait3A_960 = arith.constant 0 : i32
        %dma_wait3A_961 = arith.constant 0 : i32
        %dma_wait3A_962 = tpu.memref_slice %arg9[%dma_wait3A_958, %dma_wait3A_960, %dma_wait3A_961] : memref<2x128x128xf32, #tpu.memory_space<vmem>> -> memref<1x128x128xf32, #tpu.memory_space<vmem>>
        %dma_wait3A_963 = tpu.memref_squeeze %dma_wait3A_962 : memref<1x128x128xf32, #tpu.memory_space<vmem>> -> memref<128x128xf32, #tpu.memory_space<vmem>>
        %dma_wait3A_964 = arith.constant 0 : i32
        %dma_wait3A_965 = tpu.memref_slice %arg7[%dma_wait3A_956, %dma_wait3A_957, %dma_wait3A_964] : memref<2x1x128xi32, #tpu.memory_space<vmem>> -> memref<1x1x128xi32, #tpu.memory_space<vmem>>
        %dma_wait3A_966 = tpu.memref_squeeze %dma_wait3A_965 : memref<1x1x128xi32, #tpu.memory_space<vmem>> -> memref<128xi32, #tpu.memory_space<vmem>>
        %dma_wait3A_967 = arith.constant 0 : i32
        %dma_wait3A_968 = arith.constant 0 : i32
        %dma_wait3A_969 = tpu.memref_slice %arg2[%dma_wait3A_967, %dma_wait3A_968] : memref<10000x128xf32, #tpu.memory_space<hbm>> -> memref<10000x128xf32, #tpu.memory_space<hbm>>
        %dma_wait3A_970 = tpu.memref_slice %arg11[%dma_wait3A_959] : memref<2x!tpu.dma_semaphore, #tpu.memory_space<semaphore_mem>> -> memref<1x!tpu.dma_semaphore, #tpu.memory_space<semaphore_mem>>
        %dma_wait3A_971 = tpu.memref_squeeze %dma_wait3A_970 : memref<1x!tpu.dma_semaphore, #tpu.memory_space<semaphore_mem>> -> memref<!tpu.dma_semaphore, #tpu.memory_space<semaphore_mem>>
        tpu.wait_indirect_dma semaphore(%dma_wait3A_971 : memref<!tpu.dma_semaphore, #tpu.memory_space<semaphore_mem>>) src(%dma_wait3A_969 : memref<10000x128xf32, #tpu.memory_space<hbm>>) dst(%dma_wait3A_963 : memref<128x128xf32, #tpu.memory_space<vmem>>)
        %run_scoped3A_972 = arith.constant 1 : i32
        %run_scoped3A_973 = arith.constant 1 : i32
        %run_scoped3A_974 = arith.constant 0 : i32
        "tpu.region"() ({
          %run_scoped3A_982 = tpu.sem_alloc : memref<!tpu.dma_semaphore, #tpu.memory_space<semaphore_mem>>
          %dma_start3A_983 = arith.constant 0 : i32
          %dma_start3A_984 = arith.constant 0 : i32
          %dma_start3A_985 = tpu.memref_slice %arg9[%run_scoped3A_972, %dma_start3A_983, %dma_start3A_984] : memref<2x128x128xf32, #tpu.memory_space<vmem>> -> memref<1x128x128xf32, #tpu.memory_space<vmem>>
          %dma_start3A_986 = tpu.memref_squeeze %dma_start3A_985 : memref<1x128x128xf32, #tpu.memory_space<vmem>> -> memref<128x128xf32, #tpu.memory_space<vmem>>
          %dma_start3A_987 = arith.constant 0 : i32
          %dma_start3A_988 = tpu.memref_slice %arg8[%run_scoped3A_973, %run_scoped3A_974, %dma_start3A_987] : memref<2x1x128xi32, #tpu.memory_space<vmem>> -> memref<1x1x128xi32, #tpu.memory_space<vmem>>
          %dma_start3A_989 = tpu.memref_squeeze %dma_start3A_988 : memref<1x1x128xi32, #tpu.memory_space<vmem>> -> memref<128xi32, #tpu.memory_space<vmem>>
          %dma_start3A_990 = arith.constant 0 : i32
          %dma_start3A_991 = arith.constant 0 : i32
          %dma_start3A_992 = tpu.memref_slice %arg6[%dma_start3A_990, %dma_start3A_991] : memref<10240x128xf32, #tpu.memory_space<vmem_shared>> -> memref<10240x128xf32, #tpu.memory_space<vmem_shared>>
          tpu.enqueue_indirect_dma source(%dma_start3A_986 : memref<128x128xf32, #tpu.memory_space<vmem>>) target(%dma_start3A_992 : memref<10240x128xf32, #tpu.memory_space<vmem_shared>>) offsets(%dma_start3A_989 : memref<128xi32, #tpu.memory_space<vmem>>) semaphore(%run_scoped3A_982 : memref<!tpu.dma_semaphore, #tpu.memory_space<semaphore_mem>>) {add = true}
          %dma_wait3A_993 = arith.constant 0 : i32
          %dma_wait3A_994 = arith.constant 0 : i32
          %dma_wait3A_995 = tpu.memref_slice %arg9[%run_scoped3A_972, %dma_wait3A_993, %dma_wait3A_994] : memref<2x128x128xf32, #tpu.memory_space<vmem>> -> memref<1x128x128xf32, #tpu.memory_space<vmem>>
          %dma_wait3A_996 = tpu.memref_squeeze %dma_wait3A_995 : memref<1x128x128xf32, #tpu.memory_space<vmem>> -> memref<128x128xf32, #tpu.memory_space<vmem>>
          %dma_wait3A_997 = arith.constant 0 : i32
          %dma_wait3A_998 = tpu.memref_slice %arg8[%run_scoped3A_973, %run_scoped3A_974, %dma_wait3A_997] : memref<2x1x128xi32, #tpu.memory_space<vmem>> -> memref<1x1x128xi32, #tpu.memory_space<vmem>>
          %dma_wait3A_999 = tpu.memref_squeeze %dma_wait3A_998 : memref<1x1x128xi32, #tpu.memory_space<vmem>> -> memref<128xi32, #tpu.memory_space<vmem>>
          %dma_wait3A_1000 = arith.constant 0 : i32
          %dma_wait3A_1001 = arith.constant 0 : i32
          %dma_wait3A_1002 = tpu.memref_slice %arg6[%dma_wait3A_1000, %dma_wait3A_1001] : memref<10240x128xf32, #tpu.memory_space<vmem_shared>> -> memref<10240x128xf32, #tpu.memory_space<vmem_shared>>
          tpu.wait_indirect_dma semaphore(%run_scoped3A_982 : memref<!tpu.dma_semaphore, #tpu.memory_space<semaphore_mem>>) src(%dma_wait3A_996 : memref<128x128xf32, #tpu.memory_space<vmem>>) dst(%dma_wait3A_1002 : memref<10240x128xf32, #tpu.memory_space<vmem_shared>>)
          tpu.yield
        }) : () -> ()
        %add3A_975 = arith.constant 2 : i32
        %add3A_976 = arith.addi %add3A_948, %add3A_975 : i32
        %lt3A_977 = arith.constant 126 : i32
        %lt3A_978 = arith.cmpi slt, %add3A_976, %lt3A_977 : i32
        %convert_element_type3A_979 = arith.extui %lt3A_978 : i1 to i32
        %cond3A_980 = arith.constant 0 : i32
        %cond3A_981 = arith.cmpi ne, %convert_element_type3A_979, %cond3A_980 : i32
        scf.if %cond3A_981 {
          %add3A_982 = arith.constant 2 : i32
          %add3A_983 = arith.addi %add3A_948, %add3A_982 : i32
          %add3A_984 = arith.addi %mul3A_784, %add3A_983 : i32
          %dma_start3A_985 = arith.constant 1 : i32
          %dma_start3A_986 = arith.constant 1 : i32
          %dma_start3A_987 = arith.constant 0 : i32
          %dma_start3A_988 = arith.constant 0 : i32
          %dma_start3A_989 = tpu.memref_slice %arg7[%dma_start3A_985, %dma_start3A_987, %dma_start3A_988] : memref<2x1x128xi32, #tpu.memory_space<vmem>> -> memref<1x1x128xi32, #tpu.memory_space<vmem>>
          %dma_start3A_990 = tpu.memref_squeeze %dma_start3A_989 : memref<1x1x128xi32, #tpu.memory_space<vmem>> -> memref<1x128xi32, #tpu.memory_space<vmem>>
          %dma_start3A_991 = arith.constant 0 : i32
          %dma_start3A_992 = tpu.memref_slice %arg3[%add3A_984, %dma_start3A_991] : memref<2560x128xi32, #tpu.memory_space<hbm>> -> memref<1x128xi32, #tpu.memory_space<hbm>>
          %dma_start3A_993 = tpu.memref_slice %arg12[%dma_start3A_986] : memref<2x!tpu.dma_semaphore, #tpu.memory_space<semaphore_mem>> -> memref<1x!tpu.dma_semaphore, #tpu.memory_space<semaphore_mem>>
          %dma_start3A_994 = tpu.memref_squeeze %dma_start3A_993 : memref<1x!tpu.dma_semaphore, #tpu.memory_space<semaphore_mem>> -> memref<!tpu.dma_semaphore, #tpu.memory_space<semaphore_mem>>
          %dma_start3A_995 = arith.constant 0 : i32
          %dma_start3A_996 = arith.constant 0 : i32
          %dma_start3A_997 = tpu.memref_slice %arg7[%dma_start3A_985, %dma_start3A_995, %dma_start3A_996] : memref<2x1x128xi32, #tpu.memory_space<vmem>> -> memref<1x1x128xi32, #tpu.memory_space<vmem>>
          %dma_start3A_998 = tpu.memref_squeeze %dma_start3A_997 : memref<1x1x128xi32, #tpu.memory_space<vmem>> -> memref<1x128xi32, #tpu.memory_space<vmem>>
          %dma_start3A_999 = arith.constant 0 : i32
          %dma_start3A_1000 = tpu.memref_slice %arg3[%add3A_984, %dma_start3A_999] : memref<2560x128xi32, #tpu.memory_space<hbm>> -> memref<1x128xi32, #tpu.memory_space<hbm>>
          tpu.enqueue_dma source(%dma_start3A_1000 : memref<1x128xi32, #tpu.memory_space<hbm>>) target(%dma_start3A_998 : memref<1x128xi32, #tpu.memory_space<vmem>>) target_semaphore(%dma_start3A_994 : memref<!tpu.dma_semaphore, #tpu.memory_space<semaphore_mem>>)
          %add3A_1001 = arith.addi %mul3A_784, %add3A_983 : i32
          %dma_start3A_1002 = arith.constant 1 : i32
          %dma_start3A_1003 = arith.constant 1 : i32
          %dma_start3A_1004 = arith.constant 0 : i32
          %dma_start3A_1005 = arith.constant 0 : i32
          %dma_start3A_1006 = tpu.memref_slice %arg8[%dma_start3A_1002, %dma_start3A_1004, %dma_start3A_1005] : memref<2x1x128xi32, #tpu.memory_space<vmem>> -> memref<1x1x128xi32, #tpu.memory_space<vmem>>
          %dma_start3A_1007 = tpu.memref_squeeze %dma_start3A_1006 : memref<1x1x128xi32, #tpu.memory_space<vmem>> -> memref<1x128xi32, #tpu.memory_space<vmem>>
          %dma_start3A_1008 = arith.constant 0 : i32
          %dma_start3A_1009 = tpu.memref_slice %arg4[%add3A_1001, %dma_start3A_1008] : memref<2560x128xi32, #tpu.memory_space<hbm>> -> memref<1x128xi32, #tpu.memory_space<hbm>>
          %dma_start3A_1010 = tpu.memref_slice %arg12[%dma_start3A_1003] : memref<2x!tpu.dma_semaphore, #tpu.memory_space<semaphore_mem>> -> memref<1x!tpu.dma_semaphore, #tpu.memory_space<semaphore_mem>>
          %dma_start3A_1011 = tpu.memref_squeeze %dma_start3A_1010 : memref<1x!tpu.dma_semaphore, #tpu.memory_space<semaphore_mem>> -> memref<!tpu.dma_semaphore, #tpu.memory_space<semaphore_mem>>
          %dma_start3A_1012 = arith.constant 0 : i32
          %dma_start3A_1013 = arith.constant 0 : i32
          %dma_start3A_1014 = tpu.memref_slice %arg8[%dma_start3A_1002, %dma_start3A_1012, %dma_start3A_1013] : memref<2x1x128xi32, #tpu.memory_space<vmem>> -> memref<1x1x128xi32, #tpu.memory_space<vmem>>
          %dma_start3A_1015 = tpu.memref_squeeze %dma_start3A_1014 : memref<1x1x128xi32, #tpu.memory_space<vmem>> -> memref<1x128xi32, #tpu.memory_space<vmem>>
          %dma_start3A_1016 = arith.constant 0 : i32
          %dma_start3A_1017 = tpu.memref_slice %arg4[%add3A_1001, %dma_start3A_1016] : memref<2560x128xi32, #tpu.memory_space<hbm>> -> memref<1x128xi32, #tpu.memory_space<hbm>>
          tpu.enqueue_dma source(%dma_start3A_1017 : memref<1x128xi32, #tpu.memory_space<hbm>>) target(%dma_start3A_1015 : memref<1x128xi32, #tpu.memory_space<vmem>>) target_semaphore(%dma_start3A_1011 : memref<!tpu.dma_semaphore, #tpu.memory_space<semaphore_mem>>)
        } else {
        }
      }
      %scan3A_906 = arith.constant 63 : i32
    } else {
    }
    %eq3A_774 = arith.constant 1 : i32
    %eq3A_775 = arith.cmpi eq, %arg0, %eq3A_774 : i32
    %convert_element_type3A_776 = arith.extui %eq3A_775 : i1 to i32
    %cond3A_777 = arith.constant 0 : i32
    %cond3A_778 = arith.cmpi ne, %convert_element_type3A_776, %cond3A_777 : i32
    scf.if %cond3A_778 {
      %mul3A_783 = arith.constant 160 : i32
      %mul3A_784 = arith.muli %arg1, %mul3A_783 : i32
      %add3A = arith.constant 126 : i32
      %add3A_785 = arith.addi %mul3A_784, %add3A : i32
      %add3A_786 = arith.constant 0 : i32
      %add3A_787 = arith.addi %add3A_785, %add3A_786 : i32
      %dma_start3A = arith.constant 0 : i32
      %dma_start3A_788 = arith.constant 0 : i32
      %dma_start3A_789 = arith.constant 0 : i32
      %dma_start3A_790 = arith.constant 0 : i32
      %dma_start3A_791 = tpu.memref_slice %arg7[%dma_start3A, %dma_start3A_789, %dma_start3A_790] : memref<2x1x128xi32, #tpu.memory_space<vmem>> -> memref<1x1x128xi32, #tpu.memory_space<vmem>>
      %dma_start3A_792 = tpu.memref_squeeze %dma_start3A_791 : memref<1x1x128xi32, #tpu.memory_space<vmem>> -> memref<1x128xi32, #tpu.memory_space<vmem>>
      %dma_start3A_793 = arith.constant 0 : i32
      %dma_start3A_794 = tpu.memref_slice %arg3[%add3A_787, %dma_start3A_793] : memref<2560x128xi32, #tpu.memory_space<hbm>> -> memref<1x128xi32, #tpu.memory_space<hbm>>
      %dma_start3A_795 = tpu.memref_slice %arg12[%dma_start3A_788] : memref<2x!tpu.dma_semaphore, #tpu.memory_space<semaphore_mem>> -> memref<1x!tpu.dma_semaphore, #tpu.memory_space<semaphore_mem>>
      %dma_start3A_796 = tpu.memref_squeeze %dma_start3A_795 : memref<1x!tpu.dma_semaphore, #tpu.memory_space<semaphore_mem>> -> memref<!tpu.dma_semaphore, #tpu.memory_space<semaphore_mem>>
      %dma_start3A_797 = arith.constant 0 : i32
      %dma_start3A_798 = arith.constant 0 : i32
      %dma_start3A_799 = tpu.memref_slice %arg7[%dma_start3A, %dma_start3A_797, %dma_start3A_798] : memref<2x1x128xi32, #tpu.memory_space<vmem>> -> memref<1x1x128xi32, #tpu.memory_space<vmem>>
      %dma_start3A_800 = tpu.memref_squeeze %dma_start3A_799 : memref<1x1x128xi32, #tpu.memory_space<vmem>> -> memref<1x128xi32, #tpu.memory_space<vmem>>
      %dma_start3A_801 = arith.constant 0 : i32
      %dma_start3A_802 = tpu.memref_slice %arg3[%add3A_787, %dma_start3A_801] : memref<2560x128xi32, #tpu.memory_space<hbm>> -> memref<1x128xi32, #tpu.memory_space<hbm>>
      tpu.enqueue_dma source(%dma_start3A_802 : memref<1x128xi32, #tpu.memory_space<hbm>>) target(%dma_start3A_800 : memref<1x128xi32, #tpu.memory_space<vmem>>) target_semaphore(%dma_start3A_796 : memref<!tpu.dma_semaphore, #tpu.memory_space<semaphore_mem>>)
      %add3A_803 = arith.constant 0 : i32
      %add3A_804 = arith.addi %add3A_785, %add3A_803 : i32
      %dma_start3A_805 = arith.constant 0 : i32
      %dma_start3A_806 = arith.constant 0 : i32
      %dma_start3A_807 = arith.constant 0 : i32
      %dma_start3A_808 = arith.constant 0 : i32
      %dma_start3A_809 = tpu.memref_slice %arg8[%dma_start3A_805, %dma_start3A_807, %dma_start3A_808] : memref<2x1x128xi32, #tpu.memory_space<vmem>> -> memref<1x1x128xi32, #tpu.memory_space<vmem>>
      %dma_start3A_810 = tpu.memref_squeeze %dma_start3A_809 : memref<1x1x128xi32, #tpu.memory_space<vmem>> -> memref<1x128xi32, #tpu.memory_space<vmem>>
      %dma_start3A_811 = arith.constant 0 : i32
      %dma_start3A_812 = tpu.memref_slice %arg4[%add3A_804, %dma_start3A_811] : memref<2560x128xi32, #tpu.memory_space<hbm>> -> memref<1x128xi32, #tpu.memory_space<hbm>>
      %dma_start3A_813 = tpu.memref_slice %arg12[%dma_start3A_806] : memref<2x!tpu.dma_semaphore, #tpu.memory_space<semaphore_mem>> -> memref<1x!tpu.dma_semaphore, #tpu.memory_space<semaphore_mem>>
      %dma_start3A_814 = tpu.memref_squeeze %dma_start3A_813 : memref<1x!tpu.dma_semaphore, #tpu.memory_space<semaphore_mem>> -> memref<!tpu.dma_semaphore, #tpu.memory_space<semaphore_mem>>
      %dma_start3A_815 = arith.constant 0 : i32
      %dma_start3A_816 = arith.constant 0 : i32
      %dma_start3A_817 = tpu.memref_slice %arg8[%dma_start3A_805, %dma_start3A_815, %dma_start3A_816] : memref<2x1x128xi32, #tpu.memory_space<vmem>> -> memref<1x1x128xi32, #tpu.memory_space<vmem>>
      %dma_start3A_818 = tpu.memref_squeeze %dma_start3A_817 : memref<1x1x128xi32, #tpu.memory_space<vmem>> -> memref<1x128xi32, #tpu.memory_space<vmem>>
      %dma_start3A_819 = arith.constant 0 : i32
      %dma_start3A_820 = tpu.memref_slice %arg4[%add3A_804, %dma_start3A_819] : memref<2560x128xi32, #tpu.memory_space<hbm>> -> memref<1x128xi32, #tpu.memory_space<hbm>>
      tpu.enqueue_dma source(%dma_start3A_820 : memref<1x128xi32, #tpu.memory_space<hbm>>) target(%dma_start3A_818 : memref<1x128xi32, #tpu.memory_space<vmem>>) target_semaphore(%dma_start3A_814 : memref<!tpu.dma_semaphore, #tpu.memory_space<semaphore_mem>>)
      %add3A_821 = arith.constant 1 : i32
      %add3A_822 = arith.addi %add3A_785, %add3A_821 : i32
      %dma_start3A_823 = arith.constant 1 : i32
      %dma_start3A_824 = arith.constant 1 : i32
      %dma_start3A_825 = arith.constant 0 : i32
      %dma_start3A_826 = arith.constant 0 : i32
      %dma_start3A_827 = tpu.memref_slice %arg7[%dma_start3A_823, %dma_start3A_825, %dma_start3A_826] : memref<2x1x128xi32, #tpu.memory_space<vmem>> -> memref<1x1x128xi32, #tpu.memory_space<vmem>>
      %dma_start3A_828 = tpu.memref_squeeze %dma_start3A_827 : memref<1x1x128xi32, #tpu.memory_space<vmem>> -> memref<1x128xi32, #tpu.memory_space<vmem>>
      %dma_start3A_829 = arith.constant 0 : i32
      %dma_start3A_830 = tpu.memref_slice %arg3[%add3A_822, %dma_start3A_829] : memref<2560x128xi32, #tpu.memory_space<hbm>> -> memref<1x128xi32, #tpu.memory_space<hbm>>
      %dma_start3A_831 = tpu.memref_slice %arg12[%dma_start3A_824] : memref<2x!tpu.dma_semaphore, #tpu.memory_space<semaphore_mem>> -> memref<1x!tpu.dma_semaphore, #tpu.memory_space<semaphore_mem>>
      %dma_start3A_832 = tpu.memref_squeeze %dma_start3A_831 : memref<1x!tpu.dma_semaphore, #tpu.memory_space<semaphore_mem>> -> memref<!tpu.dma_semaphore, #tpu.memory_space<semaphore_mem>>
      %dma_start3A_833 = arith.constant 0 : i32
      %dma_start3A_834 = arith.constant 0 : i32
      %dma_start3A_835 = tpu.memref_slice %arg7[%dma_start3A_823, %dma_start3A_833, %dma_start3A_834] : memref<2x1x128xi32, #tpu.memory_space<vmem>> -> memref<1x1x128xi32, #tpu.memory_space<vmem>>
      %dma_start3A_836 = tpu.memref_squeeze %dma_start3A_835 : memref<1x1x128xi32, #tpu.memory_space<vmem>> -> memref<1x128xi32, #tpu.memory_space<vmem>>
      %dma_start3A_837 = arith.constant 0 : i32
      %dma_start3A_838 = tpu.memref_slice %arg3[%add3A_822, %dma_start3A_837] : memref<2560x128xi32, #tpu.memory_space<hbm>> -> memref<1x128xi32, #tpu.memory_space<hbm>>
      tpu.enqueue_dma source(%dma_start3A_838 : memref<1x128xi32, #tpu.memory_space<hbm>>) target(%dma_start3A_836 : memref<1x128xi32, #tpu.memory_space<vmem>>) target_semaphore(%dma_start3A_832 : memref<!tpu.dma_semaphore, #tpu.memory_space<semaphore_mem>>)
      %add3A_839 = arith.constant 1 : i32
      %add3A_840 = arith.addi %add3A_785, %add3A_839 : i32
      %dma_start3A_841 = arith.constant 1 : i32
      %dma_start3A_842 = arith.constant 1 : i32
      %dma_start3A_843 = arith.constant 0 : i32
      %dma_start3A_844 = arith.constant 0 : i32
      %dma_start3A_845 = tpu.memref_slice %arg8[%dma_start3A_841, %dma_start3A_843, %dma_start3A_844] : memref<2x1x128xi32, #tpu.memory_space<vmem>> -> memref<1x1x128xi32, #tpu.memory_space<vmem>>
      %dma_start3A_846 = tpu.memref_squeeze %dma_start3A_845 : memref<1x1x128xi32, #tpu.memory_space<vmem>> -> memref<1x128xi32, #tpu.memory_space<vmem>>
      %dma_start3A_847 = arith.constant 0 : i32
      %dma_start3A_848 = tpu.memref_slice %arg4[%add3A_840, %dma_start3A_847] : memref<2560x128xi32, #tpu.memory_space<hbm>> -> memref<1x128xi32, #tpu.memory_space<hbm>>
      %dma_start3A_849 = tpu.memref_slice %arg12[%dma_start3A_842] : memref<2x!tpu.dma_semaphore, #tpu.memory_space<semaphore_mem>> -> memref<1x!tpu.dma_semaphore, #tpu.memory_space<semaphore_mem>>
      %dma_start3A_850 = tpu.memref_squeeze %dma_start3A_849 : memref<1x!tpu.dma_semaphore, #tpu.memory_space<semaphore_mem>> -> memref<!tpu.dma_semaphore, #tpu.memory_space<semaphore_mem>>
      %dma_start3A_851 = arith.constant 0 : i32
      %dma_start3A_852 = arith.constant 0 : i32
      %dma_start3A_853 = tpu.memref_slice %arg8[%dma_start3A_841, %dma_start3A_851, %dma_start3A_852] : memref<2x1x128xi32, #tpu.memory_space<vmem>> -> memref<1x1x128xi32, #tpu.memory_space<vmem>>
      %dma_start3A_854 = tpu.memref_squeeze %dma_start3A_853 : memref<1x1x128xi32, #tpu.memory_space<vmem>> -> memref<1x128xi32, #tpu.memory_space<vmem>>
      %dma_start3A_855 = arith.constant 0 : i32
      %dma_start3A_856 = tpu.memref_slice %arg4[%add3A_840, %dma_start3A_855] : memref<2560x128xi32, #tpu.memory_space<hbm>> -> memref<1x128xi32, #tpu.memory_space<hbm>>
      tpu.enqueue_dma source(%dma_start3A_856 : memref<1x128xi32, #tpu.memory_space<hbm>>) target(%dma_start3A_854 : memref<1x128xi32, #tpu.memory_space<vmem>>) target_semaphore(%dma_start3A_850 : memref<!tpu.dma_semaphore, #tpu.memory_space<semaphore_mem>>)
      %dma_wait3A = arith.constant 0 : i32
      %dma_wait3A_857 = arith.constant 0 : i32
      %dma_wait3A_858 = arith.constant 0 : i32
      %dma_wait3A_859 = arith.constant 0 : i32
      %dma_wait3A_860 = tpu.memref_slice %arg7[%dma_wait3A, %dma_wait3A_858, %dma_wait3A_859] : memref<2x1x128xi32, #tpu.memory_space<vmem>> -> memref<1x1x128xi32, #tpu.memory_space<vmem>>
      %dma_wait3A_861 = tpu.memref_squeeze %dma_wait3A_860 : memref<1x1x128xi32, #tpu.memory_space<vmem>> -> memref<1x128xi32, #tpu.memory_space<vmem>>
      %dma_wait3A_862 = arith.constant 0 : i32
      %dma_wait3A_863 = tpu.memref_slice %arg3[%add3A_785, %dma_wait3A_862] : memref<2560x128xi32, #tpu.memory_space<hbm>> -> memref<1x128xi32, #tpu.memory_space<hbm>>
      %dma_wait3A_864 = tpu.memref_slice %arg12[%dma_wait3A_857] : memref<2x!tpu.dma_semaphore, #tpu.memory_space<semaphore_mem>> -> memref<1x!tpu.dma_semaphore, #tpu.memory_space<semaphore_mem>>
      %dma_wait3A_865 = tpu.memref_squeeze %dma_wait3A_864 : memref<1x!tpu.dma_semaphore, #tpu.memory_space<semaphore_mem>> -> memref<!tpu.dma_semaphore, #tpu.memory_space<semaphore_mem>>
      %dma_wait3A_866 = arith.constant 0 : i32
      %dma_wait3A_867 = arith.constant 0 : i32
      %dma_wait3A_868 = tpu.memref_slice %arg7[%dma_wait3A, %dma_wait3A_866, %dma_wait3A_867] : memref<2x1x128xi32, #tpu.memory_space<vmem>> -> memref<1x1x128xi32, #tpu.memory_space<vmem>>
      %dma_wait3A_869 = tpu.memref_squeeze %dma_wait3A_868 : memref<1x1x128xi32, #tpu.memory_space<vmem>> -> memref<1x128xi32, #tpu.memory_space<vmem>>
      %dma_wait3A_870 = arith.constant 0 : i32
      %dma_wait3A_871 = tpu.memref_slice %arg3[%add3A_785, %dma_wait3A_870] : memref<2560x128xi32, #tpu.memory_space<hbm>> -> memref<1x128xi32, #tpu.memory_space<hbm>>
      tpu.wait_dma2 semaphore(%dma_wait3A_865 : memref<!tpu.dma_semaphore, #tpu.memory_space<semaphore_mem>>) src(%dma_wait3A_871 : memref<1x128xi32, #tpu.memory_space<hbm>>) dst(%dma_wait3A_869 : memref<1x128xi32, #tpu.memory_space<vmem>>)
      %dma_wait3A_872 = arith.constant 0 : i32
      %dma_wait3A_873 = arith.constant 0 : i32
      %dma_wait3A_874 = arith.constant 0 : i32
      %dma_wait3A_875 = arith.constant 0 : i32
      %dma_wait3A_876 = tpu.memref_slice %arg8[%dma_wait3A_872, %dma_wait3A_874, %dma_wait3A_875] : memref<2x1x128xi32, #tpu.memory_space<vmem>> -> memref<1x1x128xi32, #tpu.memory_space<vmem>>
      %dma_wait3A_877 = tpu.memref_squeeze %dma_wait3A_876 : memref<1x1x128xi32, #tpu.memory_space<vmem>> -> memref<1x128xi32, #tpu.memory_space<vmem>>
      %dma_wait3A_878 = arith.constant 0 : i32
      %dma_wait3A_879 = tpu.memref_slice %arg4[%add3A_785, %dma_wait3A_878] : memref<2560x128xi32, #tpu.memory_space<hbm>> -> memref<1x128xi32, #tpu.memory_space<hbm>>
      %dma_wait3A_880 = tpu.memref_slice %arg12[%dma_wait3A_873] : memref<2x!tpu.dma_semaphore, #tpu.memory_space<semaphore_mem>> -> memref<1x!tpu.dma_semaphore, #tpu.memory_space<semaphore_mem>>
      %dma_wait3A_881 = tpu.memref_squeeze %dma_wait3A_880 : memref<1x!tpu.dma_semaphore, #tpu.memory_space<semaphore_mem>> -> memref<!tpu.dma_semaphore, #tpu.memory_space<semaphore_mem>>
      %dma_wait3A_882 = arith.constant 0 : i32
      %dma_wait3A_883 = arith.constant 0 : i32
      %dma_wait3A_884 = tpu.memref_slice %arg8[%dma_wait3A_872, %dma_wait3A_882, %dma_wait3A_883] : memref<2x1x128xi32, #tpu.memory_space<vmem>> -> memref<1x1x128xi32, #tpu.memory_space<vmem>>
      %dma_wait3A_885 = tpu.memref_squeeze %dma_wait3A_884 : memref<1x1x128xi32, #tpu.memory_space<vmem>> -> memref<1x128xi32, #tpu.memory_space<vmem>>
      %dma_wait3A_886 = arith.constant 0 : i32
      %dma_wait3A_887 = tpu.memref_slice %arg4[%add3A_785, %dma_wait3A_886] : memref<2560x128xi32, #tpu.memory_space<hbm>> -> memref<1x128xi32, #tpu.memory_space<hbm>>
      tpu.wait_dma2 semaphore(%dma_wait3A_881 : memref<!tpu.dma_semaphore, #tpu.memory_space<semaphore_mem>>) src(%dma_wait3A_887 : memref<1x128xi32, #tpu.memory_space<hbm>>) dst(%dma_wait3A_885 : memref<1x128xi32, #tpu.memory_space<vmem>>)
      %dma_start3A_888 = arith.constant 0 : i32
      %dma_start3A_889 = arith.constant 0 : i32
      %dma_start3A_890 = arith.constant 0 : i32
      %dma_start3A_891 = arith.constant 0 : i32
      %dma_start3A_892 = arith.constant 0 : i32
      %dma_start3A_893 = arith.constant 0 : i32
      %dma_start3A_894 = tpu.memref_slice %arg9[%dma_start3A_890, %dma_start3A_892, %dma_start3A_893] : memref<2x128x128xf32, #tpu.memory_space<vmem>> -> memref<1x128x128xf32, #tpu.memory_space<vmem>>
      %dma_start3A_895 = tpu.memref_squeeze %dma_start3A_894 : memref<1x128x128xf32, #tpu.memory_space<vmem>> -> memref<128x128xf32, #tpu.memory_space<vmem>>
      %dma_start3A_896 = arith.constant 0 : i32
      %dma_start3A_897 = tpu.memref_slice %arg7[%dma_start3A_888, %dma_start3A_889, %dma_start3A_896] : memref<2x1x128xi32, #tpu.memory_space<vmem>> -> memref<1x1x128xi32, #tpu.memory_space<vmem>>
      %dma_start3A_898 = tpu.memref_squeeze %dma_start3A_897 : memref<1x1x128xi32, #tpu.memory_space<vmem>> -> memref<128xi32, #tpu.memory_space<vmem>>
      %dma_start3A_899 = arith.constant 0 : i32
      %dma_start3A_900 = arith.constant 0 : i32
      %dma_start3A_901 = tpu.memref_slice %arg2[%dma_start3A_899, %dma_start3A_900] : memref<10000x128xf32, #tpu.memory_space<hbm>> -> memref<10000x128xf32, #tpu.memory_space<hbm>>
      %dma_start3A_902 = tpu.memref_slice %arg11[%dma_start3A_891] : memref<2x!tpu.dma_semaphore, #tpu.memory_space<semaphore_mem>> -> memref<1x!tpu.dma_semaphore, #tpu.memory_space<semaphore_mem>>
      %dma_start3A_903 = tpu.memref_squeeze %dma_start3A_902 : memref<1x!tpu.dma_semaphore, #tpu.memory_space<semaphore_mem>> -> memref<!tpu.dma_semaphore, #tpu.memory_space<semaphore_mem>>
      tpu.enqueue_indirect_dma source(%dma_start3A_901 : memref<10000x128xf32, #tpu.memory_space<hbm>>) target(%dma_start3A_895 : memref<128x128xf32, #tpu.memory_space<vmem>>) offsets(%dma_start3A_898 : memref<128xi32, #tpu.memory_space<vmem>>) semaphore(%dma_start3A_903 : memref<!tpu.dma_semaphore, #tpu.memory_space<semaphore_mem>>)
      %scan3A_904 = arith.constant 0 : i32
      %scan3A_905 = arith.constant 17 : i32
      %scan3A_906 = arith.addi %scan3A_904, %scan3A_905 : i32
      %scan3A_907 = arith.constant 1 : i32
      scf.for %scan3A_909 = %scan3A_904 to %scan3A_906 step %scan3A_907  : i32 {
        %mul3A_910 = arith.constant 1 : i32
        %mul3A_911 = arith.muli %scan3A_909, %mul3A_910 : i32
        %add3A_912 = arith.constant 0 : i32
        %add3A_913 = arith.addi %add3A_912, %mul3A_911 : i32
        %mul3A_914 = arith.constant 2 : i32
        %mul3A_915 = arith.muli %add3A_913, %mul3A_914 : i32
        %add3A_916 = arith.constant 0 : i32
        %add3A_917 = arith.addi %mul3A_915, %add3A_916 : i32
        %add3A_918 = arith.constant 1 : i32
        %add3A_919 = arith.addi %add3A_917, %add3A_918 : i32
        %lt3A = arith.constant 34 : i32
        %lt3A_920 = arith.cmpi slt, %add3A_919, %lt3A : i32
        %convert_element_type3A_921 = arith.extui %lt3A_920 : i1 to i32
        %cond3A_922 = arith.constant 0 : i32
        %cond3A_923 = arith.cmpi ne, %convert_element_type3A_921, %cond3A_922 : i32
        scf.if %cond3A_923 {
          %dma_wait3A_984 = arith.constant 1 : i32
          %dma_wait3A_985 = arith.constant 1 : i32
          %dma_wait3A_986 = arith.constant 0 : i32
          %dma_wait3A_987 = arith.constant 0 : i32
          %dma_wait3A_988 = tpu.memref_slice %arg7[%dma_wait3A_984, %dma_wait3A_986, %dma_wait3A_987] : memref<2x1x128xi32, #tpu.memory_space<vmem>> -> memref<1x1x128xi32, #tpu.memory_space<vmem>>
          %dma_wait3A_989 = tpu.memref_squeeze %dma_wait3A_988 : memref<1x1x128xi32, #tpu.memory_space<vmem>> -> memref<1x128xi32, #tpu.memory_space<vmem>>
          %dma_wait3A_990 = arith.constant 0 : i32
          %dma_wait3A_991 = tpu.memref_slice %arg3[%add3A_785, %dma_wait3A_990] : memref<2560x128xi32, #tpu.memory_space<hbm>> -> memref<1x128xi32, #tpu.memory_space<hbm>>
          %dma_wait3A_992 = tpu.memref_slice %arg12[%dma_wait3A_985] : memref<2x!tpu.dma_semaphore, #tpu.memory_space<semaphore_mem>> -> memref<1x!tpu.dma_semaphore, #tpu.memory_space<semaphore_mem>>
          %dma_wait3A_993 = tpu.memref_squeeze %dma_wait3A_992 : memref<1x!tpu.dma_semaphore, #tpu.memory_space<semaphore_mem>> -> memref<!tpu.dma_semaphore, #tpu.memory_space<semaphore_mem>>
          %dma_wait3A_994 = arith.constant 0 : i32
          %dma_wait3A_995 = arith.constant 0 : i32
          %dma_wait3A_996 = tpu.memref_slice %arg7[%dma_wait3A_984, %dma_wait3A_994, %dma_wait3A_995] : memref<2x1x128xi32, #tpu.memory_space<vmem>> -> memref<1x1x128xi32, #tpu.memory_space<vmem>>
          %dma_wait3A_997 = tpu.memref_squeeze %dma_wait3A_996 : memref<1x1x128xi32, #tpu.memory_space<vmem>> -> memref<1x128xi32, #tpu.memory_space<vmem>>
          %dma_wait3A_998 = arith.constant 0 : i32
          %dma_wait3A_999 = tpu.memref_slice %arg3[%add3A_785, %dma_wait3A_998] : memref<2560x128xi32, #tpu.memory_space<hbm>> -> memref<1x128xi32, #tpu.memory_space<hbm>>
          tpu.wait_dma2 semaphore(%dma_wait3A_993 : memref<!tpu.dma_semaphore, #tpu.memory_space<semaphore_mem>>) src(%dma_wait3A_999 : memref<1x128xi32, #tpu.memory_space<hbm>>) dst(%dma_wait3A_997 : memref<1x128xi32, #tpu.memory_space<vmem>>)
          %dma_wait3A_1000 = arith.constant 1 : i32
          %dma_wait3A_1001 = arith.constant 1 : i32
          %dma_wait3A_1002 = arith.constant 0 : i32
          %dma_wait3A_1003 = arith.constant 0 : i32
          %dma_wait3A_1004 = tpu.memref_slice %arg8[%dma_wait3A_1000, %dma_wait3A_1002, %dma_wait3A_1003] : memref<2x1x128xi32, #tpu.memory_space<vmem>> -> memref<1x1x128xi32, #tpu.memory_space<vmem>>
          %dma_wait3A_1005 = tpu.memref_squeeze %dma_wait3A_1004 : memref<1x1x128xi32, #tpu.memory_space<vmem>> -> memref<1x128xi32, #tpu.memory_space<vmem>>
          %dma_wait3A_1006 = arith.constant 0 : i32
          %dma_wait3A_1007 = tpu.memref_slice %arg4[%add3A_785, %dma_wait3A_1006] : memref<2560x128xi32, #tpu.memory_space<hbm>> -> memref<1x128xi32, #tpu.memory_space<hbm>>
          %dma_wait3A_1008 = tpu.memref_slice %arg12[%dma_wait3A_1001] : memref<2x!tpu.dma_semaphore, #tpu.memory_space<semaphore_mem>> -> memref<1x!tpu.dma_semaphore, #tpu.memory_space<semaphore_mem>>
          %dma_wait3A_1009 = tpu.memref_squeeze %dma_wait3A_1008 : memref<1x!tpu.dma_semaphore, #tpu.memory_space<semaphore_mem>> -> memref<!tpu.dma_semaphore, #tpu.memory_space<semaphore_mem>>
          %dma_wait3A_1010 = arith.constant 0 : i32
          %dma_wait3A_1011 = arith.constant 0 : i32
          %dma_wait3A_1012 = tpu.memref_slice %arg8[%dma_wait3A_1000, %dma_wait3A_1010, %dma_wait3A_1011] : memref<2x1x128xi32, #tpu.memory_space<vmem>> -> memref<1x1x128xi32, #tpu.memory_space<vmem>>
          %dma_wait3A_1013 = tpu.memref_squeeze %dma_wait3A_1012 : memref<1x1x128xi32, #tpu.memory_space<vmem>> -> memref<1x128xi32, #tpu.memory_space<vmem>>
          %dma_wait3A_1014 = arith.constant 0 : i32
          %dma_wait3A_1015 = tpu.memref_slice %arg4[%add3A_785, %dma_wait3A_1014] : memref<2560x128xi32, #tpu.memory_space<hbm>> -> memref<1x128xi32, #tpu.memory_space<hbm>>
          tpu.wait_dma2 semaphore(%dma_wait3A_1009 : memref<!tpu.dma_semaphore, #tpu.memory_space<semaphore_mem>>) src(%dma_wait3A_1015 : memref<1x128xi32, #tpu.memory_space<hbm>>) dst(%dma_wait3A_1013 : memref<1x128xi32, #tpu.memory_space<vmem>>)
          %dma_start3A_1016 = arith.constant 1 : i32
          %dma_start3A_1017 = arith.constant 0 : i32
          %dma_start3A_1018 = arith.constant 1 : i32
          %dma_start3A_1019 = arith.constant 1 : i32
          %dma_start3A_1020 = arith.constant 0 : i32
          %dma_start3A_1021 = arith.constant 0 : i32
          %dma_start3A_1022 = tpu.memref_slice %arg9[%dma_start3A_1018, %dma_start3A_1020, %dma_start3A_1021] : memref<2x128x128xf32, #tpu.memory_space<vmem>> -> memref<1x128x128xf32, #tpu.memory_space<vmem>>
          %dma_start3A_1023 = tpu.memref_squeeze %dma_start3A_1022 : memref<1x128x128xf32, #tpu.memory_space<vmem>> -> memref<128x128xf32, #tpu.memory_space<vmem>>
          %dma_start3A_1024 = arith.constant 0 : i32
          %dma_start3A_1025 = tpu.memref_slice %arg7[%dma_start3A_1016, %dma_start3A_1017, %dma_start3A_1024] : memref<2x1x128xi32, #tpu.memory_space<vmem>> -> memref<1x1x128xi32, #tpu.memory_space<vmem>>
          %dma_start3A_1026 = tpu.memref_squeeze %dma_start3A_1025 : memref<1x1x128xi32, #tpu.memory_space<vmem>> -> memref<128xi32, #tpu.memory_space<vmem>>
          %dma_start3A_1027 = arith.constant 0 : i32
          %dma_start3A_1028 = arith.constant 0 : i32
          %dma_start3A_1029 = tpu.memref_slice %arg2[%dma_start3A_1027, %dma_start3A_1028] : memref<10000x128xf32, #tpu.memory_space<hbm>> -> memref<10000x128xf32, #tpu.memory_space<hbm>>
          %dma_start3A_1030 = tpu.memref_slice %arg11[%dma_start3A_1019] : memref<2x!tpu.dma_semaphore, #tpu.memory_space<semaphore_mem>> -> memref<1x!tpu.dma_semaphore, #tpu.memory_space<semaphore_mem>>
          %dma_start3A_1031 = tpu.memref_squeeze %dma_start3A_1030 : memref<1x!tpu.dma_semaphore, #tpu.memory_space<semaphore_mem>> -> memref<!tpu.dma_semaphore, #tpu.memory_space<semaphore_mem>>
          tpu.enqueue_indirect_dma source(%dma_start3A_1029 : memref<10000x128xf32, #tpu.memory_space<hbm>>) target(%dma_start3A_1023 : memref<128x128xf32, #tpu.memory_space<vmem>>) offsets(%dma_start3A_1026 : memref<128xi32, #tpu.memory_space<vmem>>) semaphore(%dma_start3A_1031 : memref<!tpu.dma_semaphore, #tpu.memory_space<semaphore_mem>>)
        } else {
        }
        %dma_wait3A_924 = arith.constant 0 : i32
        %dma_wait3A_925 = arith.constant 0 : i32
        %dma_wait3A_926 = arith.constant 0 : i32
        %dma_wait3A_927 = arith.constant 0 : i32
        %dma_wait3A_928 = arith.constant 0 : i32
        %dma_wait3A_929 = arith.constant 0 : i32
        %dma_wait3A_930 = tpu.memref_slice %arg9[%dma_wait3A_926, %dma_wait3A_928, %dma_wait3A_929] : memref<2x128x128xf32, #tpu.memory_space<vmem>> -> memref<1x128x128xf32, #tpu.memory_space<vmem>>
        %dma_wait3A_931 = tpu.memref_squeeze %dma_wait3A_930 : memref<1x128x128xf32, #tpu.memory_space<vmem>> -> memref<128x128xf32, #tpu.memory_space<vmem>>
        %dma_wait3A_932 = arith.constant 0 : i32
        %dma_wait3A_933 = tpu.memref_slice %arg7[%dma_wait3A_924, %dma_wait3A_925, %dma_wait3A_932] : memref<2x1x128xi32, #tpu.memory_space<vmem>> -> memref<1x1x128xi32, #tpu.memory_space<vmem>>
        %dma_wait3A_934 = tpu.memref_squeeze %dma_wait3A_933 : memref<1x1x128xi32, #tpu.memory_space<vmem>> -> memref<128xi32, #tpu.memory_space<vmem>>
        %dma_wait3A_935 = arith.constant 0 : i32
        %dma_wait3A_936 = arith.constant 0 : i32
        %dma_wait3A_937 = tpu.memref_slice %arg2[%dma_wait3A_935, %dma_wait3A_936] : memref<10000x128xf32, #tpu.memory_space<hbm>> -> memref<10000x128xf32, #tpu.memory_space<hbm>>
        %dma_wait3A_938 = tpu.memref_slice %arg11[%dma_wait3A_927] : memref<2x!tpu.dma_semaphore, #tpu.memory_space<semaphore_mem>> -> memref<1x!tpu.dma_semaphore, #tpu.memory_space<semaphore_mem>>
        %dma_wait3A_939 = tpu.memref_squeeze %dma_wait3A_938 : memref<1x!tpu.dma_semaphore, #tpu.memory_space<semaphore_mem>> -> memref<!tpu.dma_semaphore, #tpu.memory_space<semaphore_mem>>
        tpu.wait_indirect_dma semaphore(%dma_wait3A_939 : memref<!tpu.dma_semaphore, #tpu.memory_space<semaphore_mem>>) src(%dma_wait3A_937 : memref<10000x128xf32, #tpu.memory_space<hbm>>) dst(%dma_wait3A_931 : memref<128x128xf32, #tpu.memory_space<vmem>>)
        %run_scoped3A = arith.constant 0 : i32
        %run_scoped3A_940 = arith.constant 0 : i32
        %run_scoped3A_941 = arith.constant 0 : i32
        "tpu.region"() ({
          %run_scoped3A_984 = tpu.sem_alloc : memref<!tpu.dma_semaphore, #tpu.memory_space<semaphore_mem>>
          %dma_start3A_985 = arith.constant 0 : i32
          %dma_start3A_986 = arith.constant 0 : i32
          %dma_start3A_987 = tpu.memref_slice %arg9[%run_scoped3A, %dma_start3A_985, %dma_start3A_986] : memref<2x128x128xf32, #tpu.memory_space<vmem>> -> memref<1x128x128xf32, #tpu.memory_space<vmem>>
          %dma_start3A_988 = tpu.memref_squeeze %dma_start3A_987 : memref<1x128x128xf32, #tpu.memory_space<vmem>> -> memref<128x128xf32, #tpu.memory_space<vmem>>
          %dma_start3A_989 = arith.constant 0 : i32
          %dma_start3A_990 = tpu.memref_slice %arg8[%run_scoped3A_940, %run_scoped3A_941, %dma_start3A_989] : memref<2x1x128xi32, #tpu.memory_space<vmem>> -> memref<1x1x128xi32, #tpu.memory_space<vmem>>
          %dma_start3A_991 = tpu.memref_squeeze %dma_start3A_990 : memref<1x1x128xi32, #tpu.memory_space<vmem>> -> memref<128xi32, #tpu.memory_space<vmem>>
          %dma_start3A_992 = arith.constant 0 : i32
          %dma_start3A_993 = arith.constant 0 : i32
          %dma_start3A_994 = tpu.memref_slice %arg6[%dma_start3A_992, %dma_start3A_993] : memref<10240x128xf32, #tpu.memory_space<vmem_shared>> -> memref<10240x128xf32, #tpu.memory_space<vmem_shared>>
          tpu.enqueue_indirect_dma source(%dma_start3A_988 : memref<128x128xf32, #tpu.memory_space<vmem>>) target(%dma_start3A_994 : memref<10240x128xf32, #tpu.memory_space<vmem_shared>>) offsets(%dma_start3A_991 : memref<128xi32, #tpu.memory_space<vmem>>) semaphore(%run_scoped3A_984 : memref<!tpu.dma_semaphore, #tpu.memory_space<semaphore_mem>>) {add = true}
          %dma_wait3A_995 = arith.constant 0 : i32
          %dma_wait3A_996 = arith.constant 0 : i32
          %dma_wait3A_997 = tpu.memref_slice %arg9[%run_scoped3A, %dma_wait3A_995, %dma_wait3A_996] : memref<2x128x128xf32, #tpu.memory_space<vmem>> -> memref<1x128x128xf32, #tpu.memory_space<vmem>>
          %dma_wait3A_998 = tpu.memref_squeeze %dma_wait3A_997 : memref<1x128x128xf32, #tpu.memory_space<vmem>> -> memref<128x128xf32, #tpu.memory_space<vmem>>
          %dma_wait3A_999 = arith.constant 0 : i32
          %dma_wait3A_1000 = tpu.memref_slice %arg8[%run_scoped3A_940, %run_scoped3A_941, %dma_wait3A_999] : memref<2x1x128xi32, #tpu.memory_space<vmem>> -> memref<1x1x128xi32, #tpu.memory_space<vmem>>
          %dma_wait3A_1001 = tpu.memref_squeeze %dma_wait3A_1000 : memref<1x1x128xi32, #tpu.memory_space<vmem>> -> memref<128xi32, #tpu.memory_space<vmem>>
          %dma_wait3A_1002 = arith.constant 0 : i32
          %dma_wait3A_1003 = arith.constant 0 : i32
          %dma_wait3A_1004 = tpu.memref_slice %arg6[%dma_wait3A_1002, %dma_wait3A_1003] : memref<10240x128xf32, #tpu.memory_space<vmem_shared>> -> memref<10240x128xf32, #tpu.memory_space<vmem_shared>>
          tpu.wait_indirect_dma semaphore(%run_scoped3A_984 : memref<!tpu.dma_semaphore, #tpu.memory_space<semaphore_mem>>) src(%dma_wait3A_998 : memref<128x128xf32, #tpu.memory_space<vmem>>) dst(%dma_wait3A_1004 : memref<10240x128xf32, #tpu.memory_space<vmem_shared>>)
          tpu.yield
        }) : () -> ()
        %add3A_942 = arith.constant 2 : i32
        %add3A_943 = arith.addi %add3A_917, %add3A_942 : i32
        %lt3A_944 = arith.constant 34 : i32
        %lt3A_945 = arith.cmpi slt, %add3A_943, %lt3A_944 : i32
        %convert_element_type3A_946 = arith.extui %lt3A_945 : i1 to i32
        %cond3A_947 = arith.constant 0 : i32
        %cond3A_948 = arith.cmpi ne, %convert_element_type3A_946, %cond3A_947 : i32
        scf.if %cond3A_948 {
          %add3A_984 = arith.constant 2 : i32
          %add3A_985 = arith.addi %add3A_917, %add3A_984 : i32
          %add3A_986 = arith.addi %add3A_785, %add3A_985 : i32
          %dma_start3A_987 = arith.constant 0 : i32
          %dma_start3A_988 = arith.constant 0 : i32
          %dma_start3A_989 = arith.constant 0 : i32
          %dma_start3A_990 = arith.constant 0 : i32
          %dma_start3A_991 = tpu.memref_slice %arg7[%dma_start3A_987, %dma_start3A_989, %dma_start3A_990] : memref<2x1x128xi32, #tpu.memory_space<vmem>> -> memref<1x1x128xi32, #tpu.memory_space<vmem>>
          %dma_start3A_992 = tpu.memref_squeeze %dma_start3A_991 : memref<1x1x128xi32, #tpu.memory_space<vmem>> -> memref<1x128xi32, #tpu.memory_space<vmem>>
          %dma_start3A_993 = arith.constant 0 : i32
          %dma_start3A_994 = tpu.memref_slice %arg3[%add3A_986, %dma_start3A_993] : memref<2560x128xi32, #tpu.memory_space<hbm>> -> memref<1x128xi32, #tpu.memory_space<hbm>>
          %dma_start3A_995 = tpu.memref_slice %arg12[%dma_start3A_988] : memref<2x!tpu.dma_semaphore, #tpu.memory_space<semaphore_mem>> -> memref<1x!tpu.dma_semaphore, #tpu.memory_space<semaphore_mem>>
          %dma_start3A_996 = tpu.memref_squeeze %dma_start3A_995 : memref<1x!tpu.dma_semaphore, #tpu.memory_space<semaphore_mem>> -> memref<!tpu.dma_semaphore, #tpu.memory_space<semaphore_mem>>
          %dma_start3A_997 = arith.constant 0 : i32
          %dma_start3A_998 = arith.constant 0 : i32
          %dma_start3A_999 = tpu.memref_slice %arg7[%dma_start3A_987, %dma_start3A_997, %dma_start3A_998] : memref<2x1x128xi32, #tpu.memory_space<vmem>> -> memref<1x1x128xi32, #tpu.memory_space<vmem>>
          %dma_start3A_1000 = tpu.memref_squeeze %dma_start3A_999 : memref<1x1x128xi32, #tpu.memory_space<vmem>> -> memref<1x128xi32, #tpu.memory_space<vmem>>
          %dma_start3A_1001 = arith.constant 0 : i32
          %dma_start3A_1002 = tpu.memref_slice %arg3[%add3A_986, %dma_start3A_1001] : memref<2560x128xi32, #tpu.memory_space<hbm>> -> memref<1x128xi32, #tpu.memory_space<hbm>>
          tpu.enqueue_dma source(%dma_start3A_1002 : memref<1x128xi32, #tpu.memory_space<hbm>>) target(%dma_start3A_1000 : memref<1x128xi32, #tpu.memory_space<vmem>>) target_semaphore(%dma_start3A_996 : memref<!tpu.dma_semaphore, #tpu.memory_space<semaphore_mem>>)
          %add3A_1003 = arith.addi %add3A_785, %add3A_985 : i32
          %dma_start3A_1004 = arith.constant 0 : i32
          %dma_start3A_1005 = arith.constant 0 : i32
          %dma_start3A_1006 = arith.constant 0 : i32
          %dma_start3A_1007 = arith.constant 0 : i32
          %dma_start3A_1008 = tpu.memref_slice %arg8[%dma_start3A_1004, %dma_start3A_1006, %dma_start3A_1007] : memref<2x1x128xi32, #tpu.memory_space<vmem>> -> memref<1x1x128xi32, #tpu.memory_space<vmem>>
          %dma_start3A_1009 = tpu.memref_squeeze %dma_start3A_1008 : memref<1x1x128xi32, #tpu.memory_space<vmem>> -> memref<1x128xi32, #tpu.memory_space<vmem>>
          %dma_start3A_1010 = arith.constant 0 : i32
          %dma_start3A_1011 = tpu.memref_slice %arg4[%add3A_1003, %dma_start3A_1010] : memref<2560x128xi32, #tpu.memory_space<hbm>> -> memref<1x128xi32, #tpu.memory_space<hbm>>
          %dma_start3A_1012 = tpu.memref_slice %arg12[%dma_start3A_1005] : memref<2x!tpu.dma_semaphore, #tpu.memory_space<semaphore_mem>> -> memref<1x!tpu.dma_semaphore, #tpu.memory_space<semaphore_mem>>
          %dma_start3A_1013 = tpu.memref_squeeze %dma_start3A_1012 : memref<1x!tpu.dma_semaphore, #tpu.memory_space<semaphore_mem>> -> memref<!tpu.dma_semaphore, #tpu.memory_space<semaphore_mem>>
          %dma_start3A_1014 = arith.constant 0 : i32
          %dma_start3A_1015 = arith.constant 0 : i32
          %dma_start3A_1016 = tpu.memref_slice %arg8[%dma_start3A_1004, %dma_start3A_1014, %dma_start3A_1015] : memref<2x1x128xi32, #tpu.memory_space<vmem>> -> memref<1x1x128xi32, #tpu.memory_space<vmem>>
          %dma_start3A_1017 = tpu.memref_squeeze %dma_start3A_1016 : memref<1x1x128xi32, #tpu.memory_space<vmem>> -> memref<1x128xi32, #tpu.memory_space<vmem>>
          %dma_start3A_1018 = arith.constant 0 : i32
          %dma_start3A_1019 = tpu.memref_slice %arg4[%add3A_1003, %dma_start3A_1018] : memref<2560x128xi32, #tpu.memory_space<hbm>> -> memref<1x128xi32, #tpu.memory_space<hbm>>
          tpu.enqueue_dma source(%dma_start3A_1019 : memref<1x128xi32, #tpu.memory_space<hbm>>) target(%dma_start3A_1017 : memref<1x128xi32, #tpu.memory_space<vmem>>) target_semaphore(%dma_start3A_1013 : memref<!tpu.dma_semaphore, #tpu.memory_space<semaphore_mem>>)
        } else {
        }
        %add3A_949 = arith.constant 1 : i32
        %add3A_950 = arith.addi %mul3A_915, %add3A_949 : i32
        %add3A_951 = arith.constant 1 : i32
        %add3A_952 = arith.addi %add3A_950, %add3A_951 : i32
        %lt3A_953 = arith.constant 34 : i32
        %lt3A_954 = arith.cmpi slt, %add3A_952, %lt3A_953 : i32
        %convert_element_type3A_955 = arith.extui %lt3A_954 : i1 to i32
        %cond3A_956 = arith.constant 0 : i32
        %cond3A_957 = arith.cmpi ne, %convert_element_type3A_955, %cond3A_956 : i32
        scf.if %cond3A_957 {
          %dma_wait3A_984 = arith.constant 0 : i32
          %dma_wait3A_985 = arith.constant 0 : i32
          %dma_wait3A_986 = arith.constant 0 : i32
          %dma_wait3A_987 = arith.constant 0 : i32
          %dma_wait3A_988 = tpu.memref_slice %arg7[%dma_wait3A_984, %dma_wait3A_986, %dma_wait3A_987] : memref<2x1x128xi32, #tpu.memory_space<vmem>> -> memref<1x1x128xi32, #tpu.memory_space<vmem>>
          %dma_wait3A_989 = tpu.memref_squeeze %dma_wait3A_988 : memref<1x1x128xi32, #tpu.memory_space<vmem>> -> memref<1x128xi32, #tpu.memory_space<vmem>>
          %dma_wait3A_990 = arith.constant 0 : i32
          %dma_wait3A_991 = tpu.memref_slice %arg3[%add3A_785, %dma_wait3A_990] : memref<2560x128xi32, #tpu.memory_space<hbm>> -> memref<1x128xi32, #tpu.memory_space<hbm>>
          %dma_wait3A_992 = tpu.memref_slice %arg12[%dma_wait3A_985] : memref<2x!tpu.dma_semaphore, #tpu.memory_space<semaphore_mem>> -> memref<1x!tpu.dma_semaphore, #tpu.memory_space<semaphore_mem>>
          %dma_wait3A_993 = tpu.memref_squeeze %dma_wait3A_992 : memref<1x!tpu.dma_semaphore, #tpu.memory_space<semaphore_mem>> -> memref<!tpu.dma_semaphore, #tpu.memory_space<semaphore_mem>>
          %dma_wait3A_994 = arith.constant 0 : i32
          %dma_wait3A_995 = arith.constant 0 : i32
          %dma_wait3A_996 = tpu.memref_slice %arg7[%dma_wait3A_984, %dma_wait3A_994, %dma_wait3A_995] : memref<2x1x128xi32, #tpu.memory_space<vmem>> -> memref<1x1x128xi32, #tpu.memory_space<vmem>>
          %dma_wait3A_997 = tpu.memref_squeeze %dma_wait3A_996 : memref<1x1x128xi32, #tpu.memory_space<vmem>> -> memref<1x128xi32, #tpu.memory_space<vmem>>
          %dma_wait3A_998 = arith.constant 0 : i32
          %dma_wait3A_999 = tpu.memref_slice %arg3[%add3A_785, %dma_wait3A_998] : memref<2560x128xi32, #tpu.memory_space<hbm>> -> memref<1x128xi32, #tpu.memory_space<hbm>>
          tpu.wait_dma2 semaphore(%dma_wait3A_993 : memref<!tpu.dma_semaphore, #tpu.memory_space<semaphore_mem>>) src(%dma_wait3A_999 : memref<1x128xi32, #tpu.memory_space<hbm>>) dst(%dma_wait3A_997 : memref<1x128xi32, #tpu.memory_space<vmem>>)
          %dma_wait3A_1000 = arith.constant 0 : i32
          %dma_wait3A_1001 = arith.constant 0 : i32
          %dma_wait3A_1002 = arith.constant 0 : i32
          %dma_wait3A_1003 = arith.constant 0 : i32
          %dma_wait3A_1004 = tpu.memref_slice %arg8[%dma_wait3A_1000, %dma_wait3A_1002, %dma_wait3A_1003] : memref<2x1x128xi32, #tpu.memory_space<vmem>> -> memref<1x1x128xi32, #tpu.memory_space<vmem>>
          %dma_wait3A_1005 = tpu.memref_squeeze %dma_wait3A_1004 : memref<1x1x128xi32, #tpu.memory_space<vmem>> -> memref<1x128xi32, #tpu.memory_space<vmem>>
          %dma_wait3A_1006 = arith.constant 0 : i32
          %dma_wait3A_1007 = tpu.memref_slice %arg4[%add3A_785, %dma_wait3A_1006] : memref<2560x128xi32, #tpu.memory_space<hbm>> -> memref<1x128xi32, #tpu.memory_space<hbm>>
          %dma_wait3A_1008 = tpu.memref_slice %arg12[%dma_wait3A_1001] : memref<2x!tpu.dma_semaphore, #tpu.memory_space<semaphore_mem>> -> memref<1x!tpu.dma_semaphore, #tpu.memory_space<semaphore_mem>>
          %dma_wait3A_1009 = tpu.memref_squeeze %dma_wait3A_1008 : memref<1x!tpu.dma_semaphore, #tpu.memory_space<semaphore_mem>> -> memref<!tpu.dma_semaphore, #tpu.memory_space<semaphore_mem>>
          %dma_wait3A_1010 = arith.constant 0 : i32
          %dma_wait3A_1011 = arith.constant 0 : i32
          %dma_wait3A_1012 = tpu.memref_slice %arg8[%dma_wait3A_1000, %dma_wait3A_1010, %dma_wait3A_1011] : memref<2x1x128xi32, #tpu.memory_space<vmem>> -> memref<1x1x128xi32, #tpu.memory_space<vmem>>
          %dma_wait3A_1013 = tpu.memref_squeeze %dma_wait3A_1012 : memref<1x1x128xi32, #tpu.memory_space<vmem>> -> memref<1x128xi32, #tpu.memory_space<vmem>>
          %dma_wait3A_1014 = arith.constant 0 : i32
          %dma_wait3A_1015 = tpu.memref_slice %arg4[%add3A_785, %dma_wait3A_1014] : memref<2560x128xi32, #tpu.memory_space<hbm>> -> memref<1x128xi32, #tpu.memory_space<hbm>>
          tpu.wait_dma2 semaphore(%dma_wait3A_1009 : memref<!tpu.dma_semaphore, #tpu.memory_space<semaphore_mem>>) src(%dma_wait3A_1015 : memref<1x128xi32, #tpu.memory_space<hbm>>) dst(%dma_wait3A_1013 : memref<1x128xi32, #tpu.memory_space<vmem>>)
          %dma_start3A_1016 = arith.constant 0 : i32
          %dma_start3A_1017 = arith.constant 0 : i32
          %dma_start3A_1018 = arith.constant 0 : i32
          %dma_start3A_1019 = arith.constant 0 : i32
          %dma_start3A_1020 = arith.constant 0 : i32
          %dma_start3A_1021 = arith.constant 0 : i32
          %dma_start3A_1022 = tpu.memref_slice %arg9[%dma_start3A_1018, %dma_start3A_1020, %dma_start3A_1021] : memref<2x128x128xf32, #tpu.memory_space<vmem>> -> memref<1x128x128xf32, #tpu.memory_space<vmem>>
          %dma_start3A_1023 = tpu.memref_squeeze %dma_start3A_1022 : memref<1x128x128xf32, #tpu.memory_space<vmem>> -> memref<128x128xf32, #tpu.memory_space<vmem>>
          %dma_start3A_1024 = arith.constant 0 : i32
          %dma_start3A_1025 = tpu.memref_slice %arg7[%dma_start3A_1016, %dma_start3A_1017, %dma_start3A_1024] : memref<2x1x128xi32, #tpu.memory_space<vmem>> -> memref<1x1x128xi32, #tpu.memory_space<vmem>>
          %dma_start3A_1026 = tpu.memref_squeeze %dma_start3A_1025 : memref<1x1x128xi32, #tpu.memory_space<vmem>> -> memref<128xi32, #tpu.memory_space<vmem>>
          %dma_start3A_1027 = arith.constant 0 : i32
          %dma_start3A_1028 = arith.constant 0 : i32
          %dma_start3A_1029 = tpu.memref_slice %arg2[%dma_start3A_1027, %dma_start3A_1028] : memref<10000x128xf32, #tpu.memory_space<hbm>> -> memref<10000x128xf32, #tpu.memory_space<hbm>>
          %dma_start3A_1030 = tpu.memref_slice %arg11[%dma_start3A_1019] : memref<2x!tpu.dma_semaphore, #tpu.memory_space<semaphore_mem>> -> memref<1x!tpu.dma_semaphore, #tpu.memory_space<semaphore_mem>>
          %dma_start3A_1031 = tpu.memref_squeeze %dma_start3A_1030 : memref<1x!tpu.dma_semaphore, #tpu.memory_space<semaphore_mem>> -> memref<!tpu.dma_semaphore, #tpu.memory_space<semaphore_mem>>
          tpu.enqueue_indirect_dma source(%dma_start3A_1029 : memref<10000x128xf32, #tpu.memory_space<hbm>>) target(%dma_start3A_1023 : memref<128x128xf32, #tpu.memory_space<vmem>>) offsets(%dma_start3A_1026 : memref<128xi32, #tpu.memory_space<vmem>>) semaphore(%dma_start3A_1031 : memref<!tpu.dma_semaphore, #tpu.memory_space<semaphore_mem>>)
        } else {
        }
        %dma_wait3A_958 = arith.constant 1 : i32
        %dma_wait3A_959 = arith.constant 0 : i32
        %dma_wait3A_960 = arith.constant 1 : i32
        %dma_wait3A_961 = arith.constant 1 : i32
        %dma_wait3A_962 = arith.constant 0 : i32
        %dma_wait3A_963 = arith.constant 0 : i32
        %dma_wait3A_964 = tpu.memref_slice %arg9[%dma_wait3A_960, %dma_wait3A_962, %dma_wait3A_963] : memref<2x128x128xf32, #tpu.memory_space<vmem>> -> memref<1x128x128xf32, #tpu.memory_space<vmem>>
        %dma_wait3A_965 = tpu.memref_squeeze %dma_wait3A_964 : memref<1x128x128xf32, #tpu.memory_space<vmem>> -> memref<128x128xf32, #tpu.memory_space<vmem>>
        %dma_wait3A_966 = arith.constant 0 : i32
        %dma_wait3A_967 = tpu.memref_slice %arg7[%dma_wait3A_958, %dma_wait3A_959, %dma_wait3A_966] : memref<2x1x128xi32, #tpu.memory_space<vmem>> -> memref<1x1x128xi32, #tpu.memory_space<vmem>>
        %dma_wait3A_968 = tpu.memref_squeeze %dma_wait3A_967 : memref<1x1x128xi32, #tpu.memory_space<vmem>> -> memref<128xi32, #tpu.memory_space<vmem>>
        %dma_wait3A_969 = arith.constant 0 : i32
        %dma_wait3A_970 = arith.constant 0 : i32
        %dma_wait3A_971 = tpu.memref_slice %arg2[%dma_wait3A_969, %dma_wait3A_970] : memref<10000x128xf32, #tpu.memory_space<hbm>> -> memref<10000x128xf32, #tpu.memory_space<hbm>>
        %dma_wait3A_972 = tpu.memref_slice %arg11[%dma_wait3A_961] : memref<2x!tpu.dma_semaphore, #tpu.memory_space<semaphore_mem>> -> memref<1x!tpu.dma_semaphore, #tpu.memory_space<semaphore_mem>>
        %dma_wait3A_973 = tpu.memref_squeeze %dma_wait3A_972 : memref<1x!tpu.dma_semaphore, #tpu.memory_space<semaphore_mem>> -> memref<!tpu.dma_semaphore, #tpu.memory_space<semaphore_mem>>
        tpu.wait_indirect_dma semaphore(%dma_wait3A_973 : memref<!tpu.dma_semaphore, #tpu.memory_space<semaphore_mem>>) src(%dma_wait3A_971 : memref<10000x128xf32, #tpu.memory_space<hbm>>) dst(%dma_wait3A_965 : memref<128x128xf32, #tpu.memory_space<vmem>>)
        %run_scoped3A_974 = arith.constant 1 : i32
        %run_scoped3A_975 = arith.constant 1 : i32
        %run_scoped3A_976 = arith.constant 0 : i32
        "tpu.region"() ({
          %run_scoped3A_984 = tpu.sem_alloc : memref<!tpu.dma_semaphore, #tpu.memory_space<semaphore_mem>>
          %dma_start3A_985 = arith.constant 0 : i32
          %dma_start3A_986 = arith.constant 0 : i32
          %dma_start3A_987 = tpu.memref_slice %arg9[%run_scoped3A_974, %dma_start3A_985, %dma_start3A_986] : memref<2x128x128xf32, #tpu.memory_space<vmem>> -> memref<1x128x128xf32, #tpu.memory_space<vmem>>
          %dma_start3A_988 = tpu.memref_squeeze %dma_start3A_987 : memref<1x128x128xf32, #tpu.memory_space<vmem>> -> memref<128x128xf32, #tpu.memory_space<vmem>>
          %dma_start3A_989 = arith.constant 0 : i32
          %dma_start3A_990 = tpu.memref_slice %arg8[%run_scoped3A_975, %run_scoped3A_976, %dma_start3A_989] : memref<2x1x128xi32, #tpu.memory_space<vmem>> -> memref<1x1x128xi32, #tpu.memory_space<vmem>>
          %dma_start3A_991 = tpu.memref_squeeze %dma_start3A_990 : memref<1x1x128xi32, #tpu.memory_space<vmem>> -> memref<128xi32, #tpu.memory_space<vmem>>
          %dma_start3A_992 = arith.constant 0 : i32
          %dma_start3A_993 = arith.constant 0 : i32
          %dma_start3A_994 = tpu.memref_slice %arg6[%dma_start3A_992, %dma_start3A_993] : memref<10240x128xf32, #tpu.memory_space<vmem_shared>> -> memref<10240x128xf32, #tpu.memory_space<vmem_shared>>
          tpu.enqueue_indirect_dma source(%dma_start3A_988 : memref<128x128xf32, #tpu.memory_space<vmem>>) target(%dma_start3A_994 : memref<10240x128xf32, #tpu.memory_space<vmem_shared>>) offsets(%dma_start3A_991 : memref<128xi32, #tpu.memory_space<vmem>>) semaphore(%run_scoped3A_984 : memref<!tpu.dma_semaphore, #tpu.memory_space<semaphore_mem>>) {add = true}
          %dma_wait3A_995 = arith.constant 0 : i32
          %dma_wait3A_996 = arith.constant 0 : i32
          %dma_wait3A_997 = tpu.memref_slice %arg9[%run_scoped3A_974, %dma_wait3A_995, %dma_wait3A_996] : memref<2x128x128xf32, #tpu.memory_space<vmem>> -> memref<1x128x128xf32, #tpu.memory_space<vmem>>
          %dma_wait3A_998 = tpu.memref_squeeze %dma_wait3A_997 : memref<1x128x128xf32, #tpu.memory_space<vmem>> -> memref<128x128xf32, #tpu.memory_space<vmem>>
          %dma_wait3A_999 = arith.constant 0 : i32
          %dma_wait3A_1000 = tpu.memref_slice %arg8[%run_scoped3A_975, %run_scoped3A_976, %dma_wait3A_999] : memref<2x1x128xi32, #tpu.memory_space<vmem>> -> memref<1x1x128xi32, #tpu.memory_space<vmem>>
          %dma_wait3A_1001 = tpu.memref_squeeze %dma_wait3A_1000 : memref<1x1x128xi32, #tpu.memory_space<vmem>> -> memref<128xi32, #tpu.memory_space<vmem>>
          %dma_wait3A_1002 = arith.constant 0 : i32
          %dma_wait3A_1003 = arith.constant 0 : i32
          %dma_wait3A_1004 = tpu.memref_slice %arg6[%dma_wait3A_1002, %dma_wait3A_1003] : memref<10240x128xf32, #tpu.memory_space<vmem_shared>> -> memref<10240x128xf32, #tpu.memory_space<vmem_shared>>
          tpu.wait_indirect_dma semaphore(%run_scoped3A_984 : memref<!tpu.dma_semaphore, #tpu.memory_space<semaphore_mem>>) src(%dma_wait3A_998 : memref<128x128xf32, #tpu.memory_space<vmem>>) dst(%dma_wait3A_1004 : memref<10240x128xf32, #tpu.memory_space<vmem_shared>>)
          tpu.yield
        }) : () -> ()
        %add3A_977 = arith.constant 2 : i32
        %add3A_978 = arith.addi %add3A_950, %add3A_977 : i32
        %lt3A_979 = arith.constant 34 : i32
        %lt3A_980 = arith.cmpi slt, %add3A_978, %lt3A_979 : i32
        %convert_element_type3A_981 = arith.extui %lt3A_980 : i1 to i32
        %cond3A_982 = arith.constant 0 : i32
        %cond3A_983 = arith.cmpi ne, %convert_element_type3A_981, %cond3A_982 : i32
        scf.if %cond3A_983 {
          %add3A_984 = arith.constant 2 : i32
          %add3A_985 = arith.addi %add3A_950, %add3A_984 : i32
          %add3A_986 = arith.addi %add3A_785, %add3A_985 : i32
          %dma_start3A_987 = arith.constant 1 : i32
          %dma_start3A_988 = arith.constant 1 : i32
          %dma_start3A_989 = arith.constant 0 : i32
          %dma_start3A_990 = arith.constant 0 : i32
          %dma_start3A_991 = tpu.memref_slice %arg7[%dma_start3A_987, %dma_start3A_989, %dma_start3A_990] : memref<2x1x128xi32, #tpu.memory_space<vmem>> -> memref<1x1x128xi32, #tpu.memory_space<vmem>>
          %dma_start3A_992 = tpu.memref_squeeze %dma_start3A_991 : memref<1x1x128xi32, #tpu.memory_space<vmem>> -> memref<1x128xi32, #tpu.memory_space<vmem>>
          %dma_start3A_993 = arith.constant 0 : i32
          %dma_start3A_994 = tpu.memref_slice %arg3[%add3A_986, %dma_start3A_993] : memref<2560x128xi32, #tpu.memory_space<hbm>> -> memref<1x128xi32, #tpu.memory_space<hbm>>
          %dma_start3A_995 = tpu.memref_slice %arg12[%dma_start3A_988] : memref<2x!tpu.dma_semaphore, #tpu.memory_space<semaphore_mem>> -> memref<1x!tpu.dma_semaphore, #tpu.memory_space<semaphore_mem>>
          %dma_start3A_996 = tpu.memref_squeeze %dma_start3A_995 : memref<1x!tpu.dma_semaphore, #tpu.memory_space<semaphore_mem>> -> memref<!tpu.dma_semaphore, #tpu.memory_space<semaphore_mem>>
          %dma_start3A_997 = arith.constant 0 : i32
          %dma_start3A_998 = arith.constant 0 : i32
          %dma_start3A_999 = tpu.memref_slice %arg7[%dma_start3A_987, %dma_start3A_997, %dma_start3A_998] : memref<2x1x128xi32, #tpu.memory_space<vmem>> -> memref<1x1x128xi32, #tpu.memory_space<vmem>>
          %dma_start3A_1000 = tpu.memref_squeeze %dma_start3A_999 : memref<1x1x128xi32, #tpu.memory_space<vmem>> -> memref<1x128xi32, #tpu.memory_space<vmem>>
          %dma_start3A_1001 = arith.constant 0 : i32
          %dma_start3A_1002 = tpu.memref_slice %arg3[%add3A_986, %dma_start3A_1001] : memref<2560x128xi32, #tpu.memory_space<hbm>> -> memref<1x128xi32, #tpu.memory_space<hbm>>
          tpu.enqueue_dma source(%dma_start3A_1002 : memref<1x128xi32, #tpu.memory_space<hbm>>) target(%dma_start3A_1000 : memref<1x128xi32, #tpu.memory_space<vmem>>) target_semaphore(%dma_start3A_996 : memref<!tpu.dma_semaphore, #tpu.memory_space<semaphore_mem>>)
          %add3A_1003 = arith.addi %add3A_785, %add3A_985 : i32
          %dma_start3A_1004 = arith.constant 1 : i32
          %dma_start3A_1005 = arith.constant 1 : i32
          %dma_start3A_1006 = arith.constant 0 : i32
          %dma_start3A_1007 = arith.constant 0 : i32
          %dma_start3A_1008 = tpu.memref_slice %arg8[%dma_start3A_1004, %dma_start3A_1006, %dma_start3A_1007] : memref<2x1x128xi32, #tpu.memory_space<vmem>> -> memref<1x1x128xi32, #tpu.memory_space<vmem>>
          %dma_start3A_1009 = tpu.memref_squeeze %dma_start3A_1008 : memref<1x1x128xi32, #tpu.memory_space<vmem>> -> memref<1x128xi32, #tpu.memory_space<vmem>>
          %dma_start3A_1010 = arith.constant 0 : i32
          %dma_start3A_1011 = tpu.memref_slice %arg4[%add3A_1003, %dma_start3A_1010] : memref<2560x128xi32, #tpu.memory_space<hbm>> -> memref<1x128xi32, #tpu.memory_space<hbm>>
          %dma_start3A_1012 = tpu.memref_slice %arg12[%dma_start3A_1005] : memref<2x!tpu.dma_semaphore, #tpu.memory_space<semaphore_mem>> -> memref<1x!tpu.dma_semaphore, #tpu.memory_space<semaphore_mem>>
          %dma_start3A_1013 = tpu.memref_squeeze %dma_start3A_1012 : memref<1x!tpu.dma_semaphore, #tpu.memory_space<semaphore_mem>> -> memref<!tpu.dma_semaphore, #tpu.memory_space<semaphore_mem>>
          %dma_start3A_1014 = arith.constant 0 : i32
          %dma_start3A_1015 = arith.constant 0 : i32
          %dma_start3A_1016 = tpu.memref_slice %arg8[%dma_start3A_1004, %dma_start3A_1014, %dma_start3A_1015] : memref<2x1x128xi32, #tpu.memory_space<vmem>> -> memref<1x1x128xi32, #tpu.memory_space<vmem>>
          %dma_start3A_1017 = tpu.memref_squeeze %dma_start3A_1016 : memref<1x1x128xi32, #tpu.memory_space<vmem>> -> memref<1x128xi32, #tpu.memory_space<vmem>>
          %dma_start3A_1018 = arith.constant 0 : i32
          %dma_start3A_1019 = tpu.memref_slice %arg4[%add3A_1003, %dma_start3A_1018] : memref<2560x128xi32, #tpu.memory_space<hbm>> -> memref<1x128xi32, #tpu.memory_space<hbm>>
          tpu.enqueue_dma source(%dma_start3A_1019 : memref<1x128xi32, #tpu.memory_space<hbm>>) target(%dma_start3A_1017 : memref<1x128xi32, #tpu.memory_space<vmem>>) target_semaphore(%dma_start3A_1013 : memref<!tpu.dma_semaphore, #tpu.memory_space<semaphore_mem>>)
        } else {
        }
      }
      %scan3A_908 = arith.constant 17 : i32
    } else {
    }
    %barrier3A_779 = arith.constant 0 : index
    tpu.barrier barrier_id(%barrier3A_779)
    %mul3A = arith.constant 640 : i32
    %mul3A_780 = arith.muli %arg1, %mul3A : i32
    %mul3A_781 = arith.constant 640 : i32
    %mul3A_782 = arith.muli %arg1, %mul3A_781 : i32
    "tpu.region"() ({
      %run_scoped3A = tpu.sem_alloc : memref<!tpu.dma_semaphore, #tpu.memory_space<semaphore_mem>>
      %dma_start3A = arith.constant 0 : i32
      %dma_start3A_783 = tpu.memref_slice %arg5[%arg0, %mul3A_782, %dma_start3A] : memref<2x10240x128xf32, #tpu.memory_space<hbm>> -> memref<1x640x128xf32, #tpu.memory_space<hbm>>
      %dma_start3A_784 = tpu.memref_squeeze %dma_start3A_783 : memref<1x640x128xf32, #tpu.memory_space<hbm>> -> memref<640x128xf32, #tpu.memory_space<hbm>>
      %dma_start3A_785 = arith.constant 0 : i32
      %dma_start3A_786 = tpu.memref_slice %arg6[%mul3A_780, %dma_start3A_785] : memref<10240x128xf32, #tpu.memory_space<vmem_shared>> -> memref<640x128xf32, #tpu.memory_space<vmem_shared>>
      tpu.enqueue_dma source(%dma_start3A_786 : memref<640x128xf32, #tpu.memory_space<vmem_shared>>) target(%dma_start3A_784 : memref<640x128xf32, #tpu.memory_space<hbm>>) target_semaphore(%run_scoped3A : memref<!tpu.dma_semaphore, #tpu.memory_space<semaphore_mem>>)
      %dma_wait3A = arith.constant 0 : i32
      %dma_wait3A_787 = tpu.memref_slice %arg5[%arg0, %mul3A_782, %dma_wait3A] : memref<2x10240x128xf32, #tpu.memory_space<hbm>> -> memref<1x640x128xf32, #tpu.memory_space<hbm>>
      %dma_wait3A_788 = tpu.memref_squeeze %dma_wait3A_787 : memref<1x640x128xf32, #tpu.memory_space<hbm>> -> memref<640x128xf32, #tpu.memory_space<hbm>>
      %dma_wait3A_789 = arith.constant 0 : i32
      %dma_wait3A_790 = tpu.memref_slice %arg6[%mul3A_780, %dma_wait3A_789] : memref<10240x128xf32, #tpu.memory_space<vmem_shared>> -> memref<640x128xf32, #tpu.memory_space<vmem_shared>>
      tpu.wait_dma2 semaphore(%run_scoped3A : memref<!tpu.dma_semaphore, #tpu.memory_space<semaphore_mem>>) src(%dma_wait3A_790 : memref<640x128xf32, #tpu.memory_space<vmem_shared>>) dst(%dma_wait3A_788 : memref<640x128xf32, #tpu.memory_space<hbm>>)
      tpu.yield
    }) : () -> ()
    return
  }
}

module attributes {stable_mosaic.version = 14 : i64} {
  func.func @_tc1_body(%arg0: memref<10000x128xf32, #tpu.memory_space<vmem>>, %arg1: memref<128xf32, #tpu.memory_space<vmem>>, %arg2: memref<128xf32, #tpu.memory_space<vmem>>, %arg3: memref<128x128xf32, #tpu.memory_space<vmem>>, %arg4: memref<32x10240xf32, #tpu.memory_space<vmem>>, %arg5: memref<10000x128xf32, #tpu.memory_space<vmem>>, %arg6: memref<10000x1xf32, #tpu.memory_space<vmem>>) attributes {dimension_semantics = [], scalar_prefetch = 0 : i64, scratch_operands = 0 : i64, tpu.core_type = #tpu.core_type<tc>} {
    %get3A = arith.constant 0 : index
    %get3A_0 = arith.constant 0 : index
    %get3A_1 = vector.load %arg0[%get3A, %get3A_0] : memref<10000x128xf32, #tpu.memory_space<vmem>>, vector<10000x128xf32>
    %reduce_sum3A = arith.constant dense<0.000000e+00> : vector<128xf32>
    %reduce_sum3A_2 = vector.multi_reduction <add>, %get3A_1, %reduce_sum3A [0] : vector<10000x128xf32> to vector<128xf32>
    %div3A = arith.constant 1.000000e+04 : f32
    %div3A_3 = vector.broadcast %div3A : f32 to vector<128xf32>
    %div3A_4 = arith.divf %reduce_sum3A_2, %div3A_3 : vector<128xf32>
    %broadcast_in_dim3A = vector.shape_cast %div3A_4 : vector<128xf32> to vector<1x128xf32>
    %sub3A = vector.broadcast %broadcast_in_dim3A : vector<1x128xf32> to vector<10000x128xf32>
    %sub3A_5 = arith.subf %get3A_1, %sub3A : vector<10000x128xf32>
    %square3A = arith.mulf %sub3A_5, %sub3A_5 : vector<10000x128xf32>
    %reduce_sum3A_6 = arith.constant dense<0.000000e+00> : vector<128xf32>
    %reduce_sum3A_7 = vector.multi_reduction <add>, %square3A, %reduce_sum3A_6 [0] : vector<10000x128xf32> to vector<128xf32>
    %div3A_8 = arith.constant 1.000000e+04 : f32
    %div3A_9 = vector.broadcast %div3A_8 : f32 to vector<128xf32>
    %div3A_10 = arith.divf %reduce_sum3A_7, %div3A_9 : vector<128xf32>
    %broadcast_in_dim3A_11 = vector.shape_cast %div3A_4 : vector<128xf32> to vector<1x128xf32>
    %sub3A_12 = vector.broadcast %broadcast_in_dim3A_11 : vector<1x128xf32> to vector<10000x128xf32>
    %sub3A_13 = arith.subf %get3A_1, %sub3A_12 : vector<10000x128xf32>
    %add3A = arith.constant 9.99999974E-6 : f32
    %add3A_14 = vector.broadcast %add3A : f32 to vector<128xf32>
    %add3A_15 = arith.addf %div3A_10, %add3A_14 : vector<128xf32>
    %rsqrt3A = math.rsqrt %add3A_15 : vector<128xf32>
    %broadcast_in_dim3A_16 = vector.shape_cast %rsqrt3A : vector<128xf32> to vector<1x128xf32>
    %mul3A = vector.broadcast %broadcast_in_dim3A_16 : vector<1x128xf32> to vector<10000x128xf32>
    %mul3A_17 = arith.mulf %sub3A_13, %mul3A : vector<10000x128xf32>
    %get3A_18 = arith.constant 0 : index
    %get3A_19 = vector.load %arg1[%get3A_18] : memref<128xf32, #tpu.memory_space<vmem>>, vector<128xf32>
    %broadcast_in_dim3A_20 = vector.shape_cast %get3A_19 : vector<128xf32> to vector<1x128xf32>
    %mul3A_21 = vector.broadcast %broadcast_in_dim3A_20 : vector<1x128xf32> to vector<10000x128xf32>
    %mul3A_22 = arith.mulf %mul3A_17, %mul3A_21 : vector<10000x128xf32>
    %get3A_23 = arith.constant 0 : index
    %get3A_24 = vector.load %arg2[%get3A_23] : memref<128xf32, #tpu.memory_space<vmem>>, vector<128xf32>
    %broadcast_in_dim3A_25 = vector.shape_cast %get3A_24 : vector<128xf32> to vector<1x128xf32>
    %add3A_26 = vector.broadcast %broadcast_in_dim3A_25 : vector<1x128xf32> to vector<10000x128xf32>
    %add3A_27 = arith.addf %mul3A_22, %add3A_26 : vector<10000x128xf32>
    %get3A_28 = arith.constant 0 : index
    %get3A_29 = arith.constant 0 : index
    %get3A_30 = vector.load %arg4[%get3A_28, %get3A_29] : memref<32x10240xf32, #tpu.memory_space<vmem>>, vector<32x10240xf32>
    %slice3A = vector.extract_strided_slice %get3A_30 {offsets = [0, 0], sizes = [32, 10000], strides = [1, 1]} : vector<32x10240xf32> to vector<32x10000xf32>
    %reduce_sum3A_31 = arith.constant dense<0.000000e+00> : vector<10000xf32>
    %reduce_sum3A_32 = vector.multi_reduction <add>, %slice3A, %reduce_sum3A_31 [0] : vector<32x10000xf32> to vector<10000xf32>
    %add3A_33 = arith.constant 1.000000e+00 : f32
    %add3A_34 = vector.broadcast %add3A_33 : f32 to vector<10000xf32>
    %add3A_35 = arith.addf %add3A_34, %reduce_sum3A_32 : vector<10000xf32>
    %rsqrt3A_36 = math.rsqrt %add3A_35 : vector<10000xf32>
    %broadcast_in_dim3A_37 = vector.shape_cast %rsqrt3A_36 : vector<10000xf32> to vector<10000x1xf32>
    %get3A_38 = arith.constant 0 : index
    %get3A_39 = arith.constant 0 : index
    %get3A_40 = vector.load %arg3[%get3A_38, %get3A_39] : memref<128x128xf32, #tpu.memory_space<vmem>>, vector<128x128xf32>
    %dot_general3A = arith.constant dense<0.000000e+00> : vector<10000x128xf32>
    %dot_general3A_41 = tpu.matmul %add3A_27, %get3A_40, %dot_general3A {dimension_numbers = #tpu.dot_dimension_numbers<[1], [0], [0], [1], [0, 0, 1, 1], [], []>, transpose_lhs_hint = false} : vector<10000x128xf32>, vector<128x128xf32>, vector<10000x128xf32> -> vector<10000x128xf32>
    %mul3A_42 = vector.broadcast %broadcast_in_dim3A_37 : vector<10000x1xf32> to vector<10000x128xf32>
    %mul3A_43 = arith.mulf %dot_general3A_41, %mul3A_42 : vector<10000x128xf32>
    %swap3A = arith.constant 0 : index
    %swap3A_44 = arith.constant 0 : index
    %swap3A_45 = vector.load %arg5[%swap3A, %swap3A_44] : memref<10000x128xf32, #tpu.memory_space<vmem>>, vector<10000x128xf32>
    tpu.vector_store %arg5[%swap3A, %swap3A_44], %mul3A_43 {strides = array<i32>} : memref<10000x128xf32, #tpu.memory_space<vmem>>, vector<10000x128xf32>,
    %swap3A_46 = arith.constant 0 : index
    %swap3A_47 = arith.constant 0 : index
    %swap3A_48 = vector.load %arg6[%swap3A_46, %swap3A_47] : memref<10000x1xf32, #tpu.memory_space<vmem>>, vector<10000x1xf32>
    tpu.vector_store %arg6[%swap3A_46, %swap3A_47], %broadcast_in_dim3A_37 {strides = array<i32>} : memref<10000x1xf32, #tpu.memory_space<vmem>>, vector<10000x1xf32>,
    return
  }
}

module attributes {stable_mosaic.version = 14 : i64} {
  func.func @_tc2_body(%arg0: memref<10000x128xf32, #tpu.memory_space<vmem>>, %arg1: memref<10000x128xf32, #tpu.memory_space<vmem>>, %arg2: memref<10000x128xf32, #tpu.memory_space<vmem>>, %arg3: memref<10000x1xf32, #tpu.memory_space<vmem>>, %arg4: memref<128xf32, #tpu.memory_space<vmem>>, %arg5: memref<128xf32, #tpu.memory_space<vmem>>, %arg6: memref<128xf32, #tpu.memory_space<vmem>>, %arg7: memref<128x128xf32, #tpu.memory_space<vmem>>, %arg8: memref<10000x128xf32, #tpu.memory_space<vmem>>) attributes {dimension_semantics = [], scalar_prefetch = 0 : i64, scratch_operands = 0 : i64, tpu.core_type = #tpu.core_type<tc>} {
    %get3A = arith.constant 0 : index
    %get3A_0 = arith.constant 0 : index
    %get3A_1 = vector.load %arg3[%get3A, %get3A_0] : memref<10000x1xf32, #tpu.memory_space<vmem>>, vector<10000x1xf32>
    %get3A_2 = arith.constant 0 : index
    %get3A_3 = arith.constant 0 : index
    %get3A_4 = vector.load %arg0[%get3A_2, %get3A_3] : memref<10000x128xf32, #tpu.memory_space<vmem>>, vector<10000x128xf32>
    %get3A_5 = arith.constant 0 : index
    %get3A_6 = arith.constant 0 : index
    %get3A_7 = vector.load %arg1[%get3A_5, %get3A_6] : memref<10000x128xf32, #tpu.memory_space<vmem>>, vector<10000x128xf32>
    %add3A = arith.addf %get3A_4, %get3A_7 : vector<10000x128xf32>
    %get3A_8 = arith.constant 0 : index
    %get3A_9 = arith.constant 0 : index
    %get3A_10 = vector.load %arg2[%get3A_8, %get3A_9] : memref<10000x128xf32, #tpu.memory_space<vmem>>, vector<10000x128xf32>
    %add3A_11 = arith.addf %add3A, %get3A_10 : vector<10000x128xf32>
    %mul3A = vector.broadcast %get3A_1 : vector<10000x1xf32> to vector<10000x128xf32>
    %mul3A_12 = arith.mulf %add3A_11, %mul3A : vector<10000x128xf32>
    %get3A_13 = arith.constant 0 : index
    %get3A_14 = vector.load %arg4[%get3A_13] : memref<128xf32, #tpu.memory_space<vmem>>, vector<128xf32>
    %broadcast_in_dim3A = vector.shape_cast %get3A_14 : vector<128xf32> to vector<1x128xf32>
    %add3A_15 = vector.broadcast %broadcast_in_dim3A : vector<1x128xf32> to vector<10000x128xf32>
    %add3A_16 = arith.addf %mul3A_12, %add3A_15 : vector<10000x128xf32>
    %reduce_sum3A = arith.constant dense<0.000000e+00> : vector<128xf32>
    %reduce_sum3A_17 = vector.multi_reduction <add>, %add3A_16, %reduce_sum3A [0] : vector<10000x128xf32> to vector<128xf32>
    %div3A = arith.constant 1.000000e+04 : f32
    %div3A_18 = vector.broadcast %div3A : f32 to vector<128xf32>
    %div3A_19 = arith.divf %reduce_sum3A_17, %div3A_18 : vector<128xf32>
    %broadcast_in_dim3A_20 = vector.shape_cast %div3A_19 : vector<128xf32> to vector<1x128xf32>
    %sub3A = vector.broadcast %broadcast_in_dim3A_20 : vector<1x128xf32> to vector<10000x128xf32>
    %sub3A_21 = arith.subf %add3A_16, %sub3A : vector<10000x128xf32>
    %square3A = arith.mulf %sub3A_21, %sub3A_21 : vector<10000x128xf32>
    %reduce_sum3A_22 = arith.constant dense<0.000000e+00> : vector<128xf32>
    %reduce_sum3A_23 = vector.multi_reduction <add>, %square3A, %reduce_sum3A_22 [0] : vector<10000x128xf32> to vector<128xf32>
    %div3A_24 = arith.constant 1.000000e+04 : f32
    %div3A_25 = vector.broadcast %div3A_24 : f32 to vector<128xf32>
    %div3A_26 = arith.divf %reduce_sum3A_23, %div3A_25 : vector<128xf32>
    %broadcast_in_dim3A_27 = vector.shape_cast %div3A_19 : vector<128xf32> to vector<1x128xf32>
    %sub3A_28 = vector.broadcast %broadcast_in_dim3A_27 : vector<1x128xf32> to vector<10000x128xf32>
    %sub3A_29 = arith.subf %add3A_16, %sub3A_28 : vector<10000x128xf32>
    %add3A_30 = arith.constant 9.99999974E-6 : f32
    %add3A_31 = vector.broadcast %add3A_30 : f32 to vector<128xf32>
    %add3A_32 = arith.addf %div3A_26, %add3A_31 : vector<128xf32>
    %rsqrt3A = math.rsqrt %add3A_32 : vector<128xf32>
    %broadcast_in_dim3A_33 = vector.shape_cast %rsqrt3A : vector<128xf32> to vector<1x128xf32>
    %mul3A_34 = vector.broadcast %broadcast_in_dim3A_33 : vector<1x128xf32> to vector<10000x128xf32>
    %mul3A_35 = arith.mulf %sub3A_29, %mul3A_34 : vector<10000x128xf32>
    %get3A_36 = arith.constant 0 : index
    %get3A_37 = vector.load %arg5[%get3A_36] : memref<128xf32, #tpu.memory_space<vmem>>, vector<128xf32>
    %broadcast_in_dim3A_38 = vector.shape_cast %get3A_37 : vector<128xf32> to vector<1x128xf32>
    %mul3A_39 = vector.broadcast %broadcast_in_dim3A_38 : vector<1x128xf32> to vector<10000x128xf32>
    %mul3A_40 = arith.mulf %mul3A_35, %mul3A_39 : vector<10000x128xf32>
    %get3A_41 = arith.constant 0 : index
    %get3A_42 = vector.load %arg6[%get3A_41] : memref<128xf32, #tpu.memory_space<vmem>>, vector<128xf32>
    %broadcast_in_dim3A_43 = vector.shape_cast %get3A_42 : vector<128xf32> to vector<1x128xf32>
    %add3A_44 = vector.broadcast %broadcast_in_dim3A_43 : vector<1x128xf32> to vector<10000x128xf32>
    %add3A_45 = arith.addf %mul3A_40, %add3A_44 : vector<10000x128xf32>
    %get3A_46 = arith.constant 0 : index
    %get3A_47 = arith.constant 0 : index
    %get3A_48 = vector.load %arg7[%get3A_46, %get3A_47] : memref<128x128xf32, #tpu.memory_space<vmem>>, vector<128x128xf32>
    %dot_general3A = arith.constant dense<0.000000e+00> : vector<10000x128xf32>
    %dot_general3A_49 = tpu.matmul %add3A_45, %get3A_48, %dot_general3A {dimension_numbers = #tpu.dot_dimension_numbers<[1], [0], [0], [1], [0, 0, 1, 1], [], []>, transpose_lhs_hint = false} : vector<10000x128xf32>, vector<128x128xf32>, vector<10000x128xf32> -> vector<10000x128xf32>
    %mul3A_50 = vector.broadcast %get3A_1 : vector<10000x1xf32> to vector<10000x128xf32>
    %mul3A_51 = arith.mulf %dot_general3A_49, %mul3A_50 : vector<10000x128xf32>
    %swap3A = arith.constant 0 : index
    %swap3A_52 = arith.constant 0 : index
    %swap3A_53 = vector.load %arg8[%swap3A, %swap3A_52] : memref<10000x128xf32, #tpu.memory_space<vmem>>, vector<10000x128xf32>
    tpu.vector_store %arg8[%swap3A, %swap3A_52], %mul3A_51 {strides = array<i32>} : memref<10000x128xf32, #tpu.memory_space<vmem>>, vector<10000x128xf32>,
    return
  }
}

module attributes {stable_mosaic.version = 14 : i64} {
  func.func @_tc3_body(%arg0: memref<10000x128xf32, #tpu.memory_space<vmem>>, %arg1: memref<10000x128xf32, #tpu.memory_space<vmem>>, %arg2: memref<10000x128xf32, #tpu.memory_space<vmem>>, %arg3: memref<10000x1xf32, #tpu.memory_space<vmem>>, %arg4: memref<128xf32, #tpu.memory_space<vmem>>, %arg5: memref<10000x128xf32, #tpu.memory_space<vmem>>) attributes {dimension_semantics = [], scalar_prefetch = 0 : i64, scratch_operands = 0 : i64, tpu.core_type = #tpu.core_type<tc>} {
    %get3A = arith.constant 0 : index
    %get3A_0 = arith.constant 0 : index
    %get3A_1 = vector.load %arg0[%get3A, %get3A_0] : memref<10000x128xf32, #tpu.memory_space<vmem>>, vector<10000x128xf32>
    %get3A_2 = arith.constant 0 : index
    %get3A_3 = arith.constant 0 : index
    %get3A_4 = vector.load %arg1[%get3A_2, %get3A_3] : memref<10000x128xf32, #tpu.memory_space<vmem>>, vector<10000x128xf32>
    %add3A = arith.addf %get3A_1, %get3A_4 : vector<10000x128xf32>
    %get3A_5 = arith.constant 0 : index
    %get3A_6 = arith.constant 0 : index
    %get3A_7 = vector.load %arg2[%get3A_5, %get3A_6] : memref<10000x128xf32, #tpu.memory_space<vmem>>, vector<10000x128xf32>
    %add3A_8 = arith.addf %add3A, %get3A_7 : vector<10000x128xf32>
    %get3A_9 = arith.constant 0 : index
    %get3A_10 = arith.constant 0 : index
    %get3A_11 = vector.load %arg3[%get3A_9, %get3A_10] : memref<10000x1xf32, #tpu.memory_space<vmem>>, vector<10000x1xf32>
    %mul3A = vector.broadcast %get3A_11 : vector<10000x1xf32> to vector<10000x128xf32>
    %mul3A_12 = arith.mulf %add3A_8, %mul3A : vector<10000x128xf32>
    %get3A_13 = arith.constant 0 : index
    %get3A_14 = vector.load %arg4[%get3A_13] : memref<128xf32, #tpu.memory_space<vmem>>, vector<128xf32>
    %broadcast_in_dim3A = vector.shape_cast %get3A_14 : vector<128xf32> to vector<1x128xf32>
    %add3A_15 = vector.broadcast %broadcast_in_dim3A : vector<1x128xf32> to vector<10000x128xf32>
    %add3A_16 = arith.addf %mul3A_12, %add3A_15 : vector<10000x128xf32>
    %max3A = arith.constant 0.000000e+00 : f32
    %max3A_17 = vector.broadcast %max3A : f32 to vector<10000x128xf32>
    %max3A_18 = arith.maximumf %add3A_16, %max3A_17 : vector<10000x128xf32>
    %swap3A = arith.constant 0 : index
    %swap3A_19 = arith.constant 0 : index
    %swap3A_20 = vector.load %arg5[%swap3A, %swap3A_19] : memref<10000x128xf32, #tpu.memory_space<vmem>>, vector<10000x128xf32>
    tpu.vector_store %arg5[%swap3A, %swap3A_19], %max3A_18 {strides = array<i32>} : memref<10000x128xf32, #tpu.memory_space<vmem>>, vector<10000x128xf32>,
    return
  }
}

</mosaic_0001>

<sc_bundles>
// kernel: kernel.11.cloned.1.call-start
scs
__scs_entry_jumppad:
0x0: {  	(pc) =	sbr.rel $0x88, $3  }
0x1: {  	(tag) =	ssettag $0x0;
	lr =	simm.s32 $0x1  }
0x2: {  	[smem:$0x3F97] =	sst lr;
	_ =	strace $0xD0000000  }
0x3: {  	_ = 	snop  }
0x4: {  	_ = 	snop  }
0x5: {  	_ = 	snop  }
0x6: {  	_ = 	snop  }
0x7: {  	_ = 	snop  }
__scs_overlays_trampoline_lowered:
0x8: {  	[smem:$0x3FA6] =	sst s0  }
0x9: {  	[smem:$0x3FA7] =	sst s1  }
0xa: {  	[smem:$0x3FA8] =	sst s2  }
0xb: {  	[smem:$0x3FA9] =	sst s3  }
0xc: {  	[smem:$0x3FAA] =	sst s4  }
0xd: {  	[smem:$0x3FAB] =	sst s5  }
0xe: {  	[smem:$0x3FAC] =	sst s6  }
0xf: {  	[smem:$0x3FAD] =	sst s7  }
0x10: {  	[smem:$0x3FAE] =	sst s8  }
0x11: {  	[smem:$0x3FAF] =	sst s9;
	s0 =	simm.s32 @!p0 $0x0  }
0x12: {  	s1 =	sld [smem:$0x3F95];
	s0 =	simm.s32 @p0 $0x1  }
0x13: {  	[smem:$0x3FB0] =	sst s0;
	s0 =	simm.s32 @!p1 $0x0  }
0x14: {  	s2 =	sld [smem:$0x3F94];
	s0 =	simm.s32 @p1 $0x1  }
0x15: {  	[smem:$0x3FB1] =	sst s0;
	s0 =	simm.s32 @!p2 $0x0  }
0x16: {  	s3 =	sld [smem:$0x3FDB];
	s0 =	simm.s32 @p2 $0x1  }
0x17: {  	s4 =	simm.s32 $0x1BF5;
	[smem:$0x3FB3] =	sst s0  }
0x18: {  	s0 =	sld [smem:$0x3F96];
	_ =	swait.ge [sflag:s4], $0x0  }
0x19: {  	s7 =	sld [smem:$0x3F97]  }
0x1a: {  	s8 =	sadd.s32 $0xFFFFE003, lr  }
0x1b: {  	s9 =	sadd.s32 $0xFFFFFEF7, lr;
	s5 =	simm.s32 $0xFFFFFFFF;
	p2 =	slt.u32 s8, $0xFFFFF086  }
0x1c: {  	p1 =	slt.u32 s9, $0xF7A;
	s5 =	simm.s32 @!p2 $0x0  }
0x1d: {  	s5 =	simm.s32 @p1 $0x1;
	p0 =	seq.s32 s7, s2  }
0x1e: {  	s7 =	smul.u32 @!p0 $0xF7A, s2;
	p2 =	seq.s32 @!p0 s5, $0x0  }
0x1f: {  	s9 =	smul.u32 $0xF7A, s1;
	s8 =	simm.s32 @!p0 $0x1BF5;
	p2 =	por !p2, p0  }
0x20: {  	[sflag:s8] =	ssyncset.s32 @!p0 $0xFFFFF086;
	s6 =	sadd.s32 @!p0 s3, s7;
	s7 =	simm.s32 @!p0 $0x108  }
0x21: {  	s3 =	sadd.s32 s3, s9;
	s6 =	sadd.s32 @!p0 $0x88, s6;
	s7 =	simm.s32 @p2 $0x1082  }
0x22: {  	[simem:s7], [sflag:s8] =	dma.local @!p0 [hbm:s6], $0xF7A  }
0x23: {  	s9 =	sor.u32 $0xD0000000, s2;
	s6 =	simm.s32 $0x108;
	_ =	swait.ge @!p0 [sflag:s8], $0x0  }
0x24: {  	s3 =	sadd.s32 $0x88, s3;
	s6 =	simm.s32 @!p1 $0x1082;
	[sflag:s4] =	ssyncset.s32 $0xFFFFF086  }
0x25: {  	[simem:s6], [sflag:s4] =	dma.local [hbm:s3], $0xF7A  }
0x26: {  	[smem:$0x3F97] =	sst s1;
	(tag) =	ssettag s2;
	_ =	strace s9  }
0x27: {  	s1 =	sld [smem:$0x3FA7]  }
0x28: {  	s2 =	sld [smem:$0x3FA8]  }
0x29: {  	s4 =	sld [smem:$0x3FAA]  }
0x2a: {  	p0 =	seq.s32 s5, $0x0;
	s5 =	sld [smem:$0x3FAB]  }
0x2b: {  	s6 =	sld [smem:$0x3FAC]  }
0x2c: {  	s7 =	sld [smem:$0x3FAD]  }
0x2d: {  	s3 =	simm.s32 $0x108;
	s8 =	sld [smem:$0x3FAE]  }
0x2e: {  	s3 =	simm.s32 @!p0 $0x1082;
	s9 =	sld [smem:$0x3FAF]  }
0x2f: {  	lr =	sadd.s32 s0, s3;
	s0 =	sld [smem:$0x3FA6]  }
0x30: {  	s3 =	sld [smem:$0x3FA9]  }
0x31: {  	[smem:$0x3FB2] =	sst s10  }
0x32: {  	s10 =	sld [smem:$0x3FB0];
	_ =	sdelay $0x3  }
0x33: {  	p0 =	seq.s32 s10, $0x1;
	s10 =	sld [smem:$0x3FB2];
	_ =	sdelay $0x3  }
0x34: {  	[smem:$0x3FB2] =	sst s10  }
0x35: {  	s10 =	sld [smem:$0x3FB1];
	_ =	sdelay $0x3  }
0x36: {  	p1 =	seq.s32 s10, $0x1;
	s10 =	sld [smem:$0x3FB2];
	_ =	sdelay $0x3  }
0x37: {  	[smem:$0x3FB2] =	sst s10  }
0x38: {  	s10 =	sld [smem:$0x3FB3]  }
0x39: {  	_ = 	snop;
	(pc) =	sbr.ind lr, $3  }
0x3a: {  	_ = 	snop  }
0x3b: {  	_ = 	snop  }
0x3c: {  	p2 =	seq.s32 s10, $0x1;
	s10 =	sld [smem:$0x3FB2]  }
0x3d: {  	_ =	shalt  }
0x3e: {  	_ =	shalt  }
0x3f: {  	_ =	shalt  }
0x40: {  	_ =	shalt  }
0x41: {  	_ =	shalt  }
0x42: {  	_ =	shalt  }
0x43: {  	_ =	shalt  }
0x44: {  	_ =	shalt  }
0x45: {  	_ =	shalt  }
0x46: {  	_ =	shalt  }
0x47: {  	_ =	shalt  }
0x48: {  	_ =	shalt  }
0x49: {  	_ =	shalt  }
0x4a: {  	_ =	shalt  }
0x4b: {  	_ =	shalt  }
0x4c: {  	_ =	shalt  }
0x4d: {  	_ =	shalt  }
0x4e: {  	_ =	shalt  }
0x4f: {  	_ =	shalt  }
0x50: {  	_ =	shalt  }
0x51: {  	_ =	shalt  }
0x52: {  	_ =	shalt  }
0x53: {  	_ =	shalt  }
0x54: {  	_ =	shalt  }
0x55: {  	_ =	shalt  }
0x56: {  	_ =	shalt  }
0x57: {  	_ =	shalt  }
0x58: {  	_ =	shalt  }
0x59: {  	_ =	shalt  }
0x5a: {  	_ =	shalt  }
0x5b: {  	_ =	shalt  }
0x5c: {  	_ =	shalt  }
0x5d: {  	_ =	shalt  }
0x5e: {  	_ =	shalt  }
0x5f: {  	_ =	shalt  }
0x60: {  	_ =	shalt  }
0x61: {  	_ =	shalt  }
0x62: {  	_ =	shalt  }
0x63: {  	_ =	shalt  }
0x64: {  	_ =	shalt  }
0x65: {  	_ =	shalt  }
0x66: {  	_ =	shalt  }
0x67: {  	_ =	shalt  }
0x68: {  	_ =	shalt  }
0x69: {  	_ =	shalt  }
0x6a: {  	_ =	shalt  }
0x6b: {  	_ =	shalt  }
0x6c: {  	_ =	shalt  }
0x6d: {  	_ =	shalt  }
0x6e: {  	_ =	shalt  }
0x6f: {  	_ =	shalt  }
0x70: {  	_ =	shalt  }
0x71: {  	_ =	shalt  }
0x72: {  	_ =	shalt  }
0x73: {  	_ =	shalt  }
0x74: {  	_ =	shalt  }
0x75: {  	_ =	shalt  }
0x76: {  	_ =	shalt  }
0x77: {  	_ =	shalt  }
0x78: {  	_ =	shalt  }
0x79: {  	_ =	shalt  }
0x7a: {  	_ =	shalt  }
0x7b: {  	_ =	shalt  }
0x7c: {  	_ =	shalt  }
0x7d: {  	_ =	shalt  }
0x7e: {  	_ =	shalt  }
0x7f: {  	_ =	shalt  }
0x80: {  	_ =	shalt  }
0x81: {  	_ =	shalt  }
0x82: {  	_ =	shalt  }
0x83: {  	_ =	shalt  }
0x84: {  	_ =	shalt  }
0x85: {  	_ =	shalt  }
0x86: {  	_ =	shalt  }
0x87: {  	_ =	shalt  }
.Lfunc_end0:
.L_simem_size_0:
called_computation.1_lowered:
.L_overlay_start_0:
0x88: {  	s2 =	sld [smem:$0x3FD9]  }
0x89: {  	s3 =	sld [smem:$0x3FFE];
	_ =	sdelay $0x1  }
0x8a: {  	s1 =	srdreg.scid  }
0x8b: {  	s0 =	sand.u32 $0x1, s1  }
0x8c: {  	s17 =	sshll.u32 s0, $0xA;
	s2 =	sadd.s32 s3, s2  }
0x8d: {  	s2 =	sadd.s32 s2, s17  }
0x8e: {  	[smem:$0x3FBE] =	sst s2  }
0x8f: {  	_ = 	snop  }
0x90: {  	s2 =	sld [smem:$0x3FD0];
	(tm) =	ssettm $0x1  }
0x91: {  	s18 =	sld [smem:$0x3FFB];
	_ =	sdelay $0x3  }
0x92: {  	_ =	strace s18  }
0x93: {  	s3 =	sld [smem:$0x3FFC];
	_ =	sdelay $0x3  }
0x94: {  	_ =	strace s3  }
0x95: {  	s3 =	sld [smem:$0x3FFD];
	_ =	sdelay $0x3  }
0x96: {  	_ =	strace s3  }
0x97: {  	_ =	strace $0x8FFFFFFF  }
0x98: {  	s19 =	sld [smem:$0x3FDB];
	_ =	sdelay $0x1  }
0x99: {  	s4 =	simm.s32 $_scs_section_size  }
0x9a: {  	s5 =	simm.s32 $_size__tile_overlayer_lowered;
	s6 =	simm.s32 $_tile_overlayer_lowered  }
0x9b: {  	s22 =	simm.s32 $0x1BFF;
	s21 =	sshll.u32 s6, $0x1;
	s3 =	sadd.s32 s4, s19  }
0x9c: {  	s7 =	simm.s32 $0x0;
	s20 =	sshll.u32 s5, $0x1;
	s5 =	sadd.s32 s21, s3  }
0x9d: {  	[timem:s7], [sflag:s22] =	dma.local [hbm:s5], s20  }
0x9e: {  	_ =	swait.ge [sflag:s22], s20  }
0x9f: {  	s4 =	ssub.s32 $0x0, s20;
	[sflag:s22] =	ssyncset.done $0x0  }
0xa0: {  	[sflag:s22] =	ssyncadd.s32 s4;
	_ =	sdelay $0x1  }
0xa1: {  	s23 =	simm.s32 $0x1B8B  }
0xa2: {  	_ =	swait.ge [sflag:s23], $0x1  }
0xa3: {  	[sflag:s23] =	ssyncset.done $0x0  }
0xa4: {  	s25 =	simm.s32 $0x1B8E;
	s24 =	sld [smem:$0x3FFE];
	[sflag:s23] =	ssyncadd.s32 $0xFFFFFFFF  }
0xa5: {  	s26 =	simm.s32 $execute0_lowered;
	[smem:$0x3FD2] =	sst s25  }
0xa6: {  	s5 =	sshll.u32 s26, $0x1;
	_ =	strace $0x80000049;
	[dreg:$0x1] =	wrdreg $0xFFFFFFFF  }
0xa7: {  	s28 =	simm.s32 $_size_execute0_lowered;
	s3 =	sadd.s32 s3, s5;
	[dreg:$0x0] =	wrdreg $0x0  }
0xa8: {  	s5 =	sshll.u32 s28, $0x1;
	[dreg:$0x2] =	wrdreg s3  }
0xa9: {  	[dreg:$0x3] =	wrdreg s5  }
0xaa: {  	[dreg:$0x4] =	wrdreg $0xC0  }
0xab: {  	_ =	task [dreg:s7], $0x5FFFF  }
0xac: {  	[dreg:$0x1] =	wrdreg $0xFFFFFFFF  }
0xad: {  	[dreg:$0x0] =	wrdreg $0x60  }
0xae: {  	[dreg:$0x2] =	wrdreg s2  }
0xaf: {  	[dreg:$0x3] =	wrdreg s24  }
0xb0: {  	[dreg:$0x4] =	wrdreg $0x0  }
0xb1: {  	[dreg:$0x5] =	wrdreg $0x9  }
0xb2: {  	_ =	task.clear_ibuf [dreg:s7], $0x6FFFF;
	_ =	strace $0x90000049  }
0xb3: {  	s29 =	simm.s32 $0x9;
	_ =	strace $0x8000004B  }
0xb4: {  	_ =	swait.ge [sflag:s29], $0x1  }
0xb5: {  	[sflag:s29] =	ssyncadd.s32 $0xFFFFFFFF  }
0xb6: {  	_ =	strace $0x9000004B  }
0xb7: {  	_ =	sfence  }
0xb8: {  	s30 =	sld [smem:$0x0];
	_ =	sdelay $0x2  }
0xb9: {  	s31 =	sshll.u32 s1, $0xD;
	s1 =	sshrl.u32 s1, $0x2  }
0xba: {  	s3 =	sand.u32 $0x4000, s31;
	s1 =	sadd.s32 s1, s30  }
0xbb: {  	s0 =	sor.u32 s3, s0;
	s1 =	sshll.u32 s1, $0x11  }
0xbc: {  	s0 =	sor.u32 s1, s0  }
0xbd: {  	s0 =	sadd.s32 $0x8F2B, s0  }
0xbe: {  	[sflag:s0] =	ssyncadd.remote.s32 $0x1  }
0xbf: {  	_ =	sfence.sel $0xFFFF  }
0xc0: {  	[dreg:$0x0] =	wrdreg $0xFFFFFFFF;
	(pc) =	sbr.abs _section_cstart, $3  }
0xc1: {  	[dreg:$0x1] =	wrdreg $0xFFFFFFFF  }
0xc2: {  	_ =	task.clear_ibuf [dreg:s7], $0x2FFFF;
	_ =	strace $0x9FFFFFFF  }
0xc3: {  	(tm) =	ssettm $0x7FFFFFFF  }
tec
execute0_lowered:
.L_overlay_start_1:
0x0: {  	(tag) =	ssettag $0x1  }
0x1: {  	s1 =	rddreg [dreg:$0x0]  }
0x2: {  	s0 =	rddreg [dreg:$0x1]  }
0x3: {  	s2 =	rddreg [dreg:$0x2]  }
0x4: {  	s3 =	srdreg.scid;
	s4 =	simm.s32 $0x0;
	s15 =	stileid.u32  }
0x5: {  	s19 =	simm.s32 $0x1C200;
	s20 =	simm.s32 $0x5;
	s21 =	simm.s32 $0x14000  }
0x6: {  	s22 =	simm.s32 $0x14100;
	s28 =	simm.s32 $0x14200;
	s7 =	smul.u32 $0x14000, s15  }
0x7: {  	s29 =	simm.s32 $0x4;
	s30 =	simm.s32 $0x18200;
	s8 =	smul.u32 $0x50000, s15  }
0x8: {  	s31 =	simm.s32 $0x1;
	s3 =	sand.u32 $0x1, s3;
	s12 =	smul.u32 $0x5000, s15  }
0x9: {  	[smem:$0x7FF] =	sst s4;
	s5 =	sadd.s32 $0x17E00, s0;
	s6 =	smul.u32 $0x140000, s3  }
0xa: {  	_ =	strace $0x8000004A;
	s10 =	ssub.s32 $0x2, s3;
	p0 =	seq.s32 s3, $0x1  }
0xb: {  	s11 =	sshrl.u32 s10, $0x1;
	s8 =	sshrl.u32 s8, $0x2;
	s12 =	sshrl.u32 s12, $0x3  }
0xc: {  	s7 =	sadd.s32 s7, s6;
	s6 =	sadd.s32 $0x3E00, s0;
	s11 =	ssub.s32 s10, s11  }
0xd: {  	s8 =	sadd.s32 s8, s2;
	s26 =	sadd.s32 $0x7F0, s12;
	s9 =	sshrl.u32 s7, $0x3  }
0xe: {  	s7 =	smul.u32 $0xA00, s15;
	s12 =	sadd.s32 s5, s26;
	s18 =	smax.u32 s11, $0x1  }
0xf: {  	s11 =	simm.s32 $0x0;
	s0 =	sadd.s32 s9, s0;
	[dreg:$0x8] =	wrdreg s12  }
0x10: {  	s23 =	sor.u32 $0x10, s7;
	s9 =	sadd.s32 s5, s7;
	s10 =	sadd.s32 s6, s7  }
0x11: {  	s24 =	sadd.s32 $0x7E0, s7;
	s17 =	sadd.s32 $0x49000, s0;
	s13 =	sadd.s32 s5, s23  }
.Ltmp0:
0x12: {  	s3 =	sadd.s32 s6, s23;
	[dreg:$0x4] =	wrdreg s13;
	(pc) =	sbr.rel .LBB2_1-.Ltmp0, $4  }
0x13: {  	s0 =	simm.s32 $0x2;
	s25 =	sadd.s32 s5, s24;
	[dreg:$0x5] =	wrdreg s3  }
0x14: {  	s23 =	simm.s32 $0x14080;
	[dreg:$0x6] =	wrdreg s25;
	s3 =	sadd.s32 s6, s24  }
0x15: {  	s24 =	simm.s32 $0x14180;
	[dreg:$0x7] =	wrdreg s3;
	s3 =	sadd.s32 s6, s26  }
0x16: {  	v0 =	vimm.f32 $0.0e+00;
	s25 =	simm.s32 $0x3;
	s26 =	simm.s32 $0x80;
	[dreg:$0x9] =	wrdreg s3  }
.LBB2_6:
0x17: {  	s3 =	sor.u32 s3, s16  }
0x18: {  	[sflag:s20] =	ssyncadd.s32 $0xFFFFC000;
	s13 =	sadd.s32 s5, s3  }
0x19: {  	[tilespmem:s21], [sflag:$0x3] =	stream.linear.gather [hbm4b:s13+s4], $0x80, $0x38;
	[tilespmem:$0x1CA00] =	vst v63  }
0x1a: {  	s3 =	sadd.s32 s6, s3  }
0x1b: {  	[tilespmem:s22], [sflag:$0x3] =	stream.linear.gather [hbm4b:s3+s4], $0x80, $0x38;
	[tilespmem:$0x1CA00] =	vst v63  }
0x1c: {  	_ =	swait.ge [sflag:s25], $0x80  }
0x1d: {  	[sflag:s25] =	ssyncset.done $0x0  }
0x1e: {  	[sflag:s25] =	ssyncadd.s32 $0xFFFFFF80  }
0x1f: {  	_ =	swait.ge [sflag:s25], $0x80  }
0x20: {  	[sflag:s25] =	ssyncset.done $0x0  }
0x21: {  	[sflag:s25] =	ssyncadd.s32 $0xFFFFFF80  }
0x22: {  	[tilespmem:s28], [sflag:$0x1] =	stream.indirect.gather [hbm4b:s1+s26], $0x80, s21, s26, $0xb8;
	[tilespmem:$0x1CA00] =	vst v63  }
0x23: {  	_ =	swait.ge [sflag:s0], $0x4000  }
0x24: {  	[sflag:s0] =	ssyncset.done $0x0  }
0x25: {  	s15 =	sadd.s32 $0x7F0, s12;
	[sflag:s0] =	ssyncadd.s32 $0xFFFFC000  }
0x26: {  	[spmem:s2] =	stream.indirect.scatter.add.f32 [tilespmem:s30], [sflag:$0x5], $0x80, s24, s26, $0xb8;
	[tilespmem:$0x1CA00] =	vst v63  }
0x27: {  	s16 =	sand.u32 $0x1FF80, s14;
	s3 =	sand.u32 $0x70, s15;
	_ =	swait.ge [sflag:s20], $0x4000  }
0x28: {  	s3 =	sor.u32 s3, s16;
	[sflag:s20] =	ssyncset.done $0x0  }
0x29: {  	s12 =	sadd.s32 s5, s3;
	[sflag:s20] =	ssyncadd.s32 $0xFFFFC000  }
0x2a: {  	[tilespmem:s23], [sflag:$0x4] =	stream.linear.gather [hbm4b:s12+s4], $0x80, $0x38;
	[tilespmem:$0x1CA00] =	vst v63  }
0x2b: {  	s3 =	sadd.s32 s6, s3  }
0x2c: {  	[tilespmem:s24], [sflag:$0x4] =	stream.linear.gather [hbm4b:s3+s4], $0x80, $0x38;
	[tilespmem:$0x1CA00] =	vst v63  }
0x2d: {  	_ =	swait.ge [sflag:s29], $0x80  }
0x2e: {  	[sflag:s29] =	ssyncset.done $0x0  }
0x2f: {  	[sflag:s29] =	ssyncadd.s32 $0xFFFFFF80  }
0x30: {  	_ =	swait.ge [sflag:s29], $0x80  }
0x31: {  	[sflag:s29] =	ssyncset.done $0x0  }
0x32: {  	[sflag:s29] =	ssyncadd.s32 $0xFFFFFF80  }
0x33: {  	[tilespmem:s30], [sflag:$0x2] =	stream.indirect.gather [hbm4b:s1+s26], $0x80, s23, s26, $0xb8;
	[tilespmem:$0x1CA00] =	vst v63  }
0x34: {  	_ =	swait.ge [sflag:s31], $0x4000  }
0x35: {  	[sflag:s31] =	ssyncset.done $0x0  }
0x36: {  	[sflag:s31] =	ssyncadd.s32 $0xFFFFC000  }
0x37: {  	[spmem:s2] =	stream.indirect.scatter.add.f32 [tilespmem:s28], [sflag:$0x5], $0x80, s22, s26, $0xb8;
	[tilespmem:$0x1CA00] =	vst v63  }
0x38: {  	_ =	swait.ge [sflag:s20], $0x4000  }
0x39: {  	[sflag:s20] =	ssyncset.done $0x0  }
0x3a: {  	s15 =	stileid.u32;
	[sflag:s20] =	ssyncadd.s32 $0xFFFFC000  }
.LBB2_10:
0x3b: {  	_ =	swait.ge [sflag:s0], $0x4000  }
0x3c: {  	[sflag:s0] =	ssyncset.done $0x0  }
0x3d: {  	[sflag:s0] =	ssyncadd.s32 $0xFFFFC000  }
0x3e: {  	[spmem:s2] =	stream.indirect.scatter.add.f32 [tilespmem:s30], [sflag:$0x5], $0x80, s24, s26, $0xb8;
	[tilespmem:$0x1CA00] =	vst v63  }
0x3f: {  	_ =	swait.ge [sflag:s20], $0x4000  }
0x40: {  	s3 =	sshll.u32 s15, $0x6;
	s11 =	sadd.s32 $0x1, s11;
	[sflag:s20] =	ssyncset.done $0x0  }
0x41: {  	s12 =	sshrl.u32 s8, $0x3;
	p1 =	sne.s32 s11, s18;
	[sflag:s20] =	ssyncadd.s32 $0xFFFFC000  }
.Ltmp1:
0x42: {  	s3 =	sor.u32 $0x1C05, s3;
	[bflag:$0x0] =	sbarrier.arrive $0xFFFF;
	(pc) =	sbr.rel @!p1 .LBB2_11-.Ltmp1, $4  }
0x43: {  	[hbm:s17], [sflag:s3] =	dma.local [spmem:s12], $0x2800  }
0x44: {  	_ =	swait.ge [sflag:s20], $0x2800  }
0x45: {  	[sflag:s20] =	ssyncset.done $0x0  }
0x46: {  	[sflag:s20] =	ssyncadd.s32 $0xFFFFD800  }
.LBB2_1:
0x47: {  	[tilespmem:$0x1C200] =	vst v0  }
0x48: {  	[tilespmem:$0x1C210] =	vst v0  }
0x49: {  	[tilespmem:$0x1C220] =	vst v0  }
0x4a: {  	[tilespmem:$0x1C230] =	vst v0  }
0x4b: {  	[tilespmem:$0x1C240] =	vst v0  }
0x4c: {  	[tilespmem:$0x1C250] =	vst v0  }
0x4d: {  	[tilespmem:$0x1C260] =	vst v0  }
0x4e: {  	[tilespmem:$0x1C270] =	vst v0  }
0x4f: {  	[tilespmem:$0x1C280] =	vst v0  }
0x50: {  	[tilespmem:$0x1C290] =	vst v0  }
0x51: {  	[tilespmem:$0x1C2A0] =	vst v0  }
0x52: {  	[tilespmem:$0x1C2B0] =	vst v0  }
0x53: {  	[tilespmem:$0x1C2C0] =	vst v0  }
0x54: {  	[tilespmem:$0x1C2D0] =	vst v0  }
0x55: {  	[tilespmem:$0x1C2E0] =	vst v0  }
0x56: {  	[tilespmem:$0x1C2F0] =	vst v0  }
0x57: {  	[tilespmem:$0x1C300] =	vst v0  }
0x58: {  	[tilespmem:$0x1C310] =	vst v0  }
0x59: {  	[tilespmem:$0x1C320] =	vst v0  }
0x5a: {  	[tilespmem:$0x1C330] =	vst v0  }
0x5b: {  	[tilespmem:$0x1C340] =	vst v0  }
0x5c: {  	[tilespmem:$0x1C350] =	vst v0  }
0x5d: {  	[tilespmem:$0x1C360] =	vst v0  }
0x5e: {  	[tilespmem:$0x1C370] =	vst v0  }
0x5f: {  	[tilespmem:$0x1C380] =	vst v0  }
0x60: {  	[tilespmem:$0x1C390] =	vst v0  }
0x61: {  	[tilespmem:$0x1C3A0] =	vst v0  }
0x62: {  	[tilespmem:$0x1C3B0] =	vst v0  }
0x63: {  	[tilespmem:$0x1C3C0] =	vst v0  }
0x64: {  	[tilespmem:$0x1C3D0] =	vst v0  }
0x65: {  	[tilespmem:$0x1C3E0] =	vst v0  }
0x66: {  	[tilespmem:$0x1C3F0] =	vst v0  }
0x67: {  	[tilespmem:$0x1C400] =	vst v0  }
0x68: {  	[tilespmem:$0x1C410] =	vst v0  }
0x69: {  	[tilespmem:$0x1C420] =	vst v0  }
0x6a: {  	[tilespmem:$0x1C430] =	vst v0  }
0x6b: {  	[tilespmem:$0x1C440] =	vst v0  }
0x6c: {  	[tilespmem:$0x1C450] =	vst v0  }
0x6d: {  	[tilespmem:$0x1C460] =	vst v0  }
0x6e: {  	[tilespmem:$0x1C470] =	vst v0  }
0x6f: {  	[tilespmem:$0x1C480] =	vst v0  }
0x70: {  	[tilespmem:$0x1C490] =	vst v0  }
0x71: {  	[tilespmem:$0x1C4A0] =	vst v0  }
0x72: {  	[tilespmem:$0x1C4B0] =	vst v0  }
0x73: {  	[tilespmem:$0x1C4C0] =	vst v0  }
0x74: {  	[tilespmem:$0x1C4D0] =	vst v0  }
0x75: {  	[tilespmem:$0x1C4E0] =	vst v0  }
0x76: {  	[tilespmem:$0x1C4F0] =	vst v0  }
0x77: {  	[tilespmem:$0x1C500] =	vst v0  }
0x78: {  	[tilespmem:$0x1C510] =	vst v0  }
0x79: {  	[tilespmem:$0x1C520] =	vst v0  }
0x7a: {  	[tilespmem:$0x1C530] =	vst v0  }
0x7b: {  	[tilespmem:$0x1C540] =	vst v0  }
0x7c: {  	[tilespmem:$0x1C550] =	vst v0  }
0x7d: {  	[tilespmem:$0x1C560] =	vst v0  }
0x7e: {  	[tilespmem:$0x1C570] =	vst v0  }
0x7f: {  	[tilespmem:$0x1C580] =	vst v0  }
0x80: {  	[tilespmem:$0x1C590] =	vst v0  }
0x81: {  	[tilespmem:$0x1C5A0] =	vst v0  }
0x82: {  	[tilespmem:$0x1C5B0] =	vst v0  }
0x83: {  	[tilespmem:$0x1C5C0] =	vst v0  }
0x84: {  	[tilespmem:$0x1C5D0] =	vst v0  }
0x85: {  	[tilespmem:$0x1C5E0] =	vst v0  }
0x86: {  	[tilespmem:$0x1C5F0] =	vst v0  }
0x87: {  	[tilespmem:$0x1C600] =	vst v0  }
0x88: {  	[tilespmem:$0x1C610] =	vst v0  }
0x89: {  	[tilespmem:$0x1C620] =	vst v0  }
0x8a: {  	[tilespmem:$0x1C630] =	vst v0  }
0x8b: {  	[tilespmem:$0x1C640] =	vst v0  }
0x8c: {  	[tilespmem:$0x1C650] =	vst v0  }
0x8d: {  	[tilespmem:$0x1C660] =	vst v0  }
0x8e: {  	[tilespmem:$0x1C670] =	vst v0  }
0x8f: {  	[tilespmem:$0x1C680] =	vst v0  }
0x90: {  	[tilespmem:$0x1C690] =	vst v0  }
0x91: {  	[tilespmem:$0x1C6A0] =	vst v0  }
0x92: {  	[tilespmem:$0x1C6B0] =	vst v0  }
0x93: {  	[tilespmem:$0x1C6C0] =	vst v0  }
0x94: {  	[tilespmem:$0x1C6D0] =	vst v0  }
0x95: {  	[tilespmem:$0x1C6E0] =	vst v0  }
0x96: {  	[tilespmem:$0x1C6F0] =	vst v0  }
0x97: {  	[tilespmem:$0x1C700] =	vst v0  }
0x98: {  	[tilespmem:$0x1C710] =	vst v0  }
0x99: {  	[tilespmem:$0x1C720] =	vst v0  }
0x9a: {  	[tilespmem:$0x1C730] =	vst v0  }
0x9b: {  	[tilespmem:$0x1C740] =	vst v0  }
0x9c: {  	[tilespmem:$0x1C750] =	vst v0  }
0x9d: {  	[tilespmem:$0x1C760] =	vst v0  }
0x9e: {  	[tilespmem:$0x1C770] =	vst v0  }
0x9f: {  	[tilespmem:$0x1C780] =	vst v0  }
0xa0: {  	[tilespmem:$0x1C790] =	vst v0  }
0xa1: {  	[tilespmem:$0x1C7A0] =	vst v0  }
0xa2: {  	[tilespmem:$0x1C7B0] =	vst v0  }
0xa3: {  	[tilespmem:$0x1C7C0] =	vst v0  }
0xa4: {  	[tilespmem:$0x1C7D0] =	vst v0  }
0xa5: {  	[tilespmem:$0x1C7E0] =	vst v0  }
0xa6: {  	[tilespmem:$0x1C7F0] =	vst v0  }
0xa7: {  	[tilespmem:$0x1C800] =	vst v0  }
0xa8: {  	[tilespmem:$0x1C810] =	vst v0  }
0xa9: {  	[tilespmem:$0x1C820] =	vst v0  }
0xaa: {  	[tilespmem:$0x1C830] =	vst v0  }
0xab: {  	[tilespmem:$0x1C840] =	vst v0  }
0xac: {  	[tilespmem:$0x1C850] =	vst v0  }
0xad: {  	[tilespmem:$0x1C860] =	vst v0  }
0xae: {  	[tilespmem:$0x1C870] =	vst v0  }
0xaf: {  	[tilespmem:$0x1C880] =	vst v0  }
0xb0: {  	[tilespmem:$0x1C890] =	vst v0  }
0xb1: {  	[tilespmem:$0x1C8A0] =	vst v0  }
0xb2: {  	[tilespmem:$0x1C8B0] =	vst v0  }
0xb3: {  	[tilespmem:$0x1C8C0] =	vst v0  }
0xb4: {  	[tilespmem:$0x1C8D0] =	vst v0  }
0xb5: {  	[tilespmem:$0x1C8E0] =	vst v0  }
0xb6: {  	[tilespmem:$0x1C8F0] =	vst v0  }
0xb7: {  	[tilespmem:$0x1C900] =	vst v0  }
0xb8: {  	[tilespmem:$0x1C910] =	vst v0  }
0xb9: {  	[tilespmem:$0x1C920] =	vst v0  }
0xba: {  	[tilespmem:$0x1C930] =	vst v0  }
0xbb: {  	[tilespmem:$0x1C940] =	vst v0  }
0xbc: {  	[tilespmem:$0x1C950] =	vst v0  }
0xbd: {  	[tilespmem:$0x1C960] =	vst v0  }
0xbe: {  	[tilespmem:$0x1C970] =	vst v0  }
0xbf: {  	[tilespmem:$0x1C980] =	vst v0  }
0xc0: {  	[tilespmem:$0x1C990] =	vst v0  }
0xc1: {  	[tilespmem:$0x1C9A0] =	vst v0  }
0xc2: {  	[tilespmem:$0x1C9B0] =	vst v0  }
0xc3: {  	[tilespmem:$0x1C9C0] =	vst v0  }
0xc4: {  	[tilespmem:$0x1C9D0] =	vst v0  }
0xc5: {  	[tilespmem:$0x1C9E0] =	vst v0  }
0xc6: {  	[tilespmem:$0x1C9F0] =	vst v0;
	s3 =	sadd.s32 $0x0, s8  }
0xc7: {  	[spmem:s3] =	stream.linear.scatter [tilespmem:s19], [sflag:$0x5], $0x800, $0x38;
	[tilespmem:$0x1CA00] =	vst v63  }
0xc8: {  	s12 =	simm.s32 $0x2000;
	_ =	swait.ge [sflag:s20], $0x800  }
.LBB2_2:
0xc9: {  	s3 =	sshra.s32 s12, $0x2;
	[sflag:s20] =	ssyncset.done $0x0;
	p1 =	sne.s32 s12, $0x4E000  }
.Ltmp2:
0xca: {  	s3 =	sadd.s32 s3, s8;
	[sflag:s20] =	ssyncadd.s32 $0xFFFFF800;
	(pc) =	sbr.rel @p1 .LBB2_2-.Ltmp2, $3  }
0xcb: {  	[spmem:s3] =	stream.linear.scatter [tilespmem:s19], [sflag:$0x5], $0x800, $0x38;
	[tilespmem:$0x1CA00] =	vst v63  }
0xcc: {  	s12 =	sadd.s32 $0x2000, s12;
	_ =	sdelay $0x1  }
0xcd: {  	_ =	swait.ge [sflag:s20], $0x800  }
.Ltmp3:
0xce: {  	(pc) =	sbr.rel @!p0 .LBB2_4-.Ltmp3, $3  }
0xcf: {  	[sflag:s20] =	ssyncset.done $0x0  }
0xd0: {  	[sflag:s20] =	ssyncadd.s32 $0xFFFFF800  }
0xd1: {  	[bflag:$0x0] =	sbarrier.arrive $0xFFFF;
	_ =	sdelay $0x1  }
0xd2: {  	s3 =	rddreg [dreg:$0x6]  }
0xd3: {  	[tilespmem:s21], [sflag:$0x3] =	stream.linear.gather [hbm4b:s3+s4], $0x80, $0x38;
	[tilespmem:$0x1CA00] =	vst v63  }
0xd4: {  	s16 =	rddreg [dreg:$0x7]  }
0xd5: {  	[tilespmem:s22], [sflag:$0x3] =	stream.linear.gather [hbm4b:s16+s4], $0x80, $0x38;
	[tilespmem:$0x1CA00] =	vst v63  }
0xd6: {  	s12 =	rddreg [dreg:$0x8]  }
0xd7: {  	[tilespmem:s23], [sflag:$0x4] =	stream.linear.gather [hbm4b:s12+s4], $0x80, $0x38;
	[tilespmem:$0x1CA00] =	vst v63  }
0xd8: {  	s13 =	rddreg [dreg:$0x9]  }
0xd9: {  	[tilespmem:s24], [sflag:$0x4] =	stream.linear.gather [hbm4b:s13+s4], $0x80, $0x38;
	[tilespmem:$0x1CA00] =	vst v63  }
0xda: {  	_ =	swait.ge [sflag:s25], $0x80  }
0xdb: {  	[sflag:s25] =	ssyncset.done $0x0  }
0xdc: {  	[sflag:s25] =	ssyncadd.s32 $0xFFFFFF80  }
0xdd: {  	_ =	swait.ge [sflag:s25], $0x80  }
0xde: {  	[sflag:s25] =	ssyncset.done $0x0  }
0xdf: {  	[sflag:s25] =	ssyncadd.s32 $0xFFFFFF80  }
0xe0: {  	[tilespmem:s28], [sflag:$0x1] =	stream.indirect.gather [hbm4b:s1+s26], $0x80, s21, s26, $0xb8;
	[tilespmem:$0x1CA00] =	vst v63  }
0xe1: {  	_ =	swait.ge [sflag:s29], $0x80  }
0xe2: {  	[sflag:s29] =	ssyncset.done $0x0  }
0xe3: {  	[sflag:s29] =	ssyncadd.s32 $0xFFFFFF80  }
0xe4: {  	_ =	swait.ge [sflag:s29], $0x80  }
0xe5: {  	[sflag:s29] =	ssyncset.done $0x0  }
0xe6: {  	[sflag:s29] =	ssyncadd.s32 $0xFFFFFF80  }
0xe7: {  	[tilespmem:s30], [sflag:$0x2] =	stream.indirect.gather [hbm4b:s1+s26], $0x80, s23, s26, $0xb8;
	[tilespmem:$0x1CA00] =	vst v63  }
0xe8: {  	_ =	swait.ge [sflag:s31], $0x4000  }
0xe9: {  	[sflag:s31] =	ssyncset.done $0x0  }
0xea: {  	[sflag:s31] =	ssyncadd.s32 $0xFFFFC000  }
0xeb: {  	[spmem:s2] =	stream.indirect.scatter.add.f32 [tilespmem:s28], [sflag:$0x5], $0x80, s22, s26, $0xb8;
	[tilespmem:$0x1CA00] =	vst v63  }
0xec: {  	_ =	swait.ge [sflag:s20], $0x4000  }
0xed: {  	s14 =	sadd.s32 $0xFFFFFE00, s9;
	[sflag:s20] =	ssyncset.done $0x0  }
0xee: {  	s12 =	sadd.s32 $0xA00, s14;
	s13 =	sadd.s32 $0xFFFFFE00, s10;
	[sflag:s20] =	ssyncadd.s32 $0xFFFFC000  }
0xef: {  	[tilespmem:s21], [sflag:$0x3] =	stream.linear.gather [hbm4b:s12+s4], $0x80, $0x38;
	[tilespmem:$0x1CA00] =	vst v63  }
0xf0: {  	s16 =	sadd.s32 $0xA00, s13  }
0xf1: {  	[tilespmem:s22], [sflag:$0x3] =	stream.linear.gather [hbm4b:s16+s4], $0x80, $0x38;
	[tilespmem:$0x1CA00] =	vst v63  }
0xf2: {  	_ =	swait.ge [sflag:s25], $0x80  }
0xf3: {  	[sflag:s25] =	ssyncset.done $0x0  }
0xf4: {  	[sflag:s25] =	ssyncadd.s32 $0xFFFFFF80  }
0xf5: {  	_ =	swait.ge [sflag:s25], $0x80  }
0xf6: {  	[sflag:s25] =	ssyncset.done $0x0  }
0xf7: {  	[sflag:s25] =	ssyncadd.s32 $0xFFFFFF80  }
0xf8: {  	[tilespmem:s28], [sflag:$0x1] =	stream.indirect.gather [hbm4b:s1+s26], $0x80, s21, s26, $0xb8;
	[tilespmem:$0x1CA00] =	vst v63  }
0xf9: {  	_ =	swait.ge [sflag:s0], $0x4000  }
0xfa: {  	[sflag:s0] =	ssyncset.done $0x0  }
0xfb: {  	[sflag:s0] =	ssyncadd.s32 $0xFFFFC000  }
0xfc: {  	[spmem:s2] =	stream.indirect.scatter.add.f32 [tilespmem:s30], [sflag:$0x5], $0x80, s24, s26, $0xb8;
	[tilespmem:$0x1CA00] =	vst v63  }
0xfd: {  	_ =	swait.ge [sflag:s20], $0x4000  }
0xfe: {  	[sflag:s20] =	ssyncset.done $0x0  }
0xff: {  	s3 =	sadd.s32 $0xA10, s14;
	[sflag:s20] =	ssyncadd.s32 $0xFFFFC000  }
0x100: {  	[tilespmem:s23], [sflag:$0x4] =	stream.linear.gather [hbm4b:s3+s4], $0x80, $0x38;
	[tilespmem:$0x1CA00] =	vst v63  }
0x101: {  	s12 =	simm.s32 $0xFFFFFE20;
	s3 =	sadd.s32 $0xA10, s13  }
.LBB2_8:
0x102: {  	[tilespmem:s24], [sflag:$0x4] =	stream.linear.gather [hbm4b:s3+s4], $0x80, $0x38;
	[tilespmem:$0x1CA00] =	vst v63  }
0x103: {  	s3 =	smov.u32 s12  }
0x104: {  	p1 =	sne.s32 s12, $0xFFFFFFE0;
	s12 =	sadd.s32 $0x20, s12;
	_ =	swait.ge [sflag:s29], $0x80  }
0x105: {  	[sflag:s29] =	ssyncset.done $0x0  }
0x106: {  	[sflag:s29] =	ssyncadd.s32 $0xFFFFFF80  }
0x107: {  	_ =	swait.ge [sflag:s29], $0x80  }
0x108: {  	[sflag:s29] =	ssyncset.done $0x0  }
0x109: {  	[sflag:s29] =	ssyncadd.s32 $0xFFFFFF80  }
0x10a: {  	[tilespmem:s30], [sflag:$0x2] =	stream.indirect.gather [hbm4b:s1+s26], $0x80, s23, s26, $0xb8;
	[tilespmem:$0x1CA00] =	vst v63  }
0x10b: {  	_ =	swait.ge [sflag:s31], $0x4000  }
0x10c: {  	[sflag:s31] =	ssyncset.done $0x0  }
0x10d: {  	[sflag:s31] =	ssyncadd.s32 $0xFFFFC000  }
0x10e: {  	[spmem:s2] =	stream.indirect.scatter.add.f32 [tilespmem:s28], [sflag:$0x5], $0x80, s22, s26, $0xb8;
	[tilespmem:$0x1CA00] =	vst v63  }
0x10f: {  	_ =	swait.ge [sflag:s20], $0x4000  }
0x110: {  	s13 =	sadd.s32 s3, s9;
	[sflag:s20] =	ssyncset.done $0x0  }
0x111: {  	s3 =	sadd.s32 s3, s10;
	s14 =	sadd.s32 $0xA00, s13;
	[sflag:s20] =	ssyncadd.s32 $0xFFFFC000  }
0x112: {  	[tilespmem:s21], [sflag:$0x3] =	stream.linear.gather [hbm4b:s14+s4], $0x80, $0x38;
	[tilespmem:$0x1CA00] =	vst v63  }
0x113: {  	s14 =	sadd.s32 $0xA00, s3  }
0x114: {  	[tilespmem:s22], [sflag:$0x3] =	stream.linear.gather [hbm4b:s14+s4], $0x80, $0x38;
	[tilespmem:$0x1CA00] =	vst v63  }
0x115: {  	_ =	swait.ge [sflag:s25], $0x80  }
0x116: {  	[sflag:s25] =	ssyncset.done $0x0  }
0x117: {  	[sflag:s25] =	ssyncadd.s32 $0xFFFFFF80  }
0x118: {  	_ =	swait.ge [sflag:s25], $0x80  }
0x119: {  	[sflag:s25] =	ssyncset.done $0x0  }
0x11a: {  	[sflag:s25] =	ssyncadd.s32 $0xFFFFFF80  }
0x11b: {  	[tilespmem:s28], [sflag:$0x1] =	stream.indirect.gather [hbm4b:s1+s26], $0x80, s21, s26, $0xb8;
	[tilespmem:$0x1CA00] =	vst v63  }
0x11c: {  	_ =	swait.ge [sflag:s0], $0x4000  }
0x11d: {  	[sflag:s0] =	ssyncset.done $0x0  }
0x11e: {  	[sflag:s0] =	ssyncadd.s32 $0xFFFFC000  }
0x11f: {  	[spmem:s2] =	stream.indirect.scatter.add.f32 [tilespmem:s30], [sflag:$0x5], $0x80, s24, s26, $0xb8;
	[tilespmem:$0x1CA00] =	vst v63  }
.Ltmp4:
0x120: {  	_ =	swait.ge [sflag:s20], $0x4000;
	(pc) =	sbr.rel @p1 .LBB2_8-.Ltmp4, $4  }
0x121: {  	[sflag:s20] =	ssyncset.done $0x0  }
0x122: {  	s13 =	sadd.s32 $0xA10, s13;
	[sflag:s20] =	ssyncadd.s32 $0xFFFFC000  }
0x123: {  	[tilespmem:s23], [sflag:$0x4] =	stream.linear.gather [hbm4b:s13+s4], $0x80, $0x38;
	[tilespmem:$0x1CA00] =	vst v63  }
0x124: {  	s3 =	sadd.s32 $0xA10, s3  }
0x125: {  	[tilespmem:s24], [sflag:$0x4] =	stream.linear.gather [hbm4b:s3+s4], $0x80, $0x38;
	[tilespmem:$0x1CA00] =	vst v63  }
0x126: {  	_ =	swait.ge [sflag:s29], $0x80  }
0x127: {  	[sflag:s29] =	ssyncset.done $0x0  }
0x128: {  	[sflag:s29] =	ssyncadd.s32 $0xFFFFFF80  }
0x129: {  	_ =	swait.ge [sflag:s29], $0x80  }
0x12a: {  	[sflag:s29] =	ssyncset.done $0x0  }
0x12b: {  	[sflag:s29] =	ssyncadd.s32 $0xFFFFFF80  }
0x12c: {  	[tilespmem:s30], [sflag:$0x2] =	stream.indirect.gather [hbm4b:s1+s26], $0x80, s23, s26, $0xb8;
	[tilespmem:$0x1CA00] =	vst v63  }
0x12d: {  	_ =	swait.ge [sflag:s31], $0x4000  }
0x12e: {  	[sflag:s31] =	ssyncset.done $0x0  }
.Ltmp5:
0x12f: {  	[sflag:s31] =	ssyncadd.s32 $0xFFFFC000;
	(pc) =	sbr.rel .LBB2_10-.Ltmp5, $4  }
0x130: {  	[spmem:s2] =	stream.indirect.scatter.add.f32 [tilespmem:s28], [sflag:$0x5], $0x80, s22, s26, $0xb8;
	[tilespmem:$0x1CA00] =	vst v63  }
0x131: {  	_ =	swait.ge [sflag:s20], $0x4000  }
0x132: {  	[sflag:s20] =	ssyncset.done $0x0  }
0x133: {  	[sflag:s20] =	ssyncadd.s32 $0xFFFFC000  }
.LBB2_4:
0x134: {  	[tilespmem:s21], [sflag:$0x3] =	stream.linear.gather [hbm4b:s9+s4], $0x80, $0x38;
	[tilespmem:$0x1CA00] =	vst v63  }
0x135: {  	_ = 	snop  }
0x136: {  	[tilespmem:s22], [sflag:$0x3] =	stream.linear.gather [hbm4b:s10+s4], $0x80, $0x38;
	[tilespmem:$0x1CA00] =	vst v63  }
0x137: {  	s3 =	rddreg [dreg:$0x4]  }
0x138: {  	[tilespmem:s23], [sflag:$0x4] =	stream.linear.gather [hbm4b:s3+s4], $0x80, $0x38;
	[tilespmem:$0x1CA00] =	vst v63  }
0x139: {  	s15 =	rddreg [dreg:$0x5]  }
0x13a: {  	[tilespmem:s24], [sflag:$0x4] =	stream.linear.gather [hbm4b:s15+s4], $0x80, $0x38;
	[tilespmem:$0x1CA00] =	vst v63  }
0x13b: {  	_ =	swait.ge [sflag:s25], $0x80  }
0x13c: {  	[sflag:s25] =	ssyncset.done $0x0  }
0x13d: {  	[sflag:s25] =	ssyncadd.s32 $0xFFFFFF80  }
0x13e: {  	_ =	swait.ge [sflag:s25], $0x80  }
0x13f: {  	[sflag:s25] =	ssyncset.done $0x0  }
0x140: {  	[sflag:s25] =	ssyncadd.s32 $0xFFFFFF80  }
0x141: {  	[tilespmem:s28], [sflag:$0x1] =	stream.indirect.gather [hbm4b:s1+s26], $0x80, s21, s26, $0xb8;
	[tilespmem:$0x1CA00] =	vst v63  }
0x142: {  	_ =	swait.ge [sflag:s29], $0x80  }
0x143: {  	[sflag:s29] =	ssyncset.done $0x0  }
0x144: {  	[sflag:s29] =	ssyncadd.s32 $0xFFFFFF80  }
0x145: {  	_ =	swait.ge [sflag:s29], $0x80  }
0x146: {  	[sflag:s29] =	ssyncset.done $0x0  }
0x147: {  	[sflag:s29] =	ssyncadd.s32 $0xFFFFFF80  }
0x148: {  	[tilespmem:s30], [sflag:$0x2] =	stream.indirect.gather [hbm4b:s1+s26], $0x80, s23, s26, $0xb8;
	[tilespmem:$0x1CA00] =	vst v63  }
0x149: {  	_ =	swait.ge [sflag:s31], $0x4000  }
0x14a: {  	s16 =	sadd.s32 $0xFFFFF840, s7;
	[sflag:s31] =	ssyncset.done $0x0  }
0x14b: {  	s12 =	simm.s32 $0x20;
	s13 =	sadd.s32 $0x7E0, s16;
	[sflag:s31] =	ssyncadd.s32 $0xFFFFC000  }
0x14c: {  	[spmem:s2] =	stream.indirect.scatter.add.f32 [tilespmem:s28], [sflag:$0x5], $0x80, s22, s26, $0xb8;
	[tilespmem:$0x1CA00] =	vst v63  }
0x14d: {  	s12 =	sand.u32 $0x60, s12;
	s13 =	sand.u32 $0x1FF80, s13;
	_ =	swait.ge [sflag:s20], $0x4000  }
0x14e: {  	s12 =	sor.u32 s12, s13;
	[sflag:s20] =	ssyncset.done $0x0  }
0x14f: {  	s13 =	sadd.s32 s5, s12;
	[sflag:s20] =	ssyncadd.s32 $0xFFFFC000  }
0x150: {  	[tilespmem:s21], [sflag:$0x3] =	stream.linear.gather [hbm4b:s13+s4], $0x80, $0x38;
	[tilespmem:$0x1CA00] =	vst v63  }
0x151: {  	s12 =	sadd.s32 s6, s12  }
0x152: {  	[tilespmem:s22], [sflag:$0x3] =	stream.linear.gather [hbm4b:s12+s4], $0x80, $0x38;
	[tilespmem:$0x1CA00] =	vst v63  }
0x153: {  	_ =	swait.ge [sflag:s25], $0x80  }
0x154: {  	[sflag:s25] =	ssyncset.done $0x0  }
0x155: {  	[sflag:s25] =	ssyncadd.s32 $0xFFFFFF80  }
0x156: {  	_ =	swait.ge [sflag:s25], $0x80  }
0x157: {  	[sflag:s25] =	ssyncset.done $0x0  }
0x158: {  	[sflag:s25] =	ssyncadd.s32 $0xFFFFFF80  }
0x159: {  	[tilespmem:s28], [sflag:$0x1] =	stream.indirect.gather [hbm4b:s1+s26], $0x80, s21, s26, $0xb8;
	[tilespmem:$0x1CA00] =	vst v63  }
0x15a: {  	_ =	swait.ge [sflag:s0], $0x4000  }
0x15b: {  	[sflag:s0] =	ssyncset.done $0x0  }
0x15c: {  	s3 =	sadd.s32 $0x7F0, s16;
	s13 =	simm.s32 $0x30;
	[sflag:s0] =	ssyncadd.s32 $0xFFFFC000  }
0x15d: {  	[spmem:s2] =	stream.indirect.scatter.add.f32 [tilespmem:s30], [sflag:$0x5], $0x80, s24, s26, $0xb8;
	[tilespmem:$0x1CA00] =	vst v63  }
0x15e: {  	s3 =	sand.u32 $0x1FF80, s3;
	s12 =	sand.u32 $0x70, s13;
	_ =	swait.ge [sflag:s20], $0x4000  }
0x15f: {  	s3 =	sor.u32 s12, s3;
	[sflag:s20] =	ssyncset.done $0x0  }
0x160: {  	s12 =	sadd.s32 s5, s3;
	[sflag:s20] =	ssyncadd.s32 $0xFFFFC000  }
0x161: {  	[tilespmem:s23], [sflag:$0x4] =	stream.linear.gather [hbm4b:s12+s4], $0x80, $0x38;
	[tilespmem:$0x1CA00] =	vst v63  }
0x162: {  	s3 =	sadd.s32 s6, s3  }
0x163: {  	[tilespmem:s24], [sflag:$0x4] =	stream.linear.gather [hbm4b:s3+s4], $0x80, $0x38;
	[tilespmem:$0x1CA00] =	vst v63  }
0x164: {  	_ =	swait.ge [sflag:s29], $0x80  }
0x165: {  	[sflag:s29] =	ssyncset.done $0x0  }
0x166: {  	[sflag:s29] =	ssyncadd.s32 $0xFFFFFF80  }
0x167: {  	_ =	swait.ge [sflag:s29], $0x80  }
0x168: {  	[sflag:s29] =	ssyncset.done $0x0  }
0x169: {  	[sflag:s29] =	ssyncadd.s32 $0xFFFFFF80  }
0x16a: {  	[tilespmem:s30], [sflag:$0x2] =	stream.indirect.gather [hbm4b:s1+s26], $0x80, s23, s26, $0xb8;
	[tilespmem:$0x1CA00] =	vst v63  }
0x16b: {  	s14 =	sadd.s32 $0xFFFFF860, s7;
	_ =	swait.ge [sflag:s31], $0x4000  }
0x16c: {  	s16 =	sadd.s32 $0x7E0, s14;
	[sflag:s31] =	ssyncset.done $0x0  }
0x16d: {  	s14 =	sadd.s32 $0x7F0, s14;
	s16 =	sand.u32 $0x1FF80, s16;
	[sflag:s31] =	ssyncadd.s32 $0xFFFFC000  }
0x16e: {  	[spmem:s2] =	stream.indirect.scatter.add.f32 [tilespmem:s28], [sflag:$0x5], $0x80, s22, s26, $0xb8;
	[tilespmem:$0x1CA00] =	vst v63  }
0x16f: {  	s15 =	simm.s32 $0x40;
	s13 =	simm.s32 $0xFFFFF880;
	_ =	swait.ge [sflag:s20], $0x4000  }
0x170: {  	s12 =	simm.s32 $0xFFFFF860;
	s3 =	sand.u32 $0x60, s15;
	[sflag:s20] =	ssyncset.done $0x0  }
.LBB2_5:
0x171: {  	s3 =	sor.u32 s3, s16  }
0x172: {  	[sflag:s20] =	ssyncadd.s32 $0xFFFFC000;
	s16 =	smov.u32 s13;
	s15 =	sadd.s32 $0x20, s13  }
0x173: {  	p1 =	seq.s32 s13, $0xFFFFFFE0;
	s13 =	sadd.s32 s5, s3  }
0x174: {  	[tilespmem:s21], [sflag:$0x3] =	stream.linear.gather [hbm4b:s13+s4], $0x80, $0x38;
	[tilespmem:$0x1CA00] =	vst v63  }
0x175: {  	s3 =	sadd.s32 s6, s3  }
0x176: {  	[tilespmem:s22], [sflag:$0x3] =	stream.linear.gather [hbm4b:s3+s4], $0x80, $0x38;
	[tilespmem:$0x1CA00] =	vst v63  }
0x177: {  	_ =	swait.ge [sflag:s25], $0x80  }
0x178: {  	[sflag:s25] =	ssyncset.done $0x0  }
0x179: {  	[sflag:s25] =	ssyncadd.s32 $0xFFFFFF80  }
0x17a: {  	_ =	swait.ge [sflag:s25], $0x80  }
0x17b: {  	[sflag:s25] =	ssyncset.done $0x0  }
0x17c: {  	[sflag:s25] =	ssyncadd.s32 $0xFFFFFF80  }
0x17d: {  	[tilespmem:s28], [sflag:$0x1] =	stream.indirect.gather [hbm4b:s1+s26], $0x80, s21, s26, $0xb8;
	[tilespmem:$0x1CA00] =	vst v63  }
0x17e: {  	_ =	swait.ge [sflag:s0], $0x4000  }
0x17f: {  	[sflag:s0] =	ssyncset.done $0x0  }
0x180: {  	s3 =	sadd.s32 $0x7F0, s12;
	s12 =	smov.u32 s16;
	[sflag:s0] =	ssyncadd.s32 $0xFFFFC000  }
0x181: {  	[spmem:s2] =	stream.indirect.scatter.add.f32 [tilespmem:s30], [sflag:$0x5], $0x80, s24, s26, $0xb8;
	[tilespmem:$0x1CA00] =	vst v63  }
0x182: {  	s13 =	sand.u32 $0x1FF80, s14;
	s3 =	sand.u32 $0x70, s3;
	_ =	swait.ge [sflag:s20], $0x4000  }
0x183: {  	s3 =	sor.u32 s3, s13;
	[sflag:s20] =	ssyncset.done $0x0  }
0x184: {  	s13 =	sadd.s32 s5, s3;
	[sflag:s20] =	ssyncadd.s32 $0xFFFFC000  }
0x185: {  	[tilespmem:s23], [sflag:$0x4] =	stream.linear.gather [hbm4b:s13+s4], $0x80, $0x38;
	[tilespmem:$0x1CA00] =	vst v63  }
0x186: {  	s3 =	sadd.s32 s6, s3  }
0x187: {  	[tilespmem:s24], [sflag:$0x4] =	stream.linear.gather [hbm4b:s3+s4], $0x80, $0x38;
	[tilespmem:$0x1CA00] =	vst v63  }
0x188: {  	_ =	swait.ge [sflag:s29], $0x80  }
0x189: {  	[sflag:s29] =	ssyncset.done $0x0  }
0x18a: {  	[sflag:s29] =	ssyncadd.s32 $0xFFFFFF80  }
0x18b: {  	_ =	swait.ge [sflag:s29], $0x80  }
0x18c: {  	[sflag:s29] =	ssyncset.done $0x0  }
0x18d: {  	[sflag:s29] =	ssyncadd.s32 $0xFFFFFF80  }
0x18e: {  	[tilespmem:s30], [sflag:$0x2] =	stream.indirect.gather [hbm4b:s1+s26], $0x80, s23, s26, $0xb8;
	[tilespmem:$0x1CA00] =	vst v63  }
0x18f: {  	_ =	swait.ge [sflag:s31], $0x4000  }
.Ltmp6:
0x190: {  	s3 =	sadd.s32 s12, s7;
	[sflag:s31] =	ssyncset.done $0x0;
	(pc) =	sbr.rel @!p1 .LBB2_5-.Ltmp6, $4  }
0x191: {  	s13 =	sadd.s32 $0x7E0, s12;
	s16 =	sadd.s32 $0x7E0, s3;
	[sflag:s31] =	ssyncadd.s32 $0xFFFFC000  }
0x192: {  	[spmem:s2] =	stream.indirect.scatter.add.f32 [tilespmem:s28], [sflag:$0x5], $0x80, s22, s26, $0xb8;
	[tilespmem:$0x1CA00] =	vst v63  }
0x193: {  	s14 =	sadd.s32 $0x7F0, s3;
	s3 =	sand.u32 $0x60, s13;
	_ =	swait.ge [sflag:s20], $0x4000  }
0x194: {  	s13 =	smov.u32 s15;
	s16 =	sand.u32 $0x1FF80, s16;
	[sflag:s20] =	ssyncset.done $0x0  }
.Ltmp7:
0x195: {  	_ = 	snop;
	(pc) =	sbr.rel .LBB2_6-.Ltmp7, $1  }
0x196: {  	_ =	sdelay $0x3  }
.LBB2_11:
0x197: {  	_ =	sfence.sel $0x180000  }
0x198: {  	[bflag:$0x0] =	sbarrier.arrive $0xFFFF  }
0x199: {  	_ =	strace $0x9000004A  }
0x19a: {  	[bflag:$0x2] =	sbarrier.arrive $0xFFFF  }
0x19b: {  	p0 =	sne.s32 s15, $0x0;
	s0 =	rddreg [dreg:$0x3]  }
0x19c: {  	s0 =	sadd.s32 @!p0 $0x100000, s0  }
0x19d: {  	[sflag:s0] =	ssyncadd.tile.s32 @!p0 $0x1;
	_ =	shalt  }
.Lfunc_end2:
_tile_overlayer_lowered:
.L_overlay_start_2:
0x19e: {  	(tag) =	ssettag $0x2  }
0x19f: {  	s0 =	rddreg [dreg:$0x0];
	s2 =	stileid.u32  }
0x1a0: {  	s1 =	rddreg [dreg:$0x1];
	p0 =	sne.s32 s2, $0x0  }
0x1a1: {  	s3 =	rddreg [dreg:$0x2];
	[bflag:$0x3] =	sbarrier.arrive $0xFFFF;
	s2 =	simm.s32 @!p0 $0x1C05  }
0x1a2: {  	[timem:s3], [sflag:s2] =	dma.local @!p0 [hbm:s0], s1  }
0x1a3: {  	s0 =	simm.s32 @!p0 $0x5  }
0x1a4: {  	_ =	swait.ge @!p0 [sflag:s0], s1  }
0x1a5: {  	s1 =	ssub.s32 @!p0 $0x0, s1;
	[sflag:s0] =	ssyncset.done @!p0 $0x0  }
0x1a6: {  	[sflag:s0] =	ssyncadd.s32 @!p0 s1  }
0x1a7: {  	[bflag:$0x3] =	sbarrier.arrive $0xFFFF  }
0x1a8: {  	_ =	shalt  }

// kernel: kernel.14.cloned.1.call-start
scs
__scs_entry_jumppad:
0x0: {  	(pc) =	sbr.rel $0x88, $3  }
0x1: {  	(tag) =	ssettag $0x0;
	lr =	simm.s32 $0x1  }
0x2: {  	[smem:$0x3F97] =	sst lr;
	_ =	strace $0xD0000000  }
0x3: {  	_ = 	snop  }
0x4: {  	_ = 	snop  }
0x5: {  	_ = 	snop  }
0x6: {  	_ = 	snop  }
0x7: {  	_ = 	snop  }
__scs_overlays_trampoline_lowered:
0x8: {  	[smem:$0x3FA6] =	sst s0  }
0x9: {  	[smem:$0x3FA7] =	sst s1  }
0xa: {  	[smem:$0x3FA8] =	sst s2  }
0xb: {  	[smem:$0x3FA9] =	sst s3  }
0xc: {  	[smem:$0x3FAA] =	sst s4  }
0xd: {  	[smem:$0x3FAB] =	sst s5  }
0xe: {  	[smem:$0x3FAC] =	sst s6  }
0xf: {  	[smem:$0x3FAD] =	sst s7  }
0x10: {  	[smem:$0x3FAE] =	sst s8  }
0x11: {  	[smem:$0x3FAF] =	sst s9;
	s0 =	simm.s32 @!p0 $0x0  }
0x12: {  	s1 =	sld [smem:$0x3F95];
	s0 =	simm.s32 @p0 $0x1  }
0x13: {  	[smem:$0x3FB0] =	sst s0;
	s0 =	simm.s32 @!p1 $0x0  }
0x14: {  	s2 =	sld [smem:$0x3F94];
	s0 =	simm.s32 @p1 $0x1  }
0x15: {  	[smem:$0x3FB1] =	sst s0;
	s0 =	simm.s32 @!p2 $0x0  }
0x16: {  	s3 =	sld [smem:$0x3FDB];
	s0 =	simm.s32 @p2 $0x1  }
0x17: {  	s4 =	simm.s32 $0x1BF5;
	[smem:$0x3FB3] =	sst s0  }
0x18: {  	s0 =	sld [smem:$0x3F96];
	_ =	swait.ge [sflag:s4], $0x0  }
0x19: {  	s7 =	sld [smem:$0x3F97]  }
0x1a: {  	s8 =	sadd.s32 $0xFFFFE003, lr  }
0x1b: {  	s9 =	sadd.s32 $0xFFFFFEF7, lr;
	s5 =	simm.s32 $0xFFFFFFFF;
	p2 =	slt.u32 s8, $0xFFFFF086  }
0x1c: {  	p1 =	slt.u32 s9, $0xF7A;
	s5 =	simm.s32 @!p2 $0x0  }
0x1d: {  	s5 =	simm.s32 @p1 $0x1;
	p0 =	seq.s32 s7, s2  }
0x1e: {  	s7 =	smul.u32 @!p0 $0xF7A, s2;
	p2 =	seq.s32 @!p0 s5, $0x0  }
0x1f: {  	s9 =	smul.u32 $0xF7A, s1;
	s8 =	simm.s32 @!p0 $0x1BF5;
	p2 =	por !p2, p0  }
0x20: {  	[sflag:s8] =	ssyncset.s32 @!p0 $0xFFFFF086;
	s6 =	sadd.s32 @!p0 s3, s7;
	s7 =	simm.s32 @!p0 $0x108  }
0x21: {  	s3 =	sadd.s32 s3, s9;
	s6 =	sadd.s32 @!p0 $0x88, s6;
	s7 =	simm.s32 @p2 $0x1082  }
0x22: {  	[simem:s7], [sflag:s8] =	dma.local @!p0 [hbm:s6], $0xF7A  }
0x23: {  	s9 =	sor.u32 $0xD0000000, s2;
	s6 =	simm.s32 $0x108;
	_ =	swait.ge @!p0 [sflag:s8], $0x0  }
0x24: {  	s3 =	sadd.s32 $0x88, s3;
	s6 =	simm.s32 @!p1 $0x1082;
	[sflag:s4] =	ssyncset.s32 $0xFFFFF086  }
0x25: {  	[simem:s6], [sflag:s4] =	dma.local [hbm:s3], $0xF7A  }
0x26: {  	[smem:$0x3F97] =	sst s1;
	(tag) =	ssettag s2;
	_ =	strace s9  }
0x27: {  	s1 =	sld [smem:$0x3FA7]  }
0x28: {  	s2 =	sld [smem:$0x3FA8]  }
0x29: {  	s4 =	sld [smem:$0x3FAA]  }
0x2a: {  	p0 =	seq.s32 s5, $0x0;
	s5 =	sld [smem:$0x3FAB]  }
0x2b: {  	s6 =	sld [smem:$0x3FAC]  }
0x2c: {  	s7 =	sld [smem:$0x3FAD]  }
0x2d: {  	s3 =	simm.s32 $0x108;
	s8 =	sld [smem:$0x3FAE]  }
0x2e: {  	s3 =	simm.s32 @!p0 $0x1082;
	s9 =	sld [smem:$0x3FAF]  }
0x2f: {  	lr =	sadd.s32 s0, s3;
	s0 =	sld [smem:$0x3FA6]  }
0x30: {  	s3 =	sld [smem:$0x3FA9]  }
0x31: {  	[smem:$0x3FB2] =	sst s10  }
0x32: {  	s10 =	sld [smem:$0x3FB0];
	_ =	sdelay $0x3  }
0x33: {  	p0 =	seq.s32 s10, $0x1;
	s10 =	sld [smem:$0x3FB2];
	_ =	sdelay $0x3  }
0x34: {  	[smem:$0x3FB2] =	sst s10  }
0x35: {  	s10 =	sld [smem:$0x3FB1];
	_ =	sdelay $0x3  }
0x36: {  	p1 =	seq.s32 s10, $0x1;
	s10 =	sld [smem:$0x3FB2];
	_ =	sdelay $0x3  }
0x37: {  	[smem:$0x3FB2] =	sst s10  }
0x38: {  	s10 =	sld [smem:$0x3FB3]  }
0x39: {  	_ = 	snop;
	(pc) =	sbr.ind lr, $3  }
0x3a: {  	_ = 	snop  }
0x3b: {  	_ = 	snop  }
0x3c: {  	p2 =	seq.s32 s10, $0x1;
	s10 =	sld [smem:$0x3FB2]  }
0x3d: {  	_ =	shalt  }
0x3e: {  	_ =	shalt  }
0x3f: {  	_ =	shalt  }
0x40: {  	_ =	shalt  }
0x41: {  	_ =	shalt  }
0x42: {  	_ =	shalt  }
0x43: {  	_ =	shalt  }
0x44: {  	_ =	shalt  }
0x45: {  	_ =	shalt  }
0x46: {  	_ =	shalt  }
0x47: {  	_ =	shalt  }
0x48: {  	_ =	shalt  }
0x49: {  	_ =	shalt  }
0x4a: {  	_ =	shalt  }
0x4b: {  	_ =	shalt  }
0x4c: {  	_ =	shalt  }
0x4d: {  	_ =	shalt  }
0x4e: {  	_ =	shalt  }
0x4f: {  	_ =	shalt  }
0x50: {  	_ =	shalt  }
0x51: {  	_ =	shalt  }
0x52: {  	_ =	shalt  }
0x53: {  	_ =	shalt  }
0x54: {  	_ =	shalt  }
0x55: {  	_ =	shalt  }
0x56: {  	_ =	shalt  }
0x57: {  	_ =	shalt  }
0x58: {  	_ =	shalt  }
0x59: {  	_ =	shalt  }
0x5a: {  	_ =	shalt  }
0x5b: {  	_ =	shalt  }
0x5c: {  	_ =	shalt  }
0x5d: {  	_ =	shalt  }
0x5e: {  	_ =	shalt  }
0x5f: {  	_ =	shalt  }
0x60: {  	_ =	shalt  }
0x61: {  	_ =	shalt  }
0x62: {  	_ =	shalt  }
0x63: {  	_ =	shalt  }
0x64: {  	_ =	shalt  }
0x65: {  	_ =	shalt  }
0x66: {  	_ =	shalt  }
0x67: {  	_ =	shalt  }
0x68: {  	_ =	shalt  }
0x69: {  	_ =	shalt  }
0x6a: {  	_ =	shalt  }
0x6b: {  	_ =	shalt  }
0x6c: {  	_ =	shalt  }
0x6d: {  	_ =	shalt  }
0x6e: {  	_ =	shalt  }
0x6f: {  	_ =	shalt  }
0x70: {  	_ =	shalt  }
0x71: {  	_ =	shalt  }
0x72: {  	_ =	shalt  }
0x73: {  	_ =	shalt  }
0x74: {  	_ =	shalt  }
0x75: {  	_ =	shalt  }
0x76: {  	_ =	shalt  }
0x77: {  	_ =	shalt  }
0x78: {  	_ =	shalt  }
0x79: {  	_ =	shalt  }
0x7a: {  	_ =	shalt  }
0x7b: {  	_ =	shalt  }
0x7c: {  	_ =	shalt  }
0x7d: {  	_ =	shalt  }
0x7e: {  	_ =	shalt  }
0x7f: {  	_ =	shalt  }
0x80: {  	_ =	shalt  }
0x81: {  	_ =	shalt  }
0x82: {  	_ =	shalt  }
0x83: {  	_ =	shalt  }
0x84: {  	_ =	shalt  }
0x85: {  	_ =	shalt  }
0x86: {  	_ =	shalt  }
0x87: {  	_ =	shalt  }
.Lfunc_end0:
.L_simem_size_0:
called_computation.2_lowered:
.L_overlay_start_0:
0x88: {  	s2 =	sld [smem:$0x3FD9]  }
0x89: {  	s3 =	sld [smem:$0x3FFE];
	_ =	sdelay $0x1  }
0x8a: {  	s1 =	srdreg.scid  }
0x8b: {  	s0 =	sand.u32 $0x1, s1  }
0x8c: {  	s17 =	sshll.u32 s0, $0xA;
	s2 =	sadd.s32 s3, s2  }
0x8d: {  	s2 =	sadd.s32 s2, s17  }
0x8e: {  	[smem:$0x3FBE] =	sst s2  }
0x8f: {  	_ = 	snop  }
0x90: {  	s2 =	sld [smem:$0x3FD0];
	(tm) =	ssettm $0x1  }
0x91: {  	s18 =	sld [smem:$0x3FFB];
	_ =	sdelay $0x3  }
0x92: {  	_ =	strace s18  }
0x93: {  	s3 =	sld [smem:$0x3FFC];
	_ =	sdelay $0x3  }
0x94: {  	_ =	strace s3  }
0x95: {  	s3 =	sld [smem:$0x3FFD];
	_ =	sdelay $0x3  }
0x96: {  	_ =	strace s3  }
0x97: {  	_ =	strace $0x8FFFFFFF  }
0x98: {  	s19 =	sld [smem:$0x3FDB];
	_ =	sdelay $0x1  }
0x99: {  	s4 =	simm.s32 $_scs_section_size  }
0x9a: {  	s5 =	simm.s32 $_size__tile_overlayer_lowered;
	s6 =	simm.s32 $_tile_overlayer_lowered  }
0x9b: {  	s22 =	simm.s32 $0x1BFF;
	s21 =	sshll.u32 s6, $0x1;
	s3 =	sadd.s32 s4, s19  }
0x9c: {  	s7 =	simm.s32 $0x0;
	s20 =	sshll.u32 s5, $0x1;
	s5 =	sadd.s32 s21, s3  }
0x9d: {  	[timem:s7], [sflag:s22] =	dma.local [hbm:s5], s20  }
0x9e: {  	_ =	swait.ge [sflag:s22], s20  }
0x9f: {  	s4 =	ssub.s32 $0x0, s20;
	[sflag:s22] =	ssyncset.done $0x0  }
0xa0: {  	[sflag:s22] =	ssyncadd.s32 s4;
	_ =	sdelay $0x1  }
0xa1: {  	s23 =	simm.s32 $0x1B8B  }
0xa2: {  	_ =	swait.ge [sflag:s23], $0x1  }
0xa3: {  	[sflag:s23] =	ssyncset.done $0x0  }
0xa4: {  	s25 =	simm.s32 $0x1B8E;
	s24 =	sld [smem:$0x3FFE];
	[sflag:s23] =	ssyncadd.s32 $0xFFFFFFFF  }
0xa5: {  	s26 =	simm.s32 $execute0_lowered;
	[smem:$0x3FD2] =	sst s25  }
0xa6: {  	s5 =	sshll.u32 s26, $0x1;
	_ =	strace $0x8000004C;
	[dreg:$0x1] =	wrdreg $0xFFFFFFFF  }
0xa7: {  	s28 =	simm.s32 $_size_execute0_lowered;
	s3 =	sadd.s32 s3, s5;
	[dreg:$0x0] =	wrdreg $0x0  }
0xa8: {  	s5 =	sshll.u32 s28, $0x1;
	[dreg:$0x2] =	wrdreg s3  }
0xa9: {  	[dreg:$0x3] =	wrdreg s5  }
0xaa: {  	[dreg:$0x4] =	wrdreg $0xC0  }
0xab: {  	_ =	task [dreg:s7], $0x5FFFF  }
0xac: {  	[dreg:$0x1] =	wrdreg $0xFFFFFFFF  }
0xad: {  	[dreg:$0x0] =	wrdreg $0x60  }
0xae: {  	[dreg:$0x2] =	wrdreg s2  }
0xaf: {  	[dreg:$0x3] =	wrdreg s24  }
0xb0: {  	[dreg:$0x4] =	wrdreg $0x0  }
0xb1: {  	[dreg:$0x5] =	wrdreg $0x9  }
0xb2: {  	_ =	task.clear_ibuf [dreg:s7], $0x6FFFF;
	_ =	strace $0x9000004C  }
0xb3: {  	s29 =	simm.s32 $0x9;
	_ =	strace $0x8000004E  }
0xb4: {  	_ =	swait.ge [sflag:s29], $0x1  }
0xb5: {  	[sflag:s29] =	ssyncadd.s32 $0xFFFFFFFF  }
0xb6: {  	_ =	strace $0x9000004E  }
0xb7: {  	_ =	sfence  }
0xb8: {  	s30 =	sld [smem:$0x0];
	_ =	sdelay $0x2  }
0xb9: {  	s31 =	sshll.u32 s1, $0xD;
	s1 =	sshrl.u32 s1, $0x2  }
0xba: {  	s3 =	sand.u32 $0x4000, s31;
	s1 =	sadd.s32 s1, s30  }
0xbb: {  	s0 =	sor.u32 s3, s0;
	s1 =	sshll.u32 s1, $0x11  }
0xbc: {  	s0 =	sor.u32 s1, s0  }
0xbd: {  	s0 =	sadd.s32 $0x8F2B, s0  }
0xbe: {  	[sflag:s0] =	ssyncadd.remote.s32 $0x1  }
0xbf: {  	_ =	sfence.sel $0xFFFF  }
0xc0: {  	[dreg:$0x0] =	wrdreg $0xFFFFFFFF;
	(pc) =	sbr.abs _section_cstart, $3  }
0xc1: {  	[dreg:$0x1] =	wrdreg $0xFFFFFFFF  }
0xc2: {  	_ =	task.clear_ibuf [dreg:s7], $0x2FFFF;
	_ =	strace $0x9FFFFFFF  }
0xc3: {  	(tm) =	ssettm $0x7FFFFFFF  }
tec
execute0_lowered:
.L_overlay_start_1:
0x0: {  	(tag) =	ssettag $0x1  }
0x1: {  	s1 =	rddreg [dreg:$0x0]  }
0x2: {  	s0 =	rddreg [dreg:$0x1]  }
0x3: {  	s2 =	rddreg [dreg:$0x2]  }
0x4: {  	s3 =	srdreg.scid;
	s4 =	simm.s32 $0x0;
	s15 =	stileid.u32  }
0x5: {  	s19 =	simm.s32 $0x1C200;
	s20 =	simm.s32 $0x5;
	s21 =	simm.s32 $0x14000  }
0x6: {  	s22 =	simm.s32 $0x14100;
	s28 =	simm.s32 $0x14200;
	s7 =	smul.u32 $0x14000, s15  }
0x7: {  	s29 =	simm.s32 $0x4;
	s30 =	simm.s32 $0x18200;
	s8 =	smul.u32 $0x50000, s15  }
0x8: {  	s31 =	simm.s32 $0x1;
	s3 =	sand.u32 $0x1, s3;
	s12 =	smul.u32 $0x5000, s15  }
0x9: {  	[smem:$0x7FF] =	sst s4;
	s5 =	sadd.s32 $0x17E00, s0;
	s6 =	smul.u32 $0x140000, s3  }
0xa: {  	_ =	strace $0x8000004D;
	s10 =	ssub.s32 $0x2, s3;
	p0 =	seq.s32 s3, $0x1  }
0xb: {  	s11 =	sshrl.u32 s10, $0x1;
	s8 =	sshrl.u32 s8, $0x2;
	s12 =	sshrl.u32 s12, $0x3  }
0xc: {  	s7 =	sadd.s32 s7, s6;
	s6 =	sadd.s32 $0x3E00, s0;
	s11 =	ssub.s32 s10, s11  }
0xd: {  	s8 =	sadd.s32 s8, s2;
	s26 =	sadd.s32 $0x7F0, s12;
	s9 =	sshrl.u32 s7, $0x3  }
0xe: {  	s7 =	smul.u32 $0xA00, s15;
	s12 =	sadd.s32 s5, s26;
	s18 =	smax.u32 s11, $0x1  }
0xf: {  	s11 =	simm.s32 $0x0;
	s0 =	sadd.s32 s9, s0;
	[dreg:$0x8] =	wrdreg s12  }
0x10: {  	s23 =	sor.u32 $0x10, s7;
	s9 =	sadd.s32 s5, s7;
	s10 =	sadd.s32 s6, s7  }
0x11: {  	s24 =	sadd.s32 $0x7E0, s7;
	s17 =	sadd.s32 $0x49000, s0;
	s13 =	sadd.s32 s5, s23  }
.Ltmp0:
0x12: {  	s3 =	sadd.s32 s6, s23;
	[dreg:$0x4] =	wrdreg s13;
	(pc) =	sbr.rel .LBB2_1-.Ltmp0, $4  }
0x13: {  	s0 =	simm.s32 $0x2;
	s25 =	sadd.s32 s5, s24;
	[dreg:$0x5] =	wrdreg s3  }
0x14: {  	s23 =	simm.s32 $0x14080;
	[dreg:$0x6] =	wrdreg s25;
	s3 =	sadd.s32 s6, s24  }
0x15: {  	s24 =	simm.s32 $0x14180;
	[dreg:$0x7] =	wrdreg s3;
	s3 =	sadd.s32 s6, s26  }
0x16: {  	v0 =	vimm.f32 $0.0e+00;
	s25 =	simm.s32 $0x3;
	s26 =	simm.s32 $0x80;
	[dreg:$0x9] =	wrdreg s3  }
.LBB2_6:
0x17: {  	s3 =	sor.u32 s3, s16  }
0x18: {  	[sflag:s20] =	ssyncadd.s32 $0xFFFFC000;
	s13 =	sadd.s32 s5, s3  }
0x19: {  	[tilespmem:s21], [sflag:$0x3] =	stream.linear.gather [hbm4b:s13+s4], $0x80, $0x38;
	[tilespmem:$0x1CA00] =	vst v63  }
0x1a: {  	s3 =	sadd.s32 s6, s3  }
0x1b: {  	[tilespmem:s22], [sflag:$0x3] =	stream.linear.gather [hbm4b:s3+s4], $0x80, $0x38;
	[tilespmem:$0x1CA00] =	vst v63  }
0x1c: {  	_ =	swait.ge [sflag:s25], $0x80  }
0x1d: {  	[sflag:s25] =	ssyncset.done $0x0  }
0x1e: {  	[sflag:s25] =	ssyncadd.s32 $0xFFFFFF80  }
0x1f: {  	_ =	swait.ge [sflag:s25], $0x80  }
0x20: {  	[sflag:s25] =	ssyncset.done $0x0  }
0x21: {  	[sflag:s25] =	ssyncadd.s32 $0xFFFFFF80  }
0x22: {  	[tilespmem:s28], [sflag:$0x1] =	stream.indirect.gather [hbm4b:s1+s26], $0x80, s21, s26, $0xb8;
	[tilespmem:$0x1CA00] =	vst v63  }
0x23: {  	_ =	swait.ge [sflag:s0], $0x4000  }
0x24: {  	[sflag:s0] =	ssyncset.done $0x0  }
0x25: {  	s15 =	sadd.s32 $0x7F0, s12;
	[sflag:s0] =	ssyncadd.s32 $0xFFFFC000  }
0x26: {  	[spmem:s2] =	stream.indirect.scatter.add.f32 [tilespmem:s30], [sflag:$0x5], $0x80, s24, s26, $0xb8;
	[tilespmem:$0x1CA00] =	vst v63  }
0x27: {  	s16 =	sand.u32 $0x1FF80, s14;
	s3 =	sand.u32 $0x70, s15;
	_ =	swait.ge [sflag:s20], $0x4000  }
0x28: {  	s3 =	sor.u32 s3, s16;
	[sflag:s20] =	ssyncset.done $0x0  }
0x29: {  	s12 =	sadd.s32 s5, s3;
	[sflag:s20] =	ssyncadd.s32 $0xFFFFC000  }
0x2a: {  	[tilespmem:s23], [sflag:$0x4] =	stream.linear.gather [hbm4b:s12+s4], $0x80, $0x38;
	[tilespmem:$0x1CA00] =	vst v63  }
0x2b: {  	s3 =	sadd.s32 s6, s3  }
0x2c: {  	[tilespmem:s24], [sflag:$0x4] =	stream.linear.gather [hbm4b:s3+s4], $0x80, $0x38;
	[tilespmem:$0x1CA00] =	vst v63  }
0x2d: {  	_ =	swait.ge [sflag:s29], $0x80  }
0x2e: {  	[sflag:s29] =	ssyncset.done $0x0  }
0x2f: {  	[sflag:s29] =	ssyncadd.s32 $0xFFFFFF80  }
0x30: {  	_ =	swait.ge [sflag:s29], $0x80  }
0x31: {  	[sflag:s29] =	ssyncset.done $0x0  }
0x32: {  	[sflag:s29] =	ssyncadd.s32 $0xFFFFFF80  }
0x33: {  	[tilespmem:s30], [sflag:$0x2] =	stream.indirect.gather [hbm4b:s1+s26], $0x80, s23, s26, $0xb8;
	[tilespmem:$0x1CA00] =	vst v63  }
0x34: {  	_ =	swait.ge [sflag:s31], $0x4000  }
0x35: {  	[sflag:s31] =	ssyncset.done $0x0  }
0x36: {  	[sflag:s31] =	ssyncadd.s32 $0xFFFFC000  }
0x37: {  	[spmem:s2] =	stream.indirect.scatter.add.f32 [tilespmem:s28], [sflag:$0x5], $0x80, s22, s26, $0xb8;
	[tilespmem:$0x1CA00] =	vst v63  }
0x38: {  	_ =	swait.ge [sflag:s20], $0x4000  }
0x39: {  	[sflag:s20] =	ssyncset.done $0x0  }
0x3a: {  	s15 =	stileid.u32;
	[sflag:s20] =	ssyncadd.s32 $0xFFFFC000  }
.LBB2_10:
0x3b: {  	_ =	swait.ge [sflag:s0], $0x4000  }
0x3c: {  	[sflag:s0] =	ssyncset.done $0x0  }
0x3d: {  	[sflag:s0] =	ssyncadd.s32 $0xFFFFC000  }
0x3e: {  	[spmem:s2] =	stream.indirect.scatter.add.f32 [tilespmem:s30], [sflag:$0x5], $0x80, s24, s26, $0xb8;
	[tilespmem:$0x1CA00] =	vst v63  }
0x3f: {  	_ =	swait.ge [sflag:s20], $0x4000  }
0x40: {  	s3 =	sshll.u32 s15, $0x6;
	s11 =	sadd.s32 $0x1, s11;
	[sflag:s20] =	ssyncset.done $0x0  }
0x41: {  	s12 =	sshrl.u32 s8, $0x3;
	p1 =	sne.s32 s11, s18;
	[sflag:s20] =	ssyncadd.s32 $0xFFFFC000  }
.Ltmp1:
0x42: {  	s3 =	sor.u32 $0x1C05, s3;
	[bflag:$0x0] =	sbarrier.arrive $0xFFFF;
	(pc) =	sbr.rel @!p1 .LBB2_11-.Ltmp1, $4  }
0x43: {  	[hbm:s17], [sflag:s3] =	dma.local [spmem:s12], $0x2800  }
0x44: {  	_ =	swait.ge [sflag:s20], $0x2800  }
0x45: {  	[sflag:s20] =	ssyncset.done $0x0  }
0x46: {  	[sflag:s20] =	ssyncadd.s32 $0xFFFFD800  }
.LBB2_1:
0x47: {  	[tilespmem:$0x1C200] =	vst v0  }
0x48: {  	[tilespmem:$0x1C210] =	vst v0  }
0x49: {  	[tilespmem:$0x1C220] =	vst v0  }
0x4a: {  	[tilespmem:$0x1C230] =	vst v0  }
0x4b: {  	[tilespmem:$0x1C240] =	vst v0  }
0x4c: {  	[tilespmem:$0x1C250] =	vst v0  }
0x4d: {  	[tilespmem:$0x1C260] =	vst v0  }
0x4e: {  	[tilespmem:$0x1C270] =	vst v0  }
0x4f: {  	[tilespmem:$0x1C280] =	vst v0  }
0x50: {  	[tilespmem:$0x1C290] =	vst v0  }
0x51: {  	[tilespmem:$0x1C2A0] =	vst v0  }
0x52: {  	[tilespmem:$0x1C2B0] =	vst v0  }
0x53: {  	[tilespmem:$0x1C2C0] =	vst v0  }
0x54: {  	[tilespmem:$0x1C2D0] =	vst v0  }
0x55: {  	[tilespmem:$0x1C2E0] =	vst v0  }
0x56: {  	[tilespmem:$0x1C2F0] =	vst v0  }
0x57: {  	[tilespmem:$0x1C300] =	vst v0  }
0x58: {  	[tilespmem:$0x1C310] =	vst v0  }
0x59: {  	[tilespmem:$0x1C320] =	vst v0  }
0x5a: {  	[tilespmem:$0x1C330] =	vst v0  }
0x5b: {  	[tilespmem:$0x1C340] =	vst v0  }
0x5c: {  	[tilespmem:$0x1C350] =	vst v0  }
0x5d: {  	[tilespmem:$0x1C360] =	vst v0  }
0x5e: {  	[tilespmem:$0x1C370] =	vst v0  }
0x5f: {  	[tilespmem:$0x1C380] =	vst v0  }
0x60: {  	[tilespmem:$0x1C390] =	vst v0  }
0x61: {  	[tilespmem:$0x1C3A0] =	vst v0  }
0x62: {  	[tilespmem:$0x1C3B0] =	vst v0  }
0x63: {  	[tilespmem:$0x1C3C0] =	vst v0  }
0x64: {  	[tilespmem:$0x1C3D0] =	vst v0  }
0x65: {  	[tilespmem:$0x1C3E0] =	vst v0  }
0x66: {  	[tilespmem:$0x1C3F0] =	vst v0  }
0x67: {  	[tilespmem:$0x1C400] =	vst v0  }
0x68: {  	[tilespmem:$0x1C410] =	vst v0  }
0x69: {  	[tilespmem:$0x1C420] =	vst v0  }
0x6a: {  	[tilespmem:$0x1C430] =	vst v0  }
0x6b: {  	[tilespmem:$0x1C440] =	vst v0  }
0x6c: {  	[tilespmem:$0x1C450] =	vst v0  }
0x6d: {  	[tilespmem:$0x1C460] =	vst v0  }
0x6e: {  	[tilespmem:$0x1C470] =	vst v0  }
0x6f: {  	[tilespmem:$0x1C480] =	vst v0  }
0x70: {  	[tilespmem:$0x1C490] =	vst v0  }
0x71: {  	[tilespmem:$0x1C4A0] =	vst v0  }
0x72: {  	[tilespmem:$0x1C4B0] =	vst v0  }
0x73: {  	[tilespmem:$0x1C4C0] =	vst v0  }
0x74: {  	[tilespmem:$0x1C4D0] =	vst v0  }
0x75: {  	[tilespmem:$0x1C4E0] =	vst v0  }
0x76: {  	[tilespmem:$0x1C4F0] =	vst v0  }
0x77: {  	[tilespmem:$0x1C500] =	vst v0  }
0x78: {  	[tilespmem:$0x1C510] =	vst v0  }
0x79: {  	[tilespmem:$0x1C520] =	vst v0  }
0x7a: {  	[tilespmem:$0x1C530] =	vst v0  }
0x7b: {  	[tilespmem:$0x1C540] =	vst v0  }
0x7c: {  	[tilespmem:$0x1C550] =	vst v0  }
0x7d: {  	[tilespmem:$0x1C560] =	vst v0  }
0x7e: {  	[tilespmem:$0x1C570] =	vst v0  }
0x7f: {  	[tilespmem:$0x1C580] =	vst v0  }
0x80: {  	[tilespmem:$0x1C590] =	vst v0  }
0x81: {  	[tilespmem:$0x1C5A0] =	vst v0  }
0x82: {  	[tilespmem:$0x1C5B0] =	vst v0  }
0x83: {  	[tilespmem:$0x1C5C0] =	vst v0  }
0x84: {  	[tilespmem:$0x1C5D0] =	vst v0  }
0x85: {  	[tilespmem:$0x1C5E0] =	vst v0  }
0x86: {  	[tilespmem:$0x1C5F0] =	vst v0  }
0x87: {  	[tilespmem:$0x1C600] =	vst v0  }
0x88: {  	[tilespmem:$0x1C610] =	vst v0  }
0x89: {  	[tilespmem:$0x1C620] =	vst v0  }
0x8a: {  	[tilespmem:$0x1C630] =	vst v0  }
0x8b: {  	[tilespmem:$0x1C640] =	vst v0  }
0x8c: {  	[tilespmem:$0x1C650] =	vst v0  }
0x8d: {  	[tilespmem:$0x1C660] =	vst v0  }
0x8e: {  	[tilespmem:$0x1C670] =	vst v0  }
0x8f: {  	[tilespmem:$0x1C680] =	vst v0  }
0x90: {  	[tilespmem:$0x1C690] =	vst v0  }
0x91: {  	[tilespmem:$0x1C6A0] =	vst v0  }
0x92: {  	[tilespmem:$0x1C6B0] =	vst v0  }
0x93: {  	[tilespmem:$0x1C6C0] =	vst v0  }
0x94: {  	[tilespmem:$0x1C6D0] =	vst v0  }
0x95: {  	[tilespmem:$0x1C6E0] =	vst v0  }
0x96: {  	[tilespmem:$0x1C6F0] =	vst v0  }
0x97: {  	[tilespmem:$0x1C700] =	vst v0  }
0x98: {  	[tilespmem:$0x1C710] =	vst v0  }
0x99: {  	[tilespmem:$0x1C720] =	vst v0  }
0x9a: {  	[tilespmem:$0x1C730] =	vst v0  }
0x9b: {  	[tilespmem:$0x1C740] =	vst v0  }
0x9c: {  	[tilespmem:$0x1C750] =	vst v0  }
0x9d: {  	[tilespmem:$0x1C760] =	vst v0  }
0x9e: {  	[tilespmem:$0x1C770] =	vst v0  }
0x9f: {  	[tilespmem:$0x1C780] =	vst v0  }
0xa0: {  	[tilespmem:$0x1C790] =	vst v0  }
0xa1: {  	[tilespmem:$0x1C7A0] =	vst v0  }
0xa2: {  	[tilespmem:$0x1C7B0] =	vst v0  }
0xa3: {  	[tilespmem:$0x1C7C0] =	vst v0  }
0xa4: {  	[tilespmem:$0x1C7D0] =	vst v0  }
0xa5: {  	[tilespmem:$0x1C7E0] =	vst v0  }
0xa6: {  	[tilespmem:$0x1C7F0] =	vst v0  }
0xa7: {  	[tilespmem:$0x1C800] =	vst v0  }
0xa8: {  	[tilespmem:$0x1C810] =	vst v0  }
0xa9: {  	[tilespmem:$0x1C820] =	vst v0  }
0xaa: {  	[tilespmem:$0x1C830] =	vst v0  }
0xab: {  	[tilespmem:$0x1C840] =	vst v0  }
0xac: {  	[tilespmem:$0x1C850] =	vst v0  }
0xad: {  	[tilespmem:$0x1C860] =	vst v0  }
0xae: {  	[tilespmem:$0x1C870] =	vst v0  }
0xaf: {  	[tilespmem:$0x1C880] =	vst v0  }
0xb0: {  	[tilespmem:$0x1C890] =	vst v0  }
0xb1: {  	[tilespmem:$0x1C8A0] =	vst v0  }
0xb2: {  	[tilespmem:$0x1C8B0] =	vst v0  }
0xb3: {  	[tilespmem:$0x1C8C0] =	vst v0  }
0xb4: {  	[tilespmem:$0x1C8D0] =	vst v0  }
0xb5: {  	[tilespmem:$0x1C8E0] =	vst v0  }
0xb6: {  	[tilespmem:$0x1C8F0] =	vst v0  }
0xb7: {  	[tilespmem:$0x1C900] =	vst v0  }
0xb8: {  	[tilespmem:$0x1C910] =	vst v0  }
0xb9: {  	[tilespmem:$0x1C920] =	vst v0  }
0xba: {  	[tilespmem:$0x1C930] =	vst v0  }
0xbb: {  	[tilespmem:$0x1C940] =	vst v0  }
0xbc: {  	[tilespmem:$0x1C950] =	vst v0  }
0xbd: {  	[tilespmem:$0x1C960] =	vst v0  }
0xbe: {  	[tilespmem:$0x1C970] =	vst v0  }
0xbf: {  	[tilespmem:$0x1C980] =	vst v0  }
0xc0: {  	[tilespmem:$0x1C990] =	vst v0  }
0xc1: {  	[tilespmem:$0x1C9A0] =	vst v0  }
0xc2: {  	[tilespmem:$0x1C9B0] =	vst v0  }
0xc3: {  	[tilespmem:$0x1C9C0] =	vst v0  }
0xc4: {  	[tilespmem:$0x1C9D0] =	vst v0  }
0xc5: {  	[tilespmem:$0x1C9E0] =	vst v0  }
0xc6: {  	[tilespmem:$0x1C9F0] =	vst v0;
	s3 =	sadd.s32 $0x0, s8  }
0xc7: {  	[spmem:s3] =	stream.linear.scatter [tilespmem:s19], [sflag:$0x5], $0x800, $0x38;
	[tilespmem:$0x1CA00] =	vst v63  }
0xc8: {  	s12 =	simm.s32 $0x2000;
	_ =	swait.ge [sflag:s20], $0x800  }
.LBB2_2:
0xc9: {  	s3 =	sshra.s32 s12, $0x2;
	[sflag:s20] =	ssyncset.done $0x0;
	p1 =	sne.s32 s12, $0x4E000  }
.Ltmp2:
0xca: {  	s3 =	sadd.s32 s3, s8;
	[sflag:s20] =	ssyncadd.s32 $0xFFFFF800;
	(pc) =	sbr.rel @p1 .LBB2_2-.Ltmp2, $3  }
0xcb: {  	[spmem:s3] =	stream.linear.scatter [tilespmem:s19], [sflag:$0x5], $0x800, $0x38;
	[tilespmem:$0x1CA00] =	vst v63  }
0xcc: {  	s12 =	sadd.s32 $0x2000, s12;
	_ =	sdelay $0x1  }
0xcd: {  	_ =	swait.ge [sflag:s20], $0x800  }
.Ltmp3:
0xce: {  	(pc) =	sbr.rel @!p0 .LBB2_4-.Ltmp3, $3  }
0xcf: {  	[sflag:s20] =	ssyncset.done $0x0  }
0xd0: {  	[sflag:s20] =	ssyncadd.s32 $0xFFFFF800  }
0xd1: {  	[bflag:$0x0] =	sbarrier.arrive $0xFFFF;
	_ =	sdelay $0x1  }
0xd2: {  	s3 =	rddreg [dreg:$0x6]  }
0xd3: {  	[tilespmem:s21], [sflag:$0x3] =	stream.linear.gather [hbm4b:s3+s4], $0x80, $0x38;
	[tilespmem:$0x1CA00] =	vst v63  }
0xd4: {  	s16 =	rddreg [dreg:$0x7]  }
0xd5: {  	[tilespmem:s22], [sflag:$0x3] =	stream.linear.gather [hbm4b:s16+s4], $0x80, $0x38;
	[tilespmem:$0x1CA00] =	vst v63  }
0xd6: {  	s12 =	rddreg [dreg:$0x8]  }
0xd7: {  	[tilespmem:s23], [sflag:$0x4] =	stream.linear.gather [hbm4b:s12+s4], $0x80, $0x38;
	[tilespmem:$0x1CA00] =	vst v63  }
0xd8: {  	s13 =	rddreg [dreg:$0x9]  }
0xd9: {  	[tilespmem:s24], [sflag:$0x4] =	stream.linear.gather [hbm4b:s13+s4], $0x80, $0x38;
	[tilespmem:$0x1CA00] =	vst v63  }
0xda: {  	_ =	swait.ge [sflag:s25], $0x80  }
0xdb: {  	[sflag:s25] =	ssyncset.done $0x0  }
0xdc: {  	[sflag:s25] =	ssyncadd.s32 $0xFFFFFF80  }
0xdd: {  	_ =	swait.ge [sflag:s25], $0x80  }
0xde: {  	[sflag:s25] =	ssyncset.done $0x0  }
0xdf: {  	[sflag:s25] =	ssyncadd.s32 $0xFFFFFF80  }
0xe0: {  	[tilespmem:s28], [sflag:$0x1] =	stream.indirect.gather [hbm4b:s1+s26], $0x80, s21, s26, $0xb8;
	[tilespmem:$0x1CA00] =	vst v63  }
0xe1: {  	_ =	swait.ge [sflag:s29], $0x80  }
0xe2: {  	[sflag:s29] =	ssyncset.done $0x0  }
0xe3: {  	[sflag:s29] =	ssyncadd.s32 $0xFFFFFF80  }
0xe4: {  	_ =	swait.ge [sflag:s29], $0x80  }
0xe5: {  	[sflag:s29] =	ssyncset.done $0x0  }
0xe6: {  	[sflag:s29] =	ssyncadd.s32 $0xFFFFFF80  }
0xe7: {  	[tilespmem:s30], [sflag:$0x2] =	stream.indirect.gather [hbm4b:s1+s26], $0x80, s23, s26, $0xb8;
	[tilespmem:$0x1CA00] =	vst v63  }
0xe8: {  	_ =	swait.ge [sflag:s31], $0x4000  }
0xe9: {  	[sflag:s31] =	ssyncset.done $0x0  }
0xea: {  	[sflag:s31] =	ssyncadd.s32 $0xFFFFC000  }
0xeb: {  	[spmem:s2] =	stream.indirect.scatter.add.f32 [tilespmem:s28], [sflag:$0x5], $0x80, s22, s26, $0xb8;
	[tilespmem:$0x1CA00] =	vst v63  }
0xec: {  	_ =	swait.ge [sflag:s20], $0x4000  }
0xed: {  	s14 =	sadd.s32 $0xFFFFFE00, s9;
	[sflag:s20] =	ssyncset.done $0x0  }
0xee: {  	s12 =	sadd.s32 $0xA00, s14;
	s13 =	sadd.s32 $0xFFFFFE00, s10;
	[sflag:s20] =	ssyncadd.s32 $0xFFFFC000  }
0xef: {  	[tilespmem:s21], [sflag:$0x3] =	stream.linear.gather [hbm4b:s12+s4], $0x80, $0x38;
	[tilespmem:$0x1CA00] =	vst v63  }
0xf0: {  	s16 =	sadd.s32 $0xA00, s13  }
0xf1: {  	[tilespmem:s22], [sflag:$0x3] =	stream.linear.gather [hbm4b:s16+s4], $0x80, $0x38;
	[tilespmem:$0x1CA00] =	vst v63  }
0xf2: {  	_ =	swait.ge [sflag:s25], $0x80  }
0xf3: {  	[sflag:s25] =	ssyncset.done $0x0  }
0xf4: {  	[sflag:s25] =	ssyncadd.s32 $0xFFFFFF80  }
0xf5: {  	_ =	swait.ge [sflag:s25], $0x80  }
0xf6: {  	[sflag:s25] =	ssyncset.done $0x0  }
0xf7: {  	[sflag:s25] =	ssyncadd.s32 $0xFFFFFF80  }
0xf8: {  	[tilespmem:s28], [sflag:$0x1] =	stream.indirect.gather [hbm4b:s1+s26], $0x80, s21, s26, $0xb8;
	[tilespmem:$0x1CA00] =	vst v63  }
0xf9: {  	_ =	swait.ge [sflag:s0], $0x4000  }
0xfa: {  	[sflag:s0] =	ssyncset.done $0x0  }
0xfb: {  	[sflag:s0] =	ssyncadd.s32 $0xFFFFC000  }
0xfc: {  	[spmem:s2] =	stream.indirect.scatter.add.f32 [tilespmem:s30], [sflag:$0x5], $0x80, s24, s26, $0xb8;
	[tilespmem:$0x1CA00] =	vst v63  }
0xfd: {  	_ =	swait.ge [sflag:s20], $0x4000  }
0xfe: {  	[sflag:s20] =	ssyncset.done $0x0  }
0xff: {  	s3 =	sadd.s32 $0xA10, s14;
	[sflag:s20] =	ssyncadd.s32 $0xFFFFC000  }
0x100: {  	[tilespmem:s23], [sflag:$0x4] =	stream.linear.gather [hbm4b:s3+s4], $0x80, $0x38;
	[tilespmem:$0x1CA00] =	vst v63  }
0x101: {  	s12 =	simm.s32 $0xFFFFFE20;
	s3 =	sadd.s32 $0xA10, s13  }
.LBB2_8:
0x102: {  	[tilespmem:s24], [sflag:$0x4] =	stream.linear.gather [hbm4b:s3+s4], $0x80, $0x38;
	[tilespmem:$0x1CA00] =	vst v63  }
0x103: {  	s3 =	smov.u32 s12  }
0x104: {  	p1 =	sne.s32 s12, $0xFFFFFFE0;
	s12 =	sadd.s32 $0x20, s12;
	_ =	swait.ge [sflag:s29], $0x80  }
0x105: {  	[sflag:s29] =	ssyncset.done $0x0  }
0x106: {  	[sflag:s29] =	ssyncadd.s32 $0xFFFFFF80  }
0x107: {  	_ =	swait.ge [sflag:s29], $0x80  }
0x108: {  	[sflag:s29] =	ssyncset.done $0x0  }
0x109: {  	[sflag:s29] =	ssyncadd.s32 $0xFFFFFF80  }
0x10a: {  	[tilespmem:s30], [sflag:$0x2] =	stream.indirect.gather [hbm4b:s1+s26], $0x80, s23, s26, $0xb8;
	[tilespmem:$0x1CA00] =	vst v63  }
0x10b: {  	_ =	swait.ge [sflag:s31], $0x4000  }
0x10c: {  	[sflag:s31] =	ssyncset.done $0x0  }
0x10d: {  	[sflag:s31] =	ssyncadd.s32 $0xFFFFC000  }
0x10e: {  	[spmem:s2] =	stream.indirect.scatter.add.f32 [tilespmem:s28], [sflag:$0x5], $0x80, s22, s26, $0xb8;
	[tilespmem:$0x1CA00] =	vst v63  }
0x10f: {  	_ =	swait.ge [sflag:s20], $0x4000  }
0x110: {  	s13 =	sadd.s32 s3, s9;
	[sflag:s20] =	ssyncset.done $0x0  }
0x111: {  	s3 =	sadd.s32 s3, s10;
	s14 =	sadd.s32 $0xA00, s13;
	[sflag:s20] =	ssyncadd.s32 $0xFFFFC000  }
0x112: {  	[tilespmem:s21], [sflag:$0x3] =	stream.linear.gather [hbm4b:s14+s4], $0x80, $0x38;
	[tilespmem:$0x1CA00] =	vst v63  }
0x113: {  	s14 =	sadd.s32 $0xA00, s3  }
0x114: {  	[tilespmem:s22], [sflag:$0x3] =	stream.linear.gather [hbm4b:s14+s4], $0x80, $0x38;
	[tilespmem:$0x1CA00] =	vst v63  }
0x115: {  	_ =	swait.ge [sflag:s25], $0x80  }
0x116: {  	[sflag:s25] =	ssyncset.done $0x0  }
0x117: {  	[sflag:s25] =	ssyncadd.s32 $0xFFFFFF80  }
0x118: {  	_ =	swait.ge [sflag:s25], $0x80  }
0x119: {  	[sflag:s25] =	ssyncset.done $0x0  }
0x11a: {  	[sflag:s25] =	ssyncadd.s32 $0xFFFFFF80  }
0x11b: {  	[tilespmem:s28], [sflag:$0x1] =	stream.indirect.gather [hbm4b:s1+s26], $0x80, s21, s26, $0xb8;
	[tilespmem:$0x1CA00] =	vst v63  }
0x11c: {  	_ =	swait.ge [sflag:s0], $0x4000  }
0x11d: {  	[sflag:s0] =	ssyncset.done $0x0  }
0x11e: {  	[sflag:s0] =	ssyncadd.s32 $0xFFFFC000  }
0x11f: {  	[spmem:s2] =	stream.indirect.scatter.add.f32 [tilespmem:s30], [sflag:$0x5], $0x80, s24, s26, $0xb8;
	[tilespmem:$0x1CA00] =	vst v63  }
.Ltmp4:
0x120: {  	_ =	swait.ge [sflag:s20], $0x4000;
	(pc) =	sbr.rel @p1 .LBB2_8-.Ltmp4, $4  }
0x121: {  	[sflag:s20] =	ssyncset.done $0x0  }
0x122: {  	s13 =	sadd.s32 $0xA10, s13;
	[sflag:s20] =	ssyncadd.s32 $0xFFFFC000  }
0x123: {  	[tilespmem:s23], [sflag:$0x4] =	stream.linear.gather [hbm4b:s13+s4], $0x80, $0x38;
	[tilespmem:$0x1CA00] =	vst v63  }
0x124: {  	s3 =	sadd.s32 $0xA10, s3  }
0x125: {  	[tilespmem:s24], [sflag:$0x4] =	stream.linear.gather [hbm4b:s3+s4], $0x80, $0x38;
	[tilespmem:$0x1CA00] =	vst v63  }
0x126: {  	_ =	swait.ge [sflag:s29], $0x80  }
0x127: {  	[sflag:s29] =	ssyncset.done $0x0  }
0x128: {  	[sflag:s29] =	ssyncadd.s32 $0xFFFFFF80  }
0x129: {  	_ =	swait.ge [sflag:s29], $0x80  }
0x12a: {  	[sflag:s29] =	ssyncset.done $0x0  }
0x12b: {  	[sflag:s29] =	ssyncadd.s32 $0xFFFFFF80  }
0x12c: {  	[tilespmem:s30], [sflag:$0x2] =	stream.indirect.gather [hbm4b:s1+s26], $0x80, s23, s26, $0xb8;
	[tilespmem:$0x1CA00] =	vst v63  }
0x12d: {  	_ =	swait.ge [sflag:s31], $0x4000  }
0x12e: {  	[sflag:s31] =	ssyncset.done $0x0  }
.Ltmp5:
0x12f: {  	[sflag:s31] =	ssyncadd.s32 $0xFFFFC000;
	(pc) =	sbr.rel .LBB2_10-.Ltmp5, $4  }
0x130: {  	[spmem:s2] =	stream.indirect.scatter.add.f32 [tilespmem:s28], [sflag:$0x5], $0x80, s22, s26, $0xb8;
	[tilespmem:$0x1CA00] =	vst v63  }
0x131: {  	_ =	swait.ge [sflag:s20], $0x4000  }
0x132: {  	[sflag:s20] =	ssyncset.done $0x0  }
0x133: {  	[sflag:s20] =	ssyncadd.s32 $0xFFFFC000  }
.LBB2_4:
0x134: {  	[tilespmem:s21], [sflag:$0x3] =	stream.linear.gather [hbm4b:s9+s4], $0x80, $0x38;
	[tilespmem:$0x1CA00] =	vst v63  }
0x135: {  	_ = 	snop  }
0x136: {  	[tilespmem:s22], [sflag:$0x3] =	stream.linear.gather [hbm4b:s10+s4], $0x80, $0x38;
	[tilespmem:$0x1CA00] =	vst v63  }
0x137: {  	s3 =	rddreg [dreg:$0x4]  }
0x138: {  	[tilespmem:s23], [sflag:$0x4] =	stream.linear.gather [hbm4b:s3+s4], $0x80, $0x38;
	[tilespmem:$0x1CA00] =	vst v63  }
0x139: {  	s15 =	rddreg [dreg:$0x5]  }
0x13a: {  	[tilespmem:s24], [sflag:$0x4] =	stream.linear.gather [hbm4b:s15+s4], $0x80, $0x38;
	[tilespmem:$0x1CA00] =	vst v63  }
0x13b: {  	_ =	swait.ge [sflag:s25], $0x80  }
0x13c: {  	[sflag:s25] =	ssyncset.done $0x0  }
0x13d: {  	[sflag:s25] =	ssyncadd.s32 $0xFFFFFF80  }
0x13e: {  	_ =	swait.ge [sflag:s25], $0x80  }
0x13f: {  	[sflag:s25] =	ssyncset.done $0x0  }
0x140: {  	[sflag:s25] =	ssyncadd.s32 $0xFFFFFF80  }
0x141: {  	[tilespmem:s28], [sflag:$0x1] =	stream.indirect.gather [hbm4b:s1+s26], $0x80, s21, s26, $0xb8;
	[tilespmem:$0x1CA00] =	vst v63  }
0x142: {  	_ =	swait.ge [sflag:s29], $0x80  }
0x143: {  	[sflag:s29] =	ssyncset.done $0x0  }
0x144: {  	[sflag:s29] =	ssyncadd.s32 $0xFFFFFF80  }
0x145: {  	_ =	swait.ge [sflag:s29], $0x80  }
0x146: {  	[sflag:s29] =	ssyncset.done $0x0  }
0x147: {  	[sflag:s29] =	ssyncadd.s32 $0xFFFFFF80  }
0x148: {  	[tilespmem:s30], [sflag:$0x2] =	stream.indirect.gather [hbm4b:s1+s26], $0x80, s23, s26, $0xb8;
	[tilespmem:$0x1CA00] =	vst v63  }
0x149: {  	_ =	swait.ge [sflag:s31], $0x4000  }
0x14a: {  	s16 =	sadd.s32 $0xFFFFF840, s7;
	[sflag:s31] =	ssyncset.done $0x0  }
0x14b: {  	s12 =	simm.s32 $0x20;
	s13 =	sadd.s32 $0x7E0, s16;
	[sflag:s31] =	ssyncadd.s32 $0xFFFFC000  }
0x14c: {  	[spmem:s2] =	stream.indirect.scatter.add.f32 [tilespmem:s28], [sflag:$0x5], $0x80, s22, s26, $0xb8;
	[tilespmem:$0x1CA00] =	vst v63  }
0x14d: {  	s12 =	sand.u32 $0x60, s12;
	s13 =	sand.u32 $0x1FF80, s13;
	_ =	swait.ge [sflag:s20], $0x4000  }
0x14e: {  	s12 =	sor.u32 s12, s13;
	[sflag:s20] =	ssyncset.done $0x0  }
0x14f: {  	s13 =	sadd.s32 s5, s12;
	[sflag:s20] =	ssyncadd.s32 $0xFFFFC000  }
0x150: {  	[tilespmem:s21], [sflag:$0x3] =	stream.linear.gather [hbm4b:s13+s4], $0x80, $0x38;
	[tilespmem:$0x1CA00] =	vst v63  }
0x151: {  	s12 =	sadd.s32 s6, s12  }
0x152: {  	[tilespmem:s22], [sflag:$0x3] =	stream.linear.gather [hbm4b:s12+s4], $0x80, $0x38;
	[tilespmem:$0x1CA00] =	vst v63  }
0x153: {  	_ =	swait.ge [sflag:s25], $0x80  }
0x154: {  	[sflag:s25] =	ssyncset.done $0x0  }
0x155: {  	[sflag:s25] =	ssyncadd.s32 $0xFFFFFF80  }
0x156: {  	_ =	swait.ge [sflag:s25], $0x80  }
0x157: {  	[sflag:s25] =	ssyncset.done $0x0  }
0x158: {  	[sflag:s25] =	ssyncadd.s32 $0xFFFFFF80  }
0x159: {  	[tilespmem:s28], [sflag:$0x1] =	stream.indirect.gather [hbm4b:s1+s26], $0x80, s21, s26, $0xb8;
	[tilespmem:$0x1CA00] =	vst v63  }
0x15a: {  	_ =	swait.ge [sflag:s0], $0x4000  }
0x15b: {  	[sflag:s0] =	ssyncset.done $0x0  }
0x15c: {  	s3 =	sadd.s32 $0x7F0, s16;
	s13 =	simm.s32 $0x30;
	[sflag:s0] =	ssyncadd.s32 $0xFFFFC000  }
0x15d: {  	[spmem:s2] =	stream.indirect.scatter.add.f32 [tilespmem:s30], [sflag:$0x5], $0x80, s24, s26, $0xb8;
	[tilespmem:$0x1CA00] =	vst v63  }
0x15e: {  	s3 =	sand.u32 $0x1FF80, s3;
	s12 =	sand.u32 $0x70, s13;
	_ =	swait.ge [sflag:s20], $0x4000  }
0x15f: {  	s3 =	sor.u32 s12, s3;
	[sflag:s20] =	ssyncset.done $0x0  }
0x160: {  	s12 =	sadd.s32 s5, s3;
	[sflag:s20] =	ssyncadd.s32 $0xFFFFC000  }
0x161: {  	[tilespmem:s23], [sflag:$0x4] =	stream.linear.gather [hbm4b:s12+s4], $0x80, $0x38;
	[tilespmem:$0x1CA00] =	vst v63  }
0x162: {  	s3 =	sadd.s32 s6, s3  }
0x163: {  	[tilespmem:s24], [sflag:$0x4] =	stream.linear.gather [hbm4b:s3+s4], $0x80, $0x38;
	[tilespmem:$0x1CA00] =	vst v63  }
0x164: {  	_ =	swait.ge [sflag:s29], $0x80  }
0x165: {  	[sflag:s29] =	ssyncset.done $0x0  }
0x166: {  	[sflag:s29] =	ssyncadd.s32 $0xFFFFFF80  }
0x167: {  	_ =	swait.ge [sflag:s29], $0x80  }
0x168: {  	[sflag:s29] =	ssyncset.done $0x0  }
0x169: {  	[sflag:s29] =	ssyncadd.s32 $0xFFFFFF80  }
0x16a: {  	[tilespmem:s30], [sflag:$0x2] =	stream.indirect.gather [hbm4b:s1+s26], $0x80, s23, s26, $0xb8;
	[tilespmem:$0x1CA00] =	vst v63  }
0x16b: {  	s14 =	sadd.s32 $0xFFFFF860, s7;
	_ =	swait.ge [sflag:s31], $0x4000  }
0x16c: {  	s16 =	sadd.s32 $0x7E0, s14;
	[sflag:s31] =	ssyncset.done $0x0  }
0x16d: {  	s14 =	sadd.s32 $0x7F0, s14;
	s16 =	sand.u32 $0x1FF80, s16;
	[sflag:s31] =	ssyncadd.s32 $0xFFFFC000  }
0x16e: {  	[spmem:s2] =	stream.indirect.scatter.add.f32 [tilespmem:s28], [sflag:$0x5], $0x80, s22, s26, $0xb8;
	[tilespmem:$0x1CA00] =	vst v63  }
0x16f: {  	s15 =	simm.s32 $0x40;
	s13 =	simm.s32 $0xFFFFF880;
	_ =	swait.ge [sflag:s20], $0x4000  }
0x170: {  	s12 =	simm.s32 $0xFFFFF860;
	s3 =	sand.u32 $0x60, s15;
	[sflag:s20] =	ssyncset.done $0x0  }
.LBB2_5:
0x171: {  	s3 =	sor.u32 s3, s16  }
0x172: {  	[sflag:s20] =	ssyncadd.s32 $0xFFFFC000;
	s16 =	smov.u32 s13;
	s15 =	sadd.s32 $0x20, s13  }
0x173: {  	p1 =	seq.s32 s13, $0xFFFFFFE0;
	s13 =	sadd.s32 s5, s3  }
0x174: {  	[tilespmem:s21], [sflag:$0x3] =	stream.linear.gather [hbm4b:s13+s4], $0x80, $0x38;
	[tilespmem:$0x1CA00] =	vst v63  }
0x175: {  	s3 =	sadd.s32 s6, s3  }
0x176: {  	[tilespmem:s22], [sflag:$0x3] =	stream.linear.gather [hbm4b:s3+s4], $0x80, $0x38;
	[tilespmem:$0x1CA00] =	vst v63  }
0x177: {  	_ =	swait.ge [sflag:s25], $0x80  }
0x178: {  	[sflag:s25] =	ssyncset.done $0x0  }
0x179: {  	[sflag:s25] =	ssyncadd.s32 $0xFFFFFF80  }
0x17a: {  	_ =	swait.ge [sflag:s25], $0x80  }
0x17b: {  	[sflag:s25] =	ssyncset.done $0x0  }
0x17c: {  	[sflag:s25] =	ssyncadd.s32 $0xFFFFFF80  }
0x17d: {  	[tilespmem:s28], [sflag:$0x1] =	stream.indirect.gather [hbm4b:s1+s26], $0x80, s21, s26, $0xb8;
	[tilespmem:$0x1CA00] =	vst v63  }
0x17e: {  	_ =	swait.ge [sflag:s0], $0x4000  }
0x17f: {  	[sflag:s0] =	ssyncset.done $0x0  }
0x180: {  	s3 =	sadd.s32 $0x7F0, s12;
	s12 =	smov.u32 s16;
	[sflag:s0] =	ssyncadd.s32 $0xFFFFC000  }
0x181: {  	[spmem:s2] =	stream.indirect.scatter.add.f32 [tilespmem:s30], [sflag:$0x5], $0x80, s24, s26, $0xb8;
	[tilespmem:$0x1CA00] =	vst v63  }
0x182: {  	s13 =	sand.u32 $0x1FF80, s14;
	s3 =	sand.u32 $0x70, s3;
	_ =	swait.ge [sflag:s20], $0x4000  }
0x183: {  	s3 =	sor.u32 s3, s13;
	[sflag:s20] =	ssyncset.done $0x0  }
0x184: {  	s13 =	sadd.s32 s5, s3;
	[sflag:s20] =	ssyncadd.s32 $0xFFFFC000  }
0x185: {  	[tilespmem:s23], [sflag:$0x4] =	stream.linear.gather [hbm4b:s13+s4], $0x80, $0x38;
	[tilespmem:$0x1CA00] =	vst v63  }
0x186: {  	s3 =	sadd.s32 s6, s3  }
0x187: {  	[tilespmem:s24], [sflag:$0x4] =	stream.linear.gather [hbm4b:s3+s4], $0x80, $0x38;
	[tilespmem:$0x1CA00] =	vst v63  }
0x188: {  	_ =	swait.ge [sflag:s29], $0x80  }
0x189: {  	[sflag:s29] =	ssyncset.done $0x0  }
0x18a: {  	[sflag:s29] =	ssyncadd.s32 $0xFFFFFF80  }
0x18b: {  	_ =	swait.ge [sflag:s29], $0x80  }
0x18c: {  	[sflag:s29] =	ssyncset.done $0x0  }
0x18d: {  	[sflag:s29] =	ssyncadd.s32 $0xFFFFFF80  }
0x18e: {  	[tilespmem:s30], [sflag:$0x2] =	stream.indirect.gather [hbm4b:s1+s26], $0x80, s23, s26, $0xb8;
	[tilespmem:$0x1CA00] =	vst v63  }
0x18f: {  	_ =	swait.ge [sflag:s31], $0x4000  }
.Ltmp6:
0x190: {  	s3 =	sadd.s32 s12, s7;
	[sflag:s31] =	ssyncset.done $0x0;
	(pc) =	sbr.rel @!p1 .LBB2_5-.Ltmp6, $4  }
0x191: {  	s13 =	sadd.s32 $0x7E0, s12;
	s16 =	sadd.s32 $0x7E0, s3;
	[sflag:s31] =	ssyncadd.s32 $0xFFFFC000  }
0x192: {  	[spmem:s2] =	stream.indirect.scatter.add.f32 [tilespmem:s28], [sflag:$0x5], $0x80, s22, s26, $0xb8;
	[tilespmem:$0x1CA00] =	vst v63  }
0x193: {  	s14 =	sadd.s32 $0x7F0, s3;
	s3 =	sand.u32 $0x60, s13;
	_ =	swait.ge [sflag:s20], $0x4000  }
0x194: {  	s13 =	smov.u32 s15;
	s16 =	sand.u32 $0x1FF80, s16;
	[sflag:s20] =	ssyncset.done $0x0  }
.Ltmp7:
0x195: {  	_ = 	snop;
	(pc) =	sbr.rel .LBB2_6-.Ltmp7, $1  }
0x196: {  	_ =	sdelay $0x3  }
.LBB2_11:
0x197: {  	_ =	sfence.sel $0x180000  }
0x198: {  	[bflag:$0x0] =	sbarrier.arrive $0xFFFF  }
0x199: {  	_ =	strace $0x9000004D  }
0x19a: {  	[bflag:$0x2] =	sbarrier.arrive $0xFFFF  }
0x19b: {  	p0 =	sne.s32 s15, $0x0;
	s0 =	rddreg [dreg:$0x3]  }
0x19c: {  	s0 =	sadd.s32 @!p0 $0x100000, s0  }
0x19d: {  	[sflag:s0] =	ssyncadd.tile.s32 @!p0 $0x1;
	_ =	shalt  }
.Lfunc_end2:
_tile_overlayer_lowered:
.L_overlay_start_2:
0x19e: {  	(tag) =	ssettag $0x2  }
0x19f: {  	s0 =	rddreg [dreg:$0x0];
	s2 =	stileid.u32  }
0x1a0: {  	s1 =	rddreg [dreg:$0x1];
	p0 =	sne.s32 s2, $0x0  }
0x1a1: {  	s3 =	rddreg [dreg:$0x2];
	[bflag:$0x3] =	sbarrier.arrive $0xFFFF;
	s2 =	simm.s32 @!p0 $0x1C05  }
0x1a2: {  	[timem:s3], [sflag:s2] =	dma.local @!p0 [hbm:s0], s1  }
0x1a3: {  	s0 =	simm.s32 @!p0 $0x5  }
0x1a4: {  	_ =	swait.ge @!p0 [sflag:s0], s1  }
0x1a5: {  	s1 =	ssub.s32 @!p0 $0x0, s1;
	[sflag:s0] =	ssyncset.done @!p0 $0x0  }
0x1a6: {  	[sflag:s0] =	ssyncadd.s32 @!p0 s1  }
0x1a7: {  	[bflag:$0x3] =	sbarrier.arrive $0xFFFF  }
0x1a8: {  	_ =	shalt  }

// kernel: kernel.8.cloned.1.call-start
scs
__scs_entry_jumppad:
0x0: {  	(pc) =	sbr.rel $0x88, $3  }
0x1: {  	(tag) =	ssettag $0x0;
	lr =	simm.s32 $0x1  }
0x2: {  	[smem:$0x3F97] =	sst lr;
	_ =	strace $0xD0000000  }
0x3: {  	_ = 	snop  }
0x4: {  	_ = 	snop  }
0x5: {  	_ = 	snop  }
0x6: {  	_ = 	snop  }
0x7: {  	_ = 	snop  }
__scs_overlays_trampoline_lowered:
0x8: {  	[smem:$0x3FA6] =	sst s0  }
0x9: {  	[smem:$0x3FA7] =	sst s1  }
0xa: {  	[smem:$0x3FA8] =	sst s2  }
0xb: {  	[smem:$0x3FA9] =	sst s3  }
0xc: {  	[smem:$0x3FAA] =	sst s4  }
0xd: {  	[smem:$0x3FAB] =	sst s5  }
0xe: {  	[smem:$0x3FAC] =	sst s6  }
0xf: {  	[smem:$0x3FAD] =	sst s7  }
0x10: {  	[smem:$0x3FAE] =	sst s8  }
0x11: {  	[smem:$0x3FAF] =	sst s9;
	s0 =	simm.s32 @!p0 $0x0  }
0x12: {  	s1 =	sld [smem:$0x3F95];
	s0 =	simm.s32 @p0 $0x1  }
0x13: {  	[smem:$0x3FB0] =	sst s0;
	s0 =	simm.s32 @!p1 $0x0  }
0x14: {  	s2 =	sld [smem:$0x3F94];
	s0 =	simm.s32 @p1 $0x1  }
0x15: {  	[smem:$0x3FB1] =	sst s0;
	s0 =	simm.s32 @!p2 $0x0  }
0x16: {  	s3 =	sld [smem:$0x3FDB];
	s0 =	simm.s32 @p2 $0x1  }
0x17: {  	s4 =	simm.s32 $0x1BF5;
	[smem:$0x3FB3] =	sst s0  }
0x18: {  	s0 =	sld [smem:$0x3F96];
	_ =	swait.ge [sflag:s4], $0x0  }
0x19: {  	s7 =	sld [smem:$0x3F97]  }
0x1a: {  	s8 =	sadd.s32 $0xFFFFE003, lr  }
0x1b: {  	s9 =	sadd.s32 $0xFFFFFEF7, lr;
	s5 =	simm.s32 $0xFFFFFFFF;
	p2 =	slt.u32 s8, $0xFFFFF086  }
0x1c: {  	p1 =	slt.u32 s9, $0xF7A;
	s5 =	simm.s32 @!p2 $0x0  }
0x1d: {  	s5 =	simm.s32 @p1 $0x1;
	p0 =	seq.s32 s7, s2  }
0x1e: {  	s7 =	smul.u32 @!p0 $0xF7A, s2;
	p2 =	seq.s32 @!p0 s5, $0x0  }
0x1f: {  	s9 =	smul.u32 $0xF7A, s1;
	s8 =	simm.s32 @!p0 $0x1BF5;
	p2 =	por !p2, p0  }
0x20: {  	[sflag:s8] =	ssyncset.s32 @!p0 $0xFFFFF086;
	s6 =	sadd.s32 @!p0 s3, s7;
	s7 =	simm.s32 @!p0 $0x108  }
0x21: {  	s3 =	sadd.s32 s3, s9;
	s6 =	sadd.s32 @!p0 $0x88, s6;
	s7 =	simm.s32 @p2 $0x1082  }
0x22: {  	[simem:s7], [sflag:s8] =	dma.local @!p0 [hbm:s6], $0xF7A  }
0x23: {  	s9 =	sor.u32 $0xD0000000, s2;
	s6 =	simm.s32 $0x108;
	_ =	swait.ge @!p0 [sflag:s8], $0x0  }
0x24: {  	s3 =	sadd.s32 $0x88, s3;
	s6 =	simm.s32 @!p1 $0x1082;
	[sflag:s4] =	ssyncset.s32 $0xFFFFF086  }
0x25: {  	[simem:s6], [sflag:s4] =	dma.local [hbm:s3], $0xF7A  }
0x26: {  	[smem:$0x3F97] =	sst s1;
	(tag) =	ssettag s2;
	_ =	strace s9  }
0x27: {  	s1 =	sld [smem:$0x3FA7]  }
0x28: {  	s2 =	sld [smem:$0x3FA8]  }
0x29: {  	s4 =	sld [smem:$0x3FAA]  }
0x2a: {  	p0 =	seq.s32 s5, $0x0;
	s5 =	sld [smem:$0x3FAB]  }
0x2b: {  	s6 =	sld [smem:$0x3FAC]  }
0x2c: {  	s7 =	sld [smem:$0x3FAD]  }
0x2d: {  	s3 =	simm.s32 $0x108;
	s8 =	sld [smem:$0x3FAE]  }
0x2e: {  	s3 =	simm.s32 @!p0 $0x1082;
	s9 =	sld [smem:$0x3FAF]  }
0x2f: {  	lr =	sadd.s32 s0, s3;
	s0 =	sld [smem:$0x3FA6]  }
0x30: {  	s3 =	sld [smem:$0x3FA9]  }
0x31: {  	[smem:$0x3FB2] =	sst s10  }
0x32: {  	s10 =	sld [smem:$0x3FB0];
	_ =	sdelay $0x3  }
0x33: {  	p0 =	seq.s32 s10, $0x1;
	s10 =	sld [smem:$0x3FB2];
	_ =	sdelay $0x3  }
0x34: {  	[smem:$0x3FB2] =	sst s10  }
0x35: {  	s10 =	sld [smem:$0x3FB1];
	_ =	sdelay $0x3  }
0x36: {  	p1 =	seq.s32 s10, $0x1;
	s10 =	sld [smem:$0x3FB2];
	_ =	sdelay $0x3  }
0x37: {  	[smem:$0x3FB2] =	sst s10  }
0x38: {  	s10 =	sld [smem:$0x3FB3]  }
0x39: {  	_ = 	snop;
	(pc) =	sbr.ind lr, $3  }
0x3a: {  	_ = 	snop  }
0x3b: {  	_ = 	snop  }
0x3c: {  	p2 =	seq.s32 s10, $0x1;
	s10 =	sld [smem:$0x3FB2]  }
0x3d: {  	_ =	shalt  }
0x3e: {  	_ =	shalt  }
0x3f: {  	_ =	shalt  }
0x40: {  	_ =	shalt  }
0x41: {  	_ =	shalt  }
0x42: {  	_ =	shalt  }
0x43: {  	_ =	shalt  }
0x44: {  	_ =	shalt  }
0x45: {  	_ =	shalt  }
0x46: {  	_ =	shalt  }
0x47: {  	_ =	shalt  }
0x48: {  	_ =	shalt  }
0x49: {  	_ =	shalt  }
0x4a: {  	_ =	shalt  }
0x4b: {  	_ =	shalt  }
0x4c: {  	_ =	shalt  }
0x4d: {  	_ =	shalt  }
0x4e: {  	_ =	shalt  }
0x4f: {  	_ =	shalt  }
0x50: {  	_ =	shalt  }
0x51: {  	_ =	shalt  }
0x52: {  	_ =	shalt  }
0x53: {  	_ =	shalt  }
0x54: {  	_ =	shalt  }
0x55: {  	_ =	shalt  }
0x56: {  	_ =	shalt  }
0x57: {  	_ =	shalt  }
0x58: {  	_ =	shalt  }
0x59: {  	_ =	shalt  }
0x5a: {  	_ =	shalt  }
0x5b: {  	_ =	shalt  }
0x5c: {  	_ =	shalt  }
0x5d: {  	_ =	shalt  }
0x5e: {  	_ =	shalt  }
0x5f: {  	_ =	shalt  }
0x60: {  	_ =	shalt  }
0x61: {  	_ =	shalt  }
0x62: {  	_ =	shalt  }
0x63: {  	_ =	shalt  }
0x64: {  	_ =	shalt  }
0x65: {  	_ =	shalt  }
0x66: {  	_ =	shalt  }
0x67: {  	_ =	shalt  }
0x68: {  	_ =	shalt  }
0x69: {  	_ =	shalt  }
0x6a: {  	_ =	shalt  }
0x6b: {  	_ =	shalt  }
0x6c: {  	_ =	shalt  }
0x6d: {  	_ =	shalt  }
0x6e: {  	_ =	shalt  }
0x6f: {  	_ =	shalt  }
0x70: {  	_ =	shalt  }
0x71: {  	_ =	shalt  }
0x72: {  	_ =	shalt  }
0x73: {  	_ =	shalt  }
0x74: {  	_ =	shalt  }
0x75: {  	_ =	shalt  }
0x76: {  	_ =	shalt  }
0x77: {  	_ =	shalt  }
0x78: {  	_ =	shalt  }
0x79: {  	_ =	shalt  }
0x7a: {  	_ =	shalt  }
0x7b: {  	_ =	shalt  }
0x7c: {  	_ =	shalt  }
0x7d: {  	_ =	shalt  }
0x7e: {  	_ =	shalt  }
0x7f: {  	_ =	shalt  }
0x80: {  	_ =	shalt  }
0x81: {  	_ =	shalt  }
0x82: {  	_ =	shalt  }
0x83: {  	_ =	shalt  }
0x84: {  	_ =	shalt  }
0x85: {  	_ =	shalt  }
0x86: {  	_ =	shalt  }
0x87: {  	_ =	shalt  }
.Lfunc_end0:
.L_simem_size_0:
called_computation_lowered:
.L_overlay_start_0:
0x88: {  	s2 =	sld [smem:$0x3FD9]  }
0x89: {  	s3 =	sld [smem:$0x3FFE];
	_ =	sdelay $0x1  }
0x8a: {  	s1 =	srdreg.scid  }
0x8b: {  	s0 =	sand.u32 $0x1, s1  }
0x8c: {  	s17 =	sshll.u32 s0, $0xA;
	s2 =	sadd.s32 s3, s2  }
0x8d: {  	s2 =	sadd.s32 s2, s17  }
0x8e: {  	[smem:$0x3FBE] =	sst s2  }
0x8f: {  	_ = 	snop  }
0x90: {  	s2 =	sld [smem:$0x3FD0];
	(tm) =	ssettm $0x1  }
0x91: {  	s18 =	sld [smem:$0x3FFB];
	_ =	sdelay $0x3  }
0x92: {  	_ =	strace s18  }
0x93: {  	s3 =	sld [smem:$0x3FFC];
	_ =	sdelay $0x3  }
0x94: {  	_ =	strace s3  }
0x95: {  	s3 =	sld [smem:$0x3FFD];
	_ =	sdelay $0x3  }
0x96: {  	_ =	strace s3  }
0x97: {  	_ =	strace $0x8FFFFFFF  }
0x98: {  	s19 =	sld [smem:$0x3FDB];
	_ =	sdelay $0x1  }
0x99: {  	s4 =	simm.s32 $_scs_section_size  }
0x9a: {  	s5 =	simm.s32 $_size__tile_overlayer_lowered;
	s6 =	simm.s32 $_tile_overlayer_lowered  }
0x9b: {  	s22 =	simm.s32 $0x1BFF;
	s21 =	sshll.u32 s6, $0x1;
	s3 =	sadd.s32 s4, s19  }
0x9c: {  	s7 =	simm.s32 $0x0;
	s20 =	sshll.u32 s5, $0x1;
	s5 =	sadd.s32 s21, s3  }
0x9d: {  	[timem:s7], [sflag:s22] =	dma.local [hbm:s5], s20  }
0x9e: {  	_ =	swait.ge [sflag:s22], s20  }
0x9f: {  	s4 =	ssub.s32 $0x0, s20;
	[sflag:s22] =	ssyncset.done $0x0  }
0xa0: {  	[sflag:s22] =	ssyncadd.s32 s4;
	_ =	sdelay $0x1  }
0xa1: {  	s23 =	simm.s32 $0x1B8B  }
0xa2: {  	_ =	swait.ge [sflag:s23], $0x1  }
0xa3: {  	[sflag:s23] =	ssyncset.done $0x0  }
0xa4: {  	s25 =	simm.s32 $0x1B8E;
	s24 =	sld [smem:$0x3FFE];
	[sflag:s23] =	ssyncadd.s32 $0xFFFFFFFF  }
0xa5: {  	s26 =	simm.s32 $execute0_lowered;
	[smem:$0x3FD2] =	sst s25  }
0xa6: {  	s5 =	sshll.u32 s26, $0x1;
	_ =	strace $0x80000046;
	[dreg:$0x1] =	wrdreg $0xFFFFFFFF  }
0xa7: {  	s28 =	simm.s32 $_size_execute0_lowered;
	s3 =	sadd.s32 s3, s5;
	[dreg:$0x0] =	wrdreg $0x0  }
0xa8: {  	s5 =	sshll.u32 s28, $0x1;
	[dreg:$0x2] =	wrdreg s3  }
0xa9: {  	[dreg:$0x3] =	wrdreg s5  }
0xaa: {  	[dreg:$0x4] =	wrdreg $0xC0  }
0xab: {  	_ =	task [dreg:s7], $0x5FFFF  }
0xac: {  	[dreg:$0x1] =	wrdreg $0xFFFFFFFF  }
0xad: {  	[dreg:$0x0] =	wrdreg $0x60  }
0xae: {  	[dreg:$0x2] =	wrdreg s2  }
0xaf: {  	[dreg:$0x3] =	wrdreg s24  }
0xb0: {  	[dreg:$0x4] =	wrdreg $0x9  }
0xb1: {  	_ =	task.clear_ibuf [dreg:s7], $0x5FFFF;
	_ =	strace $0x90000046  }
0xb2: {  	s29 =	simm.s32 $0x9;
	_ =	strace $0x80000048  }
0xb3: {  	_ =	swait.ge [sflag:s29], $0x1  }
0xb4: {  	[sflag:s29] =	ssyncadd.s32 $0xFFFFFFFF  }
0xb5: {  	_ =	strace $0x90000048  }
0xb6: {  	_ =	sfence  }
0xb7: {  	s30 =	sld [smem:$0x0];
	_ =	sdelay $0x2  }
0xb8: {  	s31 =	sshll.u32 s1, $0xD;
	s1 =	sshrl.u32 s1, $0x2  }
0xb9: {  	s3 =	sand.u32 $0x4000, s31;
	s1 =	sadd.s32 s1, s30  }
0xba: {  	s0 =	sor.u32 s3, s0;
	s1 =	sshll.u32 s1, $0x11  }
0xbb: {  	s0 =	sor.u32 s1, s0  }
0xbc: {  	s0 =	sadd.s32 $0x8F2B, s0  }
0xbd: {  	[sflag:s0] =	ssyncadd.remote.s32 $0x1  }
0xbe: {  	_ =	sfence.sel $0xFFFF  }
0xbf: {  	[dreg:$0x0] =	wrdreg $0xFFFFFFFF;
	(pc) =	sbr.abs _section_cstart, $3  }
0xc0: {  	[dreg:$0x1] =	wrdreg $0xFFFFFFFF  }
0xc1: {  	_ =	task.clear_ibuf [dreg:s7], $0x2FFFF;
	_ =	strace $0x9FFFFFFF  }
0xc2: {  	(tm) =	ssettm $0x7FFFFFFF  }
0xc3: {  	_ =	shalt  }
tec
execute0_lowered:
.L_overlay_start_1:
0x0: {  	(tag) =	ssettag $0x1  }
0x1: {  	s1 =	srdreg.scid  }
0x2: {  	s0 =	stileid.u32;
	s4 =	rddreg [dreg:$0x0]  }
0x3: {  	s6 =	rddreg [dreg:$0x1];
	s3 =	sand.u32 $0x1, s1;
	s29 =	sshll.u32 s0, $0x1  }
0x4: {  	s2 =	simm.s32 $0x0;
	s30 =	sshrl.u32 s0, $0x2;
	s5 =	sor.u32 s3, s29  }
0x5: {  	s9 =	simm.s32 $0x400;
	s7 =	smul.u32 $0x14000, s30;
	s8 =	sshll.u32 s5, $0x7  }
0x6: {  	s10 =	simm.s32 $0x0;
	s1 =	rddreg [dreg:$0x2];
	s8 =	sand.u32 $0x380, s8  }
0x7: {  	[smem:$0x7FF] =	sst s2;
	s3 =	ssub.s32 $0x2, s3;
	s7 =	sor.u32 s7, s8  }
0x8: {  	_ =	strace $0x80000047;
	s5 =	smul.u32 $0x500, s5;
	s7 =	sshrl.u32 s7, $0x3  }
0x9: {  	s31 =	sshrl.u32 s3, $0x1;
	s8 =	simm.s32 $0x80;
	s6 =	sadd.s32 s7, s6  }
0xa: {  	s7 =	ssub.s32 s3, s31;
	s3 =	sadd.s32 s4, s5;
	s4 =	sadd.s32 $0xDE00, s6  }
0xb: {  	v0 =	vimm.f32 $0.0e+00;
	v1 =	vimm.f32 $1.000000000e+00;
	s5 =	smax.u32 s7, $0x1;
	s6 =	simm.s32 $0x2800;
	s7 =	simm.s32 $0x1  }
.LBB2_1:
0xc: {  	s11 =	simm.s32 $0x40;
	s12 =	simm.s32 $0x0  }
.LBB2_2:
0xd: {  	p0 =	sne.s32 s11, $0x9FC0;
	[tilespmem:s12+$0x0] =	vst v0;
	s12 =	smov.u32 s11;
	s11 =	sadd.s32 $0x40, s11  }
.Ltmp0:
0xe: {  	(pc) =	sbr.rel @p0 .LBB2_2-.Ltmp0, $2  }
0xf: {  	_ =	sdelay $0x2  }
0x10: {  	s12 =	sshra.s32 s12, $0x2  }
0x11: {  	[tilespmem:s12+$0x0] =	vst v0;
	s11 =	simm.s32 $0x0  }
0x12: {  	[tilespmem:s6], [sflag:$0x1] =	stream.linear.gather [hbm4b:s3+s11], $0x2800, $0x38;
	[tilespmem:$0x5000] =	vst v63  }
0x13: {  	_ =	swait.ge [sflag:s7], $0x2800  }
0x14: {  	[sflag:s7] =	ssyncset.done $0x0  }
0x15: {  	s12 =	simm.s32 $0x0;
	s11 =	simm.s32 $0x40;
	[sflag:s7] =	ssyncadd.s32 $0xFFFFD800  }
.LBB2_4:
0x16: {  	p0 =	sne.s32 s11, $0x9FC0;
	v2 =	vld [tilespmem:s12+$0x2800];
	_ =	sdelay $0x3  }
.Ltmp1:
0x17: {  	(pc) =	sbr.rel @p0 .LBB2_4-.Ltmp1, $2  }
0x18: {  	_ =	sdelay $0x2  }
0x19: {  	s12 =	sshra.s32 s11, $0x2;
	s11 =	sadd.s32 $0x40, s11;
	[tilespmem:v2+s2+$0x0] =	vst.idx.add.f32.msk $0xffff, v1  }
0x1a: {  	v2 =	vld [tilespmem:s12+$0x2800];
	_ =	sdelay $0x5  }
0x1b: {  	s10 =	sadd.s32 $0x1, s10  }
0x1c: {  	p0 =	sne.s32 s10, s5  }
.Ltmp2:
0x1d: {  	[tilespmem:v2+s2+$0x0] =	vst.idx.add.f32.msk $0xffff, v1;
	(pc) =	sbr.rel @p0 .LBB2_1-.Ltmp2, $4  }
0x1e: {  	[hbm4b:s4+s8] =	stream.strided.scatter [tilespmem:s2], [sflag:$0x1], $0x2800, s9, s8, $0x38;
	[tilespmem:$0x5000] =	vst v63  }
0x1f: {  	_ =	swait.ge [sflag:s7], $0x2800  }
0x20: {  	[sflag:s7] =	ssyncset.done $0x0  }
0x21: {  	[sflag:s7] =	ssyncadd.s32 $0xFFFFD800  }
0x22: {  	_ =	sfence.sel $0x180000  }
0x23: {  	[bflag:$0x0] =	sbarrier.arrive $0xFFFF  }
0x24: {  	p0 =	sne.s32 s0, $0x0;
	_ =	strace $0x90000047  }
0x25: {  	s0 =	sadd.s32 @!p0 $0x100000, s1;
	[bflag:$0x2] =	sbarrier.arrive $0xFFFF  }
0x26: {  	[sflag:s0] =	ssyncadd.tile.s32 @!p0 $0x1;
	_ =	shalt  }
.Lfunc_end2:
_tile_overlayer_lowered:
.L_overlay_start_2:
0x27: {  	(tag) =	ssettag $0x2  }
0x28: {  	s0 =	rddreg [dreg:$0x0];
	s2 =	stileid.u32  }
0x29: {  	s1 =	rddreg [dreg:$0x1];
	p0 =	sne.s32 s2, $0x0  }
0x2a: {  	s3 =	rddreg [dreg:$0x2];
	[bflag:$0x3] =	sbarrier.arrive $0xFFFF;
	s2 =	simm.s32 @!p0 $0x1C01  }
0x2b: {  	[timem:s3], [sflag:s2] =	dma.local @!p0 [hbm:s0], s1  }
0x2c: {  	s0 =	simm.s32 @!p0 $0x1  }
0x2d: {  	_ =	swait.ge @!p0 [sflag:s0], s1  }
0x2e: {  	s1 =	ssub.s32 @!p0 $0x0, s1;
	[sflag:s0] =	ssyncset.done @!p0 $0x0  }
0x2f: {  	[sflag:s0] =	ssyncadd.s32 @!p0 s1  }
0x30: {  	[bflag:$0x3] =	sbarrier.arrive $0xFFFF  }
0x31: {  	_ =	shalt  }

</sc_bundles>
